<compile_context>
chip_gen: v7x
topology: tpu7x:2x2x1
jax: 0.10.2.dev20260603
libtpu: 0.0.44.dev20260713+nightly
codegen_flags: <defaults>
</compile_context>

<pallas_src>
import functools

import jax
import jax.numpy as jnp
from jax import lax
from jax.experimental import pallas as pl
from jax.experimental.pallas import tpu as pltpu
from jax.experimental.pallas import tpu_sc as plsc

B_, N_, E_, H_, W_ = 2, 16384, 256, 256, 256
HW_ = H_ * W_
NCHUNK = 2048
NBLK = N_ // NCHUNK
SC_NC, SC_NS = 2, 16
SC_NW = SC_NC * SC_NS
SC_CHUNK = 2048
SC_PAIRS = (B_ * E_) // SC_NW


def _enc_body(x_ref, w1, b1, w2, b2, w3, b3, h3_ref, g_ref, gmax):
    j = pl.program_id(1)
    x = x_ref[0]
    h = jnp.maximum(jnp.dot(x, w1[...], preferred_element_type=jnp.float32) + b1[...], 0.0)
    h = jnp.maximum(jnp.dot(h, w2[...], preferred_element_type=jnp.float32) + b2[...], 0.0)
    h = jnp.dot(h, w3[...], preferred_element_type=jnp.float32) + b3[...]
    h3_ref[0] = h
    m = jnp.max(h, axis=0)

    @pl.when(j == 0)
    def _():
        gmax[...] = m

    @pl.when(j > 0)
    def _():
        gmax[...] = jnp.maximum(gmax[...], m)

    @pl.when(j == NBLK - 1)
    def _():
        g_ref[0] = jnp.broadcast_to(gmax[...][None, :], (8, E_))


def _encode(feat_ori, W1, b1, W2, b2, W3, b3):
    full = lambda shape: pl.BlockSpec(shape, lambda b, j: (0,) * len(shape))
    return pl.pallas_call(
        _enc_body,
        grid=(B_, NBLK),
        in_specs=[
            pl.BlockSpec((1, NCHUNK, 4), lambda b, j: (b, j, 0)),
            full((4, 64)), full((64,)),
            full((64, 128)), full((128,)),
            full((128, E_)), full((E_,)),
        ],
        out_specs=[
            pl.BlockSpec((1, NCHUNK, E_), lambda b, j: (b, j, 0)),
            pl.BlockSpec((1, 8, E_), lambda b, j: (b, 0, 0)),
        ],
        out_shape=[
            jax.ShapeDtypeStruct((B_, N_, E_), jnp.float32),
            jax.ShapeDtypeStruct((B_, 8, E_), jnp.float32),
        ],
        scratch_shapes=[pltpu.VMEM((E_,), jnp.float32)],
    )(feat_ori, W1, b1, W2, b2, W3, b3)


def _dec_body(h3_ref, g_ref, f_ref, w4a, w4b, b4, w5, b5,
              vals_ref, idx_ref, wts_ref):
    g = g_ref[0, 0:1]
    gb = jnp.dot(g, w4b[...], preferred_element_type=jnp.float32) + b4[...]
    h3 = h3_ref[0]
    h4 = jnp.maximum(jnp.dot(h3, w4a[...], preferred_element_type=jnp.float32) + gb, 0.0)
    h5 = jnp.dot(h4, w5[...], preferred_element_type=jnp.float32) + b5[...]
    vals_ref[0] = h5.T

    f = f_ref[0]
    px = f[:, 0] * (W_ - 1.0)
    py = f[:, 1] * (H_ - 1.0)
    x0 = jnp.floor(px)
    y0 = jnp.floor(py)
    wx1 = px - x0
    wx0 = 1.0 - wx1
    wy1 = py - y0
    wy0 = 1.0 - wy1
    x0i = jnp.clip(x0.astype(jnp.int32), 0, W_ - 1)
    x1i = jnp.clip((x0 + 1.0).astype(jnp.int32), 0, W_ - 1)
    y0i = jnp.clip(y0.astype(jnp.int32), 0, H_ - 1)
    y1i = jnp.clip((y0 + 1.0).astype(jnp.int32), 0, H_ - 1)
    idx_ref[0] = jnp.stack(
        [y0i * W_ + x0i, y0i * W_ + x1i, y1i * W_ + x0i, y1i * W_ + x1i], axis=0)
    wts_ref[0] = jnp.stack([wy0 * wx0, wy0 * wx1, wy1 * wx0, wy1 * wx1], axis=0)


def _decode(h3, g, feat_ori, W4a, W4b, b4, W5, b5):
    full = lambda shape: pl.BlockSpec(shape, lambda b, j: (0,) * len(shape))
    return pl.pallas_call(
        _dec_body,
        grid=(B_, NBLK),
        in_specs=[
            pl.BlockSpec((1, NCHUNK, E_), lambda b, j: (b, j, 0)),
            pl.BlockSpec((1, 8, E_), lambda b, j: (b, 0, 0)),
            pl.BlockSpec((1, NCHUNK, 4), lambda b, j: (b, j, 0)),
            full((E_, E_)), full((E_, E_)), full((E_,)),
            full((E_, E_)), full((E_,)),
        ],
        out_specs=[
            pl.BlockSpec((1, E_, NCHUNK), lambda b, j: (b, 0, j)),
            pl.BlockSpec((1, 4, NCHUNK), lambda b, j: (b, 0, j)),
            pl.BlockSpec((1, 4, NCHUNK), lambda b, j: (b, 0, j)),
        ],
        out_shape=[
            jax.ShapeDtypeStruct((B_, E_, N_), jnp.float32),
            jax.ShapeDtypeStruct((B_, 4, N_), jnp.int32),
            jax.ShapeDtypeStruct((B_, 4, N_), jnp.float32),
        ],
    )(h3, g, feat_ori, W4a, W4b, b4, W5, b5)


SC_NCHUNKS = N_ // SC_CHUNK


def _sc_scatter_body(vals_hbm, idx_hbm, wts_hbm, out_hbm, slab,
                     valb0, idxb0, wtsb0, sem0, valb1, idxb1, wtsb1, sem1):
    wid = lax.axis_index("s") * SC_NC + lax.axis_index("c")
    bufs = [(valb0, idxb0, wtsb0, sem0), (valb1, idxb1, wtsb1, sem1)]

    def start(b, ch, ci, slot):
        valb, idxb, wtsb, sem = bufs[slot]
        e0 = ci * SC_CHUNK
        hs = (
            pltpu.make_async_copy(vals_hbm.at[b, ch, pl.ds(e0, SC_CHUNK)], valb, sem),
            pltpu.make_async_copy(idx_hbm.at[b, :, pl.ds(e0, SC_CHUNK)], idxb, sem),
            pltpu.make_async_copy(wts_hbm.at[b, :, pl.ds(e0, SC_CHUNK)], wtsb, sem),
        )
        for h in hs:
            h.start()
        return hs

    def compute(slot):
        valb, idxb, wtsb, _ = bufs[slot]

        def grp_body(gi, c2):
            s = gi * 16
            v = valb[pl.ds(s, 16)]
            for kk in range(4):
                ii = idxb[kk, pl.ds(s, 16)]
                ww = wtsb[kk, pl.ds(s, 16)]
                iy = lax.shift_right_logical(ii, 8)
                ix = lax.bitwise_and(ii, 255)
                plsc.addupdate_scatter(slab, [iy, ix], v * ww)
            return c2

        lax.fori_loop(0, SC_CHUNK // 16, grp_body, 0, unroll=4)

    def per_pair(r, carry):
        p = wid * SC_PAIRS + r
        b = p // E_
        ch = p - b * E_

        hs = start(b, ch, 0, 0)

        def zero_body(j, c):
            for t in range(W_ // 16):
                slab[j, pl.ds(t * 16, 16)] = jnp.zeros((16,), jnp.float32)
            return c

        lax.fori_loop(0, H_, zero_body, 0, unroll=2)

        for ci in range(SC_NCHUNKS):
            nxt = start(b, ch, ci + 1, (ci + 1) % 2) if ci + 1 < SC_NCHUNKS else None
            for h in hs:
                h.wait()
            compute(ci % 2)
            hs = nxt

        pltpu.sync_copy(slab, out_hbm.at[b, ch])
        return carry

    lax.fori_loop(0, SC_PAIRS, per_pair, 0)


def _sc_scatter(vals_t, idx, wts):
    mesh = plsc.VectorSubcoreMesh(
        core_axis_name="c", subcore_axis_name="s",
        num_cores=SC_NC, num_subcores=SC_NS)
    dbuf = [
        pltpu.VMEM((SC_CHUNK,), jnp.float32),
        pltpu.VMEM((4, SC_CHUNK), jnp.int32),
        pltpu.VMEM((4, SC_CHUNK), jnp.float32),
        pltpu.SemaphoreType.DMA,
    ]
    return pl.kernel(
        _sc_scatter_body,
        out_type=jax.ShapeDtypeStruct((B_, E_, H_, W_), jnp.float32),
        mesh=mesh,
        compiler_params=pltpu.CompilerParams(needs_layout_passes=False),
        scratch_types=[pltpu.VMEM((H_, W_), jnp.float32)] + dbuf + dbuf,
    )(vals_t, idx, wts)


def kernel(feat_ori, W1, b1, W2, b2, W3, b3, W4, b4, W5, b5):
    h3, g = _encode(feat_ori, W1, b1, W2, b2, W3, b3)
    vals_t, idx, wts = _decode(h3, g, feat_ori, W4[:E_], W4[E_:], b4, W5, b5)
    return _sc_scatter(vals_t, idx, wts)

# --- scband reference (transcript-rebuilt; emitter-appended) ---
"""Pipeline reference for scband-ep2-t-68685116997859 (READ-ONLY COPY).

The authoritative reference and input builder live on the scoring server;
editing this copy changes nothing except your own understanding.
"""

import jax, jax.numpy as jnp
import numpy as np

B, N, E, H, W = 2, 16384, 256, 256, 256


def setup_inputs(seed: int = 0):
    key = jax.random.key(seed)
    ks = jax.random.split(key, 6)
    feat_ori = jax.random.uniform(ks[0], (B, N, 4), dtype=jnp.float32)

    def w(k, fan_in, fan_out):
        return (jax.random.normal(k, (fan_in, fan_out), dtype=jnp.float32) / np.sqrt(fan_in)).astype(jnp.float32)

    return {
        'feat_ori': feat_ori,
        'W1': w(ks[1], 4, 64),    'b1': jnp.zeros((64,), jnp.float32),
        'W2': w(ks[2], 64, 128),  'b2': jnp.zeros((128,), jnp.float32),
        'W3': w(ks[3], 128, E),   'b3': jnp.zeros((E,), jnp.float32),
        'W4': w(ks[4], 2 * E, E), 'b4': jnp.zeros((E,), jnp.float32),
        'W5': w(ks[5], E, E),     'b5': jnp.zeros((E,), jnp.float32),
    }


def _pointnet(x, W1, b1, W2, b2, W3, b3, W4, b4, W5, b5):
    # PointNetAutoencoder: shared per-point MLP encoder, global max-pool,
    # concat global feature back to per-point features, per-point decoder.
    h = jax.nn.relu(x @ W1 + b1)
    h = jax.nn.relu(h @ W2 + b2)
    h = h @ W3 + b3                      # [B, N, E]
    g = jnp.max(h, axis=1, keepdims=True)  # global feature [B, 1, E]
    g = jnp.broadcast_to(g, h.shape)
    h = jnp.concatenate([h, g], axis=-1)  # [B, N, 2E]
    h = jax.nn.relu(h @ W4 + b4)
    return h @ W5 + b5                   # [B, N, E] per-event embedding


def _gen_feature_dense_event(events, events_val):
    # events: [B, N, 4] with (x, y, t, p), x/y normalized to [0, 1)
    # events_val: [B, N, C] per-event features
    # Bilinear scatter-add of per-event features onto dense [H, W] grid.
    C = events_val.shape[-1]
    px = events[..., 0] * (W - 1)
    py = events[..., 1] * (H - 1)
    x0 = jnp.floor(px); y0 = jnp.floor(py)
    x1 = x0 + 1.0;      y1 = y0 + 1.0
    wx1 = px - x0; wx0 = 1.0 - wx1
    wy1 = py - y0; wy0 = 1.0 - wy1
    x0i = jnp.clip(x0.astype(jnp.int32), 0, W - 1)
    x1i = jnp.clip(x1.astype(jnp.int32), 0, W - 1)
    y0i = jnp.clip(y0.astype(jnp.int32), 0, H - 1)
    y1i = jnp.clip(y1.astype(jnp.int32), 0, H - 1)
    boff = (jnp.arange(B, dtype=jnp.int32) * (H * W))[:, None]
    idx = jnp.stack([
        boff + y0i * W + x0i,
        boff + y0i * W + x1i,
        boff + y1i * W + x0i,
        boff + y1i * W + x1i,
    ], axis=-1).reshape(-1)                                   # [B*N*4]
    wts = jnp.stack([wy0 * wx0, wy0 * wx1, wy1 * wx0, wy1 * wx1], axis=-1)  # [B, N, 4]
    vals = (events_val[:, :, None, :] * wts[..., None]).reshape(-1, C)      # [B*N*4, C]
    grid = jnp.zeros((B * H * W, C), jnp.float32).at[idx].add(vals)
    return grid.reshape(B, H, W, C).transpose(0, 3, 1, 2)     # [B, C, H, W]


def reference(feat_ori, W1, b1, W2, b2, W3, b3, W4, b4, W5, b5):
    flow_res = _pointnet(feat_ori, W1, b1, W2, b2, W3, b3, W4, b4, W5, b5)
    # torch: flow_res [B, E, N] -> transpose(-2, -1) -> [B, N, E]; here already [B, N, E]
    return _gen_feature_dense_event(feat_ori, flow_res)

if __name__ == "__main__":
    import jax
    _d = setup_inputs()
    print(jax.jit(kernel)(*tuple(_d.values())))

</pallas_src>

<mosaic_0001>
#map = affine_map<(d0, d1) -> (0, 0, 0)>
#map1 = affine_map<(d0, d1) -> (0, 0, 0, 0)>
module attributes {stable_mosaic.version = 14 : i64} {
  func.func @_sc_scatter_body(%arg0: i32, %arg1: i32, %arg2: memref<2x256x16384xf32, #tpu.memory_space<hbm>>, %arg3: memref<2x4x16384xi32, #tpu.memory_space<hbm>>, %arg4: memref<2x4x16384xf32, #tpu.memory_space<hbm>>, %arg5: memref<2x256x256x256xf32, #tpu.memory_space<hbm>>, %arg6: memref<256x256xf32, #tpu.memory_space<vmem>>, %arg7: memref<2048xf32, #tpu.memory_space<vmem>>, %arg8: memref<4x2048xi32, #tpu.memory_space<vmem>>, %arg9: memref<4x2048xf32, #tpu.memory_space<vmem>>, %arg10: memref<!tpu.dma_semaphore, #tpu.memory_space<semaphore_mem>>, %arg11: memref<2048xf32, #tpu.memory_space<vmem>>, %arg12: memref<4x2048xi32, #tpu.memory_space<vmem>>, %arg13: memref<4x2048xf32, #tpu.memory_space<vmem>>, %arg14: memref<!tpu.dma_semaphore, #tpu.memory_space<semaphore_mem>>) attributes {dimension_semantics = [#tpu.dimension_semantics<core_parallel>, #tpu.dimension_semantics<subcore_parallel>], iteration_bounds = array<i64: 2, 16>, scalar_prefetch = 0 : i64, scratch_operands = 9 : i64, tpu.core_type = #tpu.core_type<sc_vector_subcore>, window_params = [{transform_indices = #map}, {transform_indices = #map}, {transform_indices = #map}, {transform_indices = #map1}]} {
    %mul3A = arith.constant 2 : i32
    %mul3A_0 = arith.muli %arg1, %mul3A : i32
    %add3A = arith.addi %mul3A_0, %arg0 : i32
    %scan3A = arith.constant 0 : i32
    %scan3A_1 = arith.constant 0 : i32
    %scan3A_2 = arith.constant 16 : i32
    %scan3A_3 = arith.addi %scan3A_1, %scan3A_2 : i32
    %scan3A_4 = arith.constant 1 : i32
    scf.for %scan3A_6 = %scan3A_1 to %scan3A_3 step %scan3A_4  : i32 {
      %mul3A_7 = arith.constant 16 : i32
      %mul3A_8 = arith.muli %add3A, %mul3A_7 : i32
      %add3A_9 = arith.addi %mul3A_8, %scan3A_6 : i32
      %jit3A = arith.constant 256 : i32
      %div3A = arith.divsi %add3A_9, %jit3A : i32
      %sign3A = arith.constant 0 : i32
      %sign3A_10 = arith.cmpi sgt, %add3A_9, %sign3A : i32
      %sign3A_11 = arith.extui %sign3A_10 : i1 to i32
      %sign3A_12 = arith.constant 0 : i32
      %sign3A_13 = arith.cmpi slt, %add3A_9, %sign3A_12 : i32
      %sign3A_14 = arith.extui %sign3A_13 : i1 to i32
      %sign3A_15 = arith.subi %sign3A_11, %sign3A_14 : i32
      %sign3A_16 = arith.constant 0 : i32
      %sign3A_17 = arith.cmpi sgt, %jit3A, %sign3A_16 : i32
      %sign3A_18 = arith.extui %sign3A_17 : i1 to i32
      %sign3A_19 = arith.constant 0 : i32
      %sign3A_20 = arith.cmpi slt, %jit3A, %sign3A_19 : i32
      %sign3A_21 = arith.extui %sign3A_20 : i1 to i32
      %sign3A_22 = arith.subi %sign3A_18, %sign3A_21 : i32
      %ne3A = arith.cmpi ne, %sign3A_15, %sign3A_22 : i32
      %rem3A = arith.remsi %add3A_9, %jit3A : i32
      %ne3A_23 = arith.constant 0 : i32
      %ne3A_24 = arith.cmpi ne, %rem3A, %ne3A_23 : i32
      %and3A = arith.andi %ne3A, %ne3A_24 : i1
      %sub3A = arith.constant 1 : i32
      %sub3A_25 = arith.subi %div3A, %sub3A : i32
      %select_n3A = arith.select %and3A, %sub3A_25, %div3A : i32
      %mul3A_26 = arith.constant 256 : i32
      %mul3A_27 = arith.muli %select_n3A, %mul3A_26 : i32
      %sub3A_28 = arith.subi %add3A_9, %mul3A_27 : i32
      %dma_start3A = arith.constant 0 : i32
      %dma_start3A_29 = tpu.memref_slice %arg2[%select_n3A, %sub3A_28, %dma_start3A] : memref<2x256x16384xf32, #tpu.memory_space<hbm>> -> memref<1x1x2048xf32, #tpu.memory_space<hbm>>
      %dma_start3A_30 = tpu.memref_squeeze %dma_start3A_29 : memref<1x1x2048xf32, #tpu.memory_space<hbm>> -> memref<2048xf32, #tpu.memory_space<hbm>>
      %dma_start3A_31 = arith.constant 0 : i32
      %dma_start3A_32 = tpu.memref_slice %arg2[%select_n3A, %sub3A_28, %dma_start3A_31] : memref<2x256x16384xf32, #tpu.memory_space<hbm>> -> memref<1x1x2048xf32, #tpu.memory_space<hbm>>
      %dma_start3A_33 = tpu.memref_squeeze %dma_start3A_32 : memref<1x1x2048xf32, #tpu.memory_space<hbm>> -> memref<2048xf32, #tpu.memory_space<hbm>>
      tpu.enqueue_dma source(%dma_start3A_33 : memref<2048xf32, #tpu.memory_space<hbm>>) target(%arg7 : memref<2048xf32, #tpu.memory_space<vmem>>) target_semaphore(%arg10 : memref<!tpu.dma_semaphore, #tpu.memory_space<semaphore_mem>>)
      %dma_start3A_34 = arith.constant 0 : i32
      %dma_start3A_35 = arith.constant 0 : i32
      %dma_start3A_36 = tpu.memref_slice %arg3[%select_n3A, %dma_start3A_34, %dma_start3A_35] : memref<2x4x16384xi32, #tpu.memory_space<hbm>> -> memref<1x4x2048xi32, #tpu.memory_space<hbm>>
      %dma_start3A_37 = tpu.memref_squeeze %dma_start3A_36 : memref<1x4x2048xi32, #tpu.memory_space<hbm>> -> memref<4x2048xi32, #tpu.memory_space<hbm>>
      %dma_start3A_38 = arith.constant 0 : i32
      %dma_start3A_39 = arith.constant 0 : i32
      %dma_start3A_40 = tpu.memref_slice %arg3[%select_n3A, %dma_start3A_38, %dma_start3A_39] : memref<2x4x16384xi32, #tpu.memory_space<hbm>> -> memref<1x4x2048xi32, #tpu.memory_space<hbm>>
      %dma_start3A_41 = tpu.memref_squeeze %dma_start3A_40 : memref<1x4x2048xi32, #tpu.memory_space<hbm>> -> memref<4x2048xi32, #tpu.memory_space<hbm>>
      tpu.enqueue_dma source(%dma_start3A_41 : memref<4x2048xi32, #tpu.memory_space<hbm>>) target(%arg8 : memref<4x2048xi32, #tpu.memory_space<vmem>>) target_semaphore(%arg10 : memref<!tpu.dma_semaphore, #tpu.memory_space<semaphore_mem>>)
      %dma_start3A_42 = arith.constant 0 : i32
      %dma_start3A_43 = arith.constant 0 : i32
      %dma_start3A_44 = tpu.memref_slice %arg4[%select_n3A, %dma_start3A_42, %dma_start3A_43] : memref<2x4x16384xf32, #tpu.memory_space<hbm>> -> memref<1x4x2048xf32, #tpu.memory_space<hbm>>
      %dma_start3A_45 = tpu.memref_squeeze %dma_start3A_44 : memref<1x4x2048xf32, #tpu.memory_space<hbm>> -> memref<4x2048xf32, #tpu.memory_space<hbm>>
      %dma_start3A_46 = arith.constant 0 : i32
      %dma_start3A_47 = arith.constant 0 : i32
      %dma_start3A_48 = tpu.memref_slice %arg4[%select_n3A, %dma_start3A_46, %dma_start3A_47] : memref<2x4x16384xf32, #tpu.memory_space<hbm>> -> memref<1x4x2048xf32, #tpu.memory_space<hbm>>
      %dma_start3A_49 = tpu.memref_squeeze %dma_start3A_48 : memref<1x4x2048xf32, #tpu.memory_space<hbm>> -> memref<4x2048xf32, #tpu.memory_space<hbm>>
      tpu.enqueue_dma source(%dma_start3A_49 : memref<4x2048xf32, #tpu.memory_space<hbm>>) target(%arg9 : memref<4x2048xf32, #tpu.memory_space<vmem>>) target_semaphore(%arg10 : memref<!tpu.dma_semaphore, #tpu.memory_space<semaphore_mem>>)
      %scan3A_50 = arith.constant 0 : i32
      %scan3A_51 = arith.constant 0 : i32
      %scan3A_52 = arith.constant 256 : i32
      %scan3A_53 = arith.addi %scan3A_51, %scan3A_52 : i32
      %scan3A_54 = arith.constant 2 : i32
      scf.for %scan3A_433 = %scan3A_51 to %scan3A_53 step %scan3A_54  : i32 {
        %broadcast_in_dim3A = arith.constant 0.000000e+00 : f32
        %broadcast_in_dim3A_434 = vector.broadcast %broadcast_in_dim3A : f32 to vector<16xf32>
        %swap3A = arith.index_cast %scan3A_433 : i32 to index
        %swap3A_435 = arith.constant 0 : index
        %swap3A_436 = tpu.vector_load %arg6[%swap3A, %swap3A_435] {strides = array<i32>} : memref<256x256xf32, #tpu.memory_space<vmem>>, vector<16xf32>,
        tpu.vector_store %arg6[%swap3A, %swap3A_435], %broadcast_in_dim3A_434 {strides = array<i32>} : memref<256x256xf32, #tpu.memory_space<vmem>>, vector<16xf32>,
        %broadcast_in_dim3A_437 = arith.constant 0.000000e+00 : f32
        %broadcast_in_dim3A_438 = vector.broadcast %broadcast_in_dim3A_437 : f32 to vector<16xf32>
        %swap3A_439 = arith.index_cast %scan3A_433 : i32 to index
        %swap3A_440 = arith.constant 16 : index
        %swap3A_441 = tpu.vector_load %arg6[%swap3A_439, %swap3A_440] {strides = array<i32>} : memref<256x256xf32, #tpu.memory_space<vmem>>, vector<16xf32>,
        tpu.vector_store %arg6[%swap3A_439, %swap3A_440], %broadcast_in_dim3A_438 {strides = array<i32>} : memref<256x256xf32, #tpu.memory_space<vmem>>, vector<16xf32>,
        %broadcast_in_dim3A_442 = arith.constant 0.000000e+00 : f32
        %broadcast_in_dim3A_443 = vector.broadcast %broadcast_in_dim3A_442 : f32 to vector<16xf32>
        %swap3A_444 = arith.index_cast %scan3A_433 : i32 to index
        %swap3A_445 = arith.constant 32 : index
        %swap3A_446 = tpu.vector_load %arg6[%swap3A_444, %swap3A_445] {strides = array<i32>} : memref<256x256xf32, #tpu.memory_space<vmem>>, vector<16xf32>,
        tpu.vector_store %arg6[%swap3A_444, %swap3A_445], %broadcast_in_dim3A_443 {strides = array<i32>} : memref<256x256xf32, #tpu.memory_space<vmem>>, vector<16xf32>,
        %broadcast_in_dim3A_447 = arith.constant 0.000000e+00 : f32
        %broadcast_in_dim3A_448 = vector.broadcast %broadcast_in_dim3A_447 : f32 to vector<16xf32>
        %swap3A_449 = arith.index_cast %scan3A_433 : i32 to index
        %swap3A_450 = arith.constant 48 : index
        %swap3A_451 = tpu.vector_load %arg6[%swap3A_449, %swap3A_450] {strides = array<i32>} : memref<256x256xf32, #tpu.memory_space<vmem>>, vector<16xf32>,
        tpu.vector_store %arg6[%swap3A_449, %swap3A_450], %broadcast_in_dim3A_448 {strides = array<i32>} : memref<256x256xf32, #tpu.memory_space<vmem>>, vector<16xf32>,
        %broadcast_in_dim3A_452 = arith.constant 0.000000e+00 : f32
        %broadcast_in_dim3A_453 = vector.broadcast %broadcast_in_dim3A_452 : f32 to vector<16xf32>
        %swap3A_454 = arith.index_cast %scan3A_433 : i32 to index
        %swap3A_455 = arith.constant 64 : index
        %swap3A_456 = tpu.vector_load %arg6[%swap3A_454, %swap3A_455] {strides = array<i32>} : memref<256x256xf32, #tpu.memory_space<vmem>>, vector<16xf32>,
        tpu.vector_store %arg6[%swap3A_454, %swap3A_455], %broadcast_in_dim3A_453 {strides = array<i32>} : memref<256x256xf32, #tpu.memory_space<vmem>>, vector<16xf32>,
        %broadcast_in_dim3A_457 = arith.constant 0.000000e+00 : f32
        %broadcast_in_dim3A_458 = vector.broadcast %broadcast_in_dim3A_457 : f32 to vector<16xf32>
        %swap3A_459 = arith.index_cast %scan3A_433 : i32 to index
        %swap3A_460 = arith.constant 80 : index
        %swap3A_461 = tpu.vector_load %arg6[%swap3A_459, %swap3A_460] {strides = array<i32>} : memref<256x256xf32, #tpu.memory_space<vmem>>, vector<16xf32>,
        tpu.vector_store %arg6[%swap3A_459, %swap3A_460], %broadcast_in_dim3A_458 {strides = array<i32>} : memref<256x256xf32, #tpu.memory_space<vmem>>, vector<16xf32>,
        %broadcast_in_dim3A_462 = arith.constant 0.000000e+00 : f32
        %broadcast_in_dim3A_463 = vector.broadcast %broadcast_in_dim3A_462 : f32 to vector<16xf32>
        %swap3A_464 = arith.index_cast %scan3A_433 : i32 to index
        %swap3A_465 = arith.constant 96 : index
        %swap3A_466 = tpu.vector_load %arg6[%swap3A_464, %swap3A_465] {strides = array<i32>} : memref<256x256xf32, #tpu.memory_space<vmem>>, vector<16xf32>,
        tpu.vector_store %arg6[%swap3A_464, %swap3A_465], %broadcast_in_dim3A_463 {strides = array<i32>} : memref<256x256xf32, #tpu.memory_space<vmem>>, vector<16xf32>,
        %broadcast_in_dim3A_467 = arith.constant 0.000000e+00 : f32
        %broadcast_in_dim3A_468 = vector.broadcast %broadcast_in_dim3A_467 : f32 to vector<16xf32>
        %swap3A_469 = arith.index_cast %scan3A_433 : i32 to index
        %swap3A_470 = arith.constant 112 : index
        %swap3A_471 = tpu.vector_load %arg6[%swap3A_469, %swap3A_470] {strides = array<i32>} : memref<256x256xf32, #tpu.memory_space<vmem>>, vector<16xf32>,
        tpu.vector_store %arg6[%swap3A_469, %swap3A_470], %broadcast_in_dim3A_468 {strides = array<i32>} : memref<256x256xf32, #tpu.memory_space<vmem>>, vector<16xf32>,
        %broadcast_in_dim3A_472 = arith.constant 0.000000e+00 : f32
        %broadcast_in_dim3A_473 = vector.broadcast %broadcast_in_dim3A_472 : f32 to vector<16xf32>
        %swap3A_474 = arith.index_cast %scan3A_433 : i32 to index
        %swap3A_475 = arith.constant 128 : index
        %swap3A_476 = tpu.vector_load %arg6[%swap3A_474, %swap3A_475] {strides = array<i32>} : memref<256x256xf32, #tpu.memory_space<vmem>>, vector<16xf32>,
        tpu.vector_store %arg6[%swap3A_474, %swap3A_475], %broadcast_in_dim3A_473 {strides = array<i32>} : memref<256x256xf32, #tpu.memory_space<vmem>>, vector<16xf32>,
        %broadcast_in_dim3A_477 = arith.constant 0.000000e+00 : f32
        %broadcast_in_dim3A_478 = vector.broadcast %broadcast_in_dim3A_477 : f32 to vector<16xf32>
        %swap3A_479 = arith.index_cast %scan3A_433 : i32 to index
        %swap3A_480 = arith.constant 144 : index
        %swap3A_481 = tpu.vector_load %arg6[%swap3A_479, %swap3A_480] {strides = array<i32>} : memref<256x256xf32, #tpu.memory_space<vmem>>, vector<16xf32>,
        tpu.vector_store %arg6[%swap3A_479, %swap3A_480], %broadcast_in_dim3A_478 {strides = array<i32>} : memref<256x256xf32, #tpu.memory_space<vmem>>, vector<16xf32>,
        %broadcast_in_dim3A_482 = arith.constant 0.000000e+00 : f32
        %broadcast_in_dim3A_483 = vector.broadcast %broadcast_in_dim3A_482 : f32 to vector<16xf32>
        %swap3A_484 = arith.index_cast %scan3A_433 : i32 to index
        %swap3A_485 = arith.constant 160 : index
        %swap3A_486 = tpu.vector_load %arg6[%swap3A_484, %swap3A_485] {strides = array<i32>} : memref<256x256xf32, #tpu.memory_space<vmem>>, vector<16xf32>,
        tpu.vector_store %arg6[%swap3A_484, %swap3A_485], %broadcast_in_dim3A_483 {strides = array<i32>} : memref<256x256xf32, #tpu.memory_space<vmem>>, vector<16xf32>,
        %broadcast_in_dim3A_487 = arith.constant 0.000000e+00 : f32
        %broadcast_in_dim3A_488 = vector.broadcast %broadcast_in_dim3A_487 : f32 to vector<16xf32>
        %swap3A_489 = arith.index_cast %scan3A_433 : i32 to index
        %swap3A_490 = arith.constant 176 : index
        %swap3A_491 = tpu.vector_load %arg6[%swap3A_489, %swap3A_490] {strides = array<i32>} : memref<256x256xf32, #tpu.memory_space<vmem>>, vector<16xf32>,
        tpu.vector_store %arg6[%swap3A_489, %swap3A_490], %broadcast_in_dim3A_488 {strides = array<i32>} : memref<256x256xf32, #tpu.memory_space<vmem>>, vector<16xf32>,
        %broadcast_in_dim3A_492 = arith.constant 0.000000e+00 : f32
        %broadcast_in_dim3A_493 = vector.broadcast %broadcast_in_dim3A_492 : f32 to vector<16xf32>
        %swap3A_494 = arith.index_cast %scan3A_433 : i32 to index
        %swap3A_495 = arith.constant 192 : index
        %swap3A_496 = tpu.vector_load %arg6[%swap3A_494, %swap3A_495] {strides = array<i32>} : memref<256x256xf32, #tpu.memory_space<vmem>>, vector<16xf32>,
        tpu.vector_store %arg6[%swap3A_494, %swap3A_495], %broadcast_in_dim3A_493 {strides = array<i32>} : memref<256x256xf32, #tpu.memory_space<vmem>>, vector<16xf32>,
        %broadcast_in_dim3A_497 = arith.constant 0.000000e+00 : f32
        %broadcast_in_dim3A_498 = vector.broadcast %broadcast_in_dim3A_497 : f32 to vector<16xf32>
        %swap3A_499 = arith.index_cast %scan3A_433 : i32 to index
        %swap3A_500 = arith.constant 208 : index
        %swap3A_501 = tpu.vector_load %arg6[%swap3A_499, %swap3A_500] {strides = array<i32>} : memref<256x256xf32, #tpu.memory_space<vmem>>, vector<16xf32>,
        tpu.vector_store %arg6[%swap3A_499, %swap3A_500], %broadcast_in_dim3A_498 {strides = array<i32>} : memref<256x256xf32, #tpu.memory_space<vmem>>, vector<16xf32>,
        %broadcast_in_dim3A_502 = arith.constant 0.000000e+00 : f32
        %broadcast_in_dim3A_503 = vector.broadcast %broadcast_in_dim3A_502 : f32 to vector<16xf32>
        %swap3A_504 = arith.index_cast %scan3A_433 : i32 to index
        %swap3A_505 = arith.constant 224 : index
        %swap3A_506 = tpu.vector_load %arg6[%swap3A_504, %swap3A_505] {strides = array<i32>} : memref<256x256xf32, #tpu.memory_space<vmem>>, vector<16xf32>,
        tpu.vector_store %arg6[%swap3A_504, %swap3A_505], %broadcast_in_dim3A_503 {strides = array<i32>} : memref<256x256xf32, #tpu.memory_space<vmem>>, vector<16xf32>,
        %broadcast_in_dim3A_507 = arith.constant 0.000000e+00 : f32
        %broadcast_in_dim3A_508 = vector.broadcast %broadcast_in_dim3A_507 : f32 to vector<16xf32>
        %swap3A_509 = arith.index_cast %scan3A_433 : i32 to index
        %swap3A_510 = arith.constant 240 : index
        %swap3A_511 = tpu.vector_load %arg6[%swap3A_509, %swap3A_510] {strides = array<i32>} : memref<256x256xf32, #tpu.memory_space<vmem>>, vector<16xf32>,
        tpu.vector_store %arg6[%swap3A_509, %swap3A_510], %broadcast_in_dim3A_508 {strides = array<i32>} : memref<256x256xf32, #tpu.memory_space<vmem>>, vector<16xf32>,
        %scan3A_512 = arith.constant 1 : i32
        %scan3A_513 = arith.addi %scan3A_433, %scan3A_512 : i32
        %broadcast_in_dim3A_514 = arith.constant 0.000000e+00 : f32
        %broadcast_in_dim3A_515 = vector.broadcast %broadcast_in_dim3A_514 : f32 to vector<16xf32>
        %swap3A_516 = arith.index_cast %scan3A_513 : i32 to index
        %swap3A_517 = arith.constant 0 : index
        %swap3A_518 = tpu.vector_load %arg6[%swap3A_516, %swap3A_517] {strides = array<i32>} : memref<256x256xf32, #tpu.memory_space<vmem>>, vector<16xf32>,
        tpu.vector_store %arg6[%swap3A_516, %swap3A_517], %broadcast_in_dim3A_515 {strides = array<i32>} : memref<256x256xf32, #tpu.memory_space<vmem>>, vector<16xf32>,
        %broadcast_in_dim3A_519 = arith.constant 0.000000e+00 : f32
        %broadcast_in_dim3A_520 = vector.broadcast %broadcast_in_dim3A_519 : f32 to vector<16xf32>
        %swap3A_521 = arith.index_cast %scan3A_513 : i32 to index
        %swap3A_522 = arith.constant 16 : index
        %swap3A_523 = tpu.vector_load %arg6[%swap3A_521, %swap3A_522] {strides = array<i32>} : memref<256x256xf32, #tpu.memory_space<vmem>>, vector<16xf32>,
        tpu.vector_store %arg6[%swap3A_521, %swap3A_522], %broadcast_in_dim3A_520 {strides = array<i32>} : memref<256x256xf32, #tpu.memory_space<vmem>>, vector<16xf32>,
        %broadcast_in_dim3A_524 = arith.constant 0.000000e+00 : f32
        %broadcast_in_dim3A_525 = vector.broadcast %broadcast_in_dim3A_524 : f32 to vector<16xf32>
        %swap3A_526 = arith.index_cast %scan3A_513 : i32 to index
        %swap3A_527 = arith.constant 32 : index
        %swap3A_528 = tpu.vector_load %arg6[%swap3A_526, %swap3A_527] {strides = array<i32>} : memref<256x256xf32, #tpu.memory_space<vmem>>, vector<16xf32>,
        tpu.vector_store %arg6[%swap3A_526, %swap3A_527], %broadcast_in_dim3A_525 {strides = array<i32>} : memref<256x256xf32, #tpu.memory_space<vmem>>, vector<16xf32>,
        %broadcast_in_dim3A_529 = arith.constant 0.000000e+00 : f32
        %broadcast_in_dim3A_530 = vector.broadcast %broadcast_in_dim3A_529 : f32 to vector<16xf32>
        %swap3A_531 = arith.index_cast %scan3A_513 : i32 to index
        %swap3A_532 = arith.constant 48 : index
        %swap3A_533 = tpu.vector_load %arg6[%swap3A_531, %swap3A_532] {strides = array<i32>} : memref<256x256xf32, #tpu.memory_space<vmem>>, vector<16xf32>,
        tpu.vector_store %arg6[%swap3A_531, %swap3A_532], %broadcast_in_dim3A_530 {strides = array<i32>} : memref<256x256xf32, #tpu.memory_space<vmem>>, vector<16xf32>,
        %broadcast_in_dim3A_534 = arith.constant 0.000000e+00 : f32
        %broadcast_in_dim3A_535 = vector.broadcast %broadcast_in_dim3A_534 : f32 to vector<16xf32>
        %swap3A_536 = arith.index_cast %scan3A_513 : i32 to index
        %swap3A_537 = arith.constant 64 : index
        %swap3A_538 = tpu.vector_load %arg6[%swap3A_536, %swap3A_537] {strides = array<i32>} : memref<256x256xf32, #tpu.memory_space<vmem>>, vector<16xf32>,
        tpu.vector_store %arg6[%swap3A_536, %swap3A_537], %broadcast_in_dim3A_535 {strides = array<i32>} : memref<256x256xf32, #tpu.memory_space<vmem>>, vector<16xf32>,
        %broadcast_in_dim3A_539 = arith.constant 0.000000e+00 : f32
        %broadcast_in_dim3A_540 = vector.broadcast %broadcast_in_dim3A_539 : f32 to vector<16xf32>
        %swap3A_541 = arith.index_cast %scan3A_513 : i32 to index
        %swap3A_542 = arith.constant 80 : index
        %swap3A_543 = tpu.vector_load %arg6[%swap3A_541, %swap3A_542] {strides = array<i32>} : memref<256x256xf32, #tpu.memory_space<vmem>>, vector<16xf32>,
        tpu.vector_store %arg6[%swap3A_541, %swap3A_542], %broadcast_in_dim3A_540 {strides = array<i32>} : memref<256x256xf32, #tpu.memory_space<vmem>>, vector<16xf32>,
        %broadcast_in_dim3A_544 = arith.constant 0.000000e+00 : f32
        %broadcast_in_dim3A_545 = vector.broadcast %broadcast_in_dim3A_544 : f32 to vector<16xf32>
        %swap3A_546 = arith.index_cast %scan3A_513 : i32 to index
        %swap3A_547 = arith.constant 96 : index
        %swap3A_548 = tpu.vector_load %arg6[%swap3A_546, %swap3A_547] {strides = array<i32>} : memref<256x256xf32, #tpu.memory_space<vmem>>, vector<16xf32>,
        tpu.vector_store %arg6[%swap3A_546, %swap3A_547], %broadcast_in_dim3A_545 {strides = array<i32>} : memref<256x256xf32, #tpu.memory_space<vmem>>, vector<16xf32>,
        %broadcast_in_dim3A_549 = arith.constant 0.000000e+00 : f32
        %broadcast_in_dim3A_550 = vector.broadcast %broadcast_in_dim3A_549 : f32 to vector<16xf32>
        %swap3A_551 = arith.index_cast %scan3A_513 : i32 to index
        %swap3A_552 = arith.constant 112 : index
        %swap3A_553 = tpu.vector_load %arg6[%swap3A_551, %swap3A_552] {strides = array<i32>} : memref<256x256xf32, #tpu.memory_space<vmem>>, vector<16xf32>,
        tpu.vector_store %arg6[%swap3A_551, %swap3A_552], %broadcast_in_dim3A_550 {strides = array<i32>} : memref<256x256xf32, #tpu.memory_space<vmem>>, vector<16xf32>,
        %broadcast_in_dim3A_554 = arith.constant 0.000000e+00 : f32
        %broadcast_in_dim3A_555 = vector.broadcast %broadcast_in_dim3A_554 : f32 to vector<16xf32>
        %swap3A_556 = arith.index_cast %scan3A_513 : i32 to index
        %swap3A_557 = arith.constant 128 : index
        %swap3A_558 = tpu.vector_load %arg6[%swap3A_556, %swap3A_557] {strides = array<i32>} : memref<256x256xf32, #tpu.memory_space<vmem>>, vector<16xf32>,
        tpu.vector_store %arg6[%swap3A_556, %swap3A_557], %broadcast_in_dim3A_555 {strides = array<i32>} : memref<256x256xf32, #tpu.memory_space<vmem>>, vector<16xf32>,
        %broadcast_in_dim3A_559 = arith.constant 0.000000e+00 : f32
        %broadcast_in_dim3A_560 = vector.broadcast %broadcast_in_dim3A_559 : f32 to vector<16xf32>
        %swap3A_561 = arith.index_cast %scan3A_513 : i32 to index
        %swap3A_562 = arith.constant 144 : index
        %swap3A_563 = tpu.vector_load %arg6[%swap3A_561, %swap3A_562] {strides = array<i32>} : memref<256x256xf32, #tpu.memory_space<vmem>>, vector<16xf32>,
        tpu.vector_store %arg6[%swap3A_561, %swap3A_562], %broadcast_in_dim3A_560 {strides = array<i32>} : memref<256x256xf32, #tpu.memory_space<vmem>>, vector<16xf32>,
        %broadcast_in_dim3A_564 = arith.constant 0.000000e+00 : f32
        %broadcast_in_dim3A_565 = vector.broadcast %broadcast_in_dim3A_564 : f32 to vector<16xf32>
        %swap3A_566 = arith.index_cast %scan3A_513 : i32 to index
        %swap3A_567 = arith.constant 160 : index
        %swap3A_568 = tpu.vector_load %arg6[%swap3A_566, %swap3A_567] {strides = array<i32>} : memref<256x256xf32, #tpu.memory_space<vmem>>, vector<16xf32>,
        tpu.vector_store %arg6[%swap3A_566, %swap3A_567], %broadcast_in_dim3A_565 {strides = array<i32>} : memref<256x256xf32, #tpu.memory_space<vmem>>, vector<16xf32>,
        %broadcast_in_dim3A_569 = arith.constant 0.000000e+00 : f32
        %broadcast_in_dim3A_570 = vector.broadcast %broadcast_in_dim3A_569 : f32 to vector<16xf32>
        %swap3A_571 = arith.index_cast %scan3A_513 : i32 to index
        %swap3A_572 = arith.constant 176 : index
        %swap3A_573 = tpu.vector_load %arg6[%swap3A_571, %swap3A_572] {strides = array<i32>} : memref<256x256xf32, #tpu.memory_space<vmem>>, vector<16xf32>,
        tpu.vector_store %arg6[%swap3A_571, %swap3A_572], %broadcast_in_dim3A_570 {strides = array<i32>} : memref<256x256xf32, #tpu.memory_space<vmem>>, vector<16xf32>,
        %broadcast_in_dim3A_574 = arith.constant 0.000000e+00 : f32
        %broadcast_in_dim3A_575 = vector.broadcast %broadcast_in_dim3A_574 : f32 to vector<16xf32>
        %swap3A_576 = arith.index_cast %scan3A_513 : i32 to index
        %swap3A_577 = arith.constant 192 : index
        %swap3A_578 = tpu.vector_load %arg6[%swap3A_576, %swap3A_577] {strides = array<i32>} : memref<256x256xf32, #tpu.memory_space<vmem>>, vector<16xf32>,
        tpu.vector_store %arg6[%swap3A_576, %swap3A_577], %broadcast_in_dim3A_575 {strides = array<i32>} : memref<256x256xf32, #tpu.memory_space<vmem>>, vector<16xf32>,
        %broadcast_in_dim3A_579 = arith.constant 0.000000e+00 : f32
        %broadcast_in_dim3A_580 = vector.broadcast %broadcast_in_dim3A_579 : f32 to vector<16xf32>
        %swap3A_581 = arith.index_cast %scan3A_513 : i32 to index
        %swap3A_582 = arith.constant 208 : index
        %swap3A_583 = tpu.vector_load %arg6[%swap3A_581, %swap3A_582] {strides = array<i32>} : memref<256x256xf32, #tpu.memory_space<vmem>>, vector<16xf32>,
        tpu.vector_store %arg6[%swap3A_581, %swap3A_582], %broadcast_in_dim3A_580 {strides = array<i32>} : memref<256x256xf32, #tpu.memory_space<vmem>>, vector<16xf32>,
        %broadcast_in_dim3A_584 = arith.constant 0.000000e+00 : f32
        %broadcast_in_dim3A_585 = vector.broadcast %broadcast_in_dim3A_584 : f32 to vector<16xf32>
        %swap3A_586 = arith.index_cast %scan3A_513 : i32 to index
        %swap3A_587 = arith.constant 224 : index
        %swap3A_588 = tpu.vector_load %arg6[%swap3A_586, %swap3A_587] {strides = array<i32>} : memref<256x256xf32, #tpu.memory_space<vmem>>, vector<16xf32>,
        tpu.vector_store %arg6[%swap3A_586, %swap3A_587], %broadcast_in_dim3A_585 {strides = array<i32>} : memref<256x256xf32, #tpu.memory_space<vmem>>, vector<16xf32>,
        %broadcast_in_dim3A_589 = arith.constant 0.000000e+00 : f32
        %broadcast_in_dim3A_590 = vector.broadcast %broadcast_in_dim3A_589 : f32 to vector<16xf32>
        %swap3A_591 = arith.index_cast %scan3A_513 : i32 to index
        %swap3A_592 = arith.constant 240 : index
        %swap3A_593 = tpu.vector_load %arg6[%swap3A_591, %swap3A_592] {strides = array<i32>} : memref<256x256xf32, #tpu.memory_space<vmem>>, vector<16xf32>,
        tpu.vector_store %arg6[%swap3A_591, %swap3A_592], %broadcast_in_dim3A_590 {strides = array<i32>} : memref<256x256xf32, #tpu.memory_space<vmem>>, vector<16xf32>,
      }
      %scan3A_55 = arith.constant 256 : i32
      %dma_start3A_56 = arith.constant 2048 : i32
      %dma_start3A_57 = tpu.memref_slice %arg2[%select_n3A, %sub3A_28, %dma_start3A_56] : memref<2x256x16384xf32, #tpu.memory_space<hbm>> -> memref<1x1x2048xf32, #tpu.memory_space<hbm>>
      %dma_start3A_58 = tpu.memref_squeeze %dma_start3A_57 : memref<1x1x2048xf32, #tpu.memory_space<hbm>> -> memref<2048xf32, #tpu.memory_space<hbm>>
      %dma_start3A_59 = arith.constant 2048 : i32
      %dma_start3A_60 = tpu.memref_slice %arg2[%select_n3A, %sub3A_28, %dma_start3A_59] : memref<2x256x16384xf32, #tpu.memory_space<hbm>> -> memref<1x1x2048xf32, #tpu.memory_space<hbm>>
      %dma_start3A_61 = tpu.memref_squeeze %dma_start3A_60 : memref<1x1x2048xf32, #tpu.memory_space<hbm>> -> memref<2048xf32, #tpu.memory_space<hbm>>
      tpu.enqueue_dma source(%dma_start3A_61 : memref<2048xf32, #tpu.memory_space<hbm>>) target(%arg11 : memref<2048xf32, #tpu.memory_space<vmem>>) target_semaphore(%arg14 : memref<!tpu.dma_semaphore, #tpu.memory_space<semaphore_mem>>)
      %dma_start3A_62 = arith.constant 0 : i32
      %dma_start3A_63 = arith.constant 2048 : i32
      %dma_start3A_64 = tpu.memref_slice %arg3[%select_n3A, %dma_start3A_62, %dma_start3A_63] : memref<2x4x16384xi32, #tpu.memory_space<hbm>> -> memref<1x4x2048xi32, #tpu.memory_space<hbm>>
      %dma_start3A_65 = tpu.memref_squeeze %dma_start3A_64 : memref<1x4x2048xi32, #tpu.memory_space<hbm>> -> memref<4x2048xi32, #tpu.memory_space<hbm>>
      %dma_start3A_66 = arith.constant 0 : i32
      %dma_start3A_67 = arith.constant 2048 : i32
      %dma_start3A_68 = tpu.memref_slice %arg3[%select_n3A, %dma_start3A_66, %dma_start3A_67] : memref<2x4x16384xi32, #tpu.memory_space<hbm>> -> memref<1x4x2048xi32, #tpu.memory_space<hbm>>
      %dma_start3A_69 = tpu.memref_squeeze %dma_start3A_68 : memref<1x4x2048xi32, #tpu.memory_space<hbm>> -> memref<4x2048xi32, #tpu.memory_space<hbm>>
      tpu.enqueue_dma source(%dma_start3A_69 : memref<4x2048xi32, #tpu.memory_space<hbm>>) target(%arg12 : memref<4x2048xi32, #tpu.memory_space<vmem>>) target_semaphore(%arg14 : memref<!tpu.dma_semaphore, #tpu.memory_space<semaphore_mem>>)
      %dma_start3A_70 = arith.constant 0 : i32
      %dma_start3A_71 = arith.constant 2048 : i32
      %dma_start3A_72 = tpu.memref_slice %arg4[%select_n3A, %dma_start3A_70, %dma_start3A_71] : memref<2x4x16384xf32, #tpu.memory_space<hbm>> -> memref<1x4x2048xf32, #tpu.memory_space<hbm>>
      %dma_start3A_73 = tpu.memref_squeeze %dma_start3A_72 : memref<1x4x2048xf32, #tpu.memory_space<hbm>> -> memref<4x2048xf32, #tpu.memory_space<hbm>>
      %dma_start3A_74 = arith.constant 0 : i32
      %dma_start3A_75 = arith.constant 2048 : i32
      %dma_start3A_76 = tpu.memref_slice %arg4[%select_n3A, %dma_start3A_74, %dma_start3A_75] : memref<2x4x16384xf32, #tpu.memory_space<hbm>> -> memref<1x4x2048xf32, #tpu.memory_space<hbm>>
      %dma_start3A_77 = tpu.memref_squeeze %dma_start3A_76 : memref<1x4x2048xf32, #tpu.memory_space<hbm>> -> memref<4x2048xf32, #tpu.memory_space<hbm>>
      tpu.enqueue_dma source(%dma_start3A_77 : memref<4x2048xf32, #tpu.memory_space<hbm>>) target(%arg13 : memref<4x2048xf32, #tpu.memory_space<vmem>>) target_semaphore(%arg14 : memref<!tpu.dma_semaphore, #tpu.memory_space<semaphore_mem>>)
      %dma_wait3A = arith.constant 0 : i32
      %dma_wait3A_78 = tpu.memref_slice %arg2[%select_n3A, %sub3A_28, %dma_wait3A] : memref<2x256x16384xf32, #tpu.memory_space<hbm>> -> memref<1x1x2048xf32, #tpu.memory_space<hbm>>
      %dma_wait3A_79 = tpu.memref_squeeze %dma_wait3A_78 : memref<1x1x2048xf32, #tpu.memory_space<hbm>> -> memref<2048xf32, #tpu.memory_space<hbm>>
      %dma_wait3A_80 = arith.constant 0 : i32
      %dma_wait3A_81 = tpu.memref_slice %arg2[%select_n3A, %sub3A_28, %dma_wait3A_80] : memref<2x256x16384xf32, #tpu.memory_space<hbm>> -> memref<1x1x2048xf32, #tpu.memory_space<hbm>>
      %dma_wait3A_82 = tpu.memref_squeeze %dma_wait3A_81 : memref<1x1x2048xf32, #tpu.memory_space<hbm>> -> memref<2048xf32, #tpu.memory_space<hbm>>
      tpu.wait_dma2 semaphore(%arg10 : memref<!tpu.dma_semaphore, #tpu.memory_space<semaphore_mem>>) src(%dma_wait3A_82 : memref<2048xf32, #tpu.memory_space<hbm>>) dst(%arg7 : memref<2048xf32, #tpu.memory_space<vmem>>)
      %dma_wait3A_83 = arith.constant 0 : i32
      %dma_wait3A_84 = arith.constant 0 : i32
      %dma_wait3A_85 = tpu.memref_slice %arg3[%select_n3A, %dma_wait3A_83, %dma_wait3A_84] : memref<2x4x16384xi32, #tpu.memory_space<hbm>> -> memref<1x4x2048xi32, #tpu.memory_space<hbm>>
      %dma_wait3A_86 = tpu.memref_squeeze %dma_wait3A_85 : memref<1x4x2048xi32, #tpu.memory_space<hbm>> -> memref<4x2048xi32, #tpu.memory_space<hbm>>
      %dma_wait3A_87 = arith.constant 0 : i32
      %dma_wait3A_88 = arith.constant 0 : i32
      %dma_wait3A_89 = tpu.memref_slice %arg3[%select_n3A, %dma_wait3A_87, %dma_wait3A_88] : memref<2x4x16384xi32, #tpu.memory_space<hbm>> -> memref<1x4x2048xi32, #tpu.memory_space<hbm>>
      %dma_wait3A_90 = tpu.memref_squeeze %dma_wait3A_89 : memref<1x4x2048xi32, #tpu.memory_space<hbm>> -> memref<4x2048xi32, #tpu.memory_space<hbm>>
      tpu.wait_dma2 semaphore(%arg10 : memref<!tpu.dma_semaphore, #tpu.memory_space<semaphore_mem>>) src(%dma_wait3A_90 : memref<4x2048xi32, #tpu.memory_space<hbm>>) dst(%arg8 : memref<4x2048xi32, #tpu.memory_space<vmem>>)
      %dma_wait3A_91 = arith.constant 0 : i32
      %dma_wait3A_92 = arith.constant 0 : i32
      %dma_wait3A_93 = tpu.memref_slice %arg4[%select_n3A, %dma_wait3A_91, %dma_wait3A_92] : memref<2x4x16384xf32, #tpu.memory_space<hbm>> -> memref<1x4x2048xf32, #tpu.memory_space<hbm>>
      %dma_wait3A_94 = tpu.memref_squeeze %dma_wait3A_93 : memref<1x4x2048xf32, #tpu.memory_space<hbm>> -> memref<4x2048xf32, #tpu.memory_space<hbm>>
      %dma_wait3A_95 = arith.constant 0 : i32
      %dma_wait3A_96 = arith.constant 0 : i32
      %dma_wait3A_97 = tpu.memref_slice %arg4[%select_n3A, %dma_wait3A_95, %dma_wait3A_96] : memref<2x4x16384xf32, #tpu.memory_space<hbm>> -> memref<1x4x2048xf32, #tpu.memory_space<hbm>>
      %dma_wait3A_98 = tpu.memref_squeeze %dma_wait3A_97 : memref<1x4x2048xf32, #tpu.memory_space<hbm>> -> memref<4x2048xf32, #tpu.memory_space<hbm>>
      tpu.wait_dma2 semaphore(%arg10 : memref<!tpu.dma_semaphore, #tpu.memory_space<semaphore_mem>>) src(%dma_wait3A_98 : memref<4x2048xf32, #tpu.memory_space<hbm>>) dst(%arg9 : memref<4x2048xf32, #tpu.memory_space<vmem>>)
      %scan3A_99 = arith.constant 0 : i32
      %scan3A_100 = arith.constant 0 : i32
      %scan3A_101 = arith.constant 128 : i32
      %scan3A_102 = arith.addi %scan3A_100, %scan3A_101 : i32
      %scan3A_103 = arith.constant 4 : i32
      scf.for %scan3A_433 = %scan3A_100 to %scan3A_102 step %scan3A_103  : i32 {
        %mul3A_434 = arith.constant 16 : i32
        %mul3A_435 = arith.muli %scan3A_433, %mul3A_434 : i32
        %get3A = arith.index_cast %mul3A_435 : i32 to index
        %get3A_436 = tpu.vector_load %arg7[%get3A] {strides = array<i32>} : memref<2048xf32, #tpu.memory_space<vmem>>, vector<16xf32>,
        %get3A_437 = arith.constant 0 : i32
        %get3A_438 = arith.index_cast %get3A_437 : i32 to index
        %get3A_439 = arith.index_cast %mul3A_435 : i32 to index
        %get3A_440 = tpu.vector_load %arg8[%get3A_438, %get3A_439] {strides = array<i32>} : memref<4x2048xi32, #tpu.memory_space<vmem>>, vector<16xi32>,
        %get3A_441 = arith.constant 0 : i32
        %get3A_442 = arith.index_cast %get3A_441 : i32 to index
        %get3A_443 = arith.index_cast %mul3A_435 : i32 to index
        %get3A_444 = tpu.vector_load %arg9[%get3A_442, %get3A_443] {strides = array<i32>} : memref<4x2048xf32, #tpu.memory_space<vmem>>, vector<16xf32>,
        %shift_right_logical3A = arith.constant 8 : i32
        %shift_right_logical3A_445 = vector.broadcast %shift_right_logical3A : i32 to vector<16xi32>
        %shift_right_logical3A_446 = arith.shrui %get3A_440, %shift_right_logical3A_445 : vector<16xi32>
        %and3A_447 = arith.constant 255 : i32
        %and3A_448 = vector.broadcast %and3A_447 : i32 to vector<16xi32>
        %and3A_449 = arith.andi %get3A_440, %and3A_448 : vector<16xi32>
        %mul3A_450 = arith.mulf %get3A_436, %get3A_444 : vector<16xf32>
        tpu.vector_store_idx %arg6[%shift_right_logical3A_446, %and3A_449], %mul3A_450 {add = true} : memref<256x256xf32, #tpu.memory_space<vmem>>[vector<16xi32>, vector<16xi32>], vector<16xf32>,
        %get3A_451 = arith.constant 1 : i32
        %get3A_452 = arith.index_cast %get3A_451 : i32 to index
        %get3A_453 = arith.index_cast %mul3A_435 : i32 to index
        %get3A_454 = tpu.vector_load %arg8[%get3A_452, %get3A_453] {strides = array<i32>} : memref<4x2048xi32, #tpu.memory_space<vmem>>, vector<16xi32>,
        %get3A_455 = arith.constant 1 : i32
        %get3A_456 = arith.index_cast %get3A_455 : i32 to index
        %get3A_457 = arith.index_cast %mul3A_435 : i32 to index
        %get3A_458 = tpu.vector_load %arg9[%get3A_456, %get3A_457] {strides = array<i32>} : memref<4x2048xf32, #tpu.memory_space<vmem>>, vector<16xf32>,
        %shift_right_logical3A_459 = arith.constant 8 : i32
        %shift_right_logical3A_460 = vector.broadcast %shift_right_logical3A_459 : i32 to vector<16xi32>
        %shift_right_logical3A_461 = arith.shrui %get3A_454, %shift_right_logical3A_460 : vector<16xi32>
        %and3A_462 = arith.constant 255 : i32
        %and3A_463 = vector.broadcast %and3A_462 : i32 to vector<16xi32>
        %and3A_464 = arith.andi %get3A_454, %and3A_463 : vector<16xi32>
        %mul3A_465 = arith.mulf %get3A_436, %get3A_458 : vector<16xf32>
        tpu.vector_store_idx %arg6[%shift_right_logical3A_461, %and3A_464], %mul3A_465 {add = true} : memref<256x256xf32, #tpu.memory_space<vmem>>[vector<16xi32>, vector<16xi32>], vector<16xf32>,
        %get3A_466 = arith.constant 2 : i32
        %get3A_467 = arith.index_cast %get3A_466 : i32 to index
        %get3A_468 = arith.index_cast %mul3A_435 : i32 to index
        %get3A_469 = tpu.vector_load %arg8[%get3A_467, %get3A_468] {strides = array<i32>} : memref<4x2048xi32, #tpu.memory_space<vmem>>, vector<16xi32>,
        %get3A_470 = arith.constant 2 : i32
        %get3A_471 = arith.index_cast %get3A_470 : i32 to index
        %get3A_472 = arith.index_cast %mul3A_435 : i32 to index
        %get3A_473 = tpu.vector_load %arg9[%get3A_471, %get3A_472] {strides = array<i32>} : memref<4x2048xf32, #tpu.memory_space<vmem>>, vector<16xf32>,
        %shift_right_logical3A_474 = arith.constant 8 : i32
        %shift_right_logical3A_475 = vector.broadcast %shift_right_logical3A_474 : i32 to vector<16xi32>
        %shift_right_logical3A_476 = arith.shrui %get3A_469, %shift_right_logical3A_475 : vector<16xi32>
        %and3A_477 = arith.constant 255 : i32
        %and3A_478 = vector.broadcast %and3A_477 : i32 to vector<16xi32>
        %and3A_479 = arith.andi %get3A_469, %and3A_478 : vector<16xi32>
        %mul3A_480 = arith.mulf %get3A_436, %get3A_473 : vector<16xf32>
        tpu.vector_store_idx %arg6[%shift_right_logical3A_476, %and3A_479], %mul3A_480 {add = true} : memref<256x256xf32, #tpu.memory_space<vmem>>[vector<16xi32>, vector<16xi32>], vector<16xf32>,
        %get3A_481 = arith.constant 3 : i32
        %get3A_482 = arith.index_cast %get3A_481 : i32 to index
        %get3A_483 = arith.index_cast %mul3A_435 : i32 to index
        %get3A_484 = tpu.vector_load %arg8[%get3A_482, %get3A_483] {strides = array<i32>} : memref<4x2048xi32, #tpu.memory_space<vmem>>, vector<16xi32>,
        %get3A_485 = arith.constant 3 : i32
        %get3A_486 = arith.index_cast %get3A_485 : i32 to index
        %get3A_487 = arith.index_cast %mul3A_435 : i32 to index
        %get3A_488 = tpu.vector_load %arg9[%get3A_486, %get3A_487] {strides = array<i32>} : memref<4x2048xf32, #tpu.memory_space<vmem>>, vector<16xf32>,
        %shift_right_logical3A_489 = arith.constant 8 : i32
        %shift_right_logical3A_490 = vector.broadcast %shift_right_logical3A_489 : i32 to vector<16xi32>
        %shift_right_logical3A_491 = arith.shrui %get3A_484, %shift_right_logical3A_490 : vector<16xi32>
        %and3A_492 = arith.constant 255 : i32
        %and3A_493 = vector.broadcast %and3A_492 : i32 to vector<16xi32>
        %and3A_494 = arith.andi %get3A_484, %and3A_493 : vector<16xi32>
        %mul3A_495 = arith.mulf %get3A_436, %get3A_488 : vector<16xf32>
        tpu.vector_store_idx %arg6[%shift_right_logical3A_491, %and3A_494], %mul3A_495 {add = true} : memref<256x256xf32, #tpu.memory_space<vmem>>[vector<16xi32>, vector<16xi32>], vector<16xf32>,
        %scan3A_496 = arith.constant 1 : i32
        %scan3A_497 = arith.addi %scan3A_433, %scan3A_496 : i32
        %mul3A_498 = arith.constant 16 : i32
        %mul3A_499 = arith.muli %scan3A_497, %mul3A_498 : i32
        %get3A_500 = arith.index_cast %mul3A_499 : i32 to index
        %get3A_501 = tpu.vector_load %arg7[%get3A_500] {strides = array<i32>} : memref<2048xf32, #tpu.memory_space<vmem>>, vector<16xf32>,
        %get3A_502 = arith.constant 0 : i32
        %get3A_503 = arith.index_cast %get3A_502 : i32 to index
        %get3A_504 = arith.index_cast %mul3A_499 : i32 to index
        %get3A_505 = tpu.vector_load %arg8[%get3A_503, %get3A_504] {strides = array<i32>} : memref<4x2048xi32, #tpu.memory_space<vmem>>, vector<16xi32>,
        %get3A_506 = arith.constant 0 : i32
        %get3A_507 = arith.index_cast %get3A_506 : i32 to index
        %get3A_508 = arith.index_cast %mul3A_499 : i32 to index
        %get3A_509 = tpu.vector_load %arg9[%get3A_507, %get3A_508] {strides = array<i32>} : memref<4x2048xf32, #tpu.memory_space<vmem>>, vector<16xf32>,
        %shift_right_logical3A_510 = arith.constant 8 : i32
        %shift_right_logical3A_511 = vector.broadcast %shift_right_logical3A_510 : i32 to vector<16xi32>
        %shift_right_logical3A_512 = arith.shrui %get3A_505, %shift_right_logical3A_511 : vector<16xi32>
        %and3A_513 = arith.constant 255 : i32
        %and3A_514 = vector.broadcast %and3A_513 : i32 to vector<16xi32>
        %and3A_515 = arith.andi %get3A_505, %and3A_514 : vector<16xi32>
        %mul3A_516 = arith.mulf %get3A_501, %get3A_509 : vector<16xf32>
        tpu.vector_store_idx %arg6[%shift_right_logical3A_512, %and3A_515], %mul3A_516 {add = true} : memref<256x256xf32, #tpu.memory_space<vmem>>[vector<16xi32>, vector<16xi32>], vector<16xf32>,
        %get3A_517 = arith.constant 1 : i32
        %get3A_518 = arith.index_cast %get3A_517 : i32 to index
        %get3A_519 = arith.index_cast %mul3A_499 : i32 to index
        %get3A_520 = tpu.vector_load %arg8[%get3A_518, %get3A_519] {strides = array<i32>} : memref<4x2048xi32, #tpu.memory_space<vmem>>, vector<16xi32>,
        %get3A_521 = arith.constant 1 : i32
        %get3A_522 = arith.index_cast %get3A_521 : i32 to index
        %get3A_523 = arith.index_cast %mul3A_499 : i32 to index
        %get3A_524 = tpu.vector_load %arg9[%get3A_522, %get3A_523] {strides = array<i32>} : memref<4x2048xf32, #tpu.memory_space<vmem>>, vector<16xf32>,
        %shift_right_logical3A_525 = arith.constant 8 : i32
        %shift_right_logical3A_526 = vector.broadcast %shift_right_logical3A_525 : i32 to vector<16xi32>
        %shift_right_logical3A_527 = arith.shrui %get3A_520, %shift_right_logical3A_526 : vector<16xi32>
        %and3A_528 = arith.constant 255 : i32
        %and3A_529 = vector.broadcast %and3A_528 : i32 to vector<16xi32>
        %and3A_530 = arith.andi %get3A_520, %and3A_529 : vector<16xi32>
        %mul3A_531 = arith.mulf %get3A_501, %get3A_524 : vector<16xf32>
        tpu.vector_store_idx %arg6[%shift_right_logical3A_527, %and3A_530], %mul3A_531 {add = true} : memref<256x256xf32, #tpu.memory_space<vmem>>[vector<16xi32>, vector<16xi32>], vector<16xf32>,
        %get3A_532 = arith.constant 2 : i32
        %get3A_533 = arith.index_cast %get3A_532 : i32 to index
        %get3A_534 = arith.index_cast %mul3A_499 : i32 to index
        %get3A_535 = tpu.vector_load %arg8[%get3A_533, %get3A_534] {strides = array<i32>} : memref<4x2048xi32, #tpu.memory_space<vmem>>, vector<16xi32>,
        %get3A_536 = arith.constant 2 : i32
        %get3A_537 = arith.index_cast %get3A_536 : i32 to index
        %get3A_538 = arith.index_cast %mul3A_499 : i32 to index
        %get3A_539 = tpu.vector_load %arg9[%get3A_537, %get3A_538] {strides = array<i32>} : memref<4x2048xf32, #tpu.memory_space<vmem>>, vector<16xf32>,
        %shift_right_logical3A_540 = arith.constant 8 : i32
        %shift_right_logical3A_541 = vector.broadcast %shift_right_logical3A_540 : i32 to vector<16xi32>
        %shift_right_logical3A_542 = arith.shrui %get3A_535, %shift_right_logical3A_541 : vector<16xi32>
        %and3A_543 = arith.constant 255 : i32
        %and3A_544 = vector.broadcast %and3A_543 : i32 to vector<16xi32>
        %and3A_545 = arith.andi %get3A_535, %and3A_544 : vector<16xi32>
        %mul3A_546 = arith.mulf %get3A_501, %get3A_539 : vector<16xf32>
        tpu.vector_store_idx %arg6[%shift_right_logical3A_542, %and3A_545], %mul3A_546 {add = true} : memref<256x256xf32, #tpu.memory_space<vmem>>[vector<16xi32>, vector<16xi32>], vector<16xf32>,
        %get3A_547 = arith.constant 3 : i32
        %get3A_548 = arith.index_cast %get3A_547 : i32 to index
        %get3A_549 = arith.index_cast %mul3A_499 : i32 to index
        %get3A_550 = tpu.vector_load %arg8[%get3A_548, %get3A_549] {strides = array<i32>} : memref<4x2048xi32, #tpu.memory_space<vmem>>, vector<16xi32>,
        %get3A_551 = arith.constant 3 : i32
        %get3A_552 = arith.index_cast %get3A_551 : i32 to index
        %get3A_553 = arith.index_cast %mul3A_499 : i32 to index
        %get3A_554 = tpu.vector_load %arg9[%get3A_552, %get3A_553] {strides = array<i32>} : memref<4x2048xf32, #tpu.memory_space<vmem>>, vector<16xf32>,
        %shift_right_logical3A_555 = arith.constant 8 : i32
        %shift_right_logical3A_556 = vector.broadcast %shift_right_logical3A_555 : i32 to vector<16xi32>
        %shift_right_logical3A_557 = arith.shrui %get3A_550, %shift_right_logical3A_556 : vector<16xi32>
        %and3A_558 = arith.constant 255 : i32
        %and3A_559 = vector.broadcast %and3A_558 : i32 to vector<16xi32>
        %and3A_560 = arith.andi %get3A_550, %and3A_559 : vector<16xi32>
        %mul3A_561 = arith.mulf %get3A_501, %get3A_554 : vector<16xf32>
        tpu.vector_store_idx %arg6[%shift_right_logical3A_557, %and3A_560], %mul3A_561 {add = true} : memref<256x256xf32, #tpu.memory_space<vmem>>[vector<16xi32>, vector<16xi32>], vector<16xf32>,
        %scan3A_562 = arith.constant 2 : i32
        %scan3A_563 = arith.addi %scan3A_433, %scan3A_562 : i32
        %mul3A_564 = arith.constant 16 : i32
        %mul3A_565 = arith.muli %scan3A_563, %mul3A_564 : i32
        %get3A_566 = arith.index_cast %mul3A_565 : i32 to index
        %get3A_567 = tpu.vector_load %arg7[%get3A_566] {strides = array<i32>} : memref<2048xf32, #tpu.memory_space<vmem>>, vector<16xf32>,
        %get3A_568 = arith.constant 0 : i32
        %get3A_569 = arith.index_cast %get3A_568 : i32 to index
        %get3A_570 = arith.index_cast %mul3A_565 : i32 to index
        %get3A_571 = tpu.vector_load %arg8[%get3A_569, %get3A_570] {strides = array<i32>} : memref<4x2048xi32, #tpu.memory_space<vmem>>, vector<16xi32>,
        %get3A_572 = arith.constant 0 : i32
        %get3A_573 = arith.index_cast %get3A_572 : i32 to index
        %get3A_574 = arith.index_cast %mul3A_565 : i32 to index
        %get3A_575 = tpu.vector_load %arg9[%get3A_573, %get3A_574] {strides = array<i32>} : memref<4x2048xf32, #tpu.memory_space<vmem>>, vector<16xf32>,
        %shift_right_logical3A_576 = arith.constant 8 : i32
        %shift_right_logical3A_577 = vector.broadcast %shift_right_logical3A_576 : i32 to vector<16xi32>
        %shift_right_logical3A_578 = arith.shrui %get3A_571, %shift_right_logical3A_577 : vector<16xi32>
        %and3A_579 = arith.constant 255 : i32
        %and3A_580 = vector.broadcast %and3A_579 : i32 to vector<16xi32>
        %and3A_581 = arith.andi %get3A_571, %and3A_580 : vector<16xi32>
        %mul3A_582 = arith.mulf %get3A_567, %get3A_575 : vector<16xf32>
        tpu.vector_store_idx %arg6[%shift_right_logical3A_578, %and3A_581], %mul3A_582 {add = true} : memref<256x256xf32, #tpu.memory_space<vmem>>[vector<16xi32>, vector<16xi32>], vector<16xf32>,
        %get3A_583 = arith.constant 1 : i32
        %get3A_584 = arith.index_cast %get3A_583 : i32 to index
        %get3A_585 = arith.index_cast %mul3A_565 : i32 to index
        %get3A_586 = tpu.vector_load %arg8[%get3A_584, %get3A_585] {strides = array<i32>} : memref<4x2048xi32, #tpu.memory_space<vmem>>, vector<16xi32>,
        %get3A_587 = arith.constant 1 : i32
        %get3A_588 = arith.index_cast %get3A_587 : i32 to index
        %get3A_589 = arith.index_cast %mul3A_565 : i32 to index
        %get3A_590 = tpu.vector_load %arg9[%get3A_588, %get3A_589] {strides = array<i32>} : memref<4x2048xf32, #tpu.memory_space<vmem>>, vector<16xf32>,
        %shift_right_logical3A_591 = arith.constant 8 : i32
        %shift_right_logical3A_592 = vector.broadcast %shift_right_logical3A_591 : i32 to vector<16xi32>
        %shift_right_logical3A_593 = arith.shrui %get3A_586, %shift_right_logical3A_592 : vector<16xi32>
        %and3A_594 = arith.constant 255 : i32
        %and3A_595 = vector.broadcast %and3A_594 : i32 to vector<16xi32>
        %and3A_596 = arith.andi %get3A_586, %and3A_595 : vector<16xi32>
        %mul3A_597 = arith.mulf %get3A_567, %get3A_590 : vector<16xf32>
        tpu.vector_store_idx %arg6[%shift_right_logical3A_593, %and3A_596], %mul3A_597 {add = true} : memref<256x256xf32, #tpu.memory_space<vmem>>[vector<16xi32>, vector<16xi32>], vector<16xf32>,
        %get3A_598 = arith.constant 2 : i32
        %get3A_599 = arith.index_cast %get3A_598 : i32 to index
        %get3A_600 = arith.index_cast %mul3A_565 : i32 to index
        %get3A_601 = tpu.vector_load %arg8[%get3A_599, %get3A_600] {strides = array<i32>} : memref<4x2048xi32, #tpu.memory_space<vmem>>, vector<16xi32>,
        %get3A_602 = arith.constant 2 : i32
        %get3A_603 = arith.index_cast %get3A_602 : i32 to index
        %get3A_604 = arith.index_cast %mul3A_565 : i32 to index
        %get3A_605 = tpu.vector_load %arg9[%get3A_603, %get3A_604] {strides = array<i32>} : memref<4x2048xf32, #tpu.memory_space<vmem>>, vector<16xf32>,
        %shift_right_logical3A_606 = arith.constant 8 : i32
        %shift_right_logical3A_607 = vector.broadcast %shift_right_logical3A_606 : i32 to vector<16xi32>
        %shift_right_logical3A_608 = arith.shrui %get3A_601, %shift_right_logical3A_607 : vector<16xi32>
        %and3A_609 = arith.constant 255 : i32
        %and3A_610 = vector.broadcast %and3A_609 : i32 to vector<16xi32>
        %and3A_611 = arith.andi %get3A_601, %and3A_610 : vector<16xi32>
        %mul3A_612 = arith.mulf %get3A_567, %get3A_605 : vector<16xf32>
        tpu.vector_store_idx %arg6[%shift_right_logical3A_608, %and3A_611], %mul3A_612 {add = true} : memref<256x256xf32, #tpu.memory_space<vmem>>[vector<16xi32>, vector<16xi32>], vector<16xf32>,
        %get3A_613 = arith.constant 3 : i32
        %get3A_614 = arith.index_cast %get3A_613 : i32 to index
        %get3A_615 = arith.index_cast %mul3A_565 : i32 to index
        %get3A_616 = tpu.vector_load %arg8[%get3A_614, %get3A_615] {strides = array<i32>} : memref<4x2048xi32, #tpu.memory_space<vmem>>, vector<16xi32>,
        %get3A_617 = arith.constant 3 : i32
        %get3A_618 = arith.index_cast %get3A_617 : i32 to index
        %get3A_619 = arith.index_cast %mul3A_565 : i32 to index
        %get3A_620 = tpu.vector_load %arg9[%get3A_618, %get3A_619] {strides = array<i32>} : memref<4x2048xf32, #tpu.memory_space<vmem>>, vector<16xf32>,
        %shift_right_logical3A_621 = arith.constant 8 : i32
        %shift_right_logical3A_622 = vector.broadcast %shift_right_logical3A_621 : i32 to vector<16xi32>
        %shift_right_logical3A_623 = arith.shrui %get3A_616, %shift_right_logical3A_622 : vector<16xi32>
        %and3A_624 = arith.constant 255 : i32
        %and3A_625 = vector.broadcast %and3A_624 : i32 to vector<16xi32>
        %and3A_626 = arith.andi %get3A_616, %and3A_625 : vector<16xi32>
        %mul3A_627 = arith.mulf %get3A_567, %get3A_620 : vector<16xf32>
        tpu.vector_store_idx %arg6[%shift_right_logical3A_623, %and3A_626], %mul3A_627 {add = true} : memref<256x256xf32, #tpu.memory_space<vmem>>[vector<16xi32>, vector<16xi32>], vector<16xf32>,
        %scan3A_628 = arith.constant 3 : i32
        %scan3A_629 = arith.addi %scan3A_433, %scan3A_628 : i32
        %mul3A_630 = arith.constant 16 : i32
        %mul3A_631 = arith.muli %scan3A_629, %mul3A_630 : i32
        %get3A_632 = arith.index_cast %mul3A_631 : i32 to index
        %get3A_633 = tpu.vector_load %arg7[%get3A_632] {strides = array<i32>} : memref<2048xf32, #tpu.memory_space<vmem>>, vector<16xf32>,
        %get3A_634 = arith.constant 0 : i32
        %get3A_635 = arith.index_cast %get3A_634 : i32 to index
        %get3A_636 = arith.index_cast %mul3A_631 : i32 to index
        %get3A_637 = tpu.vector_load %arg8[%get3A_635, %get3A_636] {strides = array<i32>} : memref<4x2048xi32, #tpu.memory_space<vmem>>, vector<16xi32>,
        %get3A_638 = arith.constant 0 : i32
        %get3A_639 = arith.index_cast %get3A_638 : i32 to index
        %get3A_640 = arith.index_cast %mul3A_631 : i32 to index
        %get3A_641 = tpu.vector_load %arg9[%get3A_639, %get3A_640] {strides = array<i32>} : memref<4x2048xf32, #tpu.memory_space<vmem>>, vector<16xf32>,
        %shift_right_logical3A_642 = arith.constant 8 : i32
        %shift_right_logical3A_643 = vector.broadcast %shift_right_logical3A_642 : i32 to vector<16xi32>
        %shift_right_logical3A_644 = arith.shrui %get3A_637, %shift_right_logical3A_643 : vector<16xi32>
        %and3A_645 = arith.constant 255 : i32
        %and3A_646 = vector.broadcast %and3A_645 : i32 to vector<16xi32>
        %and3A_647 = arith.andi %get3A_637, %and3A_646 : vector<16xi32>
        %mul3A_648 = arith.mulf %get3A_633, %get3A_641 : vector<16xf32>
        tpu.vector_store_idx %arg6[%shift_right_logical3A_644, %and3A_647], %mul3A_648 {add = true} : memref<256x256xf32, #tpu.memory_space<vmem>>[vector<16xi32>, vector<16xi32>], vector<16xf32>,
        %get3A_649 = arith.constant 1 : i32
        %get3A_650 = arith.index_cast %get3A_649 : i32 to index
        %get3A_651 = arith.index_cast %mul3A_631 : i32 to index
        %get3A_652 = tpu.vector_load %arg8[%get3A_650, %get3A_651] {strides = array<i32>} : memref<4x2048xi32, #tpu.memory_space<vmem>>, vector<16xi32>,
        %get3A_653 = arith.constant 1 : i32
        %get3A_654 = arith.index_cast %get3A_653 : i32 to index
        %get3A_655 = arith.index_cast %mul3A_631 : i32 to index
        %get3A_656 = tpu.vector_load %arg9[%get3A_654, %get3A_655] {strides = array<i32>} : memref<4x2048xf32, #tpu.memory_space<vmem>>, vector<16xf32>,
        %shift_right_logical3A_657 = arith.constant 8 : i32
        %shift_right_logical3A_658 = vector.broadcast %shift_right_logical3A_657 : i32 to vector<16xi32>
        %shift_right_logical3A_659 = arith.shrui %get3A_652, %shift_right_logical3A_658 : vector<16xi32>
        %and3A_660 = arith.constant 255 : i32
        %and3A_661 = vector.broadcast %and3A_660 : i32 to vector<16xi32>
        %and3A_662 = arith.andi %get3A_652, %and3A_661 : vector<16xi32>
        %mul3A_663 = arith.mulf %get3A_633, %get3A_656 : vector<16xf32>
        tpu.vector_store_idx %arg6[%shift_right_logical3A_659, %and3A_662], %mul3A_663 {add = true} : memref<256x256xf32, #tpu.memory_space<vmem>>[vector<16xi32>, vector<16xi32>], vector<16xf32>,
        %get3A_664 = arith.constant 2 : i32
        %get3A_665 = arith.index_cast %get3A_664 : i32 to index
        %get3A_666 = arith.index_cast %mul3A_631 : i32 to index
        %get3A_667 = tpu.vector_load %arg8[%get3A_665, %get3A_666] {strides = array<i32>} : memref<4x2048xi32, #tpu.memory_space<vmem>>, vector<16xi32>,
        %get3A_668 = arith.constant 2 : i32
        %get3A_669 = arith.index_cast %get3A_668 : i32 to index
        %get3A_670 = arith.index_cast %mul3A_631 : i32 to index
        %get3A_671 = tpu.vector_load %arg9[%get3A_669, %get3A_670] {strides = array<i32>} : memref<4x2048xf32, #tpu.memory_space<vmem>>, vector<16xf32>,
        %shift_right_logical3A_672 = arith.constant 8 : i32
        %shift_right_logical3A_673 = vector.broadcast %shift_right_logical3A_672 : i32 to vector<16xi32>
        %shift_right_logical3A_674 = arith.shrui %get3A_667, %shift_right_logical3A_673 : vector<16xi32>
        %and3A_675 = arith.constant 255 : i32
        %and3A_676 = vector.broadcast %and3A_675 : i32 to vector<16xi32>
        %and3A_677 = arith.andi %get3A_667, %and3A_676 : vector<16xi32>
        %mul3A_678 = arith.mulf %get3A_633, %get3A_671 : vector<16xf32>
        tpu.vector_store_idx %arg6[%shift_right_logical3A_674, %and3A_677], %mul3A_678 {add = true} : memref<256x256xf32, #tpu.memory_space<vmem>>[vector<16xi32>, vector<16xi32>], vector<16xf32>,
        %get3A_679 = arith.constant 3 : i32
        %get3A_680 = arith.index_cast %get3A_679 : i32 to index
        %get3A_681 = arith.index_cast %mul3A_631 : i32 to index
        %get3A_682 = tpu.vector_load %arg8[%get3A_680, %get3A_681] {strides = array<i32>} : memref<4x2048xi32, #tpu.memory_space<vmem>>, vector<16xi32>,
        %get3A_683 = arith.constant 3 : i32
        %get3A_684 = arith.index_cast %get3A_683 : i32 to index
        %get3A_685 = arith.index_cast %mul3A_631 : i32 to index
        %get3A_686 = tpu.vector_load %arg9[%get3A_684, %get3A_685] {strides = array<i32>} : memref<4x2048xf32, #tpu.memory_space<vmem>>, vector<16xf32>,
        %shift_right_logical3A_687 = arith.constant 8 : i32
        %shift_right_logical3A_688 = vector.broadcast %shift_right_logical3A_687 : i32 to vector<16xi32>
        %shift_right_logical3A_689 = arith.shrui %get3A_682, %shift_right_logical3A_688 : vector<16xi32>
        %and3A_690 = arith.constant 255 : i32
        %and3A_691 = vector.broadcast %and3A_690 : i32 to vector<16xi32>
        %and3A_692 = arith.andi %get3A_682, %and3A_691 : vector<16xi32>
        %mul3A_693 = arith.mulf %get3A_633, %get3A_686 : vector<16xf32>
        tpu.vector_store_idx %arg6[%shift_right_logical3A_689, %and3A_692], %mul3A_693 {add = true} : memref<256x256xf32, #tpu.memory_space<vmem>>[vector<16xi32>, vector<16xi32>], vector<16xf32>,
      }
      %scan3A_104 = arith.constant 128 : i32
      %dma_start3A_105 = arith.constant 4096 : i32
      %dma_start3A_106 = tpu.memref_slice %arg2[%select_n3A, %sub3A_28, %dma_start3A_105] : memref<2x256x16384xf32, #tpu.memory_space<hbm>> -> memref<1x1x2048xf32, #tpu.memory_space<hbm>>
      %dma_start3A_107 = tpu.memref_squeeze %dma_start3A_106 : memref<1x1x2048xf32, #tpu.memory_space<hbm>> -> memref<2048xf32, #tpu.memory_space<hbm>>
      %dma_start3A_108 = arith.constant 4096 : i32
      %dma_start3A_109 = tpu.memref_slice %arg2[%select_n3A, %sub3A_28, %dma_start3A_108] : memref<2x256x16384xf32, #tpu.memory_space<hbm>> -> memref<1x1x2048xf32, #tpu.memory_space<hbm>>
      %dma_start3A_110 = tpu.memref_squeeze %dma_start3A_109 : memref<1x1x2048xf32, #tpu.memory_space<hbm>> -> memref<2048xf32, #tpu.memory_space<hbm>>
      tpu.enqueue_dma source(%dma_start3A_110 : memref<2048xf32, #tpu.memory_space<hbm>>) target(%arg7 : memref<2048xf32, #tpu.memory_space<vmem>>) target_semaphore(%arg10 : memref<!tpu.dma_semaphore, #tpu.memory_space<semaphore_mem>>)
      %dma_start3A_111 = arith.constant 0 : i32
      %dma_start3A_112 = arith.constant 4096 : i32
      %dma_start3A_113 = tpu.memref_slice %arg3[%select_n3A, %dma_start3A_111, %dma_start3A_112] : memref<2x4x16384xi32, #tpu.memory_space<hbm>> -> memref<1x4x2048xi32, #tpu.memory_space<hbm>>
      %dma_start3A_114 = tpu.memref_squeeze %dma_start3A_113 : memref<1x4x2048xi32, #tpu.memory_space<hbm>> -> memref<4x2048xi32, #tpu.memory_space<hbm>>
      %dma_start3A_115 = arith.constant 0 : i32
      %dma_start3A_116 = arith.constant 4096 : i32
      %dma_start3A_117 = tpu.memref_slice %arg3[%select_n3A, %dma_start3A_115, %dma_start3A_116] : memref<2x4x16384xi32, #tpu.memory_space<hbm>> -> memref<1x4x2048xi32, #tpu.memory_space<hbm>>
      %dma_start3A_118 = tpu.memref_squeeze %dma_start3A_117 : memref<1x4x2048xi32, #tpu.memory_space<hbm>> -> memref<4x2048xi32, #tpu.memory_space<hbm>>
      tpu.enqueue_dma source(%dma_start3A_118 : memref<4x2048xi32, #tpu.memory_space<hbm>>) target(%arg8 : memref<4x2048xi32, #tpu.memory_space<vmem>>) target_semaphore(%arg10 : memref<!tpu.dma_semaphore, #tpu.memory_space<semaphore_mem>>)
      %dma_start3A_119 = arith.constant 0 : i32
      %dma_start3A_120 = arith.constant 4096 : i32
      %dma_start3A_121 = tpu.memref_slice %arg4[%select_n3A, %dma_start3A_119, %dma_start3A_120] : memref<2x4x16384xf32, #tpu.memory_space<hbm>> -> memref<1x4x2048xf32, #tpu.memory_space<hbm>>
      %dma_start3A_122 = tpu.memref_squeeze %dma_start3A_121 : memref<1x4x2048xf32, #tpu.memory_space<hbm>> -> memref<4x2048xf32, #tpu.memory_space<hbm>>
      %dma_start3A_123 = arith.constant 0 : i32
      %dma_start3A_124 = arith.constant 4096 : i32
      %dma_start3A_125 = tpu.memref_slice %arg4[%select_n3A, %dma_start3A_123, %dma_start3A_124] : memref<2x4x16384xf32, #tpu.memory_space<hbm>> -> memref<1x4x2048xf32, #tpu.memory_space<hbm>>
      %dma_start3A_126 = tpu.memref_squeeze %dma_start3A_125 : memref<1x4x2048xf32, #tpu.memory_space<hbm>> -> memref<4x2048xf32, #tpu.memory_space<hbm>>
      tpu.enqueue_dma source(%dma_start3A_126 : memref<4x2048xf32, #tpu.memory_space<hbm>>) target(%arg9 : memref<4x2048xf32, #tpu.memory_space<vmem>>) target_semaphore(%arg10 : memref<!tpu.dma_semaphore, #tpu.memory_space<semaphore_mem>>)
      %dma_wait3A_127 = arith.constant 2048 : i32
      %dma_wait3A_128 = tpu.memref_slice %arg2[%select_n3A, %sub3A_28, %dma_wait3A_127] : memref<2x256x16384xf32, #tpu.memory_space<hbm>> -> memref<1x1x2048xf32, #tpu.memory_space<hbm>>
      %dma_wait3A_129 = tpu.memref_squeeze %dma_wait3A_128 : memref<1x1x2048xf32, #tpu.memory_space<hbm>> -> memref<2048xf32, #tpu.memory_space<hbm>>
      %dma_wait3A_130 = arith.constant 2048 : i32
      %dma_wait3A_131 = tpu.memref_slice %arg2[%select_n3A, %sub3A_28, %dma_wait3A_130] : memref<2x256x16384xf32, #tpu.memory_space<hbm>> -> memref<1x1x2048xf32, #tpu.memory_space<hbm>>
      %dma_wait3A_132 = tpu.memref_squeeze %dma_wait3A_131 : memref<1x1x2048xf32, #tpu.memory_space<hbm>> -> memref<2048xf32, #tpu.memory_space<hbm>>
      tpu.wait_dma2 semaphore(%arg14 : memref<!tpu.dma_semaphore, #tpu.memory_space<semaphore_mem>>) src(%dma_wait3A_132 : memref<2048xf32, #tpu.memory_space<hbm>>) dst(%arg11 : memref<2048xf32, #tpu.memory_space<vmem>>)
      %dma_wait3A_133 = arith.constant 0 : i32
      %dma_wait3A_134 = arith.constant 2048 : i32
      %dma_wait3A_135 = tpu.memref_slice %arg3[%select_n3A, %dma_wait3A_133, %dma_wait3A_134] : memref<2x4x16384xi32, #tpu.memory_space<hbm>> -> memref<1x4x2048xi32, #tpu.memory_space<hbm>>
      %dma_wait3A_136 = tpu.memref_squeeze %dma_wait3A_135 : memref<1x4x2048xi32, #tpu.memory_space<hbm>> -> memref<4x2048xi32, #tpu.memory_space<hbm>>
      %dma_wait3A_137 = arith.constant 0 : i32
      %dma_wait3A_138 = arith.constant 2048 : i32
      %dma_wait3A_139 = tpu.memref_slice %arg3[%select_n3A, %dma_wait3A_137, %dma_wait3A_138] : memref<2x4x16384xi32, #tpu.memory_space<hbm>> -> memref<1x4x2048xi32, #tpu.memory_space<hbm>>
      %dma_wait3A_140 = tpu.memref_squeeze %dma_wait3A_139 : memref<1x4x2048xi32, #tpu.memory_space<hbm>> -> memref<4x2048xi32, #tpu.memory_space<hbm>>
      tpu.wait_dma2 semaphore(%arg14 : memref<!tpu.dma_semaphore, #tpu.memory_space<semaphore_mem>>) src(%dma_wait3A_140 : memref<4x2048xi32, #tpu.memory_space<hbm>>) dst(%arg12 : memref<4x2048xi32, #tpu.memory_space<vmem>>)
      %dma_wait3A_141 = arith.constant 0 : i32
      %dma_wait3A_142 = arith.constant 2048 : i32
      %dma_wait3A_143 = tpu.memref_slice %arg4[%select_n3A, %dma_wait3A_141, %dma_wait3A_142] : memref<2x4x16384xf32, #tpu.memory_space<hbm>> -> memref<1x4x2048xf32, #tpu.memory_space<hbm>>
      %dma_wait3A_144 = tpu.memref_squeeze %dma_wait3A_143 : memref<1x4x2048xf32, #tpu.memory_space<hbm>> -> memref<4x2048xf32, #tpu.memory_space<hbm>>
      %dma_wait3A_145 = arith.constant 0 : i32
      %dma_wait3A_146 = arith.constant 2048 : i32
      %dma_wait3A_147 = tpu.memref_slice %arg4[%select_n3A, %dma_wait3A_145, %dma_wait3A_146] : memref<2x4x16384xf32, #tpu.memory_space<hbm>> -> memref<1x4x2048xf32, #tpu.memory_space<hbm>>
      %dma_wait3A_148 = tpu.memref_squeeze %dma_wait3A_147 : memref<1x4x2048xf32, #tpu.memory_space<hbm>> -> memref<4x2048xf32, #tpu.memory_space<hbm>>
      tpu.wait_dma2 semaphore(%arg14 : memref<!tpu.dma_semaphore, #tpu.memory_space<semaphore_mem>>) src(%dma_wait3A_148 : memref<4x2048xf32, #tpu.memory_space<hbm>>) dst(%arg13 : memref<4x2048xf32, #tpu.memory_space<vmem>>)
      %scan3A_149 = arith.constant 0 : i32
      %scan3A_150 = arith.constant 0 : i32
      %scan3A_151 = arith.constant 128 : i32
      %scan3A_152 = arith.addi %scan3A_150, %scan3A_151 : i32
      %scan3A_153 = arith.constant 4 : i32
      scf.for %scan3A_433 = %scan3A_150 to %scan3A_152 step %scan3A_153  : i32 {
        %mul3A_434 = arith.constant 16 : i32
        %mul3A_435 = arith.muli %scan3A_433, %mul3A_434 : i32
        %get3A = arith.index_cast %mul3A_435 : i32 to index
        %get3A_436 = tpu.vector_load %arg11[%get3A] {strides = array<i32>} : memref<2048xf32, #tpu.memory_space<vmem>>, vector<16xf32>,
        %get3A_437 = arith.constant 0 : i32
        %get3A_438 = arith.index_cast %get3A_437 : i32 to index
        %get3A_439 = arith.index_cast %mul3A_435 : i32 to index
        %get3A_440 = tpu.vector_load %arg12[%get3A_438, %get3A_439] {strides = array<i32>} : memref<4x2048xi32, #tpu.memory_space<vmem>>, vector<16xi32>,
        %get3A_441 = arith.constant 0 : i32
        %get3A_442 = arith.index_cast %get3A_441 : i32 to index
        %get3A_443 = arith.index_cast %mul3A_435 : i32 to index
        %get3A_444 = tpu.vector_load %arg13[%get3A_442, %get3A_443] {strides = array<i32>} : memref<4x2048xf32, #tpu.memory_space<vmem>>, vector<16xf32>,
        %shift_right_logical3A = arith.constant 8 : i32
        %shift_right_logical3A_445 = vector.broadcast %shift_right_logical3A : i32 to vector<16xi32>
        %shift_right_logical3A_446 = arith.shrui %get3A_440, %shift_right_logical3A_445 : vector<16xi32>
        %and3A_447 = arith.constant 255 : i32
        %and3A_448 = vector.broadcast %and3A_447 : i32 to vector<16xi32>
        %and3A_449 = arith.andi %get3A_440, %and3A_448 : vector<16xi32>
        %mul3A_450 = arith.mulf %get3A_436, %get3A_444 : vector<16xf32>
        tpu.vector_store_idx %arg6[%shift_right_logical3A_446, %and3A_449], %mul3A_450 {add = true} : memref<256x256xf32, #tpu.memory_space<vmem>>[vector<16xi32>, vector<16xi32>], vector<16xf32>,
        %get3A_451 = arith.constant 1 : i32
        %get3A_452 = arith.index_cast %get3A_451 : i32 to index
        %get3A_453 = arith.index_cast %mul3A_435 : i32 to index
        %get3A_454 = tpu.vector_load %arg12[%get3A_452, %get3A_453] {strides = array<i32>} : memref<4x2048xi32, #tpu.memory_space<vmem>>, vector<16xi32>,
        %get3A_455 = arith.constant 1 : i32
        %get3A_456 = arith.index_cast %get3A_455 : i32 to index
        %get3A_457 = arith.index_cast %mul3A_435 : i32 to index
        %get3A_458 = tpu.vector_load %arg13[%get3A_456, %get3A_457] {strides = array<i32>} : memref<4x2048xf32, #tpu.memory_space<vmem>>, vector<16xf32>,
        %shift_right_logical3A_459 = arith.constant 8 : i32
        %shift_right_logical3A_460 = vector.broadcast %shift_right_logical3A_459 : i32 to vector<16xi32>
        %shift_right_logical3A_461 = arith.shrui %get3A_454, %shift_right_logical3A_460 : vector<16xi32>
        %and3A_462 = arith.constant 255 : i32
        %and3A_463 = vector.broadcast %and3A_462 : i32 to vector<16xi32>
        %and3A_464 = arith.andi %get3A_454, %and3A_463 : vector<16xi32>
        %mul3A_465 = arith.mulf %get3A_436, %get3A_458 : vector<16xf32>
        tpu.vector_store_idx %arg6[%shift_right_logical3A_461, %and3A_464], %mul3A_465 {add = true} : memref<256x256xf32, #tpu.memory_space<vmem>>[vector<16xi32>, vector<16xi32>], vector<16xf32>,
        %get3A_466 = arith.constant 2 : i32
        %get3A_467 = arith.index_cast %get3A_466 : i32 to index
        %get3A_468 = arith.index_cast %mul3A_435 : i32 to index
        %get3A_469 = tpu.vector_load %arg12[%get3A_467, %get3A_468] {strides = array<i32>} : memref<4x2048xi32, #tpu.memory_space<vmem>>, vector<16xi32>,
        %get3A_470 = arith.constant 2 : i32
        %get3A_471 = arith.index_cast %get3A_470 : i32 to index
        %get3A_472 = arith.index_cast %mul3A_435 : i32 to index
        %get3A_473 = tpu.vector_load %arg13[%get3A_471, %get3A_472] {strides = array<i32>} : memref<4x2048xf32, #tpu.memory_space<vmem>>, vector<16xf32>,
        %shift_right_logical3A_474 = arith.constant 8 : i32
        %shift_right_logical3A_475 = vector.broadcast %shift_right_logical3A_474 : i32 to vector<16xi32>
        %shift_right_logical3A_476 = arith.shrui %get3A_469, %shift_right_logical3A_475 : vector<16xi32>
        %and3A_477 = arith.constant 255 : i32
        %and3A_478 = vector.broadcast %and3A_477 : i32 to vector<16xi32>
        %and3A_479 = arith.andi %get3A_469, %and3A_478 : vector<16xi32>
        %mul3A_480 = arith.mulf %get3A_436, %get3A_473 : vector<16xf32>
        tpu.vector_store_idx %arg6[%shift_right_logical3A_476, %and3A_479], %mul3A_480 {add = true} : memref<256x256xf32, #tpu.memory_space<vmem>>[vector<16xi32>, vector<16xi32>], vector<16xf32>,
        %get3A_481 = arith.constant 3 : i32
        %get3A_482 = arith.index_cast %get3A_481 : i32 to index
        %get3A_483 = arith.index_cast %mul3A_435 : i32 to index
        %get3A_484 = tpu.vector_load %arg12[%get3A_482, %get3A_483] {strides = array<i32>} : memref<4x2048xi32, #tpu.memory_space<vmem>>, vector<16xi32>,
        %get3A_485 = arith.constant 3 : i32
        %get3A_486 = arith.index_cast %get3A_485 : i32 to index
        %get3A_487 = arith.index_cast %mul3A_435 : i32 to index
        %get3A_488 = tpu.vector_load %arg13[%get3A_486, %get3A_487] {strides = array<i32>} : memref<4x2048xf32, #tpu.memory_space<vmem>>, vector<16xf32>,
        %shift_right_logical3A_489 = arith.constant 8 : i32
        %shift_right_logical3A_490 = vector.broadcast %shift_right_logical3A_489 : i32 to vector<16xi32>
        %shift_right_logical3A_491 = arith.shrui %get3A_484, %shift_right_logical3A_490 : vector<16xi32>
        %and3A_492 = arith.constant 255 : i32
        %and3A_493 = vector.broadcast %and3A_492 : i32 to vector<16xi32>
        %and3A_494 = arith.andi %get3A_484, %and3A_493 : vector<16xi32>
        %mul3A_495 = arith.mulf %get3A_436, %get3A_488 : vector<16xf32>
        tpu.vector_store_idx %arg6[%shift_right_logical3A_491, %and3A_494], %mul3A_495 {add = true} : memref<256x256xf32, #tpu.memory_space<vmem>>[vector<16xi32>, vector<16xi32>], vector<16xf32>,
        %scan3A_496 = arith.constant 1 : i32
        %scan3A_497 = arith.addi %scan3A_433, %scan3A_496 : i32
        %mul3A_498 = arith.constant 16 : i32
        %mul3A_499 = arith.muli %scan3A_497, %mul3A_498 : i32
        %get3A_500 = arith.index_cast %mul3A_499 : i32 to index
        %get3A_501 = tpu.vector_load %arg11[%get3A_500] {strides = array<i32>} : memref<2048xf32, #tpu.memory_space<vmem>>, vector<16xf32>,
        %get3A_502 = arith.constant 0 : i32
        %get3A_503 = arith.index_cast %get3A_502 : i32 to index
        %get3A_504 = arith.index_cast %mul3A_499 : i32 to index
        %get3A_505 = tpu.vector_load %arg12[%get3A_503, %get3A_504] {strides = array<i32>} : memref<4x2048xi32, #tpu.memory_space<vmem>>, vector<16xi32>,
        %get3A_506 = arith.constant 0 : i32
        %get3A_507 = arith.index_cast %get3A_506 : i32 to index
        %get3A_508 = arith.index_cast %mul3A_499 : i32 to index
        %get3A_509 = tpu.vector_load %arg13[%get3A_507, %get3A_508] {strides = array<i32>} : memref<4x2048xf32, #tpu.memory_space<vmem>>, vector<16xf32>,
        %shift_right_logical3A_510 = arith.constant 8 : i32
        %shift_right_logical3A_511 = vector.broadcast %shift_right_logical3A_510 : i32 to vector<16xi32>
        %shift_right_logical3A_512 = arith.shrui %get3A_505, %shift_right_logical3A_511 : vector<16xi32>
        %and3A_513 = arith.constant 255 : i32
        %and3A_514 = vector.broadcast %and3A_513 : i32 to vector<16xi32>
        %and3A_515 = arith.andi %get3A_505, %and3A_514 : vector<16xi32>
        %mul3A_516 = arith.mulf %get3A_501, %get3A_509 : vector<16xf32>
        tpu.vector_store_idx %arg6[%shift_right_logical3A_512, %and3A_515], %mul3A_516 {add = true} : memref<256x256xf32, #tpu.memory_space<vmem>>[vector<16xi32>, vector<16xi32>], vector<16xf32>,
        %get3A_517 = arith.constant 1 : i32
        %get3A_518 = arith.index_cast %get3A_517 : i32 to index
        %get3A_519 = arith.index_cast %mul3A_499 : i32 to index
        %get3A_520 = tpu.vector_load %arg12[%get3A_518, %get3A_519] {strides = array<i32>} : memref<4x2048xi32, #tpu.memory_space<vmem>>, vector<16xi32>,
        %get3A_521 = arith.constant 1 : i32
        %get3A_522 = arith.index_cast %get3A_521 : i32 to index
        %get3A_523 = arith.index_cast %mul3A_499 : i32 to index
        %get3A_524 = tpu.vector_load %arg13[%get3A_522, %get3A_523] {strides = array<i32>} : memref<4x2048xf32, #tpu.memory_space<vmem>>, vector<16xf32>,
        %shift_right_logical3A_525 = arith.constant 8 : i32
        %shift_right_logical3A_526 = vector.broadcast %shift_right_logical3A_525 : i32 to vector<16xi32>
        %shift_right_logical3A_527 = arith.shrui %get3A_520, %shift_right_logical3A_526 : vector<16xi32>
        %and3A_528 = arith.constant 255 : i32
        %and3A_529 = vector.broadcast %and3A_528 : i32 to vector<16xi32>
        %and3A_530 = arith.andi %get3A_520, %and3A_529 : vector<16xi32>
        %mul3A_531 = arith.mulf %get3A_501, %get3A_524 : vector<16xf32>
        tpu.vector_store_idx %arg6[%shift_right_logical3A_527, %and3A_530], %mul3A_531 {add = true} : memref<256x256xf32, #tpu.memory_space<vmem>>[vector<16xi32>, vector<16xi32>], vector<16xf32>,
        %get3A_532 = arith.constant 2 : i32
        %get3A_533 = arith.index_cast %get3A_532 : i32 to index
        %get3A_534 = arith.index_cast %mul3A_499 : i32 to index
        %get3A_535 = tpu.vector_load %arg12[%get3A_533, %get3A_534] {strides = array<i32>} : memref<4x2048xi32, #tpu.memory_space<vmem>>, vector<16xi32>,
        %get3A_536 = arith.constant 2 : i32
        %get3A_537 = arith.index_cast %get3A_536 : i32 to index
        %get3A_538 = arith.index_cast %mul3A_499 : i32 to index
        %get3A_539 = tpu.vector_load %arg13[%get3A_537, %get3A_538] {strides = array<i32>} : memref<4x2048xf32, #tpu.memory_space<vmem>>, vector<16xf32>,
        %shift_right_logical3A_540 = arith.constant 8 : i32
        %shift_right_logical3A_541 = vector.broadcast %shift_right_logical3A_540 : i32 to vector<16xi32>
        %shift_right_logical3A_542 = arith.shrui %get3A_535, %shift_right_logical3A_541 : vector<16xi32>
        %and3A_543 = arith.constant 255 : i32
        %and3A_544 = vector.broadcast %and3A_543 : i32 to vector<16xi32>
        %and3A_545 = arith.andi %get3A_535, %and3A_544 : vector<16xi32>
        %mul3A_546 = arith.mulf %get3A_501, %get3A_539 : vector<16xf32>
        tpu.vector_store_idx %arg6[%shift_right_logical3A_542, %and3A_545], %mul3A_546 {add = true} : memref<256x256xf32, #tpu.memory_space<vmem>>[vector<16xi32>, vector<16xi32>], vector<16xf32>,
        %get3A_547 = arith.constant 3 : i32
        %get3A_548 = arith.index_cast %get3A_547 : i32 to index
        %get3A_549 = arith.index_cast %mul3A_499 : i32 to index
        %get3A_550 = tpu.vector_load %arg12[%get3A_548, %get3A_549] {strides = array<i32>} : memref<4x2048xi32, #tpu.memory_space<vmem>>, vector<16xi32>,
        %get3A_551 = arith.constant 3 : i32
        %get3A_552 = arith.index_cast %get3A_551 : i32 to index
        %get3A_553 = arith.index_cast %mul3A_499 : i32 to index
        %get3A_554 = tpu.vector_load %arg13[%get3A_552, %get3A_553] {strides = array<i32>} : memref<4x2048xf32, #tpu.memory_space<vmem>>, vector<16xf32>,
        %shift_right_logical3A_555 = arith.constant 8 : i32
        %shift_right_logical3A_556 = vector.broadcast %shift_right_logical3A_555 : i32 to vector<16xi32>
        %shift_right_logical3A_557 = arith.shrui %get3A_550, %shift_right_logical3A_556 : vector<16xi32>
        %and3A_558 = arith.constant 255 : i32
        %and3A_559 = vector.broadcast %and3A_558 : i32 to vector<16xi32>
        %and3A_560 = arith.andi %get3A_550, %and3A_559 : vector<16xi32>
        %mul3A_561 = arith.mulf %get3A_501, %get3A_554 : vector<16xf32>
        tpu.vector_store_idx %arg6[%shift_right_logical3A_557, %and3A_560], %mul3A_561 {add = true} : memref<256x256xf32, #tpu.memory_space<vmem>>[vector<16xi32>, vector<16xi32>], vector<16xf32>,
        %scan3A_562 = arith.constant 2 : i32
        %scan3A_563 = arith.addi %scan3A_433, %scan3A_562 : i32
        %mul3A_564 = arith.constant 16 : i32
        %mul3A_565 = arith.muli %scan3A_563, %mul3A_564 : i32
        %get3A_566 = arith.index_cast %mul3A_565 : i32 to index
        %get3A_567 = tpu.vector_load %arg11[%get3A_566] {strides = array<i32>} : memref<2048xf32, #tpu.memory_space<vmem>>, vector<16xf32>,
        %get3A_568 = arith.constant 0 : i32
        %get3A_569 = arith.index_cast %get3A_568 : i32 to index
        %get3A_570 = arith.index_cast %mul3A_565 : i32 to index
        %get3A_571 = tpu.vector_load %arg12[%get3A_569, %get3A_570] {strides = array<i32>} : memref<4x2048xi32, #tpu.memory_space<vmem>>, vector<16xi32>,
        %get3A_572 = arith.constant 0 : i32
        %get3A_573 = arith.index_cast %get3A_572 : i32 to index
        %get3A_574 = arith.index_cast %mul3A_565 : i32 to index
        %get3A_575 = tpu.vector_load %arg13[%get3A_573, %get3A_574] {strides = array<i32>} : memref<4x2048xf32, #tpu.memory_space<vmem>>, vector<16xf32>,
        %shift_right_logical3A_576 = arith.constant 8 : i32
        %shift_right_logical3A_577 = vector.broadcast %shift_right_logical3A_576 : i32 to vector<16xi32>
        %shift_right_logical3A_578 = arith.shrui %get3A_571, %shift_right_logical3A_577 : vector<16xi32>
        %and3A_579 = arith.constant 255 : i32
        %and3A_580 = vector.broadcast %and3A_579 : i32 to vector<16xi32>
        %and3A_581 = arith.andi %get3A_571, %and3A_580 : vector<16xi32>
        %mul3A_582 = arith.mulf %get3A_567, %get3A_575 : vector<16xf32>
        tpu.vector_store_idx %arg6[%shift_right_logical3A_578, %and3A_581], %mul3A_582 {add = true} : memref<256x256xf32, #tpu.memory_space<vmem>>[vector<16xi32>, vector<16xi32>], vector<16xf32>,
        %get3A_583 = arith.constant 1 : i32
        %get3A_584 = arith.index_cast %get3A_583 : i32 to index
        %get3A_585 = arith.index_cast %mul3A_565 : i32 to index
        %get3A_586 = tpu.vector_load %arg12[%get3A_584, %get3A_585] {strides = array<i32>} : memref<4x2048xi32, #tpu.memory_space<vmem>>, vector<16xi32>,
        %get3A_587 = arith.constant 1 : i32
        %get3A_588 = arith.index_cast %get3A_587 : i32 to index
        %get3A_589 = arith.index_cast %mul3A_565 : i32 to index
        %get3A_590 = tpu.vector_load %arg13[%get3A_588, %get3A_589] {strides = array<i32>} : memref<4x2048xf32, #tpu.memory_space<vmem>>, vector<16xf32>,
        %shift_right_logical3A_591 = arith.constant 8 : i32
        %shift_right_logical3A_592 = vector.broadcast %shift_right_logical3A_591 : i32 to vector<16xi32>
        %shift_right_logical3A_593 = arith.shrui %get3A_586, %shift_right_logical3A_592 : vector<16xi32>
        %and3A_594 = arith.constant 255 : i32
        %and3A_595 = vector.broadcast %and3A_594 : i32 to vector<16xi32>
        %and3A_596 = arith.andi %get3A_586, %and3A_595 : vector<16xi32>
        %mul3A_597 = arith.mulf %get3A_567, %get3A_590 : vector<16xf32>
        tpu.vector_store_idx %arg6[%shift_right_logical3A_593, %and3A_596], %mul3A_597 {add = true} : memref<256x256xf32, #tpu.memory_space<vmem>>[vector<16xi32>, vector<16xi32>], vector<16xf32>,
        %get3A_598 = arith.constant 2 : i32
        %get3A_599 = arith.index_cast %get3A_598 : i32 to index
        %get3A_600 = arith.index_cast %mul3A_565 : i32 to index
        %get3A_601 = tpu.vector_load %arg12[%get3A_599, %get3A_600] {strides = array<i32>} : memref<4x2048xi32, #tpu.memory_space<vmem>>, vector<16xi32>,
        %get3A_602 = arith.constant 2 : i32
        %get3A_603 = arith.index_cast %get3A_602 : i32 to index
        %get3A_604 = arith.index_cast %mul3A_565 : i32 to index
        %get3A_605 = tpu.vector_load %arg13[%get3A_603, %get3A_604] {strides = array<i32>} : memref<4x2048xf32, #tpu.memory_space<vmem>>, vector<16xf32>,
        %shift_right_logical3A_606 = arith.constant 8 : i32
        %shift_right_logical3A_607 = vector.broadcast %shift_right_logical3A_606 : i32 to vector<16xi32>
        %shift_right_logical3A_608 = arith.shrui %get3A_601, %shift_right_logical3A_607 : vector<16xi32>
        %and3A_609 = arith.constant 255 : i32
        %and3A_610 = vector.broadcast %and3A_609 : i32 to vector<16xi32>
        %and3A_611 = arith.andi %get3A_601, %and3A_610 : vector<16xi32>
        %mul3A_612 = arith.mulf %get3A_567, %get3A_605 : vector<16xf32>
        tpu.vector_store_idx %arg6[%shift_right_logical3A_608, %and3A_611], %mul3A_612 {add = true} : memref<256x256xf32, #tpu.memory_space<vmem>>[vector<16xi32>, vector<16xi32>], vector<16xf32>,
        %get3A_613 = arith.constant 3 : i32
        %get3A_614 = arith.index_cast %get3A_613 : i32 to index
        %get3A_615 = arith.index_cast %mul3A_565 : i32 to index
        %get3A_616 = tpu.vector_load %arg12[%get3A_614, %get3A_615] {strides = array<i32>} : memref<4x2048xi32, #tpu.memory_space<vmem>>, vector<16xi32>,
        %get3A_617 = arith.constant 3 : i32
        %get3A_618 = arith.index_cast %get3A_617 : i32 to index
        %get3A_619 = arith.index_cast %mul3A_565 : i32 to index
        %get3A_620 = tpu.vector_load %arg13[%get3A_618, %get3A_619] {strides = array<i32>} : memref<4x2048xf32, #tpu.memory_space<vmem>>, vector<16xf32>,
        %shift_right_logical3A_621 = arith.constant 8 : i32
        %shift_right_logical3A_622 = vector.broadcast %shift_right_logical3A_621 : i32 to vector<16xi32>
        %shift_right_logical3A_623 = arith.shrui %get3A_616, %shift_right_logical3A_622 : vector<16xi32>
        %and3A_624 = arith.constant 255 : i32
        %and3A_625 = vector.broadcast %and3A_624 : i32 to vector<16xi32>
        %and3A_626 = arith.andi %get3A_616, %and3A_625 : vector<16xi32>
        %mul3A_627 = arith.mulf %get3A_567, %get3A_620 : vector<16xf32>
        tpu.vector_store_idx %arg6[%shift_right_logical3A_623, %and3A_626], %mul3A_627 {add = true} : memref<256x256xf32, #tpu.memory_space<vmem>>[vector<16xi32>, vector<16xi32>], vector<16xf32>,
        %scan3A_628 = arith.constant 3 : i32
        %scan3A_629 = arith.addi %scan3A_433, %scan3A_628 : i32
        %mul3A_630 = arith.constant 16 : i32
        %mul3A_631 = arith.muli %scan3A_629, %mul3A_630 : i32
        %get3A_632 = arith.index_cast %mul3A_631 : i32 to index
        %get3A_633 = tpu.vector_load %arg11[%get3A_632] {strides = array<i32>} : memref<2048xf32, #tpu.memory_space<vmem>>, vector<16xf32>,
        %get3A_634 = arith.constant 0 : i32
        %get3A_635 = arith.index_cast %get3A_634 : i32 to index
        %get3A_636 = arith.index_cast %mul3A_631 : i32 to index
        %get3A_637 = tpu.vector_load %arg12[%get3A_635, %get3A_636] {strides = array<i32>} : memref<4x2048xi32, #tpu.memory_space<vmem>>, vector<16xi32>,
        %get3A_638 = arith.constant 0 : i32
        %get3A_639 = arith.index_cast %get3A_638 : i32 to index
        %get3A_640 = arith.index_cast %mul3A_631 : i32 to index
        %get3A_641 = tpu.vector_load %arg13[%get3A_639, %get3A_640] {strides = array<i32>} : memref<4x2048xf32, #tpu.memory_space<vmem>>, vector<16xf32>,
        %shift_right_logical3A_642 = arith.constant 8 : i32
        %shift_right_logical3A_643 = vector.broadcast %shift_right_logical3A_642 : i32 to vector<16xi32>
        %shift_right_logical3A_644 = arith.shrui %get3A_637, %shift_right_logical3A_643 : vector<16xi32>
        %and3A_645 = arith.constant 255 : i32
        %and3A_646 = vector.broadcast %and3A_645 : i32 to vector<16xi32>
        %and3A_647 = arith.andi %get3A_637, %and3A_646 : vector<16xi32>
        %mul3A_648 = arith.mulf %get3A_633, %get3A_641 : vector<16xf32>
        tpu.vector_store_idx %arg6[%shift_right_logical3A_644, %and3A_647], %mul3A_648 {add = true} : memref<256x256xf32, #tpu.memory_space<vmem>>[vector<16xi32>, vector<16xi32>], vector<16xf32>,
        %get3A_649 = arith.constant 1 : i32
        %get3A_650 = arith.index_cast %get3A_649 : i32 to index
        %get3A_651 = arith.index_cast %mul3A_631 : i32 to index
        %get3A_652 = tpu.vector_load %arg12[%get3A_650, %get3A_651] {strides = array<i32>} : memref<4x2048xi32, #tpu.memory_space<vmem>>, vector<16xi32>,
        %get3A_653 = arith.constant 1 : i32
        %get3A_654 = arith.index_cast %get3A_653 : i32 to index
        %get3A_655 = arith.index_cast %mul3A_631 : i32 to index
        %get3A_656 = tpu.vector_load %arg13[%get3A_654, %get3A_655] {strides = array<i32>} : memref<4x2048xf32, #tpu.memory_space<vmem>>, vector<16xf32>,
        %shift_right_logical3A_657 = arith.constant 8 : i32
        %shift_right_logical3A_658 = vector.broadcast %shift_right_logical3A_657 : i32 to vector<16xi32>
        %shift_right_logical3A_659 = arith.shrui %get3A_652, %shift_right_logical3A_658 : vector<16xi32>
        %and3A_660 = arith.constant 255 : i32
        %and3A_661 = vector.broadcast %and3A_660 : i32 to vector<16xi32>
        %and3A_662 = arith.andi %get3A_652, %and3A_661 : vector<16xi32>
        %mul3A_663 = arith.mulf %get3A_633, %get3A_656 : vector<16xf32>
        tpu.vector_store_idx %arg6[%shift_right_logical3A_659, %and3A_662], %mul3A_663 {add = true} : memref<256x256xf32, #tpu.memory_space<vmem>>[vector<16xi32>, vector<16xi32>], vector<16xf32>,
        %get3A_664 = arith.constant 2 : i32
        %get3A_665 = arith.index_cast %get3A_664 : i32 to index
        %get3A_666 = arith.index_cast %mul3A_631 : i32 to index
        %get3A_667 = tpu.vector_load %arg12[%get3A_665, %get3A_666] {strides = array<i32>} : memref<4x2048xi32, #tpu.memory_space<vmem>>, vector<16xi32>,
        %get3A_668 = arith.constant 2 : i32
        %get3A_669 = arith.index_cast %get3A_668 : i32 to index
        %get3A_670 = arith.index_cast %mul3A_631 : i32 to index
        %get3A_671 = tpu.vector_load %arg13[%get3A_669, %get3A_670] {strides = array<i32>} : memref<4x2048xf32, #tpu.memory_space<vmem>>, vector<16xf32>,
        %shift_right_logical3A_672 = arith.constant 8 : i32
        %shift_right_logical3A_673 = vector.broadcast %shift_right_logical3A_672 : i32 to vector<16xi32>
        %shift_right_logical3A_674 = arith.shrui %get3A_667, %shift_right_logical3A_673 : vector<16xi32>
        %and3A_675 = arith.constant 255 : i32
        %and3A_676 = vector.broadcast %and3A_675 : i32 to vector<16xi32>
        %and3A_677 = arith.andi %get3A_667, %and3A_676 : vector<16xi32>
        %mul3A_678 = arith.mulf %get3A_633, %get3A_671 : vector<16xf32>
        tpu.vector_store_idx %arg6[%shift_right_logical3A_674, %and3A_677], %mul3A_678 {add = true} : memref<256x256xf32, #tpu.memory_space<vmem>>[vector<16xi32>, vector<16xi32>], vector<16xf32>,
        %get3A_679 = arith.constant 3 : i32
        %get3A_680 = arith.index_cast %get3A_679 : i32 to index
        %get3A_681 = arith.index_cast %mul3A_631 : i32 to index
        %get3A_682 = tpu.vector_load %arg12[%get3A_680, %get3A_681] {strides = array<i32>} : memref<4x2048xi32, #tpu.memory_space<vmem>>, vector<16xi32>,
        %get3A_683 = arith.constant 3 : i32
        %get3A_684 = arith.index_cast %get3A_683 : i32 to index
        %get3A_685 = arith.index_cast %mul3A_631 : i32 to index
        %get3A_686 = tpu.vector_load %arg13[%get3A_684, %get3A_685] {strides = array<i32>} : memref<4x2048xf32, #tpu.memory_space<vmem>>, vector<16xf32>,
        %shift_right_logical3A_687 = arith.constant 8 : i32
        %shift_right_logical3A_688 = vector.broadcast %shift_right_logical3A_687 : i32 to vector<16xi32>
        %shift_right_logical3A_689 = arith.shrui %get3A_682, %shift_right_logical3A_688 : vector<16xi32>
        %and3A_690 = arith.constant 255 : i32
        %and3A_691 = vector.broadcast %and3A_690 : i32 to vector<16xi32>
        %and3A_692 = arith.andi %get3A_682, %and3A_691 : vector<16xi32>
        %mul3A_693 = arith.mulf %get3A_633, %get3A_686 : vector<16xf32>
        tpu.vector_store_idx %arg6[%shift_right_logical3A_689, %and3A_692], %mul3A_693 {add = true} : memref<256x256xf32, #tpu.memory_space<vmem>>[vector<16xi32>, vector<16xi32>], vector<16xf32>,
      }
      %scan3A_154 = arith.constant 128 : i32
      %dma_start3A_155 = arith.constant 6144 : i32
      %dma_start3A_156 = tpu.memref_slice %arg2[%select_n3A, %sub3A_28, %dma_start3A_155] : memref<2x256x16384xf32, #tpu.memory_space<hbm>> -> memref<1x1x2048xf32, #tpu.memory_space<hbm>>
      %dma_start3A_157 = tpu.memref_squeeze %dma_start3A_156 : memref<1x1x2048xf32, #tpu.memory_space<hbm>> -> memref<2048xf32, #tpu.memory_space<hbm>>
      %dma_start3A_158 = arith.constant 6144 : i32
      %dma_start3A_159 = tpu.memref_slice %arg2[%select_n3A, %sub3A_28, %dma_start3A_158] : memref<2x256x16384xf32, #tpu.memory_space<hbm>> -> memref<1x1x2048xf32, #tpu.memory_space<hbm>>
      %dma_start3A_160 = tpu.memref_squeeze %dma_start3A_159 : memref<1x1x2048xf32, #tpu.memory_space<hbm>> -> memref<2048xf32, #tpu.memory_space<hbm>>
      tpu.enqueue_dma source(%dma_start3A_160 : memref<2048xf32, #tpu.memory_space<hbm>>) target(%arg11 : memref<2048xf32, #tpu.memory_space<vmem>>) target_semaphore(%arg14 : memref<!tpu.dma_semaphore, #tpu.memory_space<semaphore_mem>>)
      %dma_start3A_161 = arith.constant 0 : i32
      %dma_start3A_162 = arith.constant 6144 : i32
      %dma_start3A_163 = tpu.memref_slice %arg3[%select_n3A, %dma_start3A_161, %dma_start3A_162] : memref<2x4x16384xi32, #tpu.memory_space<hbm>> -> memref<1x4x2048xi32, #tpu.memory_space<hbm>>
      %dma_start3A_164 = tpu.memref_squeeze %dma_start3A_163 : memref<1x4x2048xi32, #tpu.memory_space<hbm>> -> memref<4x2048xi32, #tpu.memory_space<hbm>>
      %dma_start3A_165 = arith.constant 0 : i32
      %dma_start3A_166 = arith.constant 6144 : i32
      %dma_start3A_167 = tpu.memref_slice %arg3[%select_n3A, %dma_start3A_165, %dma_start3A_166] : memref<2x4x16384xi32, #tpu.memory_space<hbm>> -> memref<1x4x2048xi32, #tpu.memory_space<hbm>>
      %dma_start3A_168 = tpu.memref_squeeze %dma_start3A_167 : memref<1x4x2048xi32, #tpu.memory_space<hbm>> -> memref<4x2048xi32, #tpu.memory_space<hbm>>
      tpu.enqueue_dma source(%dma_start3A_168 : memref<4x2048xi32, #tpu.memory_space<hbm>>) target(%arg12 : memref<4x2048xi32, #tpu.memory_space<vmem>>) target_semaphore(%arg14 : memref<!tpu.dma_semaphore, #tpu.memory_space<semaphore_mem>>)
      %dma_start3A_169 = arith.constant 0 : i32
      %dma_start3A_170 = arith.constant 6144 : i32
      %dma_start3A_171 = tpu.memref_slice %arg4[%select_n3A, %dma_start3A_169, %dma_start3A_170] : memref<2x4x16384xf32, #tpu.memory_space<hbm>> -> memref<1x4x2048xf32, #tpu.memory_space<hbm>>
      %dma_start3A_172 = tpu.memref_squeeze %dma_start3A_171 : memref<1x4x2048xf32, #tpu.memory_space<hbm>> -> memref<4x2048xf32, #tpu.memory_space<hbm>>
      %dma_start3A_173 = arith.constant 0 : i32
      %dma_start3A_174 = arith.constant 6144 : i32
      %dma_start3A_175 = tpu.memref_slice %arg4[%select_n3A, %dma_start3A_173, %dma_start3A_174] : memref<2x4x16384xf32, #tpu.memory_space<hbm>> -> memref<1x4x2048xf32, #tpu.memory_space<hbm>>
      %dma_start3A_176 = tpu.memref_squeeze %dma_start3A_175 : memref<1x4x2048xf32, #tpu.memory_space<hbm>> -> memref<4x2048xf32, #tpu.memory_space<hbm>>
      tpu.enqueue_dma source(%dma_start3A_176 : memref<4x2048xf32, #tpu.memory_space<hbm>>) target(%arg13 : memref<4x2048xf32, #tpu.memory_space<vmem>>) target_semaphore(%arg14 : memref<!tpu.dma_semaphore, #tpu.memory_space<semaphore_mem>>)
      %dma_wait3A_177 = arith.constant 4096 : i32
      %dma_wait3A_178 = tpu.memref_slice %arg2[%select_n3A, %sub3A_28, %dma_wait3A_177] : memref<2x256x16384xf32, #tpu.memory_space<hbm>> -> memref<1x1x2048xf32, #tpu.memory_space<hbm>>
      %dma_wait3A_179 = tpu.memref_squeeze %dma_wait3A_178 : memref<1x1x2048xf32, #tpu.memory_space<hbm>> -> memref<2048xf32, #tpu.memory_space<hbm>>
      %dma_wait3A_180 = arith.constant 4096 : i32
      %dma_wait3A_181 = tpu.memref_slice %arg2[%select_n3A, %sub3A_28, %dma_wait3A_180] : memref<2x256x16384xf32, #tpu.memory_space<hbm>> -> memref<1x1x2048xf32, #tpu.memory_space<hbm>>
      %dma_wait3A_182 = tpu.memref_squeeze %dma_wait3A_181 : memref<1x1x2048xf32, #tpu.memory_space<hbm>> -> memref<2048xf32, #tpu.memory_space<hbm>>
      tpu.wait_dma2 semaphore(%arg10 : memref<!tpu.dma_semaphore, #tpu.memory_space<semaphore_mem>>) src(%dma_wait3A_182 : memref<2048xf32, #tpu.memory_space<hbm>>) dst(%arg7 : memref<2048xf32, #tpu.memory_space<vmem>>)
      %dma_wait3A_183 = arith.constant 0 : i32
      %dma_wait3A_184 = arith.constant 4096 : i32
      %dma_wait3A_185 = tpu.memref_slice %arg3[%select_n3A, %dma_wait3A_183, %dma_wait3A_184] : memref<2x4x16384xi32, #tpu.memory_space<hbm>> -> memref<1x4x2048xi32, #tpu.memory_space<hbm>>
      %dma_wait3A_186 = tpu.memref_squeeze %dma_wait3A_185 : memref<1x4x2048xi32, #tpu.memory_space<hbm>> -> memref<4x2048xi32, #tpu.memory_space<hbm>>
      %dma_wait3A_187 = arith.constant 0 : i32
      %dma_wait3A_188 = arith.constant 4096 : i32
      %dma_wait3A_189 = tpu.memref_slice %arg3[%select_n3A, %dma_wait3A_187, %dma_wait3A_188] : memref<2x4x16384xi32, #tpu.memory_space<hbm>> -> memref<1x4x2048xi32, #tpu.memory_space<hbm>>
      %dma_wait3A_190 = tpu.memref_squeeze %dma_wait3A_189 : memref<1x4x2048xi32, #tpu.memory_space<hbm>> -> memref<4x2048xi32, #tpu.memory_space<hbm>>
      tpu.wait_dma2 semaphore(%arg10 : memref<!tpu.dma_semaphore, #tpu.memory_space<semaphore_mem>>) src(%dma_wait3A_190 : memref<4x2048xi32, #tpu.memory_space<hbm>>) dst(%arg8 : memref<4x2048xi32, #tpu.memory_space<vmem>>)
      %dma_wait3A_191 = arith.constant 0 : i32
      %dma_wait3A_192 = arith.constant 4096 : i32
      %dma_wait3A_193 = tpu.memref_slice %arg4[%select_n3A, %dma_wait3A_191, %dma_wait3A_192] : memref<2x4x16384xf32, #tpu.memory_space<hbm>> -> memref<1x4x2048xf32, #tpu.memory_space<hbm>>
      %dma_wait3A_194 = tpu.memref_squeeze %dma_wait3A_193 : memref<1x4x2048xf32, #tpu.memory_space<hbm>> -> memref<4x2048xf32, #tpu.memory_space<hbm>>
      %dma_wait3A_195 = arith.constant 0 : i32
      %dma_wait3A_196 = arith.constant 4096 : i32
      %dma_wait3A_197 = tpu.memref_slice %arg4[%select_n3A, %dma_wait3A_195, %dma_wait3A_196] : memref<2x4x16384xf32, #tpu.memory_space<hbm>> -> memref<1x4x2048xf32, #tpu.memory_space<hbm>>
      %dma_wait3A_198 = tpu.memref_squeeze %dma_wait3A_197 : memref<1x4x2048xf32, #tpu.memory_space<hbm>> -> memref<4x2048xf32, #tpu.memory_space<hbm>>
      tpu.wait_dma2 semaphore(%arg10 : memref<!tpu.dma_semaphore, #tpu.memory_space<semaphore_mem>>) src(%dma_wait3A_198 : memref<4x2048xf32, #tpu.memory_space<hbm>>) dst(%arg9 : memref<4x2048xf32, #tpu.memory_space<vmem>>)
      %scan3A_199 = arith.constant 0 : i32
      %scan3A_200 = arith.constant 0 : i32
      %scan3A_201 = arith.constant 128 : i32
      %scan3A_202 = arith.addi %scan3A_200, %scan3A_201 : i32
      %scan3A_203 = arith.constant 4 : i32
      scf.for %scan3A_433 = %scan3A_200 to %scan3A_202 step %scan3A_203  : i32 {
        %mul3A_434 = arith.constant 16 : i32
        %mul3A_435 = arith.muli %scan3A_433, %mul3A_434 : i32
        %get3A = arith.index_cast %mul3A_435 : i32 to index
        %get3A_436 = tpu.vector_load %arg7[%get3A] {strides = array<i32>} : memref<2048xf32, #tpu.memory_space<vmem>>, vector<16xf32>,
        %get3A_437 = arith.constant 0 : i32
        %get3A_438 = arith.index_cast %get3A_437 : i32 to index
        %get3A_439 = arith.index_cast %mul3A_435 : i32 to index
        %get3A_440 = tpu.vector_load %arg8[%get3A_438, %get3A_439] {strides = array<i32>} : memref<4x2048xi32, #tpu.memory_space<vmem>>, vector<16xi32>,
        %get3A_441 = arith.constant 0 : i32
        %get3A_442 = arith.index_cast %get3A_441 : i32 to index
        %get3A_443 = arith.index_cast %mul3A_435 : i32 to index
        %get3A_444 = tpu.vector_load %arg9[%get3A_442, %get3A_443] {strides = array<i32>} : memref<4x2048xf32, #tpu.memory_space<vmem>>, vector<16xf32>,
        %shift_right_logical3A = arith.constant 8 : i32
        %shift_right_logical3A_445 = vector.broadcast %shift_right_logical3A : i32 to vector<16xi32>
        %shift_right_logical3A_446 = arith.shrui %get3A_440, %shift_right_logical3A_445 : vector<16xi32>
        %and3A_447 = arith.constant 255 : i32
        %and3A_448 = vector.broadcast %and3A_447 : i32 to vector<16xi32>
        %and3A_449 = arith.andi %get3A_440, %and3A_448 : vector<16xi32>
        %mul3A_450 = arith.mulf %get3A_436, %get3A_444 : vector<16xf32>
        tpu.vector_store_idx %arg6[%shift_right_logical3A_446, %and3A_449], %mul3A_450 {add = true} : memref<256x256xf32, #tpu.memory_space<vmem>>[vector<16xi32>, vector<16xi32>], vector<16xf32>,
        %get3A_451 = arith.constant 1 : i32
        %get3A_452 = arith.index_cast %get3A_451 : i32 to index
        %get3A_453 = arith.index_cast %mul3A_435 : i32 to index
        %get3A_454 = tpu.vector_load %arg8[%get3A_452, %get3A_453] {strides = array<i32>} : memref<4x2048xi32, #tpu.memory_space<vmem>>, vector<16xi32>,
        %get3A_455 = arith.constant 1 : i32
        %get3A_456 = arith.index_cast %get3A_455 : i32 to index
        %get3A_457 = arith.index_cast %mul3A_435 : i32 to index
        %get3A_458 = tpu.vector_load %arg9[%get3A_456, %get3A_457] {strides = array<i32>} : memref<4x2048xf32, #tpu.memory_space<vmem>>, vector<16xf32>,
        %shift_right_logical3A_459 = arith.constant 8 : i32
        %shift_right_logical3A_460 = vector.broadcast %shift_right_logical3A_459 : i32 to vector<16xi32>
        %shift_right_logical3A_461 = arith.shrui %get3A_454, %shift_right_logical3A_460 : vector<16xi32>
        %and3A_462 = arith.constant 255 : i32
        %and3A_463 = vector.broadcast %and3A_462 : i32 to vector<16xi32>
        %and3A_464 = arith.andi %get3A_454, %and3A_463 : vector<16xi32>
        %mul3A_465 = arith.mulf %get3A_436, %get3A_458 : vector<16xf32>
        tpu.vector_store_idx %arg6[%shift_right_logical3A_461, %and3A_464], %mul3A_465 {add = true} : memref<256x256xf32, #tpu.memory_space<vmem>>[vector<16xi32>, vector<16xi32>], vector<16xf32>,
        %get3A_466 = arith.constant 2 : i32
        %get3A_467 = arith.index_cast %get3A_466 : i32 to index
        %get3A_468 = arith.index_cast %mul3A_435 : i32 to index
        %get3A_469 = tpu.vector_load %arg8[%get3A_467, %get3A_468] {strides = array<i32>} : memref<4x2048xi32, #tpu.memory_space<vmem>>, vector<16xi32>,
        %get3A_470 = arith.constant 2 : i32
        %get3A_471 = arith.index_cast %get3A_470 : i32 to index
        %get3A_472 = arith.index_cast %mul3A_435 : i32 to index
        %get3A_473 = tpu.vector_load %arg9[%get3A_471, %get3A_472] {strides = array<i32>} : memref<4x2048xf32, #tpu.memory_space<vmem>>, vector<16xf32>,
        %shift_right_logical3A_474 = arith.constant 8 : i32
        %shift_right_logical3A_475 = vector.broadcast %shift_right_logical3A_474 : i32 to vector<16xi32>
        %shift_right_logical3A_476 = arith.shrui %get3A_469, %shift_right_logical3A_475 : vector<16xi32>
        %and3A_477 = arith.constant 255 : i32
        %and3A_478 = vector.broadcast %and3A_477 : i32 to vector<16xi32>
        %and3A_479 = arith.andi %get3A_469, %and3A_478 : vector<16xi32>
        %mul3A_480 = arith.mulf %get3A_436, %get3A_473 : vector<16xf32>
        tpu.vector_store_idx %arg6[%shift_right_logical3A_476, %and3A_479], %mul3A_480 {add = true} : memref<256x256xf32, #tpu.memory_space<vmem>>[vector<16xi32>, vector<16xi32>], vector<16xf32>,
        %get3A_481 = arith.constant 3 : i32
        %get3A_482 = arith.index_cast %get3A_481 : i32 to index
        %get3A_483 = arith.index_cast %mul3A_435 : i32 to index
        %get3A_484 = tpu.vector_load %arg8[%get3A_482, %get3A_483] {strides = array<i32>} : memref<4x2048xi32, #tpu.memory_space<vmem>>, vector<16xi32>,
        %get3A_485 = arith.constant 3 : i32
        %get3A_486 = arith.index_cast %get3A_485 : i32 to index
        %get3A_487 = arith.index_cast %mul3A_435 : i32 to index
        %get3A_488 = tpu.vector_load %arg9[%get3A_486, %get3A_487] {strides = array<i32>} : memref<4x2048xf32, #tpu.memory_space<vmem>>, vector<16xf32>,
        %shift_right_logical3A_489 = arith.constant 8 : i32
        %shift_right_logical3A_490 = vector.broadcast %shift_right_logical3A_489 : i32 to vector<16xi32>
        %shift_right_logical3A_491 = arith.shrui %get3A_484, %shift_right_logical3A_490 : vector<16xi32>
        %and3A_492 = arith.constant 255 : i32
        %and3A_493 = vector.broadcast %and3A_492 : i32 to vector<16xi32>
        %and3A_494 = arith.andi %get3A_484, %and3A_493 : vector<16xi32>
        %mul3A_495 = arith.mulf %get3A_436, %get3A_488 : vector<16xf32>
        tpu.vector_store_idx %arg6[%shift_right_logical3A_491, %and3A_494], %mul3A_495 {add = true} : memref<256x256xf32, #tpu.memory_space<vmem>>[vector<16xi32>, vector<16xi32>], vector<16xf32>,
        %scan3A_496 = arith.constant 1 : i32
        %scan3A_497 = arith.addi %scan3A_433, %scan3A_496 : i32
        %mul3A_498 = arith.constant 16 : i32
        %mul3A_499 = arith.muli %scan3A_497, %mul3A_498 : i32
        %get3A_500 = arith.index_cast %mul3A_499 : i32 to index
        %get3A_501 = tpu.vector_load %arg7[%get3A_500] {strides = array<i32>} : memref<2048xf32, #tpu.memory_space<vmem>>, vector<16xf32>,
        %get3A_502 = arith.constant 0 : i32
        %get3A_503 = arith.index_cast %get3A_502 : i32 to index
        %get3A_504 = arith.index_cast %mul3A_499 : i32 to index
        %get3A_505 = tpu.vector_load %arg8[%get3A_503, %get3A_504] {strides = array<i32>} : memref<4x2048xi32, #tpu.memory_space<vmem>>, vector<16xi32>,
        %get3A_506 = arith.constant 0 : i32
        %get3A_507 = arith.index_cast %get3A_506 : i32 to index
        %get3A_508 = arith.index_cast %mul3A_499 : i32 to index
        %get3A_509 = tpu.vector_load %arg9[%get3A_507, %get3A_508] {strides = array<i32>} : memref<4x2048xf32, #tpu.memory_space<vmem>>, vector<16xf32>,
        %shift_right_logical3A_510 = arith.constant 8 : i32
        %shift_right_logical3A_511 = vector.broadcast %shift_right_logical3A_510 : i32 to vector<16xi32>
        %shift_right_logical3A_512 = arith.shrui %get3A_505, %shift_right_logical3A_511 : vector<16xi32>
        %and3A_513 = arith.constant 255 : i32
        %and3A_514 = vector.broadcast %and3A_513 : i32 to vector<16xi32>
        %and3A_515 = arith.andi %get3A_505, %and3A_514 : vector<16xi32>
        %mul3A_516 = arith.mulf %get3A_501, %get3A_509 : vector<16xf32>
        tpu.vector_store_idx %arg6[%shift_right_logical3A_512, %and3A_515], %mul3A_516 {add = true} : memref<256x256xf32, #tpu.memory_space<vmem>>[vector<16xi32>, vector<16xi32>], vector<16xf32>,
        %get3A_517 = arith.constant 1 : i32
        %get3A_518 = arith.index_cast %get3A_517 : i32 to index
        %get3A_519 = arith.index_cast %mul3A_499 : i32 to index
        %get3A_520 = tpu.vector_load %arg8[%get3A_518, %get3A_519] {strides = array<i32>} : memref<4x2048xi32, #tpu.memory_space<vmem>>, vector<16xi32>,
        %get3A_521 = arith.constant 1 : i32
        %get3A_522 = arith.index_cast %get3A_521 : i32 to index
        %get3A_523 = arith.index_cast %mul3A_499 : i32 to index
        %get3A_524 = tpu.vector_load %arg9[%get3A_522, %get3A_523] {strides = array<i32>} : memref<4x2048xf32, #tpu.memory_space<vmem>>, vector<16xf32>,
        %shift_right_logical3A_525 = arith.constant 8 : i32
        %shift_right_logical3A_526 = vector.broadcast %shift_right_logical3A_525 : i32 to vector<16xi32>
        %shift_right_logical3A_527 = arith.shrui %get3A_520, %shift_right_logical3A_526 : vector<16xi32>
        %and3A_528 = arith.constant 255 : i32
        %and3A_529 = vector.broadcast %and3A_528 : i32 to vector<16xi32>
        %and3A_530 = arith.andi %get3A_520, %and3A_529 : vector<16xi32>
        %mul3A_531 = arith.mulf %get3A_501, %get3A_524 : vector<16xf32>
        tpu.vector_store_idx %arg6[%shift_right_logical3A_527, %and3A_530], %mul3A_531 {add = true} : memref<256x256xf32, #tpu.memory_space<vmem>>[vector<16xi32>, vector<16xi32>], vector<16xf32>,
        %get3A_532 = arith.constant 2 : i32
        %get3A_533 = arith.index_cast %get3A_532 : i32 to index
        %get3A_534 = arith.index_cast %mul3A_499 : i32 to index
        %get3A_535 = tpu.vector_load %arg8[%get3A_533, %get3A_534] {strides = array<i32>} : memref<4x2048xi32, #tpu.memory_space<vmem>>, vector<16xi32>,
        %get3A_536 = arith.constant 2 : i32
        %get3A_537 = arith.index_cast %get3A_536 : i32 to index
        %get3A_538 = arith.index_cast %mul3A_499 : i32 to index
        %get3A_539 = tpu.vector_load %arg9[%get3A_537, %get3A_538] {strides = array<i32>} : memref<4x2048xf32, #tpu.memory_space<vmem>>, vector<16xf32>,
        %shift_right_logical3A_540 = arith.constant 8 : i32
        %shift_right_logical3A_541 = vector.broadcast %shift_right_logical3A_540 : i32 to vector<16xi32>
        %shift_right_logical3A_542 = arith.shrui %get3A_535, %shift_right_logical3A_541 : vector<16xi32>
        %and3A_543 = arith.constant 255 : i32
        %and3A_544 = vector.broadcast %and3A_543 : i32 to vector<16xi32>
        %and3A_545 = arith.andi %get3A_535, %and3A_544 : vector<16xi32>
        %mul3A_546 = arith.mulf %get3A_501, %get3A_539 : vector<16xf32>
        tpu.vector_store_idx %arg6[%shift_right_logical3A_542, %and3A_545], %mul3A_546 {add = true} : memref<256x256xf32, #tpu.memory_space<vmem>>[vector<16xi32>, vector<16xi32>], vector<16xf32>,
        %get3A_547 = arith.constant 3 : i32
        %get3A_548 = arith.index_cast %get3A_547 : i32 to index
        %get3A_549 = arith.index_cast %mul3A_499 : i32 to index
        %get3A_550 = tpu.vector_load %arg8[%get3A_548, %get3A_549] {strides = array<i32>} : memref<4x2048xi32, #tpu.memory_space<vmem>>, vector<16xi32>,
        %get3A_551 = arith.constant 3 : i32
        %get3A_552 = arith.index_cast %get3A_551 : i32 to index
        %get3A_553 = arith.index_cast %mul3A_499 : i32 to index
        %get3A_554 = tpu.vector_load %arg9[%get3A_552, %get3A_553] {strides = array<i32>} : memref<4x2048xf32, #tpu.memory_space<vmem>>, vector<16xf32>,
        %shift_right_logical3A_555 = arith.constant 8 : i32
        %shift_right_logical3A_556 = vector.broadcast %shift_right_logical3A_555 : i32 to vector<16xi32>
        %shift_right_logical3A_557 = arith.shrui %get3A_550, %shift_right_logical3A_556 : vector<16xi32>
        %and3A_558 = arith.constant 255 : i32
        %and3A_559 = vector.broadcast %and3A_558 : i32 to vector<16xi32>
        %and3A_560 = arith.andi %get3A_550, %and3A_559 : vector<16xi32>
        %mul3A_561 = arith.mulf %get3A_501, %get3A_554 : vector<16xf32>
        tpu.vector_store_idx %arg6[%shift_right_logical3A_557, %and3A_560], %mul3A_561 {add = true} : memref<256x256xf32, #tpu.memory_space<vmem>>[vector<16xi32>, vector<16xi32>], vector<16xf32>,
        %scan3A_562 = arith.constant 2 : i32
        %scan3A_563 = arith.addi %scan3A_433, %scan3A_562 : i32
        %mul3A_564 = arith.constant 16 : i32
        %mul3A_565 = arith.muli %scan3A_563, %mul3A_564 : i32
        %get3A_566 = arith.index_cast %mul3A_565 : i32 to index
        %get3A_567 = tpu.vector_load %arg7[%get3A_566] {strides = array<i32>} : memref<2048xf32, #tpu.memory_space<vmem>>, vector<16xf32>,
        %get3A_568 = arith.constant 0 : i32
        %get3A_569 = arith.index_cast %get3A_568 : i32 to index
        %get3A_570 = arith.index_cast %mul3A_565 : i32 to index
        %get3A_571 = tpu.vector_load %arg8[%get3A_569, %get3A_570] {strides = array<i32>} : memref<4x2048xi32, #tpu.memory_space<vmem>>, vector<16xi32>,
        %get3A_572 = arith.constant 0 : i32
        %get3A_573 = arith.index_cast %get3A_572 : i32 to index
        %get3A_574 = arith.index_cast %mul3A_565 : i32 to index
        %get3A_575 = tpu.vector_load %arg9[%get3A_573, %get3A_574] {strides = array<i32>} : memref<4x2048xf32, #tpu.memory_space<vmem>>, vector<16xf32>,
        %shift_right_logical3A_576 = arith.constant 8 : i32
        %shift_right_logical3A_577 = vector.broadcast %shift_right_logical3A_576 : i32 to vector<16xi32>
        %shift_right_logical3A_578 = arith.shrui %get3A_571, %shift_right_logical3A_577 : vector<16xi32>
        %and3A_579 = arith.constant 255 : i32
        %and3A_580 = vector.broadcast %and3A_579 : i32 to vector<16xi32>
        %and3A_581 = arith.andi %get3A_571, %and3A_580 : vector<16xi32>
        %mul3A_582 = arith.mulf %get3A_567, %get3A_575 : vector<16xf32>
        tpu.vector_store_idx %arg6[%shift_right_logical3A_578, %and3A_581], %mul3A_582 {add = true} : memref<256x256xf32, #tpu.memory_space<vmem>>[vector<16xi32>, vector<16xi32>], vector<16xf32>,
        %get3A_583 = arith.constant 1 : i32
        %get3A_584 = arith.index_cast %get3A_583 : i32 to index
        %get3A_585 = arith.index_cast %mul3A_565 : i32 to index
        %get3A_586 = tpu.vector_load %arg8[%get3A_584, %get3A_585] {strides = array<i32>} : memref<4x2048xi32, #tpu.memory_space<vmem>>, vector<16xi32>,
        %get3A_587 = arith.constant 1 : i32
        %get3A_588 = arith.index_cast %get3A_587 : i32 to index
        %get3A_589 = arith.index_cast %mul3A_565 : i32 to index
        %get3A_590 = tpu.vector_load %arg9[%get3A_588, %get3A_589] {strides = array<i32>} : memref<4x2048xf32, #tpu.memory_space<vmem>>, vector<16xf32>,
        %shift_right_logical3A_591 = arith.constant 8 : i32
        %shift_right_logical3A_592 = vector.broadcast %shift_right_logical3A_591 : i32 to vector<16xi32>
        %shift_right_logical3A_593 = arith.shrui %get3A_586, %shift_right_logical3A_592 : vector<16xi32>
        %and3A_594 = arith.constant 255 : i32
        %and3A_595 = vector.broadcast %and3A_594 : i32 to vector<16xi32>
        %and3A_596 = arith.andi %get3A_586, %and3A_595 : vector<16xi32>
        %mul3A_597 = arith.mulf %get3A_567, %get3A_590 : vector<16xf32>
        tpu.vector_store_idx %arg6[%shift_right_logical3A_593, %and3A_596], %mul3A_597 {add = true} : memref<256x256xf32, #tpu.memory_space<vmem>>[vector<16xi32>, vector<16xi32>], vector<16xf32>,
        %get3A_598 = arith.constant 2 : i32
        %get3A_599 = arith.index_cast %get3A_598 : i32 to index
        %get3A_600 = arith.index_cast %mul3A_565 : i32 to index
        %get3A_601 = tpu.vector_load %arg8[%get3A_599, %get3A_600] {strides = array<i32>} : memref<4x2048xi32, #tpu.memory_space<vmem>>, vector<16xi32>,
        %get3A_602 = arith.constant 2 : i32
        %get3A_603 = arith.index_cast %get3A_602 : i32 to index
        %get3A_604 = arith.index_cast %mul3A_565 : i32 to index
        %get3A_605 = tpu.vector_load %arg9[%get3A_603, %get3A_604] {strides = array<i32>} : memref<4x2048xf32, #tpu.memory_space<vmem>>, vector<16xf32>,
        %shift_right_logical3A_606 = arith.constant 8 : i32
        %shift_right_logical3A_607 = vector.broadcast %shift_right_logical3A_606 : i32 to vector<16xi32>
        %shift_right_logical3A_608 = arith.shrui %get3A_601, %shift_right_logical3A_607 : vector<16xi32>
        %and3A_609 = arith.constant 255 : i32
        %and3A_610 = vector.broadcast %and3A_609 : i32 to vector<16xi32>
        %and3A_611 = arith.andi %get3A_601, %and3A_610 : vector<16xi32>
        %mul3A_612 = arith.mulf %get3A_567, %get3A_605 : vector<16xf32>
        tpu.vector_store_idx %arg6[%shift_right_logical3A_608, %and3A_611], %mul3A_612 {add = true} : memref<256x256xf32, #tpu.memory_space<vmem>>[vector<16xi32>, vector<16xi32>], vector<16xf32>,
        %get3A_613 = arith.constant 3 : i32
        %get3A_614 = arith.index_cast %get3A_613 : i32 to index
        %get3A_615 = arith.index_cast %mul3A_565 : i32 to index
        %get3A_616 = tpu.vector_load %arg8[%get3A_614, %get3A_615] {strides = array<i32>} : memref<4x2048xi32, #tpu.memory_space<vmem>>, vector<16xi32>,
        %get3A_617 = arith.constant 3 : i32
        %get3A_618 = arith.index_cast %get3A_617 : i32 to index
        %get3A_619 = arith.index_cast %mul3A_565 : i32 to index
        %get3A_620 = tpu.vector_load %arg9[%get3A_618, %get3A_619] {strides = array<i32>} : memref<4x2048xf32, #tpu.memory_space<vmem>>, vector<16xf32>,
        %shift_right_logical3A_621 = arith.constant 8 : i32
        %shift_right_logical3A_622 = vector.broadcast %shift_right_logical3A_621 : i32 to vector<16xi32>
        %shift_right_logical3A_623 = arith.shrui %get3A_616, %shift_right_logical3A_622 : vector<16xi32>
        %and3A_624 = arith.constant 255 : i32
        %and3A_625 = vector.broadcast %and3A_624 : i32 to vector<16xi32>
        %and3A_626 = arith.andi %get3A_616, %and3A_625 : vector<16xi32>
        %mul3A_627 = arith.mulf %get3A_567, %get3A_620 : vector<16xf32>
        tpu.vector_store_idx %arg6[%shift_right_logical3A_623, %and3A_626], %mul3A_627 {add = true} : memref<256x256xf32, #tpu.memory_space<vmem>>[vector<16xi32>, vector<16xi32>], vector<16xf32>,
        %scan3A_628 = arith.constant 3 : i32
        %scan3A_629 = arith.addi %scan3A_433, %scan3A_628 : i32
        %mul3A_630 = arith.constant 16 : i32
        %mul3A_631 = arith.muli %scan3A_629, %mul3A_630 : i32
        %get3A_632 = arith.index_cast %mul3A_631 : i32 to index
        %get3A_633 = tpu.vector_load %arg7[%get3A_632] {strides = array<i32>} : memref<2048xf32, #tpu.memory_space<vmem>>, vector<16xf32>,
        %get3A_634 = arith.constant 0 : i32
        %get3A_635 = arith.index_cast %get3A_634 : i32 to index
        %get3A_636 = arith.index_cast %mul3A_631 : i32 to index
        %get3A_637 = tpu.vector_load %arg8[%get3A_635, %get3A_636] {strides = array<i32>} : memref<4x2048xi32, #tpu.memory_space<vmem>>, vector<16xi32>,
        %get3A_638 = arith.constant 0 : i32
        %get3A_639 = arith.index_cast %get3A_638 : i32 to index
        %get3A_640 = arith.index_cast %mul3A_631 : i32 to index
        %get3A_641 = tpu.vector_load %arg9[%get3A_639, %get3A_640] {strides = array<i32>} : memref<4x2048xf32, #tpu.memory_space<vmem>>, vector<16xf32>,
        %shift_right_logical3A_642 = arith.constant 8 : i32
        %shift_right_logical3A_643 = vector.broadcast %shift_right_logical3A_642 : i32 to vector<16xi32>
        %shift_right_logical3A_644 = arith.shrui %get3A_637, %shift_right_logical3A_643 : vector<16xi32>
        %and3A_645 = arith.constant 255 : i32
        %and3A_646 = vector.broadcast %and3A_645 : i32 to vector<16xi32>
        %and3A_647 = arith.andi %get3A_637, %and3A_646 : vector<16xi32>
        %mul3A_648 = arith.mulf %get3A_633, %get3A_641 : vector<16xf32>
        tpu.vector_store_idx %arg6[%shift_right_logical3A_644, %and3A_647], %mul3A_648 {add = true} : memref<256x256xf32, #tpu.memory_space<vmem>>[vector<16xi32>, vector<16xi32>], vector<16xf32>,
        %get3A_649 = arith.constant 1 : i32
        %get3A_650 = arith.index_cast %get3A_649 : i32 to index
        %get3A_651 = arith.index_cast %mul3A_631 : i32 to index
        %get3A_652 = tpu.vector_load %arg8[%get3A_650, %get3A_651] {strides = array<i32>} : memref<4x2048xi32, #tpu.memory_space<vmem>>, vector<16xi32>,
        %get3A_653 = arith.constant 1 : i32
        %get3A_654 = arith.index_cast %get3A_653 : i32 to index
        %get3A_655 = arith.index_cast %mul3A_631 : i32 to index
        %get3A_656 = tpu.vector_load %arg9[%get3A_654, %get3A_655] {strides = array<i32>} : memref<4x2048xf32, #tpu.memory_space<vmem>>, vector<16xf32>,
        %shift_right_logical3A_657 = arith.constant 8 : i32
        %shift_right_logical3A_658 = vector.broadcast %shift_right_logical3A_657 : i32 to vector<16xi32>
        %shift_right_logical3A_659 = arith.shrui %get3A_652, %shift_right_logical3A_658 : vector<16xi32>
        %and3A_660 = arith.constant 255 : i32
        %and3A_661 = vector.broadcast %and3A_660 : i32 to vector<16xi32>
        %and3A_662 = arith.andi %get3A_652, %and3A_661 : vector<16xi32>
        %mul3A_663 = arith.mulf %get3A_633, %get3A_656 : vector<16xf32>
        tpu.vector_store_idx %arg6[%shift_right_logical3A_659, %and3A_662], %mul3A_663 {add = true} : memref<256x256xf32, #tpu.memory_space<vmem>>[vector<16xi32>, vector<16xi32>], vector<16xf32>,
        %get3A_664 = arith.constant 2 : i32
        %get3A_665 = arith.index_cast %get3A_664 : i32 to index
        %get3A_666 = arith.index_cast %mul3A_631 : i32 to index
        %get3A_667 = tpu.vector_load %arg8[%get3A_665, %get3A_666] {strides = array<i32>} : memref<4x2048xi32, #tpu.memory_space<vmem>>, vector<16xi32>,
        %get3A_668 = arith.constant 2 : i32
        %get3A_669 = arith.index_cast %get3A_668 : i32 to index
        %get3A_670 = arith.index_cast %mul3A_631 : i32 to index
        %get3A_671 = tpu.vector_load %arg9[%get3A_669, %get3A_670] {strides = array<i32>} : memref<4x2048xf32, #tpu.memory_space<vmem>>, vector<16xf32>,
        %shift_right_logical3A_672 = arith.constant 8 : i32
        %shift_right_logical3A_673 = vector.broadcast %shift_right_logical3A_672 : i32 to vector<16xi32>
        %shift_right_logical3A_674 = arith.shrui %get3A_667, %shift_right_logical3A_673 : vector<16xi32>
        %and3A_675 = arith.constant 255 : i32
        %and3A_676 = vector.broadcast %and3A_675 : i32 to vector<16xi32>
        %and3A_677 = arith.andi %get3A_667, %and3A_676 : vector<16xi32>
        %mul3A_678 = arith.mulf %get3A_633, %get3A_671 : vector<16xf32>
        tpu.vector_store_idx %arg6[%shift_right_logical3A_674, %and3A_677], %mul3A_678 {add = true} : memref<256x256xf32, #tpu.memory_space<vmem>>[vector<16xi32>, vector<16xi32>], vector<16xf32>,
        %get3A_679 = arith.constant 3 : i32
        %get3A_680 = arith.index_cast %get3A_679 : i32 to index
        %get3A_681 = arith.index_cast %mul3A_631 : i32 to index
        %get3A_682 = tpu.vector_load %arg8[%get3A_680, %get3A_681] {strides = array<i32>} : memref<4x2048xi32, #tpu.memory_space<vmem>>, vector<16xi32>,
        %get3A_683 = arith.constant 3 : i32
        %get3A_684 = arith.index_cast %get3A_683 : i32 to index
        %get3A_685 = arith.index_cast %mul3A_631 : i32 to index
        %get3A_686 = tpu.vector_load %arg9[%get3A_684, %get3A_685] {strides = array<i32>} : memref<4x2048xf32, #tpu.memory_space<vmem>>, vector<16xf32>,
        %shift_right_logical3A_687 = arith.constant 8 : i32
        %shift_right_logical3A_688 = vector.broadcast %shift_right_logical3A_687 : i32 to vector<16xi32>
        %shift_right_logical3A_689 = arith.shrui %get3A_682, %shift_right_logical3A_688 : vector<16xi32>
        %and3A_690 = arith.constant 255 : i32
        %and3A_691 = vector.broadcast %and3A_690 : i32 to vector<16xi32>
        %and3A_692 = arith.andi %get3A_682, %and3A_691 : vector<16xi32>
        %mul3A_693 = arith.mulf %get3A_633, %get3A_686 : vector<16xf32>
        tpu.vector_store_idx %arg6[%shift_right_logical3A_689, %and3A_692], %mul3A_693 {add = true} : memref<256x256xf32, #tpu.memory_space<vmem>>[vector<16xi32>, vector<16xi32>], vector<16xf32>,
      }
      %scan3A_204 = arith.constant 128 : i32
      %dma_start3A_205 = arith.constant 8192 : i32
      %dma_start3A_206 = tpu.memref_slice %arg2[%select_n3A, %sub3A_28, %dma_start3A_205] : memref<2x256x16384xf32, #tpu.memory_space<hbm>> -> memref<1x1x2048xf32, #tpu.memory_space<hbm>>
      %dma_start3A_207 = tpu.memref_squeeze %dma_start3A_206 : memref<1x1x2048xf32, #tpu.memory_space<hbm>> -> memref<2048xf32, #tpu.memory_space<hbm>>
      %dma_start3A_208 = arith.constant 8192 : i32
      %dma_start3A_209 = tpu.memref_slice %arg2[%select_n3A, %sub3A_28, %dma_start3A_208] : memref<2x256x16384xf32, #tpu.memory_space<hbm>> -> memref<1x1x2048xf32, #tpu.memory_space<hbm>>
      %dma_start3A_210 = tpu.memref_squeeze %dma_start3A_209 : memref<1x1x2048xf32, #tpu.memory_space<hbm>> -> memref<2048xf32, #tpu.memory_space<hbm>>
      tpu.enqueue_dma source(%dma_start3A_210 : memref<2048xf32, #tpu.memory_space<hbm>>) target(%arg7 : memref<2048xf32, #tpu.memory_space<vmem>>) target_semaphore(%arg10 : memref<!tpu.dma_semaphore, #tpu.memory_space<semaphore_mem>>)
      %dma_start3A_211 = arith.constant 0 : i32
      %dma_start3A_212 = arith.constant 8192 : i32
      %dma_start3A_213 = tpu.memref_slice %arg3[%select_n3A, %dma_start3A_211, %dma_start3A_212] : memref<2x4x16384xi32, #tpu.memory_space<hbm>> -> memref<1x4x2048xi32, #tpu.memory_space<hbm>>
      %dma_start3A_214 = tpu.memref_squeeze %dma_start3A_213 : memref<1x4x2048xi32, #tpu.memory_space<hbm>> -> memref<4x2048xi32, #tpu.memory_space<hbm>>
      %dma_start3A_215 = arith.constant 0 : i32
      %dma_start3A_216 = arith.constant 8192 : i32
      %dma_start3A_217 = tpu.memref_slice %arg3[%select_n3A, %dma_start3A_215, %dma_start3A_216] : memref<2x4x16384xi32, #tpu.memory_space<hbm>> -> memref<1x4x2048xi32, #tpu.memory_space<hbm>>
      %dma_start3A_218 = tpu.memref_squeeze %dma_start3A_217 : memref<1x4x2048xi32, #tpu.memory_space<hbm>> -> memref<4x2048xi32, #tpu.memory_space<hbm>>
      tpu.enqueue_dma source(%dma_start3A_218 : memref<4x2048xi32, #tpu.memory_space<hbm>>) target(%arg8 : memref<4x2048xi32, #tpu.memory_space<vmem>>) target_semaphore(%arg10 : memref<!tpu.dma_semaphore, #tpu.memory_space<semaphore_mem>>)
      %dma_start3A_219 = arith.constant 0 : i32
      %dma_start3A_220 = arith.constant 8192 : i32
      %dma_start3A_221 = tpu.memref_slice %arg4[%select_n3A, %dma_start3A_219, %dma_start3A_220] : memref<2x4x16384xf32, #tpu.memory_space<hbm>> -> memref<1x4x2048xf32, #tpu.memory_space<hbm>>
      %dma_start3A_222 = tpu.memref_squeeze %dma_start3A_221 : memref<1x4x2048xf32, #tpu.memory_space<hbm>> -> memref<4x2048xf32, #tpu.memory_space<hbm>>
      %dma_start3A_223 = arith.constant 0 : i32
      %dma_start3A_224 = arith.constant 8192 : i32
      %dma_start3A_225 = tpu.memref_slice %arg4[%select_n3A, %dma_start3A_223, %dma_start3A_224] : memref<2x4x16384xf32, #tpu.memory_space<hbm>> -> memref<1x4x2048xf32, #tpu.memory_space<hbm>>
      %dma_start3A_226 = tpu.memref_squeeze %dma_start3A_225 : memref<1x4x2048xf32, #tpu.memory_space<hbm>> -> memref<4x2048xf32, #tpu.memory_space<hbm>>
      tpu.enqueue_dma source(%dma_start3A_226 : memref<4x2048xf32, #tpu.memory_space<hbm>>) target(%arg9 : memref<4x2048xf32, #tpu.memory_space<vmem>>) target_semaphore(%arg10 : memref<!tpu.dma_semaphore, #tpu.memory_space<semaphore_mem>>)
      %dma_wait3A_227 = arith.constant 6144 : i32
      %dma_wait3A_228 = tpu.memref_slice %arg2[%select_n3A, %sub3A_28, %dma_wait3A_227] : memref<2x256x16384xf32, #tpu.memory_space<hbm>> -> memref<1x1x2048xf32, #tpu.memory_space<hbm>>
      %dma_wait3A_229 = tpu.memref_squeeze %dma_wait3A_228 : memref<1x1x2048xf32, #tpu.memory_space<hbm>> -> memref<2048xf32, #tpu.memory_space<hbm>>
      %dma_wait3A_230 = arith.constant 6144 : i32
      %dma_wait3A_231 = tpu.memref_slice %arg2[%select_n3A, %sub3A_28, %dma_wait3A_230] : memref<2x256x16384xf32, #tpu.memory_space<hbm>> -> memref<1x1x2048xf32, #tpu.memory_space<hbm>>
      %dma_wait3A_232 = tpu.memref_squeeze %dma_wait3A_231 : memref<1x1x2048xf32, #tpu.memory_space<hbm>> -> memref<2048xf32, #tpu.memory_space<hbm>>
      tpu.wait_dma2 semaphore(%arg14 : memref<!tpu.dma_semaphore, #tpu.memory_space<semaphore_mem>>) src(%dma_wait3A_232 : memref<2048xf32, #tpu.memory_space<hbm>>) dst(%arg11 : memref<2048xf32, #tpu.memory_space<vmem>>)
      %dma_wait3A_233 = arith.constant 0 : i32
      %dma_wait3A_234 = arith.constant 6144 : i32
      %dma_wait3A_235 = tpu.memref_slice %arg3[%select_n3A, %dma_wait3A_233, %dma_wait3A_234] : memref<2x4x16384xi32, #tpu.memory_space<hbm>> -> memref<1x4x2048xi32, #tpu.memory_space<hbm>>
      %dma_wait3A_236 = tpu.memref_squeeze %dma_wait3A_235 : memref<1x4x2048xi32, #tpu.memory_space<hbm>> -> memref<4x2048xi32, #tpu.memory_space<hbm>>
      %dma_wait3A_237 = arith.constant 0 : i32
      %dma_wait3A_238 = arith.constant 6144 : i32
      %dma_wait3A_239 = tpu.memref_slice %arg3[%select_n3A, %dma_wait3A_237, %dma_wait3A_238] : memref<2x4x16384xi32, #tpu.memory_space<hbm>> -> memref<1x4x2048xi32, #tpu.memory_space<hbm>>
      %dma_wait3A_240 = tpu.memref_squeeze %dma_wait3A_239 : memref<1x4x2048xi32, #tpu.memory_space<hbm>> -> memref<4x2048xi32, #tpu.memory_space<hbm>>
      tpu.wait_dma2 semaphore(%arg14 : memref<!tpu.dma_semaphore, #tpu.memory_space<semaphore_mem>>) src(%dma_wait3A_240 : memref<4x2048xi32, #tpu.memory_space<hbm>>) dst(%arg12 : memref<4x2048xi32, #tpu.memory_space<vmem>>)
      %dma_wait3A_241 = arith.constant 0 : i32
      %dma_wait3A_242 = arith.constant 6144 : i32
      %dma_wait3A_243 = tpu.memref_slice %arg4[%select_n3A, %dma_wait3A_241, %dma_wait3A_242] : memref<2x4x16384xf32, #tpu.memory_space<hbm>> -> memref<1x4x2048xf32, #tpu.memory_space<hbm>>
      %dma_wait3A_244 = tpu.memref_squeeze %dma_wait3A_243 : memref<1x4x2048xf32, #tpu.memory_space<hbm>> -> memref<4x2048xf32, #tpu.memory_space<hbm>>
      %dma_wait3A_245 = arith.constant 0 : i32
      %dma_wait3A_246 = arith.constant 6144 : i32
      %dma_wait3A_247 = tpu.memref_slice %arg4[%select_n3A, %dma_wait3A_245, %dma_wait3A_246] : memref<2x4x16384xf32, #tpu.memory_space<hbm>> -> memref<1x4x2048xf32, #tpu.memory_space<hbm>>
      %dma_wait3A_248 = tpu.memref_squeeze %dma_wait3A_247 : memref<1x4x2048xf32, #tpu.memory_space<hbm>> -> memref<4x2048xf32, #tpu.memory_space<hbm>>
      tpu.wait_dma2 semaphore(%arg14 : memref<!tpu.dma_semaphore, #tpu.memory_space<semaphore_mem>>) src(%dma_wait3A_248 : memref<4x2048xf32, #tpu.memory_space<hbm>>) dst(%arg13 : memref<4x2048xf32, #tpu.memory_space<vmem>>)
      %scan3A_249 = arith.constant 0 : i32
      %scan3A_250 = arith.constant 0 : i32
      %scan3A_251 = arith.constant 128 : i32
      %scan3A_252 = arith.addi %scan3A_250, %scan3A_251 : i32
      %scan3A_253 = arith.constant 4 : i32
      scf.for %scan3A_433 = %scan3A_250 to %scan3A_252 step %scan3A_253  : i32 {
        %mul3A_434 = arith.constant 16 : i32
        %mul3A_435 = arith.muli %scan3A_433, %mul3A_434 : i32
        %get3A = arith.index_cast %mul3A_435 : i32 to index
        %get3A_436 = tpu.vector_load %arg11[%get3A] {strides = array<i32>} : memref<2048xf32, #tpu.memory_space<vmem>>, vector<16xf32>,
        %get3A_437 = arith.constant 0 : i32
        %get3A_438 = arith.index_cast %get3A_437 : i32 to index
        %get3A_439 = arith.index_cast %mul3A_435 : i32 to index
        %get3A_440 = tpu.vector_load %arg12[%get3A_438, %get3A_439] {strides = array<i32>} : memref<4x2048xi32, #tpu.memory_space<vmem>>, vector<16xi32>,
        %get3A_441 = arith.constant 0 : i32
        %get3A_442 = arith.index_cast %get3A_441 : i32 to index
        %get3A_443 = arith.index_cast %mul3A_435 : i32 to index
        %get3A_444 = tpu.vector_load %arg13[%get3A_442, %get3A_443] {strides = array<i32>} : memref<4x2048xf32, #tpu.memory_space<vmem>>, vector<16xf32>,
        %shift_right_logical3A = arith.constant 8 : i32
        %shift_right_logical3A_445 = vector.broadcast %shift_right_logical3A : i32 to vector<16xi32>
        %shift_right_logical3A_446 = arith.shrui %get3A_440, %shift_right_logical3A_445 : vector<16xi32>
        %and3A_447 = arith.constant 255 : i32
        %and3A_448 = vector.broadcast %and3A_447 : i32 to vector<16xi32>
        %and3A_449 = arith.andi %get3A_440, %and3A_448 : vector<16xi32>
        %mul3A_450 = arith.mulf %get3A_436, %get3A_444 : vector<16xf32>
        tpu.vector_store_idx %arg6[%shift_right_logical3A_446, %and3A_449], %mul3A_450 {add = true} : memref<256x256xf32, #tpu.memory_space<vmem>>[vector<16xi32>, vector<16xi32>], vector<16xf32>,
        %get3A_451 = arith.constant 1 : i32
        %get3A_452 = arith.index_cast %get3A_451 : i32 to index
        %get3A_453 = arith.index_cast %mul3A_435 : i32 to index
        %get3A_454 = tpu.vector_load %arg12[%get3A_452, %get3A_453] {strides = array<i32>} : memref<4x2048xi32, #tpu.memory_space<vmem>>, vector<16xi32>,
        %get3A_455 = arith.constant 1 : i32
        %get3A_456 = arith.index_cast %get3A_455 : i32 to index
        %get3A_457 = arith.index_cast %mul3A_435 : i32 to index
        %get3A_458 = tpu.vector_load %arg13[%get3A_456, %get3A_457] {strides = array<i32>} : memref<4x2048xf32, #tpu.memory_space<vmem>>, vector<16xf32>,
        %shift_right_logical3A_459 = arith.constant 8 : i32
        %shift_right_logical3A_460 = vector.broadcast %shift_right_logical3A_459 : i32 to vector<16xi32>
        %shift_right_logical3A_461 = arith.shrui %get3A_454, %shift_right_logical3A_460 : vector<16xi32>
        %and3A_462 = arith.constant 255 : i32
        %and3A_463 = vector.broadcast %and3A_462 : i32 to vector<16xi32>
        %and3A_464 = arith.andi %get3A_454, %and3A_463 : vector<16xi32>
        %mul3A_465 = arith.mulf %get3A_436, %get3A_458 : vector<16xf32>
        tpu.vector_store_idx %arg6[%shift_right_logical3A_461, %and3A_464], %mul3A_465 {add = true} : memref<256x256xf32, #tpu.memory_space<vmem>>[vector<16xi32>, vector<16xi32>], vector<16xf32>,
        %get3A_466 = arith.constant 2 : i32
        %get3A_467 = arith.index_cast %get3A_466 : i32 to index
        %get3A_468 = arith.index_cast %mul3A_435 : i32 to index
        %get3A_469 = tpu.vector_load %arg12[%get3A_467, %get3A_468] {strides = array<i32>} : memref<4x2048xi32, #tpu.memory_space<vmem>>, vector<16xi32>,
        %get3A_470 = arith.constant 2 : i32
        %get3A_471 = arith.index_cast %get3A_470 : i32 to index
        %get3A_472 = arith.index_cast %mul3A_435 : i32 to index
        %get3A_473 = tpu.vector_load %arg13[%get3A_471, %get3A_472] {strides = array<i32>} : memref<4x2048xf32, #tpu.memory_space<vmem>>, vector<16xf32>,
        %shift_right_logical3A_474 = arith.constant 8 : i32
        %shift_right_logical3A_475 = vector.broadcast %shift_right_logical3A_474 : i32 to vector<16xi32>
        %shift_right_logical3A_476 = arith.shrui %get3A_469, %shift_right_logical3A_475 : vector<16xi32>
        %and3A_477 = arith.constant 255 : i32
        %and3A_478 = vector.broadcast %and3A_477 : i32 to vector<16xi32>
        %and3A_479 = arith.andi %get3A_469, %and3A_478 : vector<16xi32>
        %mul3A_480 = arith.mulf %get3A_436, %get3A_473 : vector<16xf32>
        tpu.vector_store_idx %arg6[%shift_right_logical3A_476, %and3A_479], %mul3A_480 {add = true} : memref<256x256xf32, #tpu.memory_space<vmem>>[vector<16xi32>, vector<16xi32>], vector<16xf32>,
        %get3A_481 = arith.constant 3 : i32
        %get3A_482 = arith.index_cast %get3A_481 : i32 to index
        %get3A_483 = arith.index_cast %mul3A_435 : i32 to index
        %get3A_484 = tpu.vector_load %arg12[%get3A_482, %get3A_483] {strides = array<i32>} : memref<4x2048xi32, #tpu.memory_space<vmem>>, vector<16xi32>,
        %get3A_485 = arith.constant 3 : i32
        %get3A_486 = arith.index_cast %get3A_485 : i32 to index
        %get3A_487 = arith.index_cast %mul3A_435 : i32 to index
        %get3A_488 = tpu.vector_load %arg13[%get3A_486, %get3A_487] {strides = array<i32>} : memref<4x2048xf32, #tpu.memory_space<vmem>>, vector<16xf32>,
        %shift_right_logical3A_489 = arith.constant 8 : i32
        %shift_right_logical3A_490 = vector.broadcast %shift_right_logical3A_489 : i32 to vector<16xi32>
        %shift_right_logical3A_491 = arith.shrui %get3A_484, %shift_right_logical3A_490 : vector<16xi32>
        %and3A_492 = arith.constant 255 : i32
        %and3A_493 = vector.broadcast %and3A_492 : i32 to vector<16xi32>
        %and3A_494 = arith.andi %get3A_484, %and3A_493 : vector<16xi32>
        %mul3A_495 = arith.mulf %get3A_436, %get3A_488 : vector<16xf32>
        tpu.vector_store_idx %arg6[%shift_right_logical3A_491, %and3A_494], %mul3A_495 {add = true} : memref<256x256xf32, #tpu.memory_space<vmem>>[vector<16xi32>, vector<16xi32>], vector<16xf32>,
        %scan3A_496 = arith.constant 1 : i32
        %scan3A_497 = arith.addi %scan3A_433, %scan3A_496 : i32
        %mul3A_498 = arith.constant 16 : i32
        %mul3A_499 = arith.muli %scan3A_497, %mul3A_498 : i32
        %get3A_500 = arith.index_cast %mul3A_499 : i32 to index
        %get3A_501 = tpu.vector_load %arg11[%get3A_500] {strides = array<i32>} : memref<2048xf32, #tpu.memory_space<vmem>>, vector<16xf32>,
        %get3A_502 = arith.constant 0 : i32
        %get3A_503 = arith.index_cast %get3A_502 : i32 to index
        %get3A_504 = arith.index_cast %mul3A_499 : i32 to index
        %get3A_505 = tpu.vector_load %arg12[%get3A_503, %get3A_504] {strides = array<i32>} : memref<4x2048xi32, #tpu.memory_space<vmem>>, vector<16xi32>,
        %get3A_506 = arith.constant 0 : i32
        %get3A_507 = arith.index_cast %get3A_506 : i32 to index
        %get3A_508 = arith.index_cast %mul3A_499 : i32 to index
        %get3A_509 = tpu.vector_load %arg13[%get3A_507, %get3A_508] {strides = array<i32>} : memref<4x2048xf32, #tpu.memory_space<vmem>>, vector<16xf32>,
        %shift_right_logical3A_510 = arith.constant 8 : i32
        %shift_right_logical3A_511 = vector.broadcast %shift_right_logical3A_510 : i32 to vector<16xi32>
        %shift_right_logical3A_512 = arith.shrui %get3A_505, %shift_right_logical3A_511 : vector<16xi32>
        %and3A_513 = arith.constant 255 : i32
        %and3A_514 = vector.broadcast %and3A_513 : i32 to vector<16xi32>
        %and3A_515 = arith.andi %get3A_505, %and3A_514 : vector<16xi32>
        %mul3A_516 = arith.mulf %get3A_501, %get3A_509 : vector<16xf32>
        tpu.vector_store_idx %arg6[%shift_right_logical3A_512, %and3A_515], %mul3A_516 {add = true} : memref<256x256xf32, #tpu.memory_space<vmem>>[vector<16xi32>, vector<16xi32>], vector<16xf32>,
        %get3A_517 = arith.constant 1 : i32
        %get3A_518 = arith.index_cast %get3A_517 : i32 to index
        %get3A_519 = arith.index_cast %mul3A_499 : i32 to index
        %get3A_520 = tpu.vector_load %arg12[%get3A_518, %get3A_519] {strides = array<i32>} : memref<4x2048xi32, #tpu.memory_space<vmem>>, vector<16xi32>,
        %get3A_521 = arith.constant 1 : i32
        %get3A_522 = arith.index_cast %get3A_521 : i32 to index
        %get3A_523 = arith.index_cast %mul3A_499 : i32 to index
        %get3A_524 = tpu.vector_load %arg13[%get3A_522, %get3A_523] {strides = array<i32>} : memref<4x2048xf32, #tpu.memory_space<vmem>>, vector<16xf32>,
        %shift_right_logical3A_525 = arith.constant 8 : i32
        %shift_right_logical3A_526 = vector.broadcast %shift_right_logical3A_525 : i32 to vector<16xi32>
        %shift_right_logical3A_527 = arith.shrui %get3A_520, %shift_right_logical3A_526 : vector<16xi32>
        %and3A_528 = arith.constant 255 : i32
        %and3A_529 = vector.broadcast %and3A_528 : i32 to vector<16xi32>
        %and3A_530 = arith.andi %get3A_520, %and3A_529 : vector<16xi32>
        %mul3A_531 = arith.mulf %get3A_501, %get3A_524 : vector<16xf32>
        tpu.vector_store_idx %arg6[%shift_right_logical3A_527, %and3A_530], %mul3A_531 {add = true} : memref<256x256xf32, #tpu.memory_space<vmem>>[vector<16xi32>, vector<16xi32>], vector<16xf32>,
        %get3A_532 = arith.constant 2 : i32
        %get3A_533 = arith.index_cast %get3A_532 : i32 to index
        %get3A_534 = arith.index_cast %mul3A_499 : i32 to index
        %get3A_535 = tpu.vector_load %arg12[%get3A_533, %get3A_534] {strides = array<i32>} : memref<4x2048xi32, #tpu.memory_space<vmem>>, vector<16xi32>,
        %get3A_536 = arith.constant 2 : i32
        %get3A_537 = arith.index_cast %get3A_536 : i32 to index
        %get3A_538 = arith.index_cast %mul3A_499 : i32 to index
        %get3A_539 = tpu.vector_load %arg13[%get3A_537, %get3A_538] {strides = array<i32>} : memref<4x2048xf32, #tpu.memory_space<vmem>>, vector<16xf32>,
        %shift_right_logical3A_540 = arith.constant 8 : i32
        %shift_right_logical3A_541 = vector.broadcast %shift_right_logical3A_540 : i32 to vector<16xi32>
        %shift_right_logical3A_542 = arith.shrui %get3A_535, %shift_right_logical3A_541 : vector<16xi32>
        %and3A_543 = arith.constant 255 : i32
        %and3A_544 = vector.broadcast %and3A_543 : i32 to vector<16xi32>
        %and3A_545 = arith.andi %get3A_535, %and3A_544 : vector<16xi32>
        %mul3A_546 = arith.mulf %get3A_501, %get3A_539 : vector<16xf32>
        tpu.vector_store_idx %arg6[%shift_right_logical3A_542, %and3A_545], %mul3A_546 {add = true} : memref<256x256xf32, #tpu.memory_space<vmem>>[vector<16xi32>, vector<16xi32>], vector<16xf32>,
        %get3A_547 = arith.constant 3 : i32
        %get3A_548 = arith.index_cast %get3A_547 : i32 to index
        %get3A_549 = arith.index_cast %mul3A_499 : i32 to index
        %get3A_550 = tpu.vector_load %arg12[%get3A_548, %get3A_549] {strides = array<i32>} : memref<4x2048xi32, #tpu.memory_space<vmem>>, vector<16xi32>,
        %get3A_551 = arith.constant 3 : i32
        %get3A_552 = arith.index_cast %get3A_551 : i32 to index
        %get3A_553 = arith.index_cast %mul3A_499 : i32 to index
        %get3A_554 = tpu.vector_load %arg13[%get3A_552, %get3A_553] {strides = array<i32>} : memref<4x2048xf32, #tpu.memory_space<vmem>>, vector<16xf32>,
        %shift_right_logical3A_555 = arith.constant 8 : i32
        %shift_right_logical3A_556 = vector.broadcast %shift_right_logical3A_555 : i32 to vector<16xi32>
        %shift_right_logical3A_557 = arith.shrui %get3A_550, %shift_right_logical3A_556 : vector<16xi32>
        %and3A_558 = arith.constant 255 : i32
        %and3A_559 = vector.broadcast %and3A_558 : i32 to vector<16xi32>
        %and3A_560 = arith.andi %get3A_550, %and3A_559 : vector<16xi32>
        %mul3A_561 = arith.mulf %get3A_501, %get3A_554 : vector<16xf32>
        tpu.vector_store_idx %arg6[%shift_right_logical3A_557, %and3A_560], %mul3A_561 {add = true} : memref<256x256xf32, #tpu.memory_space<vmem>>[vector<16xi32>, vector<16xi32>], vector<16xf32>,
        %scan3A_562 = arith.constant 2 : i32
        %scan3A_563 = arith.addi %scan3A_433, %scan3A_562 : i32
        %mul3A_564 = arith.constant 16 : i32
        %mul3A_565 = arith.muli %scan3A_563, %mul3A_564 : i32
        %get3A_566 = arith.index_cast %mul3A_565 : i32 to index
        %get3A_567 = tpu.vector_load %arg11[%get3A_566] {strides = array<i32>} : memref<2048xf32, #tpu.memory_space<vmem>>, vector<16xf32>,
        %get3A_568 = arith.constant 0 : i32
        %get3A_569 = arith.index_cast %get3A_568 : i32 to index
        %get3A_570 = arith.index_cast %mul3A_565 : i32 to index
        %get3A_571 = tpu.vector_load %arg12[%get3A_569, %get3A_570] {strides = array<i32>} : memref<4x2048xi32, #tpu.memory_space<vmem>>, vector<16xi32>,
        %get3A_572 = arith.constant 0 : i32
        %get3A_573 = arith.index_cast %get3A_572 : i32 to index
        %get3A_574 = arith.index_cast %mul3A_565 : i32 to index
        %get3A_575 = tpu.vector_load %arg13[%get3A_573, %get3A_574] {strides = array<i32>} : memref<4x2048xf32, #tpu.memory_space<vmem>>, vector<16xf32>,
        %shift_right_logical3A_576 = arith.constant 8 : i32
        %shift_right_logical3A_577 = vector.broadcast %shift_right_logical3A_576 : i32 to vector<16xi32>
        %shift_right_logical3A_578 = arith.shrui %get3A_571, %shift_right_logical3A_577 : vector<16xi32>
        %and3A_579 = arith.constant 255 : i32
        %and3A_580 = vector.broadcast %and3A_579 : i32 to vector<16xi32>
        %and3A_581 = arith.andi %get3A_571, %and3A_580 : vector<16xi32>
        %mul3A_582 = arith.mulf %get3A_567, %get3A_575 : vector<16xf32>
        tpu.vector_store_idx %arg6[%shift_right_logical3A_578, %and3A_581], %mul3A_582 {add = true} : memref<256x256xf32, #tpu.memory_space<vmem>>[vector<16xi32>, vector<16xi32>], vector<16xf32>,
        %get3A_583 = arith.constant 1 : i32
        %get3A_584 = arith.index_cast %get3A_583 : i32 to index
        %get3A_585 = arith.index_cast %mul3A_565 : i32 to index
        %get3A_586 = tpu.vector_load %arg12[%get3A_584, %get3A_585] {strides = array<i32>} : memref<4x2048xi32, #tpu.memory_space<vmem>>, vector<16xi32>,
        %get3A_587 = arith.constant 1 : i32
        %get3A_588 = arith.index_cast %get3A_587 : i32 to index
        %get3A_589 = arith.index_cast %mul3A_565 : i32 to index
        %get3A_590 = tpu.vector_load %arg13[%get3A_588, %get3A_589] {strides = array<i32>} : memref<4x2048xf32, #tpu.memory_space<vmem>>, vector<16xf32>,
        %shift_right_logical3A_591 = arith.constant 8 : i32
        %shift_right_logical3A_592 = vector.broadcast %shift_right_logical3A_591 : i32 to vector<16xi32>
        %shift_right_logical3A_593 = arith.shrui %get3A_586, %shift_right_logical3A_592 : vector<16xi32>
        %and3A_594 = arith.constant 255 : i32
        %and3A_595 = vector.broadcast %and3A_594 : i32 to vector<16xi32>
        %and3A_596 = arith.andi %get3A_586, %and3A_595 : vector<16xi32>
        %mul3A_597 = arith.mulf %get3A_567, %get3A_590 : vector<16xf32>
        tpu.vector_store_idx %arg6[%shift_right_logical3A_593, %and3A_596], %mul3A_597 {add = true} : memref<256x256xf32, #tpu.memory_space<vmem>>[vector<16xi32>, vector<16xi32>], vector<16xf32>,
        %get3A_598 = arith.constant 2 : i32
        %get3A_599 = arith.index_cast %get3A_598 : i32 to index
        %get3A_600 = arith.index_cast %mul3A_565 : i32 to index
        %get3A_601 = tpu.vector_load %arg12[%get3A_599, %get3A_600] {strides = array<i32>} : memref<4x2048xi32, #tpu.memory_space<vmem>>, vector<16xi32>,
        %get3A_602 = arith.constant 2 : i32
        %get3A_603 = arith.index_cast %get3A_602 : i32 to index
        %get3A_604 = arith.index_cast %mul3A_565 : i32 to index
        %get3A_605 = tpu.vector_load %arg13[%get3A_603, %get3A_604] {strides = array<i32>} : memref<4x2048xf32, #tpu.memory_space<vmem>>, vector<16xf32>,
        %shift_right_logical3A_606 = arith.constant 8 : i32
        %shift_right_logical3A_607 = vector.broadcast %shift_right_logical3A_606 : i32 to vector<16xi32>
        %shift_right_logical3A_608 = arith.shrui %get3A_601, %shift_right_logical3A_607 : vector<16xi32>
        %and3A_609 = arith.constant 255 : i32
        %and3A_610 = vector.broadcast %and3A_609 : i32 to vector<16xi32>
        %and3A_611 = arith.andi %get3A_601, %and3A_610 : vector<16xi32>
        %mul3A_612 = arith.mulf %get3A_567, %get3A_605 : vector<16xf32>
        tpu.vector_store_idx %arg6[%shift_right_logical3A_608, %and3A_611], %mul3A_612 {add = true} : memref<256x256xf32, #tpu.memory_space<vmem>>[vector<16xi32>, vector<16xi32>], vector<16xf32>,
        %get3A_613 = arith.constant 3 : i32
        %get3A_614 = arith.index_cast %get3A_613 : i32 to index
        %get3A_615 = arith.index_cast %mul3A_565 : i32 to index
        %get3A_616 = tpu.vector_load %arg12[%get3A_614, %get3A_615] {strides = array<i32>} : memref<4x2048xi32, #tpu.memory_space<vmem>>, vector<16xi32>,
        %get3A_617 = arith.constant 3 : i32
        %get3A_618 = arith.index_cast %get3A_617 : i32 to index
        %get3A_619 = arith.index_cast %mul3A_565 : i32 to index
        %get3A_620 = tpu.vector_load %arg13[%get3A_618, %get3A_619] {strides = array<i32>} : memref<4x2048xf32, #tpu.memory_space<vmem>>, vector<16xf32>,
        %shift_right_logical3A_621 = arith.constant 8 : i32
        %shift_right_logical3A_622 = vector.broadcast %shift_right_logical3A_621 : i32 to vector<16xi32>
        %shift_right_logical3A_623 = arith.shrui %get3A_616, %shift_right_logical3A_622 : vector<16xi32>
        %and3A_624 = arith.constant 255 : i32
        %and3A_625 = vector.broadcast %and3A_624 : i32 to vector<16xi32>
        %and3A_626 = arith.andi %get3A_616, %and3A_625 : vector<16xi32>
        %mul3A_627 = arith.mulf %get3A_567, %get3A_620 : vector<16xf32>
        tpu.vector_store_idx %arg6[%shift_right_logical3A_623, %and3A_626], %mul3A_627 {add = true} : memref<256x256xf32, #tpu.memory_space<vmem>>[vector<16xi32>, vector<16xi32>], vector<16xf32>,
        %scan3A_628 = arith.constant 3 : i32
        %scan3A_629 = arith.addi %scan3A_433, %scan3A_628 : i32
        %mul3A_630 = arith.constant 16 : i32
        %mul3A_631 = arith.muli %scan3A_629, %mul3A_630 : i32
        %get3A_632 = arith.index_cast %mul3A_631 : i32 to index
        %get3A_633 = tpu.vector_load %arg11[%get3A_632] {strides = array<i32>} : memref<2048xf32, #tpu.memory_space<vmem>>, vector<16xf32>,
        %get3A_634 = arith.constant 0 : i32
        %get3A_635 = arith.index_cast %get3A_634 : i32 to index
        %get3A_636 = arith.index_cast %mul3A_631 : i32 to index
        %get3A_637 = tpu.vector_load %arg12[%get3A_635, %get3A_636] {strides = array<i32>} : memref<4x2048xi32, #tpu.memory_space<vmem>>, vector<16xi32>,
        %get3A_638 = arith.constant 0 : i32
        %get3A_639 = arith.index_cast %get3A_638 : i32 to index
        %get3A_640 = arith.index_cast %mul3A_631 : i32 to index
        %get3A_641 = tpu.vector_load %arg13[%get3A_639, %get3A_640] {strides = array<i32>} : memref<4x2048xf32, #tpu.memory_space<vmem>>, vector<16xf32>,
        %shift_right_logical3A_642 = arith.constant 8 : i32
        %shift_right_logical3A_643 = vector.broadcast %shift_right_logical3A_642 : i32 to vector<16xi32>
        %shift_right_logical3A_644 = arith.shrui %get3A_637, %shift_right_logical3A_643 : vector<16xi32>
        %and3A_645 = arith.constant 255 : i32
        %and3A_646 = vector.broadcast %and3A_645 : i32 to vector<16xi32>
        %and3A_647 = arith.andi %get3A_637, %and3A_646 : vector<16xi32>
        %mul3A_648 = arith.mulf %get3A_633, %get3A_641 : vector<16xf32>
        tpu.vector_store_idx %arg6[%shift_right_logical3A_644, %and3A_647], %mul3A_648 {add = true} : memref<256x256xf32, #tpu.memory_space<vmem>>[vector<16xi32>, vector<16xi32>], vector<16xf32>,
        %get3A_649 = arith.constant 1 : i32
        %get3A_650 = arith.index_cast %get3A_649 : i32 to index
        %get3A_651 = arith.index_cast %mul3A_631 : i32 to index
        %get3A_652 = tpu.vector_load %arg12[%get3A_650, %get3A_651] {strides = array<i32>} : memref<4x2048xi32, #tpu.memory_space<vmem>>, vector<16xi32>,
        %get3A_653 = arith.constant 1 : i32
        %get3A_654 = arith.index_cast %get3A_653 : i32 to index
        %get3A_655 = arith.index_cast %mul3A_631 : i32 to index
        %get3A_656 = tpu.vector_load %arg13[%get3A_654, %get3A_655] {strides = array<i32>} : memref<4x2048xf32, #tpu.memory_space<vmem>>, vector<16xf32>,
        %shift_right_logical3A_657 = arith.constant 8 : i32
        %shift_right_logical3A_658 = vector.broadcast %shift_right_logical3A_657 : i32 to vector<16xi32>
        %shift_right_logical3A_659 = arith.shrui %get3A_652, %shift_right_logical3A_658 : vector<16xi32>
        %and3A_660 = arith.constant 255 : i32
        %and3A_661 = vector.broadcast %and3A_660 : i32 to vector<16xi32>
        %and3A_662 = arith.andi %get3A_652, %and3A_661 : vector<16xi32>
        %mul3A_663 = arith.mulf %get3A_633, %get3A_656 : vector<16xf32>
        tpu.vector_store_idx %arg6[%shift_right_logical3A_659, %and3A_662], %mul3A_663 {add = true} : memref<256x256xf32, #tpu.memory_space<vmem>>[vector<16xi32>, vector<16xi32>], vector<16xf32>,
        %get3A_664 = arith.constant 2 : i32
        %get3A_665 = arith.index_cast %get3A_664 : i32 to index
        %get3A_666 = arith.index_cast %mul3A_631 : i32 to index
        %get3A_667 = tpu.vector_load %arg12[%get3A_665, %get3A_666] {strides = array<i32>} : memref<4x2048xi32, #tpu.memory_space<vmem>>, vector<16xi32>,
        %get3A_668 = arith.constant 2 : i32
        %get3A_669 = arith.index_cast %get3A_668 : i32 to index
        %get3A_670 = arith.index_cast %mul3A_631 : i32 to index
        %get3A_671 = tpu.vector_load %arg13[%get3A_669, %get3A_670] {strides = array<i32>} : memref<4x2048xf32, #tpu.memory_space<vmem>>, vector<16xf32>,
        %shift_right_logical3A_672 = arith.constant 8 : i32
        %shift_right_logical3A_673 = vector.broadcast %shift_right_logical3A_672 : i32 to vector<16xi32>
        %shift_right_logical3A_674 = arith.shrui %get3A_667, %shift_right_logical3A_673 : vector<16xi32>
        %and3A_675 = arith.constant 255 : i32
        %and3A_676 = vector.broadcast %and3A_675 : i32 to vector<16xi32>
        %and3A_677 = arith.andi %get3A_667, %and3A_676 : vector<16xi32>
        %mul3A_678 = arith.mulf %get3A_633, %get3A_671 : vector<16xf32>
        tpu.vector_store_idx %arg6[%shift_right_logical3A_674, %and3A_677], %mul3A_678 {add = true} : memref<256x256xf32, #tpu.memory_space<vmem>>[vector<16xi32>, vector<16xi32>], vector<16xf32>,
        %get3A_679 = arith.constant 3 : i32
        %get3A_680 = arith.index_cast %get3A_679 : i32 to index
        %get3A_681 = arith.index_cast %mul3A_631 : i32 to index
        %get3A_682 = tpu.vector_load %arg12[%get3A_680, %get3A_681] {strides = array<i32>} : memref<4x2048xi32, #tpu.memory_space<vmem>>, vector<16xi32>,
        %get3A_683 = arith.constant 3 : i32
        %get3A_684 = arith.index_cast %get3A_683 : i32 to index
        %get3A_685 = arith.index_cast %mul3A_631 : i32 to index
        %get3A_686 = tpu.vector_load %arg13[%get3A_684, %get3A_685] {strides = array<i32>} : memref<4x2048xf32, #tpu.memory_space<vmem>>, vector<16xf32>,
        %shift_right_logical3A_687 = arith.constant 8 : i32
        %shift_right_logical3A_688 = vector.broadcast %shift_right_logical3A_687 : i32 to vector<16xi32>
        %shift_right_logical3A_689 = arith.shrui %get3A_682, %shift_right_logical3A_688 : vector<16xi32>
        %and3A_690 = arith.constant 255 : i32
        %and3A_691 = vector.broadcast %and3A_690 : i32 to vector<16xi32>
        %and3A_692 = arith.andi %get3A_682, %and3A_691 : vector<16xi32>
        %mul3A_693 = arith.mulf %get3A_633, %get3A_686 : vector<16xf32>
        tpu.vector_store_idx %arg6[%shift_right_logical3A_689, %and3A_692], %mul3A_693 {add = true} : memref<256x256xf32, #tpu.memory_space<vmem>>[vector<16xi32>, vector<16xi32>], vector<16xf32>,
      }
      %scan3A_254 = arith.constant 128 : i32
      %dma_start3A_255 = arith.constant 10240 : i32
      %dma_start3A_256 = tpu.memref_slice %arg2[%select_n3A, %sub3A_28, %dma_start3A_255] : memref<2x256x16384xf32, #tpu.memory_space<hbm>> -> memref<1x1x2048xf32, #tpu.memory_space<hbm>>
      %dma_start3A_257 = tpu.memref_squeeze %dma_start3A_256 : memref<1x1x2048xf32, #tpu.memory_space<hbm>> -> memref<2048xf32, #tpu.memory_space<hbm>>
      %dma_start3A_258 = arith.constant 10240 : i32
      %dma_start3A_259 = tpu.memref_slice %arg2[%select_n3A, %sub3A_28, %dma_start3A_258] : memref<2x256x16384xf32, #tpu.memory_space<hbm>> -> memref<1x1x2048xf32, #tpu.memory_space<hbm>>
      %dma_start3A_260 = tpu.memref_squeeze %dma_start3A_259 : memref<1x1x2048xf32, #tpu.memory_space<hbm>> -> memref<2048xf32, #tpu.memory_space<hbm>>
      tpu.enqueue_dma source(%dma_start3A_260 : memref<2048xf32, #tpu.memory_space<hbm>>) target(%arg11 : memref<2048xf32, #tpu.memory_space<vmem>>) target_semaphore(%arg14 : memref<!tpu.dma_semaphore, #tpu.memory_space<semaphore_mem>>)
      %dma_start3A_261 = arith.constant 0 : i32
      %dma_start3A_262 = arith.constant 10240 : i32
      %dma_start3A_263 = tpu.memref_slice %arg3[%select_n3A, %dma_start3A_261, %dma_start3A_262] : memref<2x4x16384xi32, #tpu.memory_space<hbm>> -> memref<1x4x2048xi32, #tpu.memory_space<hbm>>
      %dma_start3A_264 = tpu.memref_squeeze %dma_start3A_263 : memref<1x4x2048xi32, #tpu.memory_space<hbm>> -> memref<4x2048xi32, #tpu.memory_space<hbm>>
      %dma_start3A_265 = arith.constant 0 : i32
      %dma_start3A_266 = arith.constant 10240 : i32
      %dma_start3A_267 = tpu.memref_slice %arg3[%select_n3A, %dma_start3A_265, %dma_start3A_266] : memref<2x4x16384xi32, #tpu.memory_space<hbm>> -> memref<1x4x2048xi32, #tpu.memory_space<hbm>>
      %dma_start3A_268 = tpu.memref_squeeze %dma_start3A_267 : memref<1x4x2048xi32, #tpu.memory_space<hbm>> -> memref<4x2048xi32, #tpu.memory_space<hbm>>
      tpu.enqueue_dma source(%dma_start3A_268 : memref<4x2048xi32, #tpu.memory_space<hbm>>) target(%arg12 : memref<4x2048xi32, #tpu.memory_space<vmem>>) target_semaphore(%arg14 : memref<!tpu.dma_semaphore, #tpu.memory_space<semaphore_mem>>)
      %dma_start3A_269 = arith.constant 0 : i32
      %dma_start3A_270 = arith.constant 10240 : i32
      %dma_start3A_271 = tpu.memref_slice %arg4[%select_n3A, %dma_start3A_269, %dma_start3A_270] : memref<2x4x16384xf32, #tpu.memory_space<hbm>> -> memref<1x4x2048xf32, #tpu.memory_space<hbm>>
      %dma_start3A_272 = tpu.memref_squeeze %dma_start3A_271 : memref<1x4x2048xf32, #tpu.memory_space<hbm>> -> memref<4x2048xf32, #tpu.memory_space<hbm>>
      %dma_start3A_273 = arith.constant 0 : i32
      %dma_start3A_274 = arith.constant 10240 : i32
      %dma_start3A_275 = tpu.memref_slice %arg4[%select_n3A, %dma_start3A_273, %dma_start3A_274] : memref<2x4x16384xf32, #tpu.memory_space<hbm>> -> memref<1x4x2048xf32, #tpu.memory_space<hbm>>
      %dma_start3A_276 = tpu.memref_squeeze %dma_start3A_275 : memref<1x4x2048xf32, #tpu.memory_space<hbm>> -> memref<4x2048xf32, #tpu.memory_space<hbm>>
      tpu.enqueue_dma source(%dma_start3A_276 : memref<4x2048xf32, #tpu.memory_space<hbm>>) target(%arg13 : memref<4x2048xf32, #tpu.memory_space<vmem>>) target_semaphore(%arg14 : memref<!tpu.dma_semaphore, #tpu.memory_space<semaphore_mem>>)
      %dma_wait3A_277 = arith.constant 8192 : i32
      %dma_wait3A_278 = tpu.memref_slice %arg2[%select_n3A, %sub3A_28, %dma_wait3A_277] : memref<2x256x16384xf32, #tpu.memory_space<hbm>> -> memref<1x1x2048xf32, #tpu.memory_space<hbm>>
      %dma_wait3A_279 = tpu.memref_squeeze %dma_wait3A_278 : memref<1x1x2048xf32, #tpu.memory_space<hbm>> -> memref<2048xf32, #tpu.memory_space<hbm>>
      %dma_wait3A_280 = arith.constant 8192 : i32
      %dma_wait3A_281 = tpu.memref_slice %arg2[%select_n3A, %sub3A_28, %dma_wait3A_280] : memref<2x256x16384xf32, #tpu.memory_space<hbm>> -> memref<1x1x2048xf32, #tpu.memory_space<hbm>>
      %dma_wait3A_282 = tpu.memref_squeeze %dma_wait3A_281 : memref<1x1x2048xf32, #tpu.memory_space<hbm>> -> memref<2048xf32, #tpu.memory_space<hbm>>
      tpu.wait_dma2 semaphore(%arg10 : memref<!tpu.dma_semaphore, #tpu.memory_space<semaphore_mem>>) src(%dma_wait3A_282 : memref<2048xf32, #tpu.memory_space<hbm>>) dst(%arg7 : memref<2048xf32, #tpu.memory_space<vmem>>)
      %dma_wait3A_283 = arith.constant 0 : i32
      %dma_wait3A_284 = arith.constant 8192 : i32
      %dma_wait3A_285 = tpu.memref_slice %arg3[%select_n3A, %dma_wait3A_283, %dma_wait3A_284] : memref<2x4x16384xi32, #tpu.memory_space<hbm>> -> memref<1x4x2048xi32, #tpu.memory_space<hbm>>
      %dma_wait3A_286 = tpu.memref_squeeze %dma_wait3A_285 : memref<1x4x2048xi32, #tpu.memory_space<hbm>> -> memref<4x2048xi32, #tpu.memory_space<hbm>>
      %dma_wait3A_287 = arith.constant 0 : i32
      %dma_wait3A_288 = arith.constant 8192 : i32
      %dma_wait3A_289 = tpu.memref_slice %arg3[%select_n3A, %dma_wait3A_287, %dma_wait3A_288] : memref<2x4x16384xi32, #tpu.memory_space<hbm>> -> memref<1x4x2048xi32, #tpu.memory_space<hbm>>
      %dma_wait3A_290 = tpu.memref_squeeze %dma_wait3A_289 : memref<1x4x2048xi32, #tpu.memory_space<hbm>> -> memref<4x2048xi32, #tpu.memory_space<hbm>>
      tpu.wait_dma2 semaphore(%arg10 : memref<!tpu.dma_semaphore, #tpu.memory_space<semaphore_mem>>) src(%dma_wait3A_290 : memref<4x2048xi32, #tpu.memory_space<hbm>>) dst(%arg8 : memref<4x2048xi32, #tpu.memory_space<vmem>>)
      %dma_wait3A_291 = arith.constant 0 : i32
      %dma_wait3A_292 = arith.constant 8192 : i32
      %dma_wait3A_293 = tpu.memref_slice %arg4[%select_n3A, %dma_wait3A_291, %dma_wait3A_292] : memref<2x4x16384xf32, #tpu.memory_space<hbm>> -> memref<1x4x2048xf32, #tpu.memory_space<hbm>>
      %dma_wait3A_294 = tpu.memref_squeeze %dma_wait3A_293 : memref<1x4x2048xf32, #tpu.memory_space<hbm>> -> memref<4x2048xf32, #tpu.memory_space<hbm>>
      %dma_wait3A_295 = arith.constant 0 : i32
      %dma_wait3A_296 = arith.constant 8192 : i32
      %dma_wait3A_297 = tpu.memref_slice %arg4[%select_n3A, %dma_wait3A_295, %dma_wait3A_296] : memref<2x4x16384xf32, #tpu.memory_space<hbm>> -> memref<1x4x2048xf32, #tpu.memory_space<hbm>>
      %dma_wait3A_298 = tpu.memref_squeeze %dma_wait3A_297 : memref<1x4x2048xf32, #tpu.memory_space<hbm>> -> memref<4x2048xf32, #tpu.memory_space<hbm>>
      tpu.wait_dma2 semaphore(%arg10 : memref<!tpu.dma_semaphore, #tpu.memory_space<semaphore_mem>>) src(%dma_wait3A_298 : memref<4x2048xf32, #tpu.memory_space<hbm>>) dst(%arg9 : memref<4x2048xf32, #tpu.memory_space<vmem>>)
      %scan3A_299 = arith.constant 0 : i32
      %scan3A_300 = arith.constant 0 : i32
      %scan3A_301 = arith.constant 128 : i32
      %scan3A_302 = arith.addi %scan3A_300, %scan3A_301 : i32
      %scan3A_303 = arith.constant 4 : i32
      scf.for %scan3A_433 = %scan3A_300 to %scan3A_302 step %scan3A_303  : i32 {
        %mul3A_434 = arith.constant 16 : i32
        %mul3A_435 = arith.muli %scan3A_433, %mul3A_434 : i32
        %get3A = arith.index_cast %mul3A_435 : i32 to index
        %get3A_436 = tpu.vector_load %arg7[%get3A] {strides = array<i32>} : memref<2048xf32, #tpu.memory_space<vmem>>, vector<16xf32>,
        %get3A_437 = arith.constant 0 : i32
        %get3A_438 = arith.index_cast %get3A_437 : i32 to index
        %get3A_439 = arith.index_cast %mul3A_435 : i32 to index
        %get3A_440 = tpu.vector_load %arg8[%get3A_438, %get3A_439] {strides = array<i32>} : memref<4x2048xi32, #tpu.memory_space<vmem>>, vector<16xi32>,
        %get3A_441 = arith.constant 0 : i32
        %get3A_442 = arith.index_cast %get3A_441 : i32 to index
        %get3A_443 = arith.index_cast %mul3A_435 : i32 to index
        %get3A_444 = tpu.vector_load %arg9[%get3A_442, %get3A_443] {strides = array<i32>} : memref<4x2048xf32, #tpu.memory_space<vmem>>, vector<16xf32>,
        %shift_right_logical3A = arith.constant 8 : i32
        %shift_right_logical3A_445 = vector.broadcast %shift_right_logical3A : i32 to vector<16xi32>
        %shift_right_logical3A_446 = arith.shrui %get3A_440, %shift_right_logical3A_445 : vector<16xi32>
        %and3A_447 = arith.constant 255 : i32
        %and3A_448 = vector.broadcast %and3A_447 : i32 to vector<16xi32>
        %and3A_449 = arith.andi %get3A_440, %and3A_448 : vector<16xi32>
        %mul3A_450 = arith.mulf %get3A_436, %get3A_444 : vector<16xf32>
        tpu.vector_store_idx %arg6[%shift_right_logical3A_446, %and3A_449], %mul3A_450 {add = true} : memref<256x256xf32, #tpu.memory_space<vmem>>[vector<16xi32>, vector<16xi32>], vector<16xf32>,
        %get3A_451 = arith.constant 1 : i32
        %get3A_452 = arith.index_cast %get3A_451 : i32 to index
        %get3A_453 = arith.index_cast %mul3A_435 : i32 to index
        %get3A_454 = tpu.vector_load %arg8[%get3A_452, %get3A_453] {strides = array<i32>} : memref<4x2048xi32, #tpu.memory_space<vmem>>, vector<16xi32>,
        %get3A_455 = arith.constant 1 : i32
        %get3A_456 = arith.index_cast %get3A_455 : i32 to index
        %get3A_457 = arith.index_cast %mul3A_435 : i32 to index
        %get3A_458 = tpu.vector_load %arg9[%get3A_456, %get3A_457] {strides = array<i32>} : memref<4x2048xf32, #tpu.memory_space<vmem>>, vector<16xf32>,
        %shift_right_logical3A_459 = arith.constant 8 : i32
        %shift_right_logical3A_460 = vector.broadcast %shift_right_logical3A_459 : i32 to vector<16xi32>
        %shift_right_logical3A_461 = arith.shrui %get3A_454, %shift_right_logical3A_460 : vector<16xi32>
        %and3A_462 = arith.constant 255 : i32
        %and3A_463 = vector.broadcast %and3A_462 : i32 to vector<16xi32>
        %and3A_464 = arith.andi %get3A_454, %and3A_463 : vector<16xi32>
        %mul3A_465 = arith.mulf %get3A_436, %get3A_458 : vector<16xf32>
        tpu.vector_store_idx %arg6[%shift_right_logical3A_461, %and3A_464], %mul3A_465 {add = true} : memref<256x256xf32, #tpu.memory_space<vmem>>[vector<16xi32>, vector<16xi32>], vector<16xf32>,
        %get3A_466 = arith.constant 2 : i32
        %get3A_467 = arith.index_cast %get3A_466 : i32 to index
        %get3A_468 = arith.index_cast %mul3A_435 : i32 to index
        %get3A_469 = tpu.vector_load %arg8[%get3A_467, %get3A_468] {strides = array<i32>} : memref<4x2048xi32, #tpu.memory_space<vmem>>, vector<16xi32>,
        %get3A_470 = arith.constant 2 : i32
        %get3A_471 = arith.index_cast %get3A_470 : i32 to index
        %get3A_472 = arith.index_cast %mul3A_435 : i32 to index
        %get3A_473 = tpu.vector_load %arg9[%get3A_471, %get3A_472] {strides = array<i32>} : memref<4x2048xf32, #tpu.memory_space<vmem>>, vector<16xf32>,
        %shift_right_logical3A_474 = arith.constant 8 : i32
        %shift_right_logical3A_475 = vector.broadcast %shift_right_logical3A_474 : i32 to vector<16xi32>
        %shift_right_logical3A_476 = arith.shrui %get3A_469, %shift_right_logical3A_475 : vector<16xi32>
        %and3A_477 = arith.constant 255 : i32
        %and3A_478 = vector.broadcast %and3A_477 : i32 to vector<16xi32>
        %and3A_479 = arith.andi %get3A_469, %and3A_478 : vector<16xi32>
        %mul3A_480 = arith.mulf %get3A_436, %get3A_473 : vector<16xf32>
        tpu.vector_store_idx %arg6[%shift_right_logical3A_476, %and3A_479], %mul3A_480 {add = true} : memref<256x256xf32, #tpu.memory_space<vmem>>[vector<16xi32>, vector<16xi32>], vector<16xf32>,
        %get3A_481 = arith.constant 3 : i32
        %get3A_482 = arith.index_cast %get3A_481 : i32 to index
        %get3A_483 = arith.index_cast %mul3A_435 : i32 to index
        %get3A_484 = tpu.vector_load %arg8[%get3A_482, %get3A_483] {strides = array<i32>} : memref<4x2048xi32, #tpu.memory_space<vmem>>, vector<16xi32>,
        %get3A_485 = arith.constant 3 : i32
        %get3A_486 = arith.index_cast %get3A_485 : i32 to index
        %get3A_487 = arith.index_cast %mul3A_435 : i32 to index
        %get3A_488 = tpu.vector_load %arg9[%get3A_486, %get3A_487] {strides = array<i32>} : memref<4x2048xf32, #tpu.memory_space<vmem>>, vector<16xf32>,
        %shift_right_logical3A_489 = arith.constant 8 : i32
        %shift_right_logical3A_490 = vector.broadcast %shift_right_logical3A_489 : i32 to vector<16xi32>
        %shift_right_logical3A_491 = arith.shrui %get3A_484, %shift_right_logical3A_490 : vector<16xi32>
        %and3A_492 = arith.constant 255 : i32
        %and3A_493 = vector.broadcast %and3A_492 : i32 to vector<16xi32>
        %and3A_494 = arith.andi %get3A_484, %and3A_493 : vector<16xi32>
        %mul3A_495 = arith.mulf %get3A_436, %get3A_488 : vector<16xf32>
        tpu.vector_store_idx %arg6[%shift_right_logical3A_491, %and3A_494], %mul3A_495 {add = true} : memref<256x256xf32, #tpu.memory_space<vmem>>[vector<16xi32>, vector<16xi32>], vector<16xf32>,
        %scan3A_496 = arith.constant 1 : i32
        %scan3A_497 = arith.addi %scan3A_433, %scan3A_496 : i32
        %mul3A_498 = arith.constant 16 : i32
        %mul3A_499 = arith.muli %scan3A_497, %mul3A_498 : i32
        %get3A_500 = arith.index_cast %mul3A_499 : i32 to index
        %get3A_501 = tpu.vector_load %arg7[%get3A_500] {strides = array<i32>} : memref<2048xf32, #tpu.memory_space<vmem>>, vector<16xf32>,
        %get3A_502 = arith.constant 0 : i32
        %get3A_503 = arith.index_cast %get3A_502 : i32 to index
        %get3A_504 = arith.index_cast %mul3A_499 : i32 to index
        %get3A_505 = tpu.vector_load %arg8[%get3A_503, %get3A_504] {strides = array<i32>} : memref<4x2048xi32, #tpu.memory_space<vmem>>, vector<16xi32>,
        %get3A_506 = arith.constant 0 : i32
        %get3A_507 = arith.index_cast %get3A_506 : i32 to index
        %get3A_508 = arith.index_cast %mul3A_499 : i32 to index
        %get3A_509 = tpu.vector_load %arg9[%get3A_507, %get3A_508] {strides = array<i32>} : memref<4x2048xf32, #tpu.memory_space<vmem>>, vector<16xf32>,
        %shift_right_logical3A_510 = arith.constant 8 : i32
        %shift_right_logical3A_511 = vector.broadcast %shift_right_logical3A_510 : i32 to vector<16xi32>
        %shift_right_logical3A_512 = arith.shrui %get3A_505, %shift_right_logical3A_511 : vector<16xi32>
        %and3A_513 = arith.constant 255 : i32
        %and3A_514 = vector.broadcast %and3A_513 : i32 to vector<16xi32>
        %and3A_515 = arith.andi %get3A_505, %and3A_514 : vector<16xi32>
        %mul3A_516 = arith.mulf %get3A_501, %get3A_509 : vector<16xf32>
        tpu.vector_store_idx %arg6[%shift_right_logical3A_512, %and3A_515], %mul3A_516 {add = true} : memref<256x256xf32, #tpu.memory_space<vmem>>[vector<16xi32>, vector<16xi32>], vector<16xf32>,
        %get3A_517 = arith.constant 1 : i32
        %get3A_518 = arith.index_cast %get3A_517 : i32 to index
        %get3A_519 = arith.index_cast %mul3A_499 : i32 to index
        %get3A_520 = tpu.vector_load %arg8[%get3A_518, %get3A_519] {strides = array<i32>} : memref<4x2048xi32, #tpu.memory_space<vmem>>, vector<16xi32>,
        %get3A_521 = arith.constant 1 : i32
        %get3A_522 = arith.index_cast %get3A_521 : i32 to index
        %get3A_523 = arith.index_cast %mul3A_499 : i32 to index
        %get3A_524 = tpu.vector_load %arg9[%get3A_522, %get3A_523] {strides = array<i32>} : memref<4x2048xf32, #tpu.memory_space<vmem>>, vector<16xf32>,
        %shift_right_logical3A_525 = arith.constant 8 : i32
        %shift_right_logical3A_526 = vector.broadcast %shift_right_logical3A_525 : i32 to vector<16xi32>
        %shift_right_logical3A_527 = arith.shrui %get3A_520, %shift_right_logical3A_526 : vector<16xi32>
        %and3A_528 = arith.constant 255 : i32
        %and3A_529 = vector.broadcast %and3A_528 : i32 to vector<16xi32>
        %and3A_530 = arith.andi %get3A_520, %and3A_529 : vector<16xi32>
        %mul3A_531 = arith.mulf %get3A_501, %get3A_524 : vector<16xf32>
        tpu.vector_store_idx %arg6[%shift_right_logical3A_527, %and3A_530], %mul3A_531 {add = true} : memref<256x256xf32, #tpu.memory_space<vmem>>[vector<16xi32>, vector<16xi32>], vector<16xf32>,
        %get3A_532 = arith.constant 2 : i32
        %get3A_533 = arith.index_cast %get3A_532 : i32 to index
        %get3A_534 = arith.index_cast %mul3A_499 : i32 to index
        %get3A_535 = tpu.vector_load %arg8[%get3A_533, %get3A_534] {strides = array<i32>} : memref<4x2048xi32, #tpu.memory_space<vmem>>, vector<16xi32>,
        %get3A_536 = arith.constant 2 : i32
        %get3A_537 = arith.index_cast %get3A_536 : i32 to index
        %get3A_538 = arith.index_cast %mul3A_499 : i32 to index
        %get3A_539 = tpu.vector_load %arg9[%get3A_537, %get3A_538] {strides = array<i32>} : memref<4x2048xf32, #tpu.memory_space<vmem>>, vector<16xf32>,
        %shift_right_logical3A_540 = arith.constant 8 : i32
        %shift_right_logical3A_541 = vector.broadcast %shift_right_logical3A_540 : i32 to vector<16xi32>
        %shift_right_logical3A_542 = arith.shrui %get3A_535, %shift_right_logical3A_541 : vector<16xi32>
        %and3A_543 = arith.constant 255 : i32
        %and3A_544 = vector.broadcast %and3A_543 : i32 to vector<16xi32>
        %and3A_545 = arith.andi %get3A_535, %and3A_544 : vector<16xi32>
        %mul3A_546 = arith.mulf %get3A_501, %get3A_539 : vector<16xf32>
        tpu.vector_store_idx %arg6[%shift_right_logical3A_542, %and3A_545], %mul3A_546 {add = true} : memref<256x256xf32, #tpu.memory_space<vmem>>[vector<16xi32>, vector<16xi32>], vector<16xf32>,
        %get3A_547 = arith.constant 3 : i32
        %get3A_548 = arith.index_cast %get3A_547 : i32 to index
        %get3A_549 = arith.index_cast %mul3A_499 : i32 to index
        %get3A_550 = tpu.vector_load %arg8[%get3A_548, %get3A_549] {strides = array<i32>} : memref<4x2048xi32, #tpu.memory_space<vmem>>, vector<16xi32>,
        %get3A_551 = arith.constant 3 : i32
        %get3A_552 = arith.index_cast %get3A_551 : i32 to index
        %get3A_553 = arith.index_cast %mul3A_499 : i32 to index
        %get3A_554 = tpu.vector_load %arg9[%get3A_552, %get3A_553] {strides = array<i32>} : memref<4x2048xf32, #tpu.memory_space<vmem>>, vector<16xf32>,
        %shift_right_logical3A_555 = arith.constant 8 : i32
        %shift_right_logical3A_556 = vector.broadcast %shift_right_logical3A_555 : i32 to vector<16xi32>
        %shift_right_logical3A_557 = arith.shrui %get3A_550, %shift_right_logical3A_556 : vector<16xi32>
        %and3A_558 = arith.constant 255 : i32
        %and3A_559 = vector.broadcast %and3A_558 : i32 to vector<16xi32>
        %and3A_560 = arith.andi %get3A_550, %and3A_559 : vector<16xi32>
        %mul3A_561 = arith.mulf %get3A_501, %get3A_554 : vector<16xf32>
        tpu.vector_store_idx %arg6[%shift_right_logical3A_557, %and3A_560], %mul3A_561 {add = true} : memref<256x256xf32, #tpu.memory_space<vmem>>[vector<16xi32>, vector<16xi32>], vector<16xf32>,
        %scan3A_562 = arith.constant 2 : i32
        %scan3A_563 = arith.addi %scan3A_433, %scan3A_562 : i32
        %mul3A_564 = arith.constant 16 : i32
        %mul3A_565 = arith.muli %scan3A_563, %mul3A_564 : i32
        %get3A_566 = arith.index_cast %mul3A_565 : i32 to index
        %get3A_567 = tpu.vector_load %arg7[%get3A_566] {strides = array<i32>} : memref<2048xf32, #tpu.memory_space<vmem>>, vector<16xf32>,
        %get3A_568 = arith.constant 0 : i32
        %get3A_569 = arith.index_cast %get3A_568 : i32 to index
        %get3A_570 = arith.index_cast %mul3A_565 : i32 to index
        %get3A_571 = tpu.vector_load %arg8[%get3A_569, %get3A_570] {strides = array<i32>} : memref<4x2048xi32, #tpu.memory_space<vmem>>, vector<16xi32>,
        %get3A_572 = arith.constant 0 : i32
        %get3A_573 = arith.index_cast %get3A_572 : i32 to index
        %get3A_574 = arith.index_cast %mul3A_565 : i32 to index
        %get3A_575 = tpu.vector_load %arg9[%get3A_573, %get3A_574] {strides = array<i32>} : memref<4x2048xf32, #tpu.memory_space<vmem>>, vector<16xf32>,
        %shift_right_logical3A_576 = arith.constant 8 : i32
        %shift_right_logical3A_577 = vector.broadcast %shift_right_logical3A_576 : i32 to vector<16xi32>
        %shift_right_logical3A_578 = arith.shrui %get3A_571, %shift_right_logical3A_577 : vector<16xi32>
        %and3A_579 = arith.constant 255 : i32
        %and3A_580 = vector.broadcast %and3A_579 : i32 to vector<16xi32>
        %and3A_581 = arith.andi %get3A_571, %and3A_580 : vector<16xi32>
        %mul3A_582 = arith.mulf %get3A_567, %get3A_575 : vector<16xf32>
        tpu.vector_store_idx %arg6[%shift_right_logical3A_578, %and3A_581], %mul3A_582 {add = true} : memref<256x256xf32, #tpu.memory_space<vmem>>[vector<16xi32>, vector<16xi32>], vector<16xf32>,
        %get3A_583 = arith.constant 1 : i32
        %get3A_584 = arith.index_cast %get3A_583 : i32 to index
        %get3A_585 = arith.index_cast %mul3A_565 : i32 to index
        %get3A_586 = tpu.vector_load %arg8[%get3A_584, %get3A_585] {strides = array<i32>} : memref<4x2048xi32, #tpu.memory_space<vmem>>, vector<16xi32>,
        %get3A_587 = arith.constant 1 : i32
        %get3A_588 = arith.index_cast %get3A_587 : i32 to index
        %get3A_589 = arith.index_cast %mul3A_565 : i32 to index
        %get3A_590 = tpu.vector_load %arg9[%get3A_588, %get3A_589] {strides = array<i32>} : memref<4x2048xf32, #tpu.memory_space<vmem>>, vector<16xf32>,
        %shift_right_logical3A_591 = arith.constant 8 : i32
        %shift_right_logical3A_592 = vector.broadcast %shift_right_logical3A_591 : i32 to vector<16xi32>
        %shift_right_logical3A_593 = arith.shrui %get3A_586, %shift_right_logical3A_592 : vector<16xi32>
        %and3A_594 = arith.constant 255 : i32
        %and3A_595 = vector.broadcast %and3A_594 : i32 to vector<16xi32>
        %and3A_596 = arith.andi %get3A_586, %and3A_595 : vector<16xi32>
        %mul3A_597 = arith.mulf %get3A_567, %get3A_590 : vector<16xf32>
        tpu.vector_store_idx %arg6[%shift_right_logical3A_593, %and3A_596], %mul3A_597 {add = true} : memref<256x256xf32, #tpu.memory_space<vmem>>[vector<16xi32>, vector<16xi32>], vector<16xf32>,
        %get3A_598 = arith.constant 2 : i32
        %get3A_599 = arith.index_cast %get3A_598 : i32 to index
        %get3A_600 = arith.index_cast %mul3A_565 : i32 to index
        %get3A_601 = tpu.vector_load %arg8[%get3A_599, %get3A_600] {strides = array<i32>} : memref<4x2048xi32, #tpu.memory_space<vmem>>, vector<16xi32>,
        %get3A_602 = arith.constant 2 : i32
        %get3A_603 = arith.index_cast %get3A_602 : i32 to index
        %get3A_604 = arith.index_cast %mul3A_565 : i32 to index
        %get3A_605 = tpu.vector_load %arg9[%get3A_603, %get3A_604] {strides = array<i32>} : memref<4x2048xf32, #tpu.memory_space<vmem>>, vector<16xf32>,
        %shift_right_logical3A_606 = arith.constant 8 : i32
        %shift_right_logical3A_607 = vector.broadcast %shift_right_logical3A_606 : i32 to vector<16xi32>
        %shift_right_logical3A_608 = arith.shrui %get3A_601, %shift_right_logical3A_607 : vector<16xi32>
        %and3A_609 = arith.constant 255 : i32
        %and3A_610 = vector.broadcast %and3A_609 : i32 to vector<16xi32>
        %and3A_611 = arith.andi %get3A_601, %and3A_610 : vector<16xi32>
        %mul3A_612 = arith.mulf %get3A_567, %get3A_605 : vector<16xf32>
        tpu.vector_store_idx %arg6[%shift_right_logical3A_608, %and3A_611], %mul3A_612 {add = true} : memref<256x256xf32, #tpu.memory_space<vmem>>[vector<16xi32>, vector<16xi32>], vector<16xf32>,
        %get3A_613 = arith.constant 3 : i32
        %get3A_614 = arith.index_cast %get3A_613 : i32 to index
        %get3A_615 = arith.index_cast %mul3A_565 : i32 to index
        %get3A_616 = tpu.vector_load %arg8[%get3A_614, %get3A_615] {strides = array<i32>} : memref<4x2048xi32, #tpu.memory_space<vmem>>, vector<16xi32>,
        %get3A_617 = arith.constant 3 : i32
        %get3A_618 = arith.index_cast %get3A_617 : i32 to index
        %get3A_619 = arith.index_cast %mul3A_565 : i32 to index
        %get3A_620 = tpu.vector_load %arg9[%get3A_618, %get3A_619] {strides = array<i32>} : memref<4x2048xf32, #tpu.memory_space<vmem>>, vector<16xf32>,
        %shift_right_logical3A_621 = arith.constant 8 : i32
        %shift_right_logical3A_622 = vector.broadcast %shift_right_logical3A_621 : i32 to vector<16xi32>
        %shift_right_logical3A_623 = arith.shrui %get3A_616, %shift_right_logical3A_622 : vector<16xi32>
        %and3A_624 = arith.constant 255 : i32
        %and3A_625 = vector.broadcast %and3A_624 : i32 to vector<16xi32>
        %and3A_626 = arith.andi %get3A_616, %and3A_625 : vector<16xi32>
        %mul3A_627 = arith.mulf %get3A_567, %get3A_620 : vector<16xf32>
        tpu.vector_store_idx %arg6[%shift_right_logical3A_623, %and3A_626], %mul3A_627 {add = true} : memref<256x256xf32, #tpu.memory_space<vmem>>[vector<16xi32>, vector<16xi32>], vector<16xf32>,
        %scan3A_628 = arith.constant 3 : i32
        %scan3A_629 = arith.addi %scan3A_433, %scan3A_628 : i32
        %mul3A_630 = arith.constant 16 : i32
        %mul3A_631 = arith.muli %scan3A_629, %mul3A_630 : i32
        %get3A_632 = arith.index_cast %mul3A_631 : i32 to index
        %get3A_633 = tpu.vector_load %arg7[%get3A_632] {strides = array<i32>} : memref<2048xf32, #tpu.memory_space<vmem>>, vector<16xf32>,
        %get3A_634 = arith.constant 0 : i32
        %get3A_635 = arith.index_cast %get3A_634 : i32 to index
        %get3A_636 = arith.index_cast %mul3A_631 : i32 to index
        %get3A_637 = tpu.vector_load %arg8[%get3A_635, %get3A_636] {strides = array<i32>} : memref<4x2048xi32, #tpu.memory_space<vmem>>, vector<16xi32>,
        %get3A_638 = arith.constant 0 : i32
        %get3A_639 = arith.index_cast %get3A_638 : i32 to index
        %get3A_640 = arith.index_cast %mul3A_631 : i32 to index
        %get3A_641 = tpu.vector_load %arg9[%get3A_639, %get3A_640] {strides = array<i32>} : memref<4x2048xf32, #tpu.memory_space<vmem>>, vector<16xf32>,
        %shift_right_logical3A_642 = arith.constant 8 : i32
        %shift_right_logical3A_643 = vector.broadcast %shift_right_logical3A_642 : i32 to vector<16xi32>
        %shift_right_logical3A_644 = arith.shrui %get3A_637, %shift_right_logical3A_643 : vector<16xi32>
        %and3A_645 = arith.constant 255 : i32
        %and3A_646 = vector.broadcast %and3A_645 : i32 to vector<16xi32>
        %and3A_647 = arith.andi %get3A_637, %and3A_646 : vector<16xi32>
        %mul3A_648 = arith.mulf %get3A_633, %get3A_641 : vector<16xf32>
        tpu.vector_store_idx %arg6[%shift_right_logical3A_644, %and3A_647], %mul3A_648 {add = true} : memref<256x256xf32, #tpu.memory_space<vmem>>[vector<16xi32>, vector<16xi32>], vector<16xf32>,
        %get3A_649 = arith.constant 1 : i32
        %get3A_650 = arith.index_cast %get3A_649 : i32 to index
        %get3A_651 = arith.index_cast %mul3A_631 : i32 to index
        %get3A_652 = tpu.vector_load %arg8[%get3A_650, %get3A_651] {strides = array<i32>} : memref<4x2048xi32, #tpu.memory_space<vmem>>, vector<16xi32>,
        %get3A_653 = arith.constant 1 : i32
        %get3A_654 = arith.index_cast %get3A_653 : i32 to index
        %get3A_655 = arith.index_cast %mul3A_631 : i32 to index
        %get3A_656 = tpu.vector_load %arg9[%get3A_654, %get3A_655] {strides = array<i32>} : memref<4x2048xf32, #tpu.memory_space<vmem>>, vector<16xf32>,
        %shift_right_logical3A_657 = arith.constant 8 : i32
        %shift_right_logical3A_658 = vector.broadcast %shift_right_logical3A_657 : i32 to vector<16xi32>
        %shift_right_logical3A_659 = arith.shrui %get3A_652, %shift_right_logical3A_658 : vector<16xi32>
        %and3A_660 = arith.constant 255 : i32
        %and3A_661 = vector.broadcast %and3A_660 : i32 to vector<16xi32>
        %and3A_662 = arith.andi %get3A_652, %and3A_661 : vector<16xi32>
        %mul3A_663 = arith.mulf %get3A_633, %get3A_656 : vector<16xf32>
        tpu.vector_store_idx %arg6[%shift_right_logical3A_659, %and3A_662], %mul3A_663 {add = true} : memref<256x256xf32, #tpu.memory_space<vmem>>[vector<16xi32>, vector<16xi32>], vector<16xf32>,
        %get3A_664 = arith.constant 2 : i32
        %get3A_665 = arith.index_cast %get3A_664 : i32 to index
        %get3A_666 = arith.index_cast %mul3A_631 : i32 to index
        %get3A_667 = tpu.vector_load %arg8[%get3A_665, %get3A_666] {strides = array<i32>} : memref<4x2048xi32, #tpu.memory_space<vmem>>, vector<16xi32>,
        %get3A_668 = arith.constant 2 : i32
        %get3A_669 = arith.index_cast %get3A_668 : i32 to index
        %get3A_670 = arith.index_cast %mul3A_631 : i32 to index
        %get3A_671 = tpu.vector_load %arg9[%get3A_669, %get3A_670] {strides = array<i32>} : memref<4x2048xf32, #tpu.memory_space<vmem>>, vector<16xf32>,
        %shift_right_logical3A_672 = arith.constant 8 : i32
        %shift_right_logical3A_673 = vector.broadcast %shift_right_logical3A_672 : i32 to vector<16xi32>
        %shift_right_logical3A_674 = arith.shrui %get3A_667, %shift_right_logical3A_673 : vector<16xi32>
        %and3A_675 = arith.constant 255 : i32
        %and3A_676 = vector.broadcast %and3A_675 : i32 to vector<16xi32>
        %and3A_677 = arith.andi %get3A_667, %and3A_676 : vector<16xi32>
        %mul3A_678 = arith.mulf %get3A_633, %get3A_671 : vector<16xf32>
        tpu.vector_store_idx %arg6[%shift_right_logical3A_674, %and3A_677], %mul3A_678 {add = true} : memref<256x256xf32, #tpu.memory_space<vmem>>[vector<16xi32>, vector<16xi32>], vector<16xf32>,
        %get3A_679 = arith.constant 3 : i32
        %get3A_680 = arith.index_cast %get3A_679 : i32 to index
        %get3A_681 = arith.index_cast %mul3A_631 : i32 to index
        %get3A_682 = tpu.vector_load %arg8[%get3A_680, %get3A_681] {strides = array<i32>} : memref<4x2048xi32, #tpu.memory_space<vmem>>, vector<16xi32>,
        %get3A_683 = arith.constant 3 : i32
        %get3A_684 = arith.index_cast %get3A_683 : i32 to index
        %get3A_685 = arith.index_cast %mul3A_631 : i32 to index
        %get3A_686 = tpu.vector_load %arg9[%get3A_684, %get3A_685] {strides = array<i32>} : memref<4x2048xf32, #tpu.memory_space<vmem>>, vector<16xf32>,
        %shift_right_logical3A_687 = arith.constant 8 : i32
        %shift_right_logical3A_688 = vector.broadcast %shift_right_logical3A_687 : i32 to vector<16xi32>
        %shift_right_logical3A_689 = arith.shrui %get3A_682, %shift_right_logical3A_688 : vector<16xi32>
        %and3A_690 = arith.constant 255 : i32
        %and3A_691 = vector.broadcast %and3A_690 : i32 to vector<16xi32>
        %and3A_692 = arith.andi %get3A_682, %and3A_691 : vector<16xi32>
        %mul3A_693 = arith.mulf %get3A_633, %get3A_686 : vector<16xf32>
        tpu.vector_store_idx %arg6[%shift_right_logical3A_689, %and3A_692], %mul3A_693 {add = true} : memref<256x256xf32, #tpu.memory_space<vmem>>[vector<16xi32>, vector<16xi32>], vector<16xf32>,
      }
      %scan3A_304 = arith.constant 128 : i32
      %dma_start3A_305 = arith.constant 12288 : i32
      %dma_start3A_306 = tpu.memref_slice %arg2[%select_n3A, %sub3A_28, %dma_start3A_305] : memref<2x256x16384xf32, #tpu.memory_space<hbm>> -> memref<1x1x2048xf32, #tpu.memory_space<hbm>>
      %dma_start3A_307 = tpu.memref_squeeze %dma_start3A_306 : memref<1x1x2048xf32, #tpu.memory_space<hbm>> -> memref<2048xf32, #tpu.memory_space<hbm>>
      %dma_start3A_308 = arith.constant 12288 : i32
      %dma_start3A_309 = tpu.memref_slice %arg2[%select_n3A, %sub3A_28, %dma_start3A_308] : memref<2x256x16384xf32, #tpu.memory_space<hbm>> -> memref<1x1x2048xf32, #tpu.memory_space<hbm>>
      %dma_start3A_310 = tpu.memref_squeeze %dma_start3A_309 : memref<1x1x2048xf32, #tpu.memory_space<hbm>> -> memref<2048xf32, #tpu.memory_space<hbm>>
      tpu.enqueue_dma source(%dma_start3A_310 : memref<2048xf32, #tpu.memory_space<hbm>>) target(%arg7 : memref<2048xf32, #tpu.memory_space<vmem>>) target_semaphore(%arg10 : memref<!tpu.dma_semaphore, #tpu.memory_space<semaphore_mem>>)
      %dma_start3A_311 = arith.constant 0 : i32
      %dma_start3A_312 = arith.constant 12288 : i32
      %dma_start3A_313 = tpu.memref_slice %arg3[%select_n3A, %dma_start3A_311, %dma_start3A_312] : memref<2x4x16384xi32, #tpu.memory_space<hbm>> -> memref<1x4x2048xi32, #tpu.memory_space<hbm>>
      %dma_start3A_314 = tpu.memref_squeeze %dma_start3A_313 : memref<1x4x2048xi32, #tpu.memory_space<hbm>> -> memref<4x2048xi32, #tpu.memory_space<hbm>>
      %dma_start3A_315 = arith.constant 0 : i32
      %dma_start3A_316 = arith.constant 12288 : i32
      %dma_start3A_317 = tpu.memref_slice %arg3[%select_n3A, %dma_start3A_315, %dma_start3A_316] : memref<2x4x16384xi32, #tpu.memory_space<hbm>> -> memref<1x4x2048xi32, #tpu.memory_space<hbm>>
      %dma_start3A_318 = tpu.memref_squeeze %dma_start3A_317 : memref<1x4x2048xi32, #tpu.memory_space<hbm>> -> memref<4x2048xi32, #tpu.memory_space<hbm>>
      tpu.enqueue_dma source(%dma_start3A_318 : memref<4x2048xi32, #tpu.memory_space<hbm>>) target(%arg8 : memref<4x2048xi32, #tpu.memory_space<vmem>>) target_semaphore(%arg10 : memref<!tpu.dma_semaphore, #tpu.memory_space<semaphore_mem>>)
      %dma_start3A_319 = arith.constant 0 : i32
      %dma_start3A_320 = arith.constant 12288 : i32
      %dma_start3A_321 = tpu.memref_slice %arg4[%select_n3A, %dma_start3A_319, %dma_start3A_320] : memref<2x4x16384xf32, #tpu.memory_space<hbm>> -> memref<1x4x2048xf32, #tpu.memory_space<hbm>>
      %dma_start3A_322 = tpu.memref_squeeze %dma_start3A_321 : memref<1x4x2048xf32, #tpu.memory_space<hbm>> -> memref<4x2048xf32, #tpu.memory_space<hbm>>
      %dma_start3A_323 = arith.constant 0 : i32
      %dma_start3A_324 = arith.constant 12288 : i32
      %dma_start3A_325 = tpu.memref_slice %arg4[%select_n3A, %dma_start3A_323, %dma_start3A_324] : memref<2x4x16384xf32, #tpu.memory_space<hbm>> -> memref<1x4x2048xf32, #tpu.memory_space<hbm>>
      %dma_start3A_326 = tpu.memref_squeeze %dma_start3A_325 : memref<1x4x2048xf32, #tpu.memory_space<hbm>> -> memref<4x2048xf32, #tpu.memory_space<hbm>>
      tpu.enqueue_dma source(%dma_start3A_326 : memref<4x2048xf32, #tpu.memory_space<hbm>>) target(%arg9 : memref<4x2048xf32, #tpu.memory_space<vmem>>) target_semaphore(%arg10 : memref<!tpu.dma_semaphore, #tpu.memory_space<semaphore_mem>>)
      %dma_wait3A_327 = arith.constant 10240 : i32
      %dma_wait3A_328 = tpu.memref_slice %arg2[%select_n3A, %sub3A_28, %dma_wait3A_327] : memref<2x256x16384xf32, #tpu.memory_space<hbm>> -> memref<1x1x2048xf32, #tpu.memory_space<hbm>>
      %dma_wait3A_329 = tpu.memref_squeeze %dma_wait3A_328 : memref<1x1x2048xf32, #tpu.memory_space<hbm>> -> memref<2048xf32, #tpu.memory_space<hbm>>
      %dma_wait3A_330 = arith.constant 10240 : i32
      %dma_wait3A_331 = tpu.memref_slice %arg2[%select_n3A, %sub3A_28, %dma_wait3A_330] : memref<2x256x16384xf32, #tpu.memory_space<hbm>> -> memref<1x1x2048xf32, #tpu.memory_space<hbm>>
      %dma_wait3A_332 = tpu.memref_squeeze %dma_wait3A_331 : memref<1x1x2048xf32, #tpu.memory_space<hbm>> -> memref<2048xf32, #tpu.memory_space<hbm>>
      tpu.wait_dma2 semaphore(%arg14 : memref<!tpu.dma_semaphore, #tpu.memory_space<semaphore_mem>>) src(%dma_wait3A_332 : memref<2048xf32, #tpu.memory_space<hbm>>) dst(%arg11 : memref<2048xf32, #tpu.memory_space<vmem>>)
      %dma_wait3A_333 = arith.constant 0 : i32
      %dma_wait3A_334 = arith.constant 10240 : i32
      %dma_wait3A_335 = tpu.memref_slice %arg3[%select_n3A, %dma_wait3A_333, %dma_wait3A_334] : memref<2x4x16384xi32, #tpu.memory_space<hbm>> -> memref<1x4x2048xi32, #tpu.memory_space<hbm>>
      %dma_wait3A_336 = tpu.memref_squeeze %dma_wait3A_335 : memref<1x4x2048xi32, #tpu.memory_space<hbm>> -> memref<4x2048xi32, #tpu.memory_space<hbm>>
      %dma_wait3A_337 = arith.constant 0 : i32
      %dma_wait3A_338 = arith.constant 10240 : i32
      %dma_wait3A_339 = tpu.memref_slice %arg3[%select_n3A, %dma_wait3A_337, %dma_wait3A_338] : memref<2x4x16384xi32, #tpu.memory_space<hbm>> -> memref<1x4x2048xi32, #tpu.memory_space<hbm>>
      %dma_wait3A_340 = tpu.memref_squeeze %dma_wait3A_339 : memref<1x4x2048xi32, #tpu.memory_space<hbm>> -> memref<4x2048xi32, #tpu.memory_space<hbm>>
      tpu.wait_dma2 semaphore(%arg14 : memref<!tpu.dma_semaphore, #tpu.memory_space<semaphore_mem>>) src(%dma_wait3A_340 : memref<4x2048xi32, #tpu.memory_space<hbm>>) dst(%arg12 : memref<4x2048xi32, #tpu.memory_space<vmem>>)
      %dma_wait3A_341 = arith.constant 0 : i32
      %dma_wait3A_342 = arith.constant 10240 : i32
      %dma_wait3A_343 = tpu.memref_slice %arg4[%select_n3A, %dma_wait3A_341, %dma_wait3A_342] : memref<2x4x16384xf32, #tpu.memory_space<hbm>> -> memref<1x4x2048xf32, #tpu.memory_space<hbm>>
      %dma_wait3A_344 = tpu.memref_squeeze %dma_wait3A_343 : memref<1x4x2048xf32, #tpu.memory_space<hbm>> -> memref<4x2048xf32, #tpu.memory_space<hbm>>
      %dma_wait3A_345 = arith.constant 0 : i32
      %dma_wait3A_346 = arith.constant 10240 : i32
      %dma_wait3A_347 = tpu.memref_slice %arg4[%select_n3A, %dma_wait3A_345, %dma_wait3A_346] : memref<2x4x16384xf32, #tpu.memory_space<hbm>> -> memref<1x4x2048xf32, #tpu.memory_space<hbm>>
      %dma_wait3A_348 = tpu.memref_squeeze %dma_wait3A_347 : memref<1x4x2048xf32, #tpu.memory_space<hbm>> -> memref<4x2048xf32, #tpu.memory_space<hbm>>
      tpu.wait_dma2 semaphore(%arg14 : memref<!tpu.dma_semaphore, #tpu.memory_space<semaphore_mem>>) src(%dma_wait3A_348 : memref<4x2048xf32, #tpu.memory_space<hbm>>) dst(%arg13 : memref<4x2048xf32, #tpu.memory_space<vmem>>)
      %scan3A_349 = arith.constant 0 : i32
      %scan3A_350 = arith.constant 0 : i32
      %scan3A_351 = arith.constant 128 : i32
      %scan3A_352 = arith.addi %scan3A_350, %scan3A_351 : i32
      %scan3A_353 = arith.constant 4 : i32
      scf.for %scan3A_433 = %scan3A_350 to %scan3A_352 step %scan3A_353  : i32 {
        %mul3A_434 = arith.constant 16 : i32
        %mul3A_435 = arith.muli %scan3A_433, %mul3A_434 : i32
        %get3A = arith.index_cast %mul3A_435 : i32 to index
        %get3A_436 = tpu.vector_load %arg11[%get3A] {strides = array<i32>} : memref<2048xf32, #tpu.memory_space<vmem>>, vector<16xf32>,
        %get3A_437 = arith.constant 0 : i32
        %get3A_438 = arith.index_cast %get3A_437 : i32 to index
        %get3A_439 = arith.index_cast %mul3A_435 : i32 to index
        %get3A_440 = tpu.vector_load %arg12[%get3A_438, %get3A_439] {strides = array<i32>} : memref<4x2048xi32, #tpu.memory_space<vmem>>, vector<16xi32>,
        %get3A_441 = arith.constant 0 : i32
        %get3A_442 = arith.index_cast %get3A_441 : i32 to index
        %get3A_443 = arith.index_cast %mul3A_435 : i32 to index
        %get3A_444 = tpu.vector_load %arg13[%get3A_442, %get3A_443] {strides = array<i32>} : memref<4x2048xf32, #tpu.memory_space<vmem>>, vector<16xf32>,
        %shift_right_logical3A = arith.constant 8 : i32
        %shift_right_logical3A_445 = vector.broadcast %shift_right_logical3A : i32 to vector<16xi32>
        %shift_right_logical3A_446 = arith.shrui %get3A_440, %shift_right_logical3A_445 : vector<16xi32>
        %and3A_447 = arith.constant 255 : i32
        %and3A_448 = vector.broadcast %and3A_447 : i32 to vector<16xi32>
        %and3A_449 = arith.andi %get3A_440, %and3A_448 : vector<16xi32>
        %mul3A_450 = arith.mulf %get3A_436, %get3A_444 : vector<16xf32>
        tpu.vector_store_idx %arg6[%shift_right_logical3A_446, %and3A_449], %mul3A_450 {add = true} : memref<256x256xf32, #tpu.memory_space<vmem>>[vector<16xi32>, vector<16xi32>], vector<16xf32>,
        %get3A_451 = arith.constant 1 : i32
        %get3A_452 = arith.index_cast %get3A_451 : i32 to index
        %get3A_453 = arith.index_cast %mul3A_435 : i32 to index
        %get3A_454 = tpu.vector_load %arg12[%get3A_452, %get3A_453] {strides = array<i32>} : memref<4x2048xi32, #tpu.memory_space<vmem>>, vector<16xi32>,
        %get3A_455 = arith.constant 1 : i32
        %get3A_456 = arith.index_cast %get3A_455 : i32 to index
        %get3A_457 = arith.index_cast %mul3A_435 : i32 to index
        %get3A_458 = tpu.vector_load %arg13[%get3A_456, %get3A_457] {strides = array<i32>} : memref<4x2048xf32, #tpu.memory_space<vmem>>, vector<16xf32>,
        %shift_right_logical3A_459 = arith.constant 8 : i32
        %shift_right_logical3A_460 = vector.broadcast %shift_right_logical3A_459 : i32 to vector<16xi32>
        %shift_right_logical3A_461 = arith.shrui %get3A_454, %shift_right_logical3A_460 : vector<16xi32>
        %and3A_462 = arith.constant 255 : i32
        %and3A_463 = vector.broadcast %and3A_462 : i32 to vector<16xi32>
        %and3A_464 = arith.andi %get3A_454, %and3A_463 : vector<16xi32>
        %mul3A_465 = arith.mulf %get3A_436, %get3A_458 : vector<16xf32>
        tpu.vector_store_idx %arg6[%shift_right_logical3A_461, %and3A_464], %mul3A_465 {add = true} : memref<256x256xf32, #tpu.memory_space<vmem>>[vector<16xi32>, vector<16xi32>], vector<16xf32>,
        %get3A_466 = arith.constant 2 : i32
        %get3A_467 = arith.index_cast %get3A_466 : i32 to index
        %get3A_468 = arith.index_cast %mul3A_435 : i32 to index
        %get3A_469 = tpu.vector_load %arg12[%get3A_467, %get3A_468] {strides = array<i32>} : memref<4x2048xi32, #tpu.memory_space<vmem>>, vector<16xi32>,
        %get3A_470 = arith.constant 2 : i32
        %get3A_471 = arith.index_cast %get3A_470 : i32 to index
        %get3A_472 = arith.index_cast %mul3A_435 : i32 to index
        %get3A_473 = tpu.vector_load %arg13[%get3A_471, %get3A_472] {strides = array<i32>} : memref<4x2048xf32, #tpu.memory_space<vmem>>, vector<16xf32>,
        %shift_right_logical3A_474 = arith.constant 8 : i32
        %shift_right_logical3A_475 = vector.broadcast %shift_right_logical3A_474 : i32 to vector<16xi32>
        %shift_right_logical3A_476 = arith.shrui %get3A_469, %shift_right_logical3A_475 : vector<16xi32>
        %and3A_477 = arith.constant 255 : i32
        %and3A_478 = vector.broadcast %and3A_477 : i32 to vector<16xi32>
        %and3A_479 = arith.andi %get3A_469, %and3A_478 : vector<16xi32>
        %mul3A_480 = arith.mulf %get3A_436, %get3A_473 : vector<16xf32>
        tpu.vector_store_idx %arg6[%shift_right_logical3A_476, %and3A_479], %mul3A_480 {add = true} : memref<256x256xf32, #tpu.memory_space<vmem>>[vector<16xi32>, vector<16xi32>], vector<16xf32>,
        %get3A_481 = arith.constant 3 : i32
        %get3A_482 = arith.index_cast %get3A_481 : i32 to index
        %get3A_483 = arith.index_cast %mul3A_435 : i32 to index
        %get3A_484 = tpu.vector_load %arg12[%get3A_482, %get3A_483] {strides = array<i32>} : memref<4x2048xi32, #tpu.memory_space<vmem>>, vector<16xi32>,
        %get3A_485 = arith.constant 3 : i32
        %get3A_486 = arith.index_cast %get3A_485 : i32 to index
        %get3A_487 = arith.index_cast %mul3A_435 : i32 to index
        %get3A_488 = tpu.vector_load %arg13[%get3A_486, %get3A_487] {strides = array<i32>} : memref<4x2048xf32, #tpu.memory_space<vmem>>, vector<16xf32>,
        %shift_right_logical3A_489 = arith.constant 8 : i32
        %shift_right_logical3A_490 = vector.broadcast %shift_right_logical3A_489 : i32 to vector<16xi32>
        %shift_right_logical3A_491 = arith.shrui %get3A_484, %shift_right_logical3A_490 : vector<16xi32>
        %and3A_492 = arith.constant 255 : i32
        %and3A_493 = vector.broadcast %and3A_492 : i32 to vector<16xi32>
        %and3A_494 = arith.andi %get3A_484, %and3A_493 : vector<16xi32>
        %mul3A_495 = arith.mulf %get3A_436, %get3A_488 : vector<16xf32>
        tpu.vector_store_idx %arg6[%shift_right_logical3A_491, %and3A_494], %mul3A_495 {add = true} : memref<256x256xf32, #tpu.memory_space<vmem>>[vector<16xi32>, vector<16xi32>], vector<16xf32>,
        %scan3A_496 = arith.constant 1 : i32
        %scan3A_497 = arith.addi %scan3A_433, %scan3A_496 : i32
        %mul3A_498 = arith.constant 16 : i32
        %mul3A_499 = arith.muli %scan3A_497, %mul3A_498 : i32
        %get3A_500 = arith.index_cast %mul3A_499 : i32 to index
        %get3A_501 = tpu.vector_load %arg11[%get3A_500] {strides = array<i32>} : memref<2048xf32, #tpu.memory_space<vmem>>, vector<16xf32>,
        %get3A_502 = arith.constant 0 : i32
        %get3A_503 = arith.index_cast %get3A_502 : i32 to index
        %get3A_504 = arith.index_cast %mul3A_499 : i32 to index
        %get3A_505 = tpu.vector_load %arg12[%get3A_503, %get3A_504] {strides = array<i32>} : memref<4x2048xi32, #tpu.memory_space<vmem>>, vector<16xi32>,
        %get3A_506 = arith.constant 0 : i32
        %get3A_507 = arith.index_cast %get3A_506 : i32 to index
        %get3A_508 = arith.index_cast %mul3A_499 : i32 to index
        %get3A_509 = tpu.vector_load %arg13[%get3A_507, %get3A_508] {strides = array<i32>} : memref<4x2048xf32, #tpu.memory_space<vmem>>, vector<16xf32>,
        %shift_right_logical3A_510 = arith.constant 8 : i32
        %shift_right_logical3A_511 = vector.broadcast %shift_right_logical3A_510 : i32 to vector<16xi32>
        %shift_right_logical3A_512 = arith.shrui %get3A_505, %shift_right_logical3A_511 : vector<16xi32>
        %and3A_513 = arith.constant 255 : i32
        %and3A_514 = vector.broadcast %and3A_513 : i32 to vector<16xi32>
        %and3A_515 = arith.andi %get3A_505, %and3A_514 : vector<16xi32>
        %mul3A_516 = arith.mulf %get3A_501, %get3A_509 : vector<16xf32>
        tpu.vector_store_idx %arg6[%shift_right_logical3A_512, %and3A_515], %mul3A_516 {add = true} : memref<256x256xf32, #tpu.memory_space<vmem>>[vector<16xi32>, vector<16xi32>], vector<16xf32>,
        %get3A_517 = arith.constant 1 : i32
        %get3A_518 = arith.index_cast %get3A_517 : i32 to index
        %get3A_519 = arith.index_cast %mul3A_499 : i32 to index
        %get3A_520 = tpu.vector_load %arg12[%get3A_518, %get3A_519] {strides = array<i32>} : memref<4x2048xi32, #tpu.memory_space<vmem>>, vector<16xi32>,
        %get3A_521 = arith.constant 1 : i32
        %get3A_522 = arith.index_cast %get3A_521 : i32 to index
        %get3A_523 = arith.index_cast %mul3A_499 : i32 to index
        %get3A_524 = tpu.vector_load %arg13[%get3A_522, %get3A_523] {strides = array<i32>} : memref<4x2048xf32, #tpu.memory_space<vmem>>, vector<16xf32>,
        %shift_right_logical3A_525 = arith.constant 8 : i32
        %shift_right_logical3A_526 = vector.broadcast %shift_right_logical3A_525 : i32 to vector<16xi32>
        %shift_right_logical3A_527 = arith.shrui %get3A_520, %shift_right_logical3A_526 : vector<16xi32>
        %and3A_528 = arith.constant 255 : i32
        %and3A_529 = vector.broadcast %and3A_528 : i32 to vector<16xi32>
        %and3A_530 = arith.andi %get3A_520, %and3A_529 : vector<16xi32>
        %mul3A_531 = arith.mulf %get3A_501, %get3A_524 : vector<16xf32>
        tpu.vector_store_idx %arg6[%shift_right_logical3A_527, %and3A_530], %mul3A_531 {add = true} : memref<256x256xf32, #tpu.memory_space<vmem>>[vector<16xi32>, vector<16xi32>], vector<16xf32>,
        %get3A_532 = arith.constant 2 : i32
        %get3A_533 = arith.index_cast %get3A_532 : i32 to index
        %get3A_534 = arith.index_cast %mul3A_499 : i32 to index
        %get3A_535 = tpu.vector_load %arg12[%get3A_533, %get3A_534] {strides = array<i32>} : memref<4x2048xi32, #tpu.memory_space<vmem>>, vector<16xi32>,
        %get3A_536 = arith.constant 2 : i32
        %get3A_537 = arith.index_cast %get3A_536 : i32 to index
        %get3A_538 = arith.index_cast %mul3A_499 : i32 to index
        %get3A_539 = tpu.vector_load %arg13[%get3A_537, %get3A_538] {strides = array<i32>} : memref<4x2048xf32, #tpu.memory_space<vmem>>, vector<16xf32>,
        %shift_right_logical3A_540 = arith.constant 8 : i32
        %shift_right_logical3A_541 = vector.broadcast %shift_right_logical3A_540 : i32 to vector<16xi32>
        %shift_right_logical3A_542 = arith.shrui %get3A_535, %shift_right_logical3A_541 : vector<16xi32>
        %and3A_543 = arith.constant 255 : i32
        %and3A_544 = vector.broadcast %and3A_543 : i32 to vector<16xi32>
        %and3A_545 = arith.andi %get3A_535, %and3A_544 : vector<16xi32>
        %mul3A_546 = arith.mulf %get3A_501, %get3A_539 : vector<16xf32>
        tpu.vector_store_idx %arg6[%shift_right_logical3A_542, %and3A_545], %mul3A_546 {add = true} : memref<256x256xf32, #tpu.memory_space<vmem>>[vector<16xi32>, vector<16xi32>], vector<16xf32>,
        %get3A_547 = arith.constant 3 : i32
        %get3A_548 = arith.index_cast %get3A_547 : i32 to index
        %get3A_549 = arith.index_cast %mul3A_499 : i32 to index
        %get3A_550 = tpu.vector_load %arg12[%get3A_548, %get3A_549] {strides = array<i32>} : memref<4x2048xi32, #tpu.memory_space<vmem>>, vector<16xi32>,
        %get3A_551 = arith.constant 3 : i32
        %get3A_552 = arith.index_cast %get3A_551 : i32 to index
        %get3A_553 = arith.index_cast %mul3A_499 : i32 to index
        %get3A_554 = tpu.vector_load %arg13[%get3A_552, %get3A_553] {strides = array<i32>} : memref<4x2048xf32, #tpu.memory_space<vmem>>, vector<16xf32>,
        %shift_right_logical3A_555 = arith.constant 8 : i32
        %shift_right_logical3A_556 = vector.broadcast %shift_right_logical3A_555 : i32 to vector<16xi32>
        %shift_right_logical3A_557 = arith.shrui %get3A_550, %shift_right_logical3A_556 : vector<16xi32>
        %and3A_558 = arith.constant 255 : i32
        %and3A_559 = vector.broadcast %and3A_558 : i32 to vector<16xi32>
        %and3A_560 = arith.andi %get3A_550, %and3A_559 : vector<16xi32>
        %mul3A_561 = arith.mulf %get3A_501, %get3A_554 : vector<16xf32>
        tpu.vector_store_idx %arg6[%shift_right_logical3A_557, %and3A_560], %mul3A_561 {add = true} : memref<256x256xf32, #tpu.memory_space<vmem>>[vector<16xi32>, vector<16xi32>], vector<16xf32>,
        %scan3A_562 = arith.constant 2 : i32
        %scan3A_563 = arith.addi %scan3A_433, %scan3A_562 : i32
        %mul3A_564 = arith.constant 16 : i32
        %mul3A_565 = arith.muli %scan3A_563, %mul3A_564 : i32
        %get3A_566 = arith.index_cast %mul3A_565 : i32 to index
        %get3A_567 = tpu.vector_load %arg11[%get3A_566] {strides = array<i32>} : memref<2048xf32, #tpu.memory_space<vmem>>, vector<16xf32>,
        %get3A_568 = arith.constant 0 : i32
        %get3A_569 = arith.index_cast %get3A_568 : i32 to index
        %get3A_570 = arith.index_cast %mul3A_565 : i32 to index
        %get3A_571 = tpu.vector_load %arg12[%get3A_569, %get3A_570] {strides = array<i32>} : memref<4x2048xi32, #tpu.memory_space<vmem>>, vector<16xi32>,
        %get3A_572 = arith.constant 0 : i32
        %get3A_573 = arith.index_cast %get3A_572 : i32 to index
        %get3A_574 = arith.index_cast %mul3A_565 : i32 to index
        %get3A_575 = tpu.vector_load %arg13[%get3A_573, %get3A_574] {strides = array<i32>} : memref<4x2048xf32, #tpu.memory_space<vmem>>, vector<16xf32>,
        %shift_right_logical3A_576 = arith.constant 8 : i32
        %shift_right_logical3A_577 = vector.broadcast %shift_right_logical3A_576 : i32 to vector<16xi32>
        %shift_right_logical3A_578 = arith.shrui %get3A_571, %shift_right_logical3A_577 : vector<16xi32>
        %and3A_579 = arith.constant 255 : i32
        %and3A_580 = vector.broadcast %and3A_579 : i32 to vector<16xi32>
        %and3A_581 = arith.andi %get3A_571, %and3A_580 : vector<16xi32>
        %mul3A_582 = arith.mulf %get3A_567, %get3A_575 : vector<16xf32>
        tpu.vector_store_idx %arg6[%shift_right_logical3A_578, %and3A_581], %mul3A_582 {add = true} : memref<256x256xf32, #tpu.memory_space<vmem>>[vector<16xi32>, vector<16xi32>], vector<16xf32>,
        %get3A_583 = arith.constant 1 : i32
        %get3A_584 = arith.index_cast %get3A_583 : i32 to index
        %get3A_585 = arith.index_cast %mul3A_565 : i32 to index
        %get3A_586 = tpu.vector_load %arg12[%get3A_584, %get3A_585] {strides = array<i32>} : memref<4x2048xi32, #tpu.memory_space<vmem>>, vector<16xi32>,
        %get3A_587 = arith.constant 1 : i32
        %get3A_588 = arith.index_cast %get3A_587 : i32 to index
        %get3A_589 = arith.index_cast %mul3A_565 : i32 to index
        %get3A_590 = tpu.vector_load %arg13[%get3A_588, %get3A_589] {strides = array<i32>} : memref<4x2048xf32, #tpu.memory_space<vmem>>, vector<16xf32>,
        %shift_right_logical3A_591 = arith.constant 8 : i32
        %shift_right_logical3A_592 = vector.broadcast %shift_right_logical3A_591 : i32 to vector<16xi32>
        %shift_right_logical3A_593 = arith.shrui %get3A_586, %shift_right_logical3A_592 : vector<16xi32>
        %and3A_594 = arith.constant 255 : i32
        %and3A_595 = vector.broadcast %and3A_594 : i32 to vector<16xi32>
        %and3A_596 = arith.andi %get3A_586, %and3A_595 : vector<16xi32>
        %mul3A_597 = arith.mulf %get3A_567, %get3A_590 : vector<16xf32>
        tpu.vector_store_idx %arg6[%shift_right_logical3A_593, %and3A_596], %mul3A_597 {add = true} : memref<256x256xf32, #tpu.memory_space<vmem>>[vector<16xi32>, vector<16xi32>], vector<16xf32>,
        %get3A_598 = arith.constant 2 : i32
        %get3A_599 = arith.index_cast %get3A_598 : i32 to index
        %get3A_600 = arith.index_cast %mul3A_565 : i32 to index
        %get3A_601 = tpu.vector_load %arg12[%get3A_599, %get3A_600] {strides = array<i32>} : memref<4x2048xi32, #tpu.memory_space<vmem>>, vector<16xi32>,
        %get3A_602 = arith.constant 2 : i32
        %get3A_603 = arith.index_cast %get3A_602 : i32 to index
        %get3A_604 = arith.index_cast %mul3A_565 : i32 to index
        %get3A_605 = tpu.vector_load %arg13[%get3A_603, %get3A_604] {strides = array<i32>} : memref<4x2048xf32, #tpu.memory_space<vmem>>, vector<16xf32>,
        %shift_right_logical3A_606 = arith.constant 8 : i32
        %shift_right_logical3A_607 = vector.broadcast %shift_right_logical3A_606 : i32 to vector<16xi32>
        %shift_right_logical3A_608 = arith.shrui %get3A_601, %shift_right_logical3A_607 : vector<16xi32>
        %and3A_609 = arith.constant 255 : i32
        %and3A_610 = vector.broadcast %and3A_609 : i32 to vector<16xi32>
        %and3A_611 = arith.andi %get3A_601, %and3A_610 : vector<16xi32>
        %mul3A_612 = arith.mulf %get3A_567, %get3A_605 : vector<16xf32>
        tpu.vector_store_idx %arg6[%shift_right_logical3A_608, %and3A_611], %mul3A_612 {add = true} : memref<256x256xf32, #tpu.memory_space<vmem>>[vector<16xi32>, vector<16xi32>], vector<16xf32>,
        %get3A_613 = arith.constant 3 : i32
        %get3A_614 = arith.index_cast %get3A_613 : i32 to index
        %get3A_615 = arith.index_cast %mul3A_565 : i32 to index
        %get3A_616 = tpu.vector_load %arg12[%get3A_614, %get3A_615] {strides = array<i32>} : memref<4x2048xi32, #tpu.memory_space<vmem>>, vector<16xi32>,
        %get3A_617 = arith.constant 3 : i32
        %get3A_618 = arith.index_cast %get3A_617 : i32 to index
        %get3A_619 = arith.index_cast %mul3A_565 : i32 to index
        %get3A_620 = tpu.vector_load %arg13[%get3A_618, %get3A_619] {strides = array<i32>} : memref<4x2048xf32, #tpu.memory_space<vmem>>, vector<16xf32>,
        %shift_right_logical3A_621 = arith.constant 8 : i32
        %shift_right_logical3A_622 = vector.broadcast %shift_right_logical3A_621 : i32 to vector<16xi32>
        %shift_right_logical3A_623 = arith.shrui %get3A_616, %shift_right_logical3A_622 : vector<16xi32>
        %and3A_624 = arith.constant 255 : i32
        %and3A_625 = vector.broadcast %and3A_624 : i32 to vector<16xi32>
        %and3A_626 = arith.andi %get3A_616, %and3A_625 : vector<16xi32>
        %mul3A_627 = arith.mulf %get3A_567, %get3A_620 : vector<16xf32>
        tpu.vector_store_idx %arg6[%shift_right_logical3A_623, %and3A_626], %mul3A_627 {add = true} : memref<256x256xf32, #tpu.memory_space<vmem>>[vector<16xi32>, vector<16xi32>], vector<16xf32>,
        %scan3A_628 = arith.constant 3 : i32
        %scan3A_629 = arith.addi %scan3A_433, %scan3A_628 : i32
        %mul3A_630 = arith.constant 16 : i32
        %mul3A_631 = arith.muli %scan3A_629, %mul3A_630 : i32
        %get3A_632 = arith.index_cast %mul3A_631 : i32 to index
        %get3A_633 = tpu.vector_load %arg11[%get3A_632] {strides = array<i32>} : memref<2048xf32, #tpu.memory_space<vmem>>, vector<16xf32>,
        %get3A_634 = arith.constant 0 : i32
        %get3A_635 = arith.index_cast %get3A_634 : i32 to index
        %get3A_636 = arith.index_cast %mul3A_631 : i32 to index
        %get3A_637 = tpu.vector_load %arg12[%get3A_635, %get3A_636] {strides = array<i32>} : memref<4x2048xi32, #tpu.memory_space<vmem>>, vector<16xi32>,
        %get3A_638 = arith.constant 0 : i32
        %get3A_639 = arith.index_cast %get3A_638 : i32 to index
        %get3A_640 = arith.index_cast %mul3A_631 : i32 to index
        %get3A_641 = tpu.vector_load %arg13[%get3A_639, %get3A_640] {strides = array<i32>} : memref<4x2048xf32, #tpu.memory_space<vmem>>, vector<16xf32>,
        %shift_right_logical3A_642 = arith.constant 8 : i32
        %shift_right_logical3A_643 = vector.broadcast %shift_right_logical3A_642 : i32 to vector<16xi32>
        %shift_right_logical3A_644 = arith.shrui %get3A_637, %shift_right_logical3A_643 : vector<16xi32>
        %and3A_645 = arith.constant 255 : i32
        %and3A_646 = vector.broadcast %and3A_645 : i32 to vector<16xi32>
        %and3A_647 = arith.andi %get3A_637, %and3A_646 : vector<16xi32>
        %mul3A_648 = arith.mulf %get3A_633, %get3A_641 : vector<16xf32>
        tpu.vector_store_idx %arg6[%shift_right_logical3A_644, %and3A_647], %mul3A_648 {add = true} : memref<256x256xf32, #tpu.memory_space<vmem>>[vector<16xi32>, vector<16xi32>], vector<16xf32>,
        %get3A_649 = arith.constant 1 : i32
        %get3A_650 = arith.index_cast %get3A_649 : i32 to index
        %get3A_651 = arith.index_cast %mul3A_631 : i32 to index
        %get3A_652 = tpu.vector_load %arg12[%get3A_650, %get3A_651] {strides = array<i32>} : memref<4x2048xi32, #tpu.memory_space<vmem>>, vector<16xi32>,
        %get3A_653 = arith.constant 1 : i32
        %get3A_654 = arith.index_cast %get3A_653 : i32 to index
        %get3A_655 = arith.index_cast %mul3A_631 : i32 to index
        %get3A_656 = tpu.vector_load %arg13[%get3A_654, %get3A_655] {strides = array<i32>} : memref<4x2048xf32, #tpu.memory_space<vmem>>, vector<16xf32>,
        %shift_right_logical3A_657 = arith.constant 8 : i32
        %shift_right_logical3A_658 = vector.broadcast %shift_right_logical3A_657 : i32 to vector<16xi32>
        %shift_right_logical3A_659 = arith.shrui %get3A_652, %shift_right_logical3A_658 : vector<16xi32>
        %and3A_660 = arith.constant 255 : i32
        %and3A_661 = vector.broadcast %and3A_660 : i32 to vector<16xi32>
        %and3A_662 = arith.andi %get3A_652, %and3A_661 : vector<16xi32>
        %mul3A_663 = arith.mulf %get3A_633, %get3A_656 : vector<16xf32>
        tpu.vector_store_idx %arg6[%shift_right_logical3A_659, %and3A_662], %mul3A_663 {add = true} : memref<256x256xf32, #tpu.memory_space<vmem>>[vector<16xi32>, vector<16xi32>], vector<16xf32>,
        %get3A_664 = arith.constant 2 : i32
        %get3A_665 = arith.index_cast %get3A_664 : i32 to index
        %get3A_666 = arith.index_cast %mul3A_631 : i32 to index
        %get3A_667 = tpu.vector_load %arg12[%get3A_665, %get3A_666] {strides = array<i32>} : memref<4x2048xi32, #tpu.memory_space<vmem>>, vector<16xi32>,
        %get3A_668 = arith.constant 2 : i32
        %get3A_669 = arith.index_cast %get3A_668 : i32 to index
        %get3A_670 = arith.index_cast %mul3A_631 : i32 to index
        %get3A_671 = tpu.vector_load %arg13[%get3A_669, %get3A_670] {strides = array<i32>} : memref<4x2048xf32, #tpu.memory_space<vmem>>, vector<16xf32>,
        %shift_right_logical3A_672 = arith.constant 8 : i32
        %shift_right_logical3A_673 = vector.broadcast %shift_right_logical3A_672 : i32 to vector<16xi32>
        %shift_right_logical3A_674 = arith.shrui %get3A_667, %shift_right_logical3A_673 : vector<16xi32>
        %and3A_675 = arith.constant 255 : i32
        %and3A_676 = vector.broadcast %and3A_675 : i32 to vector<16xi32>
        %and3A_677 = arith.andi %get3A_667, %and3A_676 : vector<16xi32>
        %mul3A_678 = arith.mulf %get3A_633, %get3A_671 : vector<16xf32>
        tpu.vector_store_idx %arg6[%shift_right_logical3A_674, %and3A_677], %mul3A_678 {add = true} : memref<256x256xf32, #tpu.memory_space<vmem>>[vector<16xi32>, vector<16xi32>], vector<16xf32>,
        %get3A_679 = arith.constant 3 : i32
        %get3A_680 = arith.index_cast %get3A_679 : i32 to index
        %get3A_681 = arith.index_cast %mul3A_631 : i32 to index
        %get3A_682 = tpu.vector_load %arg12[%get3A_680, %get3A_681] {strides = array<i32>} : memref<4x2048xi32, #tpu.memory_space<vmem>>, vector<16xi32>,
        %get3A_683 = arith.constant 3 : i32
        %get3A_684 = arith.index_cast %get3A_683 : i32 to index
        %get3A_685 = arith.index_cast %mul3A_631 : i32 to index
        %get3A_686 = tpu.vector_load %arg13[%get3A_684, %get3A_685] {strides = array<i32>} : memref<4x2048xf32, #tpu.memory_space<vmem>>, vector<16xf32>,
        %shift_right_logical3A_687 = arith.constant 8 : i32
        %shift_right_logical3A_688 = vector.broadcast %shift_right_logical3A_687 : i32 to vector<16xi32>
        %shift_right_logical3A_689 = arith.shrui %get3A_682, %shift_right_logical3A_688 : vector<16xi32>
        %and3A_690 = arith.constant 255 : i32
        %and3A_691 = vector.broadcast %and3A_690 : i32 to vector<16xi32>
        %and3A_692 = arith.andi %get3A_682, %and3A_691 : vector<16xi32>
        %mul3A_693 = arith.mulf %get3A_633, %get3A_686 : vector<16xf32>
        tpu.vector_store_idx %arg6[%shift_right_logical3A_689, %and3A_692], %mul3A_693 {add = true} : memref<256x256xf32, #tpu.memory_space<vmem>>[vector<16xi32>, vector<16xi32>], vector<16xf32>,
      }
      %scan3A_354 = arith.constant 128 : i32
      %dma_start3A_355 = arith.constant 14336 : i32
      %dma_start3A_356 = tpu.memref_slice %arg2[%select_n3A, %sub3A_28, %dma_start3A_355] : memref<2x256x16384xf32, #tpu.memory_space<hbm>> -> memref<1x1x2048xf32, #tpu.memory_space<hbm>>
      %dma_start3A_357 = tpu.memref_squeeze %dma_start3A_356 : memref<1x1x2048xf32, #tpu.memory_space<hbm>> -> memref<2048xf32, #tpu.memory_space<hbm>>
      %dma_start3A_358 = arith.constant 14336 : i32
      %dma_start3A_359 = tpu.memref_slice %arg2[%select_n3A, %sub3A_28, %dma_start3A_358] : memref<2x256x16384xf32, #tpu.memory_space<hbm>> -> memref<1x1x2048xf32, #tpu.memory_space<hbm>>
      %dma_start3A_360 = tpu.memref_squeeze %dma_start3A_359 : memref<1x1x2048xf32, #tpu.memory_space<hbm>> -> memref<2048xf32, #tpu.memory_space<hbm>>
      tpu.enqueue_dma source(%dma_start3A_360 : memref<2048xf32, #tpu.memory_space<hbm>>) target(%arg11 : memref<2048xf32, #tpu.memory_space<vmem>>) target_semaphore(%arg14 : memref<!tpu.dma_semaphore, #tpu.memory_space<semaphore_mem>>)
      %dma_start3A_361 = arith.constant 0 : i32
      %dma_start3A_362 = arith.constant 14336 : i32
      %dma_start3A_363 = tpu.memref_slice %arg3[%select_n3A, %dma_start3A_361, %dma_start3A_362] : memref<2x4x16384xi32, #tpu.memory_space<hbm>> -> memref<1x4x2048xi32, #tpu.memory_space<hbm>>
      %dma_start3A_364 = tpu.memref_squeeze %dma_start3A_363 : memref<1x4x2048xi32, #tpu.memory_space<hbm>> -> memref<4x2048xi32, #tpu.memory_space<hbm>>
      %dma_start3A_365 = arith.constant 0 : i32
      %dma_start3A_366 = arith.constant 14336 : i32
      %dma_start3A_367 = tpu.memref_slice %arg3[%select_n3A, %dma_start3A_365, %dma_start3A_366] : memref<2x4x16384xi32, #tpu.memory_space<hbm>> -> memref<1x4x2048xi32, #tpu.memory_space<hbm>>
      %dma_start3A_368 = tpu.memref_squeeze %dma_start3A_367 : memref<1x4x2048xi32, #tpu.memory_space<hbm>> -> memref<4x2048xi32, #tpu.memory_space<hbm>>
      tpu.enqueue_dma source(%dma_start3A_368 : memref<4x2048xi32, #tpu.memory_space<hbm>>) target(%arg12 : memref<4x2048xi32, #tpu.memory_space<vmem>>) target_semaphore(%arg14 : memref<!tpu.dma_semaphore, #tpu.memory_space<semaphore_mem>>)
      %dma_start3A_369 = arith.constant 0 : i32
      %dma_start3A_370 = arith.constant 14336 : i32
      %dma_start3A_371 = tpu.memref_slice %arg4[%select_n3A, %dma_start3A_369, %dma_start3A_370] : memref<2x4x16384xf32, #tpu.memory_space<hbm>> -> memref<1x4x2048xf32, #tpu.memory_space<hbm>>
      %dma_start3A_372 = tpu.memref_squeeze %dma_start3A_371 : memref<1x4x2048xf32, #tpu.memory_space<hbm>> -> memref<4x2048xf32, #tpu.memory_space<hbm>>
      %dma_start3A_373 = arith.constant 0 : i32
      %dma_start3A_374 = arith.constant 14336 : i32
      %dma_start3A_375 = tpu.memref_slice %arg4[%select_n3A, %dma_start3A_373, %dma_start3A_374] : memref<2x4x16384xf32, #tpu.memory_space<hbm>> -> memref<1x4x2048xf32, #tpu.memory_space<hbm>>
      %dma_start3A_376 = tpu.memref_squeeze %dma_start3A_375 : memref<1x4x2048xf32, #tpu.memory_space<hbm>> -> memref<4x2048xf32, #tpu.memory_space<hbm>>
      tpu.enqueue_dma source(%dma_start3A_376 : memref<4x2048xf32, #tpu.memory_space<hbm>>) target(%arg13 : memref<4x2048xf32, #tpu.memory_space<vmem>>) target_semaphore(%arg14 : memref<!tpu.dma_semaphore, #tpu.memory_space<semaphore_mem>>)
      %dma_wait3A_377 = arith.constant 12288 : i32
      %dma_wait3A_378 = tpu.memref_slice %arg2[%select_n3A, %sub3A_28, %dma_wait3A_377] : memref<2x256x16384xf32, #tpu.memory_space<hbm>> -> memref<1x1x2048xf32, #tpu.memory_space<hbm>>
      %dma_wait3A_379 = tpu.memref_squeeze %dma_wait3A_378 : memref<1x1x2048xf32, #tpu.memory_space<hbm>> -> memref<2048xf32, #tpu.memory_space<hbm>>
      %dma_wait3A_380 = arith.constant 12288 : i32
      %dma_wait3A_381 = tpu.memref_slice %arg2[%select_n3A, %sub3A_28, %dma_wait3A_380] : memref<2x256x16384xf32, #tpu.memory_space<hbm>> -> memref<1x1x2048xf32, #tpu.memory_space<hbm>>
      %dma_wait3A_382 = tpu.memref_squeeze %dma_wait3A_381 : memref<1x1x2048xf32, #tpu.memory_space<hbm>> -> memref<2048xf32, #tpu.memory_space<hbm>>
      tpu.wait_dma2 semaphore(%arg10 : memref<!tpu.dma_semaphore, #tpu.memory_space<semaphore_mem>>) src(%dma_wait3A_382 : memref<2048xf32, #tpu.memory_space<hbm>>) dst(%arg7 : memref<2048xf32, #tpu.memory_space<vmem>>)
      %dma_wait3A_383 = arith.constant 0 : i32
      %dma_wait3A_384 = arith.constant 12288 : i32
      %dma_wait3A_385 = tpu.memref_slice %arg3[%select_n3A, %dma_wait3A_383, %dma_wait3A_384] : memref<2x4x16384xi32, #tpu.memory_space<hbm>> -> memref<1x4x2048xi32, #tpu.memory_space<hbm>>
      %dma_wait3A_386 = tpu.memref_squeeze %dma_wait3A_385 : memref<1x4x2048xi32, #tpu.memory_space<hbm>> -> memref<4x2048xi32, #tpu.memory_space<hbm>>
      %dma_wait3A_387 = arith.constant 0 : i32
      %dma_wait3A_388 = arith.constant 12288 : i32
      %dma_wait3A_389 = tpu.memref_slice %arg3[%select_n3A, %dma_wait3A_387, %dma_wait3A_388] : memref<2x4x16384xi32, #tpu.memory_space<hbm>> -> memref<1x4x2048xi32, #tpu.memory_space<hbm>>
      %dma_wait3A_390 = tpu.memref_squeeze %dma_wait3A_389 : memref<1x4x2048xi32, #tpu.memory_space<hbm>> -> memref<4x2048xi32, #tpu.memory_space<hbm>>
      tpu.wait_dma2 semaphore(%arg10 : memref<!tpu.dma_semaphore, #tpu.memory_space<semaphore_mem>>) src(%dma_wait3A_390 : memref<4x2048xi32, #tpu.memory_space<hbm>>) dst(%arg8 : memref<4x2048xi32, #tpu.memory_space<vmem>>)
      %dma_wait3A_391 = arith.constant 0 : i32
      %dma_wait3A_392 = arith.constant 12288 : i32
      %dma_wait3A_393 = tpu.memref_slice %arg4[%select_n3A, %dma_wait3A_391, %dma_wait3A_392] : memref<2x4x16384xf32, #tpu.memory_space<hbm>> -> memref<1x4x2048xf32, #tpu.memory_space<hbm>>
      %dma_wait3A_394 = tpu.memref_squeeze %dma_wait3A_393 : memref<1x4x2048xf32, #tpu.memory_space<hbm>> -> memref<4x2048xf32, #tpu.memory_space<hbm>>
      %dma_wait3A_395 = arith.constant 0 : i32
      %dma_wait3A_396 = arith.constant 12288 : i32
      %dma_wait3A_397 = tpu.memref_slice %arg4[%select_n3A, %dma_wait3A_395, %dma_wait3A_396] : memref<2x4x16384xf32, #tpu.memory_space<hbm>> -> memref<1x4x2048xf32, #tpu.memory_space<hbm>>
      %dma_wait3A_398 = tpu.memref_squeeze %dma_wait3A_397 : memref<1x4x2048xf32, #tpu.memory_space<hbm>> -> memref<4x2048xf32, #tpu.memory_space<hbm>>
      tpu.wait_dma2 semaphore(%arg10 : memref<!tpu.dma_semaphore, #tpu.memory_space<semaphore_mem>>) src(%dma_wait3A_398 : memref<4x2048xf32, #tpu.memory_space<hbm>>) dst(%arg9 : memref<4x2048xf32, #tpu.memory_space<vmem>>)
      %scan3A_399 = arith.constant 0 : i32
      %scan3A_400 = arith.constant 0 : i32
      %scan3A_401 = arith.constant 128 : i32
      %scan3A_402 = arith.addi %scan3A_400, %scan3A_401 : i32
      %scan3A_403 = arith.constant 4 : i32
      scf.for %scan3A_433 = %scan3A_400 to %scan3A_402 step %scan3A_403  : i32 {
        %mul3A_434 = arith.constant 16 : i32
        %mul3A_435 = arith.muli %scan3A_433, %mul3A_434 : i32
        %get3A = arith.index_cast %mul3A_435 : i32 to index
        %get3A_436 = tpu.vector_load %arg7[%get3A] {strides = array<i32>} : memref<2048xf32, #tpu.memory_space<vmem>>, vector<16xf32>,
        %get3A_437 = arith.constant 0 : i32
        %get3A_438 = arith.index_cast %get3A_437 : i32 to index
        %get3A_439 = arith.index_cast %mul3A_435 : i32 to index
        %get3A_440 = tpu.vector_load %arg8[%get3A_438, %get3A_439] {strides = array<i32>} : memref<4x2048xi32, #tpu.memory_space<vmem>>, vector<16xi32>,
        %get3A_441 = arith.constant 0 : i32
        %get3A_442 = arith.index_cast %get3A_441 : i32 to index
        %get3A_443 = arith.index_cast %mul3A_435 : i32 to index
        %get3A_444 = tpu.vector_load %arg9[%get3A_442, %get3A_443] {strides = array<i32>} : memref<4x2048xf32, #tpu.memory_space<vmem>>, vector<16xf32>,
        %shift_right_logical3A = arith.constant 8 : i32
        %shift_right_logical3A_445 = vector.broadcast %shift_right_logical3A : i32 to vector<16xi32>
        %shift_right_logical3A_446 = arith.shrui %get3A_440, %shift_right_logical3A_445 : vector<16xi32>
        %and3A_447 = arith.constant 255 : i32
        %and3A_448 = vector.broadcast %and3A_447 : i32 to vector<16xi32>
        %and3A_449 = arith.andi %get3A_440, %and3A_448 : vector<16xi32>
        %mul3A_450 = arith.mulf %get3A_436, %get3A_444 : vector<16xf32>
        tpu.vector_store_idx %arg6[%shift_right_logical3A_446, %and3A_449], %mul3A_450 {add = true} : memref<256x256xf32, #tpu.memory_space<vmem>>[vector<16xi32>, vector<16xi32>], vector<16xf32>,
        %get3A_451 = arith.constant 1 : i32
        %get3A_452 = arith.index_cast %get3A_451 : i32 to index
        %get3A_453 = arith.index_cast %mul3A_435 : i32 to index
        %get3A_454 = tpu.vector_load %arg8[%get3A_452, %get3A_453] {strides = array<i32>} : memref<4x2048xi32, #tpu.memory_space<vmem>>, vector<16xi32>,
        %get3A_455 = arith.constant 1 : i32
        %get3A_456 = arith.index_cast %get3A_455 : i32 to index
        %get3A_457 = arith.index_cast %mul3A_435 : i32 to index
        %get3A_458 = tpu.vector_load %arg9[%get3A_456, %get3A_457] {strides = array<i32>} : memref<4x2048xf32, #tpu.memory_space<vmem>>, vector<16xf32>,
        %shift_right_logical3A_459 = arith.constant 8 : i32
        %shift_right_logical3A_460 = vector.broadcast %shift_right_logical3A_459 : i32 to vector<16xi32>
        %shift_right_logical3A_461 = arith.shrui %get3A_454, %shift_right_logical3A_460 : vector<16xi32>
        %and3A_462 = arith.constant 255 : i32
        %and3A_463 = vector.broadcast %and3A_462 : i32 to vector<16xi32>
        %and3A_464 = arith.andi %get3A_454, %and3A_463 : vector<16xi32>
        %mul3A_465 = arith.mulf %get3A_436, %get3A_458 : vector<16xf32>
        tpu.vector_store_idx %arg6[%shift_right_logical3A_461, %and3A_464], %mul3A_465 {add = true} : memref<256x256xf32, #tpu.memory_space<vmem>>[vector<16xi32>, vector<16xi32>], vector<16xf32>,
        %get3A_466 = arith.constant 2 : i32
        %get3A_467 = arith.index_cast %get3A_466 : i32 to index
        %get3A_468 = arith.index_cast %mul3A_435 : i32 to index
        %get3A_469 = tpu.vector_load %arg8[%get3A_467, %get3A_468] {strides = array<i32>} : memref<4x2048xi32, #tpu.memory_space<vmem>>, vector<16xi32>,
        %get3A_470 = arith.constant 2 : i32
        %get3A_471 = arith.index_cast %get3A_470 : i32 to index
        %get3A_472 = arith.index_cast %mul3A_435 : i32 to index
        %get3A_473 = tpu.vector_load %arg9[%get3A_471, %get3A_472] {strides = array<i32>} : memref<4x2048xf32, #tpu.memory_space<vmem>>, vector<16xf32>,
        %shift_right_logical3A_474 = arith.constant 8 : i32
        %shift_right_logical3A_475 = vector.broadcast %shift_right_logical3A_474 : i32 to vector<16xi32>
        %shift_right_logical3A_476 = arith.shrui %get3A_469, %shift_right_logical3A_475 : vector<16xi32>
        %and3A_477 = arith.constant 255 : i32
        %and3A_478 = vector.broadcast %and3A_477 : i32 to vector<16xi32>
        %and3A_479 = arith.andi %get3A_469, %and3A_478 : vector<16xi32>
        %mul3A_480 = arith.mulf %get3A_436, %get3A_473 : vector<16xf32>
        tpu.vector_store_idx %arg6[%shift_right_logical3A_476, %and3A_479], %mul3A_480 {add = true} : memref<256x256xf32, #tpu.memory_space<vmem>>[vector<16xi32>, vector<16xi32>], vector<16xf32>,
        %get3A_481 = arith.constant 3 : i32
        %get3A_482 = arith.index_cast %get3A_481 : i32 to index
        %get3A_483 = arith.index_cast %mul3A_435 : i32 to index
        %get3A_484 = tpu.vector_load %arg8[%get3A_482, %get3A_483] {strides = array<i32>} : memref<4x2048xi32, #tpu.memory_space<vmem>>, vector<16xi32>,
        %get3A_485 = arith.constant 3 : i32
        %get3A_486 = arith.index_cast %get3A_485 : i32 to index
        %get3A_487 = arith.index_cast %mul3A_435 : i32 to index
        %get3A_488 = tpu.vector_load %arg9[%get3A_486, %get3A_487] {strides = array<i32>} : memref<4x2048xf32, #tpu.memory_space<vmem>>, vector<16xf32>,
        %shift_right_logical3A_489 = arith.constant 8 : i32
        %shift_right_logical3A_490 = vector.broadcast %shift_right_logical3A_489 : i32 to vector<16xi32>
        %shift_right_logical3A_491 = arith.shrui %get3A_484, %shift_right_logical3A_490 : vector<16xi32>
        %and3A_492 = arith.constant 255 : i32
        %and3A_493 = vector.broadcast %and3A_492 : i32 to vector<16xi32>
        %and3A_494 = arith.andi %get3A_484, %and3A_493 : vector<16xi32>
        %mul3A_495 = arith.mulf %get3A_436, %get3A_488 : vector<16xf32>
        tpu.vector_store_idx %arg6[%shift_right_logical3A_491, %and3A_494], %mul3A_495 {add = true} : memref<256x256xf32, #tpu.memory_space<vmem>>[vector<16xi32>, vector<16xi32>], vector<16xf32>,
        %scan3A_496 = arith.constant 1 : i32
        %scan3A_497 = arith.addi %scan3A_433, %scan3A_496 : i32
        %mul3A_498 = arith.constant 16 : i32
        %mul3A_499 = arith.muli %scan3A_497, %mul3A_498 : i32
        %get3A_500 = arith.index_cast %mul3A_499 : i32 to index
        %get3A_501 = tpu.vector_load %arg7[%get3A_500] {strides = array<i32>} : memref<2048xf32, #tpu.memory_space<vmem>>, vector<16xf32>,
        %get3A_502 = arith.constant 0 : i32
        %get3A_503 = arith.index_cast %get3A_502 : i32 to index
        %get3A_504 = arith.index_cast %mul3A_499 : i32 to index
        %get3A_505 = tpu.vector_load %arg8[%get3A_503, %get3A_504] {strides = array<i32>} : memref<4x2048xi32, #tpu.memory_space<vmem>>, vector<16xi32>,
        %get3A_506 = arith.constant 0 : i32
        %get3A_507 = arith.index_cast %get3A_506 : i32 to index
        %get3A_508 = arith.index_cast %mul3A_499 : i32 to index
        %get3A_509 = tpu.vector_load %arg9[%get3A_507, %get3A_508] {strides = array<i32>} : memref<4x2048xf32, #tpu.memory_space<vmem>>, vector<16xf32>,
        %shift_right_logical3A_510 = arith.constant 8 : i32
        %shift_right_logical3A_511 = vector.broadcast %shift_right_logical3A_510 : i32 to vector<16xi32>
        %shift_right_logical3A_512 = arith.shrui %get3A_505, %shift_right_logical3A_511 : vector<16xi32>
        %and3A_513 = arith.constant 255 : i32
        %and3A_514 = vector.broadcast %and3A_513 : i32 to vector<16xi32>
        %and3A_515 = arith.andi %get3A_505, %and3A_514 : vector<16xi32>
        %mul3A_516 = arith.mulf %get3A_501, %get3A_509 : vector<16xf32>
        tpu.vector_store_idx %arg6[%shift_right_logical3A_512, %and3A_515], %mul3A_516 {add = true} : memref<256x256xf32, #tpu.memory_space<vmem>>[vector<16xi32>, vector<16xi32>], vector<16xf32>,
        %get3A_517 = arith.constant 1 : i32
        %get3A_518 = arith.index_cast %get3A_517 : i32 to index
        %get3A_519 = arith.index_cast %mul3A_499 : i32 to index
        %get3A_520 = tpu.vector_load %arg8[%get3A_518, %get3A_519] {strides = array<i32>} : memref<4x2048xi32, #tpu.memory_space<vmem>>, vector<16xi32>,
        %get3A_521 = arith.constant 1 : i32
        %get3A_522 = arith.index_cast %get3A_521 : i32 to index
        %get3A_523 = arith.index_cast %mul3A_499 : i32 to index
        %get3A_524 = tpu.vector_load %arg9[%get3A_522, %get3A_523] {strides = array<i32>} : memref<4x2048xf32, #tpu.memory_space<vmem>>, vector<16xf32>,
        %shift_right_logical3A_525 = arith.constant 8 : i32
        %shift_right_logical3A_526 = vector.broadcast %shift_right_logical3A_525 : i32 to vector<16xi32>
        %shift_right_logical3A_527 = arith.shrui %get3A_520, %shift_right_logical3A_526 : vector<16xi32>
        %and3A_528 = arith.constant 255 : i32
        %and3A_529 = vector.broadcast %and3A_528 : i32 to vector<16xi32>
        %and3A_530 = arith.andi %get3A_520, %and3A_529 : vector<16xi32>
        %mul3A_531 = arith.mulf %get3A_501, %get3A_524 : vector<16xf32>
        tpu.vector_store_idx %arg6[%shift_right_logical3A_527, %and3A_530], %mul3A_531 {add = true} : memref<256x256xf32, #tpu.memory_space<vmem>>[vector<16xi32>, vector<16xi32>], vector<16xf32>,
        %get3A_532 = arith.constant 2 : i32
        %get3A_533 = arith.index_cast %get3A_532 : i32 to index
        %get3A_534 = arith.index_cast %mul3A_499 : i32 to index
        %get3A_535 = tpu.vector_load %arg8[%get3A_533, %get3A_534] {strides = array<i32>} : memref<4x2048xi32, #tpu.memory_space<vmem>>, vector<16xi32>,
        %get3A_536 = arith.constant 2 : i32
        %get3A_537 = arith.index_cast %get3A_536 : i32 to index
        %get3A_538 = arith.index_cast %mul3A_499 : i32 to index
        %get3A_539 = tpu.vector_load %arg9[%get3A_537, %get3A_538] {strides = array<i32>} : memref<4x2048xf32, #tpu.memory_space<vmem>>, vector<16xf32>,
        %shift_right_logical3A_540 = arith.constant 8 : i32
        %shift_right_logical3A_541 = vector.broadcast %shift_right_logical3A_540 : i32 to vector<16xi32>
        %shift_right_logical3A_542 = arith.shrui %get3A_535, %shift_right_logical3A_541 : vector<16xi32>
        %and3A_543 = arith.constant 255 : i32
        %and3A_544 = vector.broadcast %and3A_543 : i32 to vector<16xi32>
        %and3A_545 = arith.andi %get3A_535, %and3A_544 : vector<16xi32>
        %mul3A_546 = arith.mulf %get3A_501, %get3A_539 : vector<16xf32>
        tpu.vector_store_idx %arg6[%shift_right_logical3A_542, %and3A_545], %mul3A_546 {add = true} : memref<256x256xf32, #tpu.memory_space<vmem>>[vector<16xi32>, vector<16xi32>], vector<16xf32>,
        %get3A_547 = arith.constant 3 : i32
        %get3A_548 = arith.index_cast %get3A_547 : i32 to index
        %get3A_549 = arith.index_cast %mul3A_499 : i32 to index
        %get3A_550 = tpu.vector_load %arg8[%get3A_548, %get3A_549] {strides = array<i32>} : memref<4x2048xi32, #tpu.memory_space<vmem>>, vector<16xi32>,
        %get3A_551 = arith.constant 3 : i32
        %get3A_552 = arith.index_cast %get3A_551 : i32 to index
        %get3A_553 = arith.index_cast %mul3A_499 : i32 to index
        %get3A_554 = tpu.vector_load %arg9[%get3A_552, %get3A_553] {strides = array<i32>} : memref<4x2048xf32, #tpu.memory_space<vmem>>, vector<16xf32>,
        %shift_right_logical3A_555 = arith.constant 8 : i32
        %shift_right_logical3A_556 = vector.broadcast %shift_right_logical3A_555 : i32 to vector<16xi32>
        %shift_right_logical3A_557 = arith.shrui %get3A_550, %shift_right_logical3A_556 : vector<16xi32>
        %and3A_558 = arith.constant 255 : i32
        %and3A_559 = vector.broadcast %and3A_558 : i32 to vector<16xi32>
        %and3A_560 = arith.andi %get3A_550, %and3A_559 : vector<16xi32>
        %mul3A_561 = arith.mulf %get3A_501, %get3A_554 : vector<16xf32>
        tpu.vector_store_idx %arg6[%shift_right_logical3A_557, %and3A_560], %mul3A_561 {add = true} : memref<256x256xf32, #tpu.memory_space<vmem>>[vector<16xi32>, vector<16xi32>], vector<16xf32>,
        %scan3A_562 = arith.constant 2 : i32
        %scan3A_563 = arith.addi %scan3A_433, %scan3A_562 : i32
        %mul3A_564 = arith.constant 16 : i32
        %mul3A_565 = arith.muli %scan3A_563, %mul3A_564 : i32
        %get3A_566 = arith.index_cast %mul3A_565 : i32 to index
        %get3A_567 = tpu.vector_load %arg7[%get3A_566] {strides = array<i32>} : memref<2048xf32, #tpu.memory_space<vmem>>, vector<16xf32>,
        %get3A_568 = arith.constant 0 : i32
        %get3A_569 = arith.index_cast %get3A_568 : i32 to index
        %get3A_570 = arith.index_cast %mul3A_565 : i32 to index
        %get3A_571 = tpu.vector_load %arg8[%get3A_569, %get3A_570] {strides = array<i32>} : memref<4x2048xi32, #tpu.memory_space<vmem>>, vector<16xi32>,
        %get3A_572 = arith.constant 0 : i32
        %get3A_573 = arith.index_cast %get3A_572 : i32 to index
        %get3A_574 = arith.index_cast %mul3A_565 : i32 to index
        %get3A_575 = tpu.vector_load %arg9[%get3A_573, %get3A_574] {strides = array<i32>} : memref<4x2048xf32, #tpu.memory_space<vmem>>, vector<16xf32>,
        %shift_right_logical3A_576 = arith.constant 8 : i32
        %shift_right_logical3A_577 = vector.broadcast %shift_right_logical3A_576 : i32 to vector<16xi32>
        %shift_right_logical3A_578 = arith.shrui %get3A_571, %shift_right_logical3A_577 : vector<16xi32>
        %and3A_579 = arith.constant 255 : i32
        %and3A_580 = vector.broadcast %and3A_579 : i32 to vector<16xi32>
        %and3A_581 = arith.andi %get3A_571, %and3A_580 : vector<16xi32>
        %mul3A_582 = arith.mulf %get3A_567, %get3A_575 : vector<16xf32>
        tpu.vector_store_idx %arg6[%shift_right_logical3A_578, %and3A_581], %mul3A_582 {add = true} : memref<256x256xf32, #tpu.memory_space<vmem>>[vector<16xi32>, vector<16xi32>], vector<16xf32>,
        %get3A_583 = arith.constant 1 : i32
        %get3A_584 = arith.index_cast %get3A_583 : i32 to index
        %get3A_585 = arith.index_cast %mul3A_565 : i32 to index
        %get3A_586 = tpu.vector_load %arg8[%get3A_584, %get3A_585] {strides = array<i32>} : memref<4x2048xi32, #tpu.memory_space<vmem>>, vector<16xi32>,
        %get3A_587 = arith.constant 1 : i32
        %get3A_588 = arith.index_cast %get3A_587 : i32 to index
        %get3A_589 = arith.index_cast %mul3A_565 : i32 to index
        %get3A_590 = tpu.vector_load %arg9[%get3A_588, %get3A_589] {strides = array<i32>} : memref<4x2048xf32, #tpu.memory_space<vmem>>, vector<16xf32>,
        %shift_right_logical3A_591 = arith.constant 8 : i32
        %shift_right_logical3A_592 = vector.broadcast %shift_right_logical3A_591 : i32 to vector<16xi32>
        %shift_right_logical3A_593 = arith.shrui %get3A_586, %shift_right_logical3A_592 : vector<16xi32>
        %and3A_594 = arith.constant 255 : i32
        %and3A_595 = vector.broadcast %and3A_594 : i32 to vector<16xi32>
        %and3A_596 = arith.andi %get3A_586, %and3A_595 : vector<16xi32>
        %mul3A_597 = arith.mulf %get3A_567, %get3A_590 : vector<16xf32>
        tpu.vector_store_idx %arg6[%shift_right_logical3A_593, %and3A_596], %mul3A_597 {add = true} : memref<256x256xf32, #tpu.memory_space<vmem>>[vector<16xi32>, vector<16xi32>], vector<16xf32>,
        %get3A_598 = arith.constant 2 : i32
        %get3A_599 = arith.index_cast %get3A_598 : i32 to index
        %get3A_600 = arith.index_cast %mul3A_565 : i32 to index
        %get3A_601 = tpu.vector_load %arg8[%get3A_599, %get3A_600] {strides = array<i32>} : memref<4x2048xi32, #tpu.memory_space<vmem>>, vector<16xi32>,
        %get3A_602 = arith.constant 2 : i32
        %get3A_603 = arith.index_cast %get3A_602 : i32 to index
        %get3A_604 = arith.index_cast %mul3A_565 : i32 to index
        %get3A_605 = tpu.vector_load %arg9[%get3A_603, %get3A_604] {strides = array<i32>} : memref<4x2048xf32, #tpu.memory_space<vmem>>, vector<16xf32>,
        %shift_right_logical3A_606 = arith.constant 8 : i32
        %shift_right_logical3A_607 = vector.broadcast %shift_right_logical3A_606 : i32 to vector<16xi32>
        %shift_right_logical3A_608 = arith.shrui %get3A_601, %shift_right_logical3A_607 : vector<16xi32>
        %and3A_609 = arith.constant 255 : i32
        %and3A_610 = vector.broadcast %and3A_609 : i32 to vector<16xi32>
        %and3A_611 = arith.andi %get3A_601, %and3A_610 : vector<16xi32>
        %mul3A_612 = arith.mulf %get3A_567, %get3A_605 : vector<16xf32>
        tpu.vector_store_idx %arg6[%shift_right_logical3A_608, %and3A_611], %mul3A_612 {add = true} : memref<256x256xf32, #tpu.memory_space<vmem>>[vector<16xi32>, vector<16xi32>], vector<16xf32>,
        %get3A_613 = arith.constant 3 : i32
        %get3A_614 = arith.index_cast %get3A_613 : i32 to index
        %get3A_615 = arith.index_cast %mul3A_565 : i32 to index
        %get3A_616 = tpu.vector_load %arg8[%get3A_614, %get3A_615] {strides = array<i32>} : memref<4x2048xi32, #tpu.memory_space<vmem>>, vector<16xi32>,
        %get3A_617 = arith.constant 3 : i32
        %get3A_618 = arith.index_cast %get3A_617 : i32 to index
        %get3A_619 = arith.index_cast %mul3A_565 : i32 to index
        %get3A_620 = tpu.vector_load %arg9[%get3A_618, %get3A_619] {strides = array<i32>} : memref<4x2048xf32, #tpu.memory_space<vmem>>, vector<16xf32>,
        %shift_right_logical3A_621 = arith.constant 8 : i32
        %shift_right_logical3A_622 = vector.broadcast %shift_right_logical3A_621 : i32 to vector<16xi32>
        %shift_right_logical3A_623 = arith.shrui %get3A_616, %shift_right_logical3A_622 : vector<16xi32>
        %and3A_624 = arith.constant 255 : i32
        %and3A_625 = vector.broadcast %and3A_624 : i32 to vector<16xi32>
        %and3A_626 = arith.andi %get3A_616, %and3A_625 : vector<16xi32>
        %mul3A_627 = arith.mulf %get3A_567, %get3A_620 : vector<16xf32>
        tpu.vector_store_idx %arg6[%shift_right_logical3A_623, %and3A_626], %mul3A_627 {add = true} : memref<256x256xf32, #tpu.memory_space<vmem>>[vector<16xi32>, vector<16xi32>], vector<16xf32>,
        %scan3A_628 = arith.constant 3 : i32
        %scan3A_629 = arith.addi %scan3A_433, %scan3A_628 : i32
        %mul3A_630 = arith.constant 16 : i32
        %mul3A_631 = arith.muli %scan3A_629, %mul3A_630 : i32
        %get3A_632 = arith.index_cast %mul3A_631 : i32 to index
        %get3A_633 = tpu.vector_load %arg7[%get3A_632] {strides = array<i32>} : memref<2048xf32, #tpu.memory_space<vmem>>, vector<16xf32>,
        %get3A_634 = arith.constant 0 : i32
        %get3A_635 = arith.index_cast %get3A_634 : i32 to index
        %get3A_636 = arith.index_cast %mul3A_631 : i32 to index
        %get3A_637 = tpu.vector_load %arg8[%get3A_635, %get3A_636] {strides = array<i32>} : memref<4x2048xi32, #tpu.memory_space<vmem>>, vector<16xi32>,
        %get3A_638 = arith.constant 0 : i32
        %get3A_639 = arith.index_cast %get3A_638 : i32 to index
        %get3A_640 = arith.index_cast %mul3A_631 : i32 to index
        %get3A_641 = tpu.vector_load %arg9[%get3A_639, %get3A_640] {strides = array<i32>} : memref<4x2048xf32, #tpu.memory_space<vmem>>, vector<16xf32>,
        %shift_right_logical3A_642 = arith.constant 8 : i32
        %shift_right_logical3A_643 = vector.broadcast %shift_right_logical3A_642 : i32 to vector<16xi32>
        %shift_right_logical3A_644 = arith.shrui %get3A_637, %shift_right_logical3A_643 : vector<16xi32>
        %and3A_645 = arith.constant 255 : i32
        %and3A_646 = vector.broadcast %and3A_645 : i32 to vector<16xi32>
        %and3A_647 = arith.andi %get3A_637, %and3A_646 : vector<16xi32>
        %mul3A_648 = arith.mulf %get3A_633, %get3A_641 : vector<16xf32>
        tpu.vector_store_idx %arg6[%shift_right_logical3A_644, %and3A_647], %mul3A_648 {add = true} : memref<256x256xf32, #tpu.memory_space<vmem>>[vector<16xi32>, vector<16xi32>], vector<16xf32>,
        %get3A_649 = arith.constant 1 : i32
        %get3A_650 = arith.index_cast %get3A_649 : i32 to index
        %get3A_651 = arith.index_cast %mul3A_631 : i32 to index
        %get3A_652 = tpu.vector_load %arg8[%get3A_650, %get3A_651] {strides = array<i32>} : memref<4x2048xi32, #tpu.memory_space<vmem>>, vector<16xi32>,
        %get3A_653 = arith.constant 1 : i32
        %get3A_654 = arith.index_cast %get3A_653 : i32 to index
        %get3A_655 = arith.index_cast %mul3A_631 : i32 to index
        %get3A_656 = tpu.vector_load %arg9[%get3A_654, %get3A_655] {strides = array<i32>} : memref<4x2048xf32, #tpu.memory_space<vmem>>, vector<16xf32>,
        %shift_right_logical3A_657 = arith.constant 8 : i32
        %shift_right_logical3A_658 = vector.broadcast %shift_right_logical3A_657 : i32 to vector<16xi32>
        %shift_right_logical3A_659 = arith.shrui %get3A_652, %shift_right_logical3A_658 : vector<16xi32>
        %and3A_660 = arith.constant 255 : i32
        %and3A_661 = vector.broadcast %and3A_660 : i32 to vector<16xi32>
        %and3A_662 = arith.andi %get3A_652, %and3A_661 : vector<16xi32>
        %mul3A_663 = arith.mulf %get3A_633, %get3A_656 : vector<16xf32>
        tpu.vector_store_idx %arg6[%shift_right_logical3A_659, %and3A_662], %mul3A_663 {add = true} : memref<256x256xf32, #tpu.memory_space<vmem>>[vector<16xi32>, vector<16xi32>], vector<16xf32>,
        %get3A_664 = arith.constant 2 : i32
        %get3A_665 = arith.index_cast %get3A_664 : i32 to index
        %get3A_666 = arith.index_cast %mul3A_631 : i32 to index
        %get3A_667 = tpu.vector_load %arg8[%get3A_665, %get3A_666] {strides = array<i32>} : memref<4x2048xi32, #tpu.memory_space<vmem>>, vector<16xi32>,
        %get3A_668 = arith.constant 2 : i32
        %get3A_669 = arith.index_cast %get3A_668 : i32 to index
        %get3A_670 = arith.index_cast %mul3A_631 : i32 to index
        %get3A_671 = tpu.vector_load %arg9[%get3A_669, %get3A_670] {strides = array<i32>} : memref<4x2048xf32, #tpu.memory_space<vmem>>, vector<16xf32>,
        %shift_right_logical3A_672 = arith.constant 8 : i32
        %shift_right_logical3A_673 = vector.broadcast %shift_right_logical3A_672 : i32 to vector<16xi32>
        %shift_right_logical3A_674 = arith.shrui %get3A_667, %shift_right_logical3A_673 : vector<16xi32>
        %and3A_675 = arith.constant 255 : i32
        %and3A_676 = vector.broadcast %and3A_675 : i32 to vector<16xi32>
        %and3A_677 = arith.andi %get3A_667, %and3A_676 : vector<16xi32>
        %mul3A_678 = arith.mulf %get3A_633, %get3A_671 : vector<16xf32>
        tpu.vector_store_idx %arg6[%shift_right_logical3A_674, %and3A_677], %mul3A_678 {add = true} : memref<256x256xf32, #tpu.memory_space<vmem>>[vector<16xi32>, vector<16xi32>], vector<16xf32>,
        %get3A_679 = arith.constant 3 : i32
        %get3A_680 = arith.index_cast %get3A_679 : i32 to index
        %get3A_681 = arith.index_cast %mul3A_631 : i32 to index
        %get3A_682 = tpu.vector_load %arg8[%get3A_680, %get3A_681] {strides = array<i32>} : memref<4x2048xi32, #tpu.memory_space<vmem>>, vector<16xi32>,
        %get3A_683 = arith.constant 3 : i32
        %get3A_684 = arith.index_cast %get3A_683 : i32 to index
        %get3A_685 = arith.index_cast %mul3A_631 : i32 to index
        %get3A_686 = tpu.vector_load %arg9[%get3A_684, %get3A_685] {strides = array<i32>} : memref<4x2048xf32, #tpu.memory_space<vmem>>, vector<16xf32>,
        %shift_right_logical3A_687 = arith.constant 8 : i32
        %shift_right_logical3A_688 = vector.broadcast %shift_right_logical3A_687 : i32 to vector<16xi32>
        %shift_right_logical3A_689 = arith.shrui %get3A_682, %shift_right_logical3A_688 : vector<16xi32>
        %and3A_690 = arith.constant 255 : i32
        %and3A_691 = vector.broadcast %and3A_690 : i32 to vector<16xi32>
        %and3A_692 = arith.andi %get3A_682, %and3A_691 : vector<16xi32>
        %mul3A_693 = arith.mulf %get3A_633, %get3A_686 : vector<16xf32>
        tpu.vector_store_idx %arg6[%shift_right_logical3A_689, %and3A_692], %mul3A_693 {add = true} : memref<256x256xf32, #tpu.memory_space<vmem>>[vector<16xi32>, vector<16xi32>], vector<16xf32>,
      }
      %scan3A_404 = arith.constant 128 : i32
      %dma_wait3A_405 = arith.constant 14336 : i32
      %dma_wait3A_406 = tpu.memref_slice %arg2[%select_n3A, %sub3A_28, %dma_wait3A_405] : memref<2x256x16384xf32, #tpu.memory_space<hbm>> -> memref<1x1x2048xf32, #tpu.memory_space<hbm>>
      %dma_wait3A_407 = tpu.memref_squeeze %dma_wait3A_406 : memref<1x1x2048xf32, #tpu.memory_space<hbm>> -> memref<2048xf32, #tpu.memory_space<hbm>>
      %dma_wait3A_408 = arith.constant 14336 : i32
      %dma_wait3A_409 = tpu.memref_slice %arg2[%select_n3A, %sub3A_28, %dma_wait3A_408] : memref<2x256x16384xf32, #tpu.memory_space<hbm>> -> memref<1x1x2048xf32, #tpu.memory_space<hbm>>
      %dma_wait3A_410 = tpu.memref_squeeze %dma_wait3A_409 : memref<1x1x2048xf32, #tpu.memory_space<hbm>> -> memref<2048xf32, #tpu.memory_space<hbm>>
      tpu.wait_dma2 semaphore(%arg14 : memref<!tpu.dma_semaphore, #tpu.memory_space<semaphore_mem>>) src(%dma_wait3A_410 : memref<2048xf32, #tpu.memory_space<hbm>>) dst(%arg11 : memref<2048xf32, #tpu.memory_space<vmem>>)
      %dma_wait3A_411 = arith.constant 0 : i32
      %dma_wait3A_412 = arith.constant 14336 : i32
      %dma_wait3A_413 = tpu.memref_slice %arg3[%select_n3A, %dma_wait3A_411, %dma_wait3A_412] : memref<2x4x16384xi32, #tpu.memory_space<hbm>> -> memref<1x4x2048xi32, #tpu.memory_space<hbm>>
      %dma_wait3A_414 = tpu.memref_squeeze %dma_wait3A_413 : memref<1x4x2048xi32, #tpu.memory_space<hbm>> -> memref<4x2048xi32, #tpu.memory_space<hbm>>
      %dma_wait3A_415 = arith.constant 0 : i32
      %dma_wait3A_416 = arith.constant 14336 : i32
      %dma_wait3A_417 = tpu.memref_slice %arg3[%select_n3A, %dma_wait3A_415, %dma_wait3A_416] : memref<2x4x16384xi32, #tpu.memory_space<hbm>> -> memref<1x4x2048xi32, #tpu.memory_space<hbm>>
      %dma_wait3A_418 = tpu.memref_squeeze %dma_wait3A_417 : memref<1x4x2048xi32, #tpu.memory_space<hbm>> -> memref<4x2048xi32, #tpu.memory_space<hbm>>
      tpu.wait_dma2 semaphore(%arg14 : memref<!tpu.dma_semaphore, #tpu.memory_space<semaphore_mem>>) src(%dma_wait3A_418 : memref<4x2048xi32, #tpu.memory_space<hbm>>) dst(%arg12 : memref<4x2048xi32, #tpu.memory_space<vmem>>)
      %dma_wait3A_419 = arith.constant 0 : i32
      %dma_wait3A_420 = arith.constant 14336 : i32
      %dma_wait3A_421 = tpu.memref_slice %arg4[%select_n3A, %dma_wait3A_419, %dma_wait3A_420] : memref<2x4x16384xf32, #tpu.memory_space<hbm>> -> memref<1x4x2048xf32, #tpu.memory_space<hbm>>
      %dma_wait3A_422 = tpu.memref_squeeze %dma_wait3A_421 : memref<1x4x2048xf32, #tpu.memory_space<hbm>> -> memref<4x2048xf32, #tpu.memory_space<hbm>>
      %dma_wait3A_423 = arith.constant 0 : i32
      %dma_wait3A_424 = arith.constant 14336 : i32
      %dma_wait3A_425 = tpu.memref_slice %arg4[%select_n3A, %dma_wait3A_423, %dma_wait3A_424] : memref<2x4x16384xf32, #tpu.memory_space<hbm>> -> memref<1x4x2048xf32, #tpu.memory_space<hbm>>
      %dma_wait3A_426 = tpu.memref_squeeze %dma_wait3A_425 : memref<1x4x2048xf32, #tpu.memory_space<hbm>> -> memref<4x2048xf32, #tpu.memory_space<hbm>>
      tpu.wait_dma2 semaphore(%arg14 : memref<!tpu.dma_semaphore, #tpu.memory_space<semaphore_mem>>) src(%dma_wait3A_426 : memref<4x2048xf32, #tpu.memory_space<hbm>>) dst(%arg13 : memref<4x2048xf32, #tpu.memory_space<vmem>>)
      %scan3A_427 = arith.constant 0 : i32
      %scan3A_428 = arith.constant 0 : i32
      %scan3A_429 = arith.constant 128 : i32
      %scan3A_430 = arith.addi %scan3A_428, %scan3A_429 : i32
      %scan3A_431 = arith.constant 4 : i32
      scf.for %scan3A_433 = %scan3A_428 to %scan3A_430 step %scan3A_431  : i32 {
        %mul3A_434 = arith.constant 16 : i32
        %mul3A_435 = arith.muli %scan3A_433, %mul3A_434 : i32
        %get3A = arith.index_cast %mul3A_435 : i32 to index
        %get3A_436 = tpu.vector_load %arg11[%get3A] {strides = array<i32>} : memref<2048xf32, #tpu.memory_space<vmem>>, vector<16xf32>,
        %get3A_437 = arith.constant 0 : i32
        %get3A_438 = arith.index_cast %get3A_437 : i32 to index
        %get3A_439 = arith.index_cast %mul3A_435 : i32 to index
        %get3A_440 = tpu.vector_load %arg12[%get3A_438, %get3A_439] {strides = array<i32>} : memref<4x2048xi32, #tpu.memory_space<vmem>>, vector<16xi32>,
        %get3A_441 = arith.constant 0 : i32
        %get3A_442 = arith.index_cast %get3A_441 : i32 to index
        %get3A_443 = arith.index_cast %mul3A_435 : i32 to index
        %get3A_444 = tpu.vector_load %arg13[%get3A_442, %get3A_443] {strides = array<i32>} : memref<4x2048xf32, #tpu.memory_space<vmem>>, vector<16xf32>,
        %shift_right_logical3A = arith.constant 8 : i32
        %shift_right_logical3A_445 = vector.broadcast %shift_right_logical3A : i32 to vector<16xi32>
        %shift_right_logical3A_446 = arith.shrui %get3A_440, %shift_right_logical3A_445 : vector<16xi32>
        %and3A_447 = arith.constant 255 : i32
        %and3A_448 = vector.broadcast %and3A_447 : i32 to vector<16xi32>
        %and3A_449 = arith.andi %get3A_440, %and3A_448 : vector<16xi32>
        %mul3A_450 = arith.mulf %get3A_436, %get3A_444 : vector<16xf32>
        tpu.vector_store_idx %arg6[%shift_right_logical3A_446, %and3A_449], %mul3A_450 {add = true} : memref<256x256xf32, #tpu.memory_space<vmem>>[vector<16xi32>, vector<16xi32>], vector<16xf32>,
        %get3A_451 = arith.constant 1 : i32
        %get3A_452 = arith.index_cast %get3A_451 : i32 to index
        %get3A_453 = arith.index_cast %mul3A_435 : i32 to index
        %get3A_454 = tpu.vector_load %arg12[%get3A_452, %get3A_453] {strides = array<i32>} : memref<4x2048xi32, #tpu.memory_space<vmem>>, vector<16xi32>,
        %get3A_455 = arith.constant 1 : i32
        %get3A_456 = arith.index_cast %get3A_455 : i32 to index
        %get3A_457 = arith.index_cast %mul3A_435 : i32 to index
        %get3A_458 = tpu.vector_load %arg13[%get3A_456, %get3A_457] {strides = array<i32>} : memref<4x2048xf32, #tpu.memory_space<vmem>>, vector<16xf32>,
        %shift_right_logical3A_459 = arith.constant 8 : i32
        %shift_right_logical3A_460 = vector.broadcast %shift_right_logical3A_459 : i32 to vector<16xi32>
        %shift_right_logical3A_461 = arith.shrui %get3A_454, %shift_right_logical3A_460 : vector<16xi32>
        %and3A_462 = arith.constant 255 : i32
        %and3A_463 = vector.broadcast %and3A_462 : i32 to vector<16xi32>
        %and3A_464 = arith.andi %get3A_454, %and3A_463 : vector<16xi32>
        %mul3A_465 = arith.mulf %get3A_436, %get3A_458 : vector<16xf32>
        tpu.vector_store_idx %arg6[%shift_right_logical3A_461, %and3A_464], %mul3A_465 {add = true} : memref<256x256xf32, #tpu.memory_space<vmem>>[vector<16xi32>, vector<16xi32>], vector<16xf32>,
        %get3A_466 = arith.constant 2 : i32
        %get3A_467 = arith.index_cast %get3A_466 : i32 to index
        %get3A_468 = arith.index_cast %mul3A_435 : i32 to index
        %get3A_469 = tpu.vector_load %arg12[%get3A_467, %get3A_468] {strides = array<i32>} : memref<4x2048xi32, #tpu.memory_space<vmem>>, vector<16xi32>,
        %get3A_470 = arith.constant 2 : i32
        %get3A_471 = arith.index_cast %get3A_470 : i32 to index
        %get3A_472 = arith.index_cast %mul3A_435 : i32 to index
        %get3A_473 = tpu.vector_load %arg13[%get3A_471, %get3A_472] {strides = array<i32>} : memref<4x2048xf32, #tpu.memory_space<vmem>>, vector<16xf32>,
        %shift_right_logical3A_474 = arith.constant 8 : i32
        %shift_right_logical3A_475 = vector.broadcast %shift_right_logical3A_474 : i32 to vector<16xi32>
        %shift_right_logical3A_476 = arith.shrui %get3A_469, %shift_right_logical3A_475 : vector<16xi32>
        %and3A_477 = arith.constant 255 : i32
        %and3A_478 = vector.broadcast %and3A_477 : i32 to vector<16xi32>
        %and3A_479 = arith.andi %get3A_469, %and3A_478 : vector<16xi32>
        %mul3A_480 = arith.mulf %get3A_436, %get3A_473 : vector<16xf32>
        tpu.vector_store_idx %arg6[%shift_right_logical3A_476, %and3A_479], %mul3A_480 {add = true} : memref<256x256xf32, #tpu.memory_space<vmem>>[vector<16xi32>, vector<16xi32>], vector<16xf32>,
        %get3A_481 = arith.constant 3 : i32
        %get3A_482 = arith.index_cast %get3A_481 : i32 to index
        %get3A_483 = arith.index_cast %mul3A_435 : i32 to index
        %get3A_484 = tpu.vector_load %arg12[%get3A_482, %get3A_483] {strides = array<i32>} : memref<4x2048xi32, #tpu.memory_space<vmem>>, vector<16xi32>,
        %get3A_485 = arith.constant 3 : i32
        %get3A_486 = arith.index_cast %get3A_485 : i32 to index
        %get3A_487 = arith.index_cast %mul3A_435 : i32 to index
        %get3A_488 = tpu.vector_load %arg13[%get3A_486, %get3A_487] {strides = array<i32>} : memref<4x2048xf32, #tpu.memory_space<vmem>>, vector<16xf32>,
        %shift_right_logical3A_489 = arith.constant 8 : i32
        %shift_right_logical3A_490 = vector.broadcast %shift_right_logical3A_489 : i32 to vector<16xi32>
        %shift_right_logical3A_491 = arith.shrui %get3A_484, %shift_right_logical3A_490 : vector<16xi32>
        %and3A_492 = arith.constant 255 : i32
        %and3A_493 = vector.broadcast %and3A_492 : i32 to vector<16xi32>
        %and3A_494 = arith.andi %get3A_484, %and3A_493 : vector<16xi32>
        %mul3A_495 = arith.mulf %get3A_436, %get3A_488 : vector<16xf32>
        tpu.vector_store_idx %arg6[%shift_right_logical3A_491, %and3A_494], %mul3A_495 {add = true} : memref<256x256xf32, #tpu.memory_space<vmem>>[vector<16xi32>, vector<16xi32>], vector<16xf32>,
        %scan3A_496 = arith.constant 1 : i32
        %scan3A_497 = arith.addi %scan3A_433, %scan3A_496 : i32
        %mul3A_498 = arith.constant 16 : i32
        %mul3A_499 = arith.muli %scan3A_497, %mul3A_498 : i32
        %get3A_500 = arith.index_cast %mul3A_499 : i32 to index
        %get3A_501 = tpu.vector_load %arg11[%get3A_500] {strides = array<i32>} : memref<2048xf32, #tpu.memory_space<vmem>>, vector<16xf32>,
        %get3A_502 = arith.constant 0 : i32
        %get3A_503 = arith.index_cast %get3A_502 : i32 to index
        %get3A_504 = arith.index_cast %mul3A_499 : i32 to index
        %get3A_505 = tpu.vector_load %arg12[%get3A_503, %get3A_504] {strides = array<i32>} : memref<4x2048xi32, #tpu.memory_space<vmem>>, vector<16xi32>,
        %get3A_506 = arith.constant 0 : i32
        %get3A_507 = arith.index_cast %get3A_506 : i32 to index
        %get3A_508 = arith.index_cast %mul3A_499 : i32 to index
        %get3A_509 = tpu.vector_load %arg13[%get3A_507, %get3A_508] {strides = array<i32>} : memref<4x2048xf32, #tpu.memory_space<vmem>>, vector<16xf32>,
        %shift_right_logical3A_510 = arith.constant 8 : i32
        %shift_right_logical3A_511 = vector.broadcast %shift_right_logical3A_510 : i32 to vector<16xi32>
        %shift_right_logical3A_512 = arith.shrui %get3A_505, %shift_right_logical3A_511 : vector<16xi32>
        %and3A_513 = arith.constant 255 : i32
        %and3A_514 = vector.broadcast %and3A_513 : i32 to vector<16xi32>
        %and3A_515 = arith.andi %get3A_505, %and3A_514 : vector<16xi32>
        %mul3A_516 = arith.mulf %get3A_501, %get3A_509 : vector<16xf32>
        tpu.vector_store_idx %arg6[%shift_right_logical3A_512, %and3A_515], %mul3A_516 {add = true} : memref<256x256xf32, #tpu.memory_space<vmem>>[vector<16xi32>, vector<16xi32>], vector<16xf32>,
        %get3A_517 = arith.constant 1 : i32
        %get3A_518 = arith.index_cast %get3A_517 : i32 to index
        %get3A_519 = arith.index_cast %mul3A_499 : i32 to index
        %get3A_520 = tpu.vector_load %arg12[%get3A_518, %get3A_519] {strides = array<i32>} : memref<4x2048xi32, #tpu.memory_space<vmem>>, vector<16xi32>,
        %get3A_521 = arith.constant 1 : i32
        %get3A_522 = arith.index_cast %get3A_521 : i32 to index
        %get3A_523 = arith.index_cast %mul3A_499 : i32 to index
        %get3A_524 = tpu.vector_load %arg13[%get3A_522, %get3A_523] {strides = array<i32>} : memref<4x2048xf32, #tpu.memory_space<vmem>>, vector<16xf32>,
        %shift_right_logical3A_525 = arith.constant 8 : i32
        %shift_right_logical3A_526 = vector.broadcast %shift_right_logical3A_525 : i32 to vector<16xi32>
        %shift_right_logical3A_527 = arith.shrui %get3A_520, %shift_right_logical3A_526 : vector<16xi32>
        %and3A_528 = arith.constant 255 : i32
        %and3A_529 = vector.broadcast %and3A_528 : i32 to vector<16xi32>
        %and3A_530 = arith.andi %get3A_520, %and3A_529 : vector<16xi32>
        %mul3A_531 = arith.mulf %get3A_501, %get3A_524 : vector<16xf32>
        tpu.vector_store_idx %arg6[%shift_right_logical3A_527, %and3A_530], %mul3A_531 {add = true} : memref<256x256xf32, #tpu.memory_space<vmem>>[vector<16xi32>, vector<16xi32>], vector<16xf32>,
        %get3A_532 = arith.constant 2 : i32
        %get3A_533 = arith.index_cast %get3A_532 : i32 to index
        %get3A_534 = arith.index_cast %mul3A_499 : i32 to index
        %get3A_535 = tpu.vector_load %arg12[%get3A_533, %get3A_534] {strides = array<i32>} : memref<4x2048xi32, #tpu.memory_space<vmem>>, vector<16xi32>,
        %get3A_536 = arith.constant 2 : i32
        %get3A_537 = arith.index_cast %get3A_536 : i32 to index
        %get3A_538 = arith.index_cast %mul3A_499 : i32 to index
        %get3A_539 = tpu.vector_load %arg13[%get3A_537, %get3A_538] {strides = array<i32>} : memref<4x2048xf32, #tpu.memory_space<vmem>>, vector<16xf32>,
        %shift_right_logical3A_540 = arith.constant 8 : i32
        %shift_right_logical3A_541 = vector.broadcast %shift_right_logical3A_540 : i32 to vector<16xi32>
        %shift_right_logical3A_542 = arith.shrui %get3A_535, %shift_right_logical3A_541 : vector<16xi32>
        %and3A_543 = arith.constant 255 : i32
        %and3A_544 = vector.broadcast %and3A_543 : i32 to vector<16xi32>
        %and3A_545 = arith.andi %get3A_535, %and3A_544 : vector<16xi32>
        %mul3A_546 = arith.mulf %get3A_501, %get3A_539 : vector<16xf32>
        tpu.vector_store_idx %arg6[%shift_right_logical3A_542, %and3A_545], %mul3A_546 {add = true} : memref<256x256xf32, #tpu.memory_space<vmem>>[vector<16xi32>, vector<16xi32>], vector<16xf32>,
        %get3A_547 = arith.constant 3 : i32
        %get3A_548 = arith.index_cast %get3A_547 : i32 to index
        %get3A_549 = arith.index_cast %mul3A_499 : i32 to index
        %get3A_550 = tpu.vector_load %arg12[%get3A_548, %get3A_549] {strides = array<i32>} : memref<4x2048xi32, #tpu.memory_space<vmem>>, vector<16xi32>,
        %get3A_551 = arith.constant 3 : i32
        %get3A_552 = arith.index_cast %get3A_551 : i32 to index
        %get3A_553 = arith.index_cast %mul3A_499 : i32 to index
        %get3A_554 = tpu.vector_load %arg13[%get3A_552, %get3A_553] {strides = array<i32>} : memref<4x2048xf32, #tpu.memory_space<vmem>>, vector<16xf32>,
        %shift_right_logical3A_555 = arith.constant 8 : i32
        %shift_right_logical3A_556 = vector.broadcast %shift_right_logical3A_555 : i32 to vector<16xi32>
        %shift_right_logical3A_557 = arith.shrui %get3A_550, %shift_right_logical3A_556 : vector<16xi32>
        %and3A_558 = arith.constant 255 : i32
        %and3A_559 = vector.broadcast %and3A_558 : i32 to vector<16xi32>
        %and3A_560 = arith.andi %get3A_550, %and3A_559 : vector<16xi32>
        %mul3A_561 = arith.mulf %get3A_501, %get3A_554 : vector<16xf32>
        tpu.vector_store_idx %arg6[%shift_right_logical3A_557, %and3A_560], %mul3A_561 {add = true} : memref<256x256xf32, #tpu.memory_space<vmem>>[vector<16xi32>, vector<16xi32>], vector<16xf32>,
        %scan3A_562 = arith.constant 2 : i32
        %scan3A_563 = arith.addi %scan3A_433, %scan3A_562 : i32
        %mul3A_564 = arith.constant 16 : i32
        %mul3A_565 = arith.muli %scan3A_563, %mul3A_564 : i32
        %get3A_566 = arith.index_cast %mul3A_565 : i32 to index
        %get3A_567 = tpu.vector_load %arg11[%get3A_566] {strides = array<i32>} : memref<2048xf32, #tpu.memory_space<vmem>>, vector<16xf32>,
        %get3A_568 = arith.constant 0 : i32
        %get3A_569 = arith.index_cast %get3A_568 : i32 to index
        %get3A_570 = arith.index_cast %mul3A_565 : i32 to index
        %get3A_571 = tpu.vector_load %arg12[%get3A_569, %get3A_570] {strides = array<i32>} : memref<4x2048xi32, #tpu.memory_space<vmem>>, vector<16xi32>,
        %get3A_572 = arith.constant 0 : i32
        %get3A_573 = arith.index_cast %get3A_572 : i32 to index
        %get3A_574 = arith.index_cast %mul3A_565 : i32 to index
        %get3A_575 = tpu.vector_load %arg13[%get3A_573, %get3A_574] {strides = array<i32>} : memref<4x2048xf32, #tpu.memory_space<vmem>>, vector<16xf32>,
        %shift_right_logical3A_576 = arith.constant 8 : i32
        %shift_right_logical3A_577 = vector.broadcast %shift_right_logical3A_576 : i32 to vector<16xi32>
        %shift_right_logical3A_578 = arith.shrui %get3A_571, %shift_right_logical3A_577 : vector<16xi32>
        %and3A_579 = arith.constant 255 : i32
        %and3A_580 = vector.broadcast %and3A_579 : i32 to vector<16xi32>
        %and3A_581 = arith.andi %get3A_571, %and3A_580 : vector<16xi32>
        %mul3A_582 = arith.mulf %get3A_567, %get3A_575 : vector<16xf32>
        tpu.vector_store_idx %arg6[%shift_right_logical3A_578, %and3A_581], %mul3A_582 {add = true} : memref<256x256xf32, #tpu.memory_space<vmem>>[vector<16xi32>, vector<16xi32>], vector<16xf32>,
        %get3A_583 = arith.constant 1 : i32
        %get3A_584 = arith.index_cast %get3A_583 : i32 to index
        %get3A_585 = arith.index_cast %mul3A_565 : i32 to index
        %get3A_586 = tpu.vector_load %arg12[%get3A_584, %get3A_585] {strides = array<i32>} : memref<4x2048xi32, #tpu.memory_space<vmem>>, vector<16xi32>,
        %get3A_587 = arith.constant 1 : i32
        %get3A_588 = arith.index_cast %get3A_587 : i32 to index
        %get3A_589 = arith.index_cast %mul3A_565 : i32 to index
        %get3A_590 = tpu.vector_load %arg13[%get3A_588, %get3A_589] {strides = array<i32>} : memref<4x2048xf32, #tpu.memory_space<vmem>>, vector<16xf32>,
        %shift_right_logical3A_591 = arith.constant 8 : i32
        %shift_right_logical3A_592 = vector.broadcast %shift_right_logical3A_591 : i32 to vector<16xi32>
        %shift_right_logical3A_593 = arith.shrui %get3A_586, %shift_right_logical3A_592 : vector<16xi32>
        %and3A_594 = arith.constant 255 : i32
        %and3A_595 = vector.broadcast %and3A_594 : i32 to vector<16xi32>
        %and3A_596 = arith.andi %get3A_586, %and3A_595 : vector<16xi32>
        %mul3A_597 = arith.mulf %get3A_567, %get3A_590 : vector<16xf32>
        tpu.vector_store_idx %arg6[%shift_right_logical3A_593, %and3A_596], %mul3A_597 {add = true} : memref<256x256xf32, #tpu.memory_space<vmem>>[vector<16xi32>, vector<16xi32>], vector<16xf32>,
        %get3A_598 = arith.constant 2 : i32
        %get3A_599 = arith.index_cast %get3A_598 : i32 to index
        %get3A_600 = arith.index_cast %mul3A_565 : i32 to index
        %get3A_601 = tpu.vector_load %arg12[%get3A_599, %get3A_600] {strides = array<i32>} : memref<4x2048xi32, #tpu.memory_space<vmem>>, vector<16xi32>,
        %get3A_602 = arith.constant 2 : i32
        %get3A_603 = arith.index_cast %get3A_602 : i32 to index
        %get3A_604 = arith.index_cast %mul3A_565 : i32 to index
        %get3A_605 = tpu.vector_load %arg13[%get3A_603, %get3A_604] {strides = array<i32>} : memref<4x2048xf32, #tpu.memory_space<vmem>>, vector<16xf32>,
        %shift_right_logical3A_606 = arith.constant 8 : i32
        %shift_right_logical3A_607 = vector.broadcast %shift_right_logical3A_606 : i32 to vector<16xi32>
        %shift_right_logical3A_608 = arith.shrui %get3A_601, %shift_right_logical3A_607 : vector<16xi32>
        %and3A_609 = arith.constant 255 : i32
        %and3A_610 = vector.broadcast %and3A_609 : i32 to vector<16xi32>
        %and3A_611 = arith.andi %get3A_601, %and3A_610 : vector<16xi32>
        %mul3A_612 = arith.mulf %get3A_567, %get3A_605 : vector<16xf32>
        tpu.vector_store_idx %arg6[%shift_right_logical3A_608, %and3A_611], %mul3A_612 {add = true} : memref<256x256xf32, #tpu.memory_space<vmem>>[vector<16xi32>, vector<16xi32>], vector<16xf32>,
        %get3A_613 = arith.constant 3 : i32
        %get3A_614 = arith.index_cast %get3A_613 : i32 to index
        %get3A_615 = arith.index_cast %mul3A_565 : i32 to index
        %get3A_616 = tpu.vector_load %arg12[%get3A_614, %get3A_615] {strides = array<i32>} : memref<4x2048xi32, #tpu.memory_space<vmem>>, vector<16xi32>,
        %get3A_617 = arith.constant 3 : i32
        %get3A_618 = arith.index_cast %get3A_617 : i32 to index
        %get3A_619 = arith.index_cast %mul3A_565 : i32 to index
        %get3A_620 = tpu.vector_load %arg13[%get3A_618, %get3A_619] {strides = array<i32>} : memref<4x2048xf32, #tpu.memory_space<vmem>>, vector<16xf32>,
        %shift_right_logical3A_621 = arith.constant 8 : i32
        %shift_right_logical3A_622 = vector.broadcast %shift_right_logical3A_621 : i32 to vector<16xi32>
        %shift_right_logical3A_623 = arith.shrui %get3A_616, %shift_right_logical3A_622 : vector<16xi32>
        %and3A_624 = arith.constant 255 : i32
        %and3A_625 = vector.broadcast %and3A_624 : i32 to vector<16xi32>
        %and3A_626 = arith.andi %get3A_616, %and3A_625 : vector<16xi32>
        %mul3A_627 = arith.mulf %get3A_567, %get3A_620 : vector<16xf32>
        tpu.vector_store_idx %arg6[%shift_right_logical3A_623, %and3A_626], %mul3A_627 {add = true} : memref<256x256xf32, #tpu.memory_space<vmem>>[vector<16xi32>, vector<16xi32>], vector<16xf32>,
        %scan3A_628 = arith.constant 3 : i32
        %scan3A_629 = arith.addi %scan3A_433, %scan3A_628 : i32
        %mul3A_630 = arith.constant 16 : i32
        %mul3A_631 = arith.muli %scan3A_629, %mul3A_630 : i32
        %get3A_632 = arith.index_cast %mul3A_631 : i32 to index
        %get3A_633 = tpu.vector_load %arg11[%get3A_632] {strides = array<i32>} : memref<2048xf32, #tpu.memory_space<vmem>>, vector<16xf32>,
        %get3A_634 = arith.constant 0 : i32
        %get3A_635 = arith.index_cast %get3A_634 : i32 to index
        %get3A_636 = arith.index_cast %mul3A_631 : i32 to index
        %get3A_637 = tpu.vector_load %arg12[%get3A_635, %get3A_636] {strides = array<i32>} : memref<4x2048xi32, #tpu.memory_space<vmem>>, vector<16xi32>,
        %get3A_638 = arith.constant 0 : i32
        %get3A_639 = arith.index_cast %get3A_638 : i32 to index
        %get3A_640 = arith.index_cast %mul3A_631 : i32 to index
        %get3A_641 = tpu.vector_load %arg13[%get3A_639, %get3A_640] {strides = array<i32>} : memref<4x2048xf32, #tpu.memory_space<vmem>>, vector<16xf32>,
        %shift_right_logical3A_642 = arith.constant 8 : i32
        %shift_right_logical3A_643 = vector.broadcast %shift_right_logical3A_642 : i32 to vector<16xi32>
        %shift_right_logical3A_644 = arith.shrui %get3A_637, %shift_right_logical3A_643 : vector<16xi32>
        %and3A_645 = arith.constant 255 : i32
        %and3A_646 = vector.broadcast %and3A_645 : i32 to vector<16xi32>
        %and3A_647 = arith.andi %get3A_637, %and3A_646 : vector<16xi32>
        %mul3A_648 = arith.mulf %get3A_633, %get3A_641 : vector<16xf32>
        tpu.vector_store_idx %arg6[%shift_right_logical3A_644, %and3A_647], %mul3A_648 {add = true} : memref<256x256xf32, #tpu.memory_space<vmem>>[vector<16xi32>, vector<16xi32>], vector<16xf32>,
        %get3A_649 = arith.constant 1 : i32
        %get3A_650 = arith.index_cast %get3A_649 : i32 to index
        %get3A_651 = arith.index_cast %mul3A_631 : i32 to index
        %get3A_652 = tpu.vector_load %arg12[%get3A_650, %get3A_651] {strides = array<i32>} : memref<4x2048xi32, #tpu.memory_space<vmem>>, vector<16xi32>,
        %get3A_653 = arith.constant 1 : i32
        %get3A_654 = arith.index_cast %get3A_653 : i32 to index
        %get3A_655 = arith.index_cast %mul3A_631 : i32 to index
        %get3A_656 = tpu.vector_load %arg13[%get3A_654, %get3A_655] {strides = array<i32>} : memref<4x2048xf32, #tpu.memory_space<vmem>>, vector<16xf32>,
        %shift_right_logical3A_657 = arith.constant 8 : i32
        %shift_right_logical3A_658 = vector.broadcast %shift_right_logical3A_657 : i32 to vector<16xi32>
        %shift_right_logical3A_659 = arith.shrui %get3A_652, %shift_right_logical3A_658 : vector<16xi32>
        %and3A_660 = arith.constant 255 : i32
        %and3A_661 = vector.broadcast %and3A_660 : i32 to vector<16xi32>
        %and3A_662 = arith.andi %get3A_652, %and3A_661 : vector<16xi32>
        %mul3A_663 = arith.mulf %get3A_633, %get3A_656 : vector<16xf32>
        tpu.vector_store_idx %arg6[%shift_right_logical3A_659, %and3A_662], %mul3A_663 {add = true} : memref<256x256xf32, #tpu.memory_space<vmem>>[vector<16xi32>, vector<16xi32>], vector<16xf32>,
        %get3A_664 = arith.constant 2 : i32
        %get3A_665 = arith.index_cast %get3A_664 : i32 to index
        %get3A_666 = arith.index_cast %mul3A_631 : i32 to index
        %get3A_667 = tpu.vector_load %arg12[%get3A_665, %get3A_666] {strides = array<i32>} : memref<4x2048xi32, #tpu.memory_space<vmem>>, vector<16xi32>,
        %get3A_668 = arith.constant 2 : i32
        %get3A_669 = arith.index_cast %get3A_668 : i32 to index
        %get3A_670 = arith.index_cast %mul3A_631 : i32 to index
        %get3A_671 = tpu.vector_load %arg13[%get3A_669, %get3A_670] {strides = array<i32>} : memref<4x2048xf32, #tpu.memory_space<vmem>>, vector<16xf32>,
        %shift_right_logical3A_672 = arith.constant 8 : i32
        %shift_right_logical3A_673 = vector.broadcast %shift_right_logical3A_672 : i32 to vector<16xi32>
        %shift_right_logical3A_674 = arith.shrui %get3A_667, %shift_right_logical3A_673 : vector<16xi32>
        %and3A_675 = arith.constant 255 : i32
        %and3A_676 = vector.broadcast %and3A_675 : i32 to vector<16xi32>
        %and3A_677 = arith.andi %get3A_667, %and3A_676 : vector<16xi32>
        %mul3A_678 = arith.mulf %get3A_633, %get3A_671 : vector<16xf32>
        tpu.vector_store_idx %arg6[%shift_right_logical3A_674, %and3A_677], %mul3A_678 {add = true} : memref<256x256xf32, #tpu.memory_space<vmem>>[vector<16xi32>, vector<16xi32>], vector<16xf32>,
        %get3A_679 = arith.constant 3 : i32
        %get3A_680 = arith.index_cast %get3A_679 : i32 to index
        %get3A_681 = arith.index_cast %mul3A_631 : i32 to index
        %get3A_682 = tpu.vector_load %arg12[%get3A_680, %get3A_681] {strides = array<i32>} : memref<4x2048xi32, #tpu.memory_space<vmem>>, vector<16xi32>,
        %get3A_683 = arith.constant 3 : i32
        %get3A_684 = arith.index_cast %get3A_683 : i32 to index
        %get3A_685 = arith.index_cast %mul3A_631 : i32 to index
        %get3A_686 = tpu.vector_load %arg13[%get3A_684, %get3A_685] {strides = array<i32>} : memref<4x2048xf32, #tpu.memory_space<vmem>>, vector<16xf32>,
        %shift_right_logical3A_687 = arith.constant 8 : i32
        %shift_right_logical3A_688 = vector.broadcast %shift_right_logical3A_687 : i32 to vector<16xi32>
        %shift_right_logical3A_689 = arith.shrui %get3A_682, %shift_right_logical3A_688 : vector<16xi32>
        %and3A_690 = arith.constant 255 : i32
        %and3A_691 = vector.broadcast %and3A_690 : i32 to vector<16xi32>
        %and3A_692 = arith.andi %get3A_682, %and3A_691 : vector<16xi32>
        %mul3A_693 = arith.mulf %get3A_633, %get3A_686 : vector<16xf32>
        tpu.vector_store_idx %arg6[%shift_right_logical3A_689, %and3A_692], %mul3A_693 {add = true} : memref<256x256xf32, #tpu.memory_space<vmem>>[vector<16xi32>, vector<16xi32>], vector<16xf32>,
      }
      %scan3A_432 = arith.constant 128 : i32
      "tpu.region"() ({
        %run_scoped3A = tpu.sem_alloc : memref<!tpu.dma_semaphore, #tpu.memory_space<semaphore_mem>>
        %dma_start3A_433 = arith.constant 0 : i32
        %dma_start3A_434 = arith.constant 0 : i32
        %dma_start3A_435 = tpu.memref_slice %arg5[%select_n3A, %sub3A_28, %dma_start3A_433, %dma_start3A_434] : memref<2x256x256x256xf32, #tpu.memory_space<hbm>> -> memref<1x1x256x256xf32, #tpu.memory_space<hbm>>
        %dma_start3A_436 = tpu.memref_squeeze %dma_start3A_435 : memref<1x1x256x256xf32, #tpu.memory_space<hbm>> -> memref<256x256xf32, #tpu.memory_space<hbm>>
        %dma_start3A_437 = arith.constant 0 : i32
        %dma_start3A_438 = arith.constant 0 : i32
        %dma_start3A_439 = tpu.memref_slice %arg5[%select_n3A, %sub3A_28, %dma_start3A_437, %dma_start3A_438] : memref<2x256x256x256xf32, #tpu.memory_space<hbm>> -> memref<1x1x256x256xf32, #tpu.memory_space<hbm>>
        %dma_start3A_440 = tpu.memref_squeeze %dma_start3A_439 : memref<1x1x256x256xf32, #tpu.memory_space<hbm>> -> memref<256x256xf32, #tpu.memory_space<hbm>>
        tpu.enqueue_dma source(%arg6 : memref<256x256xf32, #tpu.memory_space<vmem>>) target(%dma_start3A_440 : memref<256x256xf32, #tpu.memory_space<hbm>>) target_semaphore(%run_scoped3A : memref<!tpu.dma_semaphore, #tpu.memory_space<semaphore_mem>>)
        %dma_wait3A_441 = arith.constant 0 : i32
        %dma_wait3A_442 = arith.constant 0 : i32
        %dma_wait3A_443 = tpu.memref_slice %arg5[%select_n3A, %sub3A_28, %dma_wait3A_441, %dma_wait3A_442] : memref<2x256x256x256xf32, #tpu.memory_space<hbm>> -> memref<1x1x256x256xf32, #tpu.memory_space<hbm>>
        %dma_wait3A_444 = tpu.memref_squeeze %dma_wait3A_443 : memref<1x1x256x256xf32, #tpu.memory_space<hbm>> -> memref<256x256xf32, #tpu.memory_space<hbm>>
        %dma_wait3A_445 = arith.constant 0 : i32
        %dma_wait3A_446 = arith.constant 0 : i32
        %dma_wait3A_447 = tpu.memref_slice %arg5[%select_n3A, %sub3A_28, %dma_wait3A_445, %dma_wait3A_446] : memref<2x256x256x256xf32, #tpu.memory_space<hbm>> -> memref<1x1x256x256xf32, #tpu.memory_space<hbm>>
        %dma_wait3A_448 = tpu.memref_squeeze %dma_wait3A_447 : memref<1x1x256x256xf32, #tpu.memory_space<hbm>> -> memref<256x256xf32, #tpu.memory_space<hbm>>
        tpu.wait_dma2 semaphore(%run_scoped3A : memref<!tpu.dma_semaphore, #tpu.memory_space<semaphore_mem>>) src(%arg6 : memref<256x256xf32, #tpu.memory_space<vmem>>) dst(%dma_wait3A_448 : memref<256x256xf32, #tpu.memory_space<hbm>>)
        tpu.yield
      }) : () -> ()
    }
    %scan3A_5 = arith.constant 16 : i32
    return
  }
}

module attributes {stable_mosaic.version = 14 : i64} {
  func.func @_dec_body(%arg0: i32, %arg1: i32, %arg2: memref<1x2048x256xf32, #tpu.memory_space<vmem>>, %arg3: memref<1x8x256xf32, #tpu.memory_space<vmem>>, %arg4: memref<1x2048x4xf32, #tpu.memory_space<vmem>>, %arg5: memref<256x256xf32, #tpu.memory_space<vmem>>, %arg6: memref<256x256xf32, #tpu.memory_space<vmem>>, %arg7: memref<256xf32, #tpu.memory_space<vmem>>, %arg8: memref<256x256xf32, #tpu.memory_space<vmem>>, %arg9: memref<256xf32, #tpu.memory_space<vmem>>, %arg10: memref<1x256x2048xf32, #tpu.memory_space<vmem>>, %arg11: memref<1x4x2048xi32, #tpu.memory_space<vmem>>, %arg12: memref<1x4x2048xf32, #tpu.memory_space<vmem>>) attributes {dimension_semantics = [#tpu.dimension_semantics<arbitrary>, #tpu.dimension_semantics<arbitrary>], iteration_bounds = array<i64: 2, 8>, scalar_prefetch = 0 : i64, scratch_operands = 0 : i64, tpu.core_type = #tpu.core_type<tc>, window_params = [{transform_indices = @transform_0, window_bounds = array<i64: 1, 2048, 256>}, {transform_indices = @transform_1, window_bounds = array<i64: 1, 8, 256>}, {transform_indices = @transform_2, window_bounds = array<i64: 1, 2048, 4>}, {pipeline_mode = #tpu.pipeline_mode<synchronous>, transform_indices = @transform_3, window_bounds = array<i64: 256, 256>}, {pipeline_mode = #tpu.pipeline_mode<synchronous>, transform_indices = @transform_4, window_bounds = array<i64: 256, 256>}, {pipeline_mode = #tpu.pipeline_mode<synchronous>, transform_indices = @transform_5, window_bounds = array<i64: 256>}, {pipeline_mode = #tpu.pipeline_mode<synchronous>, transform_indices = @transform_6, window_bounds = array<i64: 256, 256>}, {pipeline_mode = #tpu.pipeline_mode<synchronous>, transform_indices = @transform_7, window_bounds = array<i64: 256>}, {transform_indices = @transform_8, window_bounds = array<i64: 1, 256, 2048>}, {transform_indices = @transform_9, window_bounds = array<i64: 1, 4, 2048>}, {transform_indices = @transform_10, window_bounds = array<i64: 1, 4, 2048>}]} {
    %get3A = arith.constant 0 : index
    %get3A_0 = arith.constant 0 : index
    %get3A_1 = arith.constant 0 : index
    %get3A_2 = vector.load %arg3[%get3A, %get3A_0, %get3A_1] : memref<1x8x256xf32, #tpu.memory_space<vmem>>, vector<1x1x256xf32>
    %get3A_3 = vector.shape_cast %get3A_2 : vector<1x1x256xf32> to vector<1x256xf32>
    %get3A_4 = arith.constant 0 : index
    %get3A_5 = arith.constant 0 : index
    %get3A_6 = vector.load %arg6[%get3A_4, %get3A_5] : memref<256x256xf32, #tpu.memory_space<vmem>>, vector<256x256xf32>
    %dot_general3A = arith.constant dense<0.000000e+00> : vector<1x256xf32>
    %dot_general3A_7 = tpu.matmul %get3A_3, %get3A_6, %dot_general3A {dimension_numbers = #tpu.dot_dimension_numbers<[1], [0], [0], [1], [0, 0, 1, 1], [], []>, transpose_lhs_hint = false} : vector<1x256xf32>, vector<256x256xf32>, vector<1x256xf32> -> vector<1x256xf32>
    %get3A_8 = arith.constant 0 : index
    %get3A_9 = vector.load %arg7[%get3A_8] : memref<256xf32, #tpu.memory_space<vmem>>, vector<256xf32>
    %broadcast_in_dim3A = vector.shape_cast %get3A_9 : vector<256xf32> to vector<1x256xf32>
    %add3A = arith.addf %dot_general3A_7, %broadcast_in_dim3A : vector<1x256xf32>
    %get3A_10 = arith.constant 0 : index
    %get3A_11 = arith.constant 0 : index
    %get3A_12 = arith.constant 0 : index
    %get3A_13 = vector.load %arg2[%get3A_10, %get3A_11, %get3A_12] : memref<1x2048x256xf32, #tpu.memory_space<vmem>>, vector<1x2048x256xf32>
    %get3A_14 = vector.shape_cast %get3A_13 : vector<1x2048x256xf32> to vector<2048x256xf32>
    %get3A_15 = arith.constant 0 : index
    %get3A_16 = arith.constant 0 : index
    %get3A_17 = vector.load %arg5[%get3A_15, %get3A_16] : memref<256x256xf32, #tpu.memory_space<vmem>>, vector<256x256xf32>
    %dot_general3A_18 = arith.constant dense<0.000000e+00> : vector<2048x256xf32>
    %dot_general3A_19 = tpu.matmul %get3A_14, %get3A_17, %dot_general3A_18 {dimension_numbers = #tpu.dot_dimension_numbers<[1], [0], [0], [1], [0, 0, 1, 1], [], []>, transpose_lhs_hint = false} : vector<2048x256xf32>, vector<256x256xf32>, vector<2048x256xf32> -> vector<2048x256xf32>
    %add3A_20 = vector.broadcast %add3A : vector<1x256xf32> to vector<2048x256xf32>
    %add3A_21 = arith.addf %dot_general3A_19, %add3A_20 : vector<2048x256xf32>
    %max3A = arith.constant 0.000000e+00 : f32
    %max3A_22 = vector.broadcast %max3A : f32 to vector<2048x256xf32>
    %max3A_23 = arith.maximumf %add3A_21, %max3A_22 : vector<2048x256xf32>
    %get3A_24 = arith.constant 0 : index
    %get3A_25 = arith.constant 0 : index
    %get3A_26 = vector.load %arg8[%get3A_24, %get3A_25] : memref<256x256xf32, #tpu.memory_space<vmem>>, vector<256x256xf32>
    %dot_general3A_27 = arith.constant dense<0.000000e+00> : vector<2048x256xf32>
    %dot_general3A_28 = tpu.matmul %max3A_23, %get3A_26, %dot_general3A_27 {dimension_numbers = #tpu.dot_dimension_numbers<[1], [0], [0], [1], [0, 0, 1, 1], [], []>, transpose_lhs_hint = false} : vector<2048x256xf32>, vector<256x256xf32>, vector<2048x256xf32> -> vector<2048x256xf32>
    %get3A_29 = arith.constant 0 : index
    %get3A_30 = vector.load %arg9[%get3A_29] : memref<256xf32, #tpu.memory_space<vmem>>, vector<256xf32>
    %broadcast_in_dim3A_31 = vector.shape_cast %get3A_30 : vector<256xf32> to vector<1x256xf32>
    %add3A_32 = vector.broadcast %broadcast_in_dim3A_31 : vector<1x256xf32> to vector<2048x256xf32>
    %add3A_33 = arith.addf %dot_general3A_28, %add3A_32 : vector<2048x256xf32>
    %transpose3A = tpu.transpose %add3A_33, [1, 0] : vector<2048x256xf32> -> vector<256x2048xf32>
    %swap3A = arith.constant 0 : index
    %swap3A_34 = arith.constant 0 : index
    %swap3A_35 = arith.constant 0 : index
    %swap3A_36 = vector.load %arg10[%swap3A, %swap3A_34, %swap3A_35] : memref<1x256x2048xf32, #tpu.memory_space<vmem>>, vector<1x256x2048xf32>
    %swap3A_37 = vector.shape_cast %swap3A_36 : vector<1x256x2048xf32> to vector<256x2048xf32>
    %swap3A_38 = vector.shape_cast %transpose3A : vector<256x2048xf32> to vector<1x256x2048xf32>
    tpu.vector_store %arg10[%swap3A, %swap3A_34, %swap3A_35], %swap3A_38 {strides = array<i32>} : memref<1x256x2048xf32, #tpu.memory_space<vmem>>, vector<1x256x2048xf32>,
    %get3A_39 = arith.constant 0 : index
    %get3A_40 = arith.constant 0 : index
    %get3A_41 = arith.constant 0 : index
    %get3A_42 = vector.load %arg4[%get3A_39, %get3A_40, %get3A_41] : memref<1x2048x4xf32, #tpu.memory_space<vmem>>, vector<1x2048x4xf32>
    %get3A_43 = vector.shape_cast %get3A_42 : vector<1x2048x4xf32> to vector<2048x4xf32>
    %slice3A = vector.extract_strided_slice %get3A_43 {offsets = [0, 0], sizes = [2048, 1], strides = [1, 1]} : vector<2048x4xf32> to vector<2048x1xf32>
    %squeeze3A = vector.shape_cast %slice3A : vector<2048x1xf32> to vector<2048xf32>
    %mul3A = arith.constant 2.550000e+02 : f32
    %mul3A_44 = vector.broadcast %mul3A : f32 to vector<2048xf32>
    %mul3A_45 = arith.mulf %squeeze3A, %mul3A_44 : vector<2048xf32>
    %slice3A_46 = vector.extract_strided_slice %get3A_43 {offsets = [0, 1], sizes = [2048, 1], strides = [1, 1]} : vector<2048x4xf32> to vector<2048x1xf32>
    %squeeze3A_47 = vector.shape_cast %slice3A_46 : vector<2048x1xf32> to vector<2048xf32>
    %mul3A_48 = arith.constant 2.550000e+02 : f32
    %mul3A_49 = vector.broadcast %mul3A_48 : f32 to vector<2048xf32>
    %mul3A_50 = arith.mulf %squeeze3A_47, %mul3A_49 : vector<2048xf32>
    %floor3A = math.floor %mul3A_45 : vector<2048xf32>
    %floor3A_51 = math.floor %mul3A_50 : vector<2048xf32>
    %sub3A = arith.subf %mul3A_45, %floor3A : vector<2048xf32>
    %sub3A_52 = arith.constant 1.000000e+00 : f32
    %sub3A_53 = vector.broadcast %sub3A_52 : f32 to vector<2048xf32>
    %sub3A_54 = arith.subf %sub3A_53, %sub3A : vector<2048xf32>
    %sub3A_55 = arith.subf %mul3A_50, %floor3A_51 : vector<2048xf32>
    %sub3A_56 = arith.constant 1.000000e+00 : f32
    %sub3A_57 = vector.broadcast %sub3A_56 : f32 to vector<2048xf32>
    %sub3A_58 = arith.subf %sub3A_57, %sub3A_55 : vector<2048xf32>
    %convert_element_type3A = arith.fptosi %floor3A : vector<2048xf32> to vector<2048xi32>
    %jit3A = arith.constant 0 : i32
    %jit3A_59 = arith.constant 255 : i32
    %max3A_60 = vector.broadcast %jit3A : i32 to vector<2048xi32>
    %max3A_61 = arith.maxsi %max3A_60, %convert_element_type3A : vector<2048xi32>
    %min3A = vector.broadcast %jit3A_59 : i32 to vector<2048xi32>
    %min3A_62 = arith.minsi %min3A, %max3A_61 : vector<2048xi32>
    %add3A_63 = arith.constant 1.000000e+00 : f32
    %add3A_64 = vector.broadcast %add3A_63 : f32 to vector<2048xf32>
    %add3A_65 = arith.addf %floor3A, %add3A_64 : vector<2048xf32>
    %convert_element_type3A_66 = arith.fptosi %add3A_65 : vector<2048xf32> to vector<2048xi32>
    %jit3A_67 = arith.constant 0 : i32
    %jit3A_68 = arith.constant 255 : i32
    %max3A_69 = vector.broadcast %jit3A_67 : i32 to vector<2048xi32>
    %max3A_70 = arith.maxsi %max3A_69, %convert_element_type3A_66 : vector<2048xi32>
    %min3A_71 = vector.broadcast %jit3A_68 : i32 to vector<2048xi32>
    %min3A_72 = arith.minsi %min3A_71, %max3A_70 : vector<2048xi32>
    %convert_element_type3A_73 = arith.fptosi %floor3A_51 : vector<2048xf32> to vector<2048xi32>
    %jit3A_74 = arith.constant 0 : i32
    %jit3A_75 = arith.constant 255 : i32
    %max3A_76 = vector.broadcast %jit3A_74 : i32 to vector<2048xi32>
    %max3A_77 = arith.maxsi %max3A_76, %convert_element_type3A_73 : vector<2048xi32>
    %min3A_78 = vector.broadcast %jit3A_75 : i32 to vector<2048xi32>
    %min3A_79 = arith.minsi %min3A_78, %max3A_77 : vector<2048xi32>
    %add3A_80 = arith.constant 1.000000e+00 : f32
    %add3A_81 = vector.broadcast %add3A_80 : f32 to vector<2048xf32>
    %add3A_82 = arith.addf %floor3A_51, %add3A_81 : vector<2048xf32>
    %convert_element_type3A_83 = arith.fptosi %add3A_82 : vector<2048xf32> to vector<2048xi32>
    %jit3A_84 = arith.constant 0 : i32
    %jit3A_85 = arith.constant 255 : i32
    %max3A_86 = vector.broadcast %jit3A_84 : i32 to vector<2048xi32>
    %max3A_87 = arith.maxsi %max3A_86, %convert_element_type3A_83 : vector<2048xi32>
    %min3A_88 = vector.broadcast %jit3A_85 : i32 to vector<2048xi32>
    %min3A_89 = arith.minsi %min3A_88, %max3A_87 : vector<2048xi32>
    %mul3A_90 = arith.constant 256 : i32
    %mul3A_91 = vector.broadcast %mul3A_90 : i32 to vector<2048xi32>
    %mul3A_92 = arith.muli %min3A_79, %mul3A_91 : vector<2048xi32>
    %add3A_93 = arith.addi %mul3A_92, %min3A_62 : vector<2048xi32>
    %mul3A_94 = arith.constant 256 : i32
    %mul3A_95 = vector.broadcast %mul3A_94 : i32 to vector<2048xi32>
    %mul3A_96 = arith.muli %min3A_79, %mul3A_95 : vector<2048xi32>
    %add3A_97 = arith.addi %mul3A_96, %min3A_72 : vector<2048xi32>
    %mul3A_98 = arith.constant 256 : i32
    %mul3A_99 = vector.broadcast %mul3A_98 : i32 to vector<2048xi32>
    %mul3A_100 = arith.muli %min3A_89, %mul3A_99 : vector<2048xi32>
    %add3A_101 = arith.addi %mul3A_100, %min3A_62 : vector<2048xi32>
    %mul3A_102 = arith.constant 256 : i32
    %mul3A_103 = vector.broadcast %mul3A_102 : i32 to vector<2048xi32>
    %mul3A_104 = arith.muli %min3A_89, %mul3A_103 : vector<2048xi32>
    %add3A_105 = arith.addi %mul3A_104, %min3A_72 : vector<2048xi32>
    %stack3A = vector.shape_cast %add3A_93 : vector<2048xi32> to vector<1x2048xi32>
    %stack3A_106 = vector.shape_cast %add3A_97 : vector<2048xi32> to vector<1x2048xi32>
    %stack3A_107 = vector.shape_cast %add3A_101 : vector<2048xi32> to vector<1x2048xi32>
    %stack3A_108 = vector.shape_cast %add3A_105 : vector<2048xi32> to vector<1x2048xi32>
    %stack3A_109 = tpu.concatenate %stack3A, %stack3A_106, %stack3A_107, %stack3A_108 in 0 : vector<1x2048xi32>, vector<1x2048xi32>, vector<1x2048xi32>, vector<1x2048xi32> -> vector<4x2048xi32>
    %swap3A_110 = arith.constant 0 : index
    %swap3A_111 = arith.constant 0 : index
    %swap3A_112 = arith.constant 0 : index
    %swap3A_113 = vector.load %arg11[%swap3A_110, %swap3A_111, %swap3A_112] : memref<1x4x2048xi32, #tpu.memory_space<vmem>>, vector<1x4x2048xi32>
    %swap3A_114 = vector.shape_cast %swap3A_113 : vector<1x4x2048xi32> to vector<4x2048xi32>
    %swap3A_115 = vector.shape_cast %stack3A_109 : vector<4x2048xi32> to vector<1x4x2048xi32>
    tpu.vector_store %arg11[%swap3A_110, %swap3A_111, %swap3A_112], %swap3A_115 {strides = array<i32>} : memref<1x4x2048xi32, #tpu.memory_space<vmem>>, vector<1x4x2048xi32>,
    %mul3A_116 = arith.mulf %sub3A_58, %sub3A_54 : vector<2048xf32>
    %mul3A_117 = arith.mulf %sub3A_58, %sub3A : vector<2048xf32>
    %mul3A_118 = arith.mulf %sub3A_55, %sub3A_54 : vector<2048xf32>
    %mul3A_119 = arith.mulf %sub3A_55, %sub3A : vector<2048xf32>
    %stack3A_120 = vector.shape_cast %mul3A_116 : vector<2048xf32> to vector<1x2048xf32>
    %stack3A_121 = vector.shape_cast %mul3A_117 : vector<2048xf32> to vector<1x2048xf32>
    %stack3A_122 = vector.shape_cast %mul3A_118 : vector<2048xf32> to vector<1x2048xf32>
    %stack3A_123 = vector.shape_cast %mul3A_119 : vector<2048xf32> to vector<1x2048xf32>
    %stack3A_124 = tpu.concatenate %stack3A_120, %stack3A_121, %stack3A_122, %stack3A_123 in 0 : vector<1x2048xf32>, vector<1x2048xf32>, vector<1x2048xf32>, vector<1x2048xf32> -> vector<4x2048xf32>
    %swap3A_125 = arith.constant 0 : index
    %swap3A_126 = arith.constant 0 : index
    %swap3A_127 = arith.constant 0 : index
    %swap3A_128 = vector.load %arg12[%swap3A_125, %swap3A_126, %swap3A_127] : memref<1x4x2048xf32, #tpu.memory_space<vmem>>, vector<1x4x2048xf32>
    %swap3A_129 = vector.shape_cast %swap3A_128 : vector<1x4x2048xf32> to vector<4x2048xf32>
    %swap3A_130 = vector.shape_cast %stack3A_124 : vector<4x2048xf32> to vector<1x4x2048xf32>
    tpu.vector_store %arg12[%swap3A_125, %swap3A_126, %swap3A_127], %swap3A_130 {strides = array<i32>} : memref<1x4x2048xf32, #tpu.memory_space<vmem>>, vector<1x4x2048xf32>,
    return
  }
  func.func @transform_0(%arg0: i32, %arg1: i32) -> (i32, i32, i32) {
    %c0_i32 = arith.constant 0 : i32
    %c0_i32_0 = arith.constant 0 : i32
    return %arg0, %arg1, %c0_i32 : i32, i32, i32
  }
  func.func @transform_1(%arg0: i32, %arg1: i32) -> (i32, i32, i32) {
    %c0_i32 = arith.constant 0 : i32
    %c0_i32_0 = arith.constant 0 : i32
    %c0_i32_1 = arith.constant 0 : i32
    return %arg0, %c0_i32, %c0_i32_0 : i32, i32, i32
  }
  func.func @transform_2(%arg0: i32, %arg1: i32) -> (i32, i32, i32) {
    %c0_i32 = arith.constant 0 : i32
    %c0_i32_0 = arith.constant 0 : i32
    return %arg0, %arg1, %c0_i32 : i32, i32, i32
  }
  func.func @transform_3(%arg0: i32, %arg1: i32) -> (i32, i32) {
    %c0_i32 = arith.constant 0 : i32
    %c0_i32_0 = arith.constant 0 : i32
    %c0_i32_1 = arith.constant 0 : i32
    return %c0_i32, %c0_i32_0 : i32, i32
  }
  func.func @transform_4(%arg0: i32, %arg1: i32) -> (i32, i32) {
    %c0_i32 = arith.constant 0 : i32
    %c0_i32_0 = arith.constant 0 : i32
    %c0_i32_1 = arith.constant 0 : i32
    return %c0_i32, %c0_i32_0 : i32, i32
  }
  func.func @transform_5(%arg0: i32, %arg1: i32) -> i32 {
    %c0_i32 = arith.constant 0 : i32
    %c0_i32_0 = arith.constant 0 : i32
    return %c0_i32 : i32
  }
  func.func @transform_6(%arg0: i32, %arg1: i32) -> (i32, i32) {
    %c0_i32 = arith.constant 0 : i32
    %c0_i32_0 = arith.constant 0 : i32
    %c0_i32_1 = arith.constant 0 : i32
    return %c0_i32, %c0_i32_0 : i32, i32
  }
  func.func @transform_7(%arg0: i32, %arg1: i32) -> i32 {
    %c0_i32 = arith.constant 0 : i32
    %c0_i32_0 = arith.constant 0 : i32
    return %c0_i32 : i32
  }
  func.func @transform_8(%arg0: i32, %arg1: i32) -> (i32, i32, i32) {
    %c0_i32 = arith.constant 0 : i32
    %c0_i32_0 = arith.constant 0 : i32
    return %arg0, %c0_i32, %arg1 : i32, i32, i32
  }
  func.func @transform_9(%arg0: i32, %arg1: i32) -> (i32, i32, i32) {
    %c0_i32 = arith.constant 0 : i32
    %c0_i32_0 = arith.constant 0 : i32
    return %arg0, %c0_i32, %arg1 : i32, i32, i32
  }
  func.func @transform_10(%arg0: i32, %arg1: i32) -> (i32, i32, i32) {
    %c0_i32 = arith.constant 0 : i32
    %c0_i32_0 = arith.constant 0 : i32
    return %arg0, %c0_i32, %arg1 : i32, i32, i32
  }
}

module attributes {stable_mosaic.version = 14 : i64} {
  func.func @_enc_body(%arg0: i32, %arg1: i32, %arg2: memref<1x2048x4xf32, #tpu.memory_space<vmem>>, %arg3: memref<4x64xf32, #tpu.memory_space<vmem>>, %arg4: memref<64xf32, #tpu.memory_space<vmem>>, %arg5: memref<64x128xf32, #tpu.memory_space<vmem>>, %arg6: memref<128xf32, #tpu.memory_space<vmem>>, %arg7: memref<128x256xf32, #tpu.memory_space<vmem>>, %arg8: memref<256xf32, #tpu.memory_space<vmem>>, %arg9: memref<1x2048x256xf32, #tpu.memory_space<vmem>>, %arg10: memref<1x8x256xf32, #tpu.memory_space<vmem>>, %arg11: memref<256xf32, #tpu.memory_space<vmem>>) attributes {dimension_semantics = [#tpu.dimension_semantics<arbitrary>, #tpu.dimension_semantics<arbitrary>], iteration_bounds = array<i64: 2, 8>, scalar_prefetch = 0 : i64, scratch_operands = 1 : i64, tpu.core_type = #tpu.core_type<tc>, window_params = [{transform_indices = @transform_0, window_bounds = array<i64: 1, 2048, 4>}, {pipeline_mode = #tpu.pipeline_mode<synchronous>, transform_indices = @transform_1, window_bounds = array<i64: 4, 64>}, {pipeline_mode = #tpu.pipeline_mode<synchronous>, transform_indices = @transform_2, window_bounds = array<i64: 64>}, {pipeline_mode = #tpu.pipeline_mode<synchronous>, transform_indices = @transform_3, window_bounds = array<i64: 64, 128>}, {pipeline_mode = #tpu.pipeline_mode<synchronous>, transform_indices = @transform_4, window_bounds = array<i64: 128>}, {pipeline_mode = #tpu.pipeline_mode<synchronous>, transform_indices = @transform_5, window_bounds = array<i64: 128, 256>}, {pipeline_mode = #tpu.pipeline_mode<synchronous>, transform_indices = @transform_6, window_bounds = array<i64: 256>}, {transform_indices = @transform_7, window_bounds = array<i64: 1, 2048, 256>}, {transform_indices = @transform_8, window_bounds = array<i64: 1, 8, 256>}]} {
    %get3A = arith.constant 0 : index
    %get3A_0 = arith.constant 0 : index
    %get3A_1 = arith.constant 0 : index
    %get3A_2 = vector.load %arg2[%get3A, %get3A_0, %get3A_1] : memref<1x2048x4xf32, #tpu.memory_space<vmem>>, vector<1x2048x4xf32>
    %get3A_3 = vector.shape_cast %get3A_2 : vector<1x2048x4xf32> to vector<2048x4xf32>
    %get3A_4 = arith.constant 0 : index
    %get3A_5 = arith.constant 0 : index
    %get3A_6 = vector.load %arg3[%get3A_4, %get3A_5] : memref<4x64xf32, #tpu.memory_space<vmem>>, vector<4x64xf32>
    %dot_general3A = arith.constant dense<0.000000e+00> : vector<2048x64xf32>
    %dot_general3A_7 = tpu.matmul %get3A_3, %get3A_6, %dot_general3A {dimension_numbers = #tpu.dot_dimension_numbers<[1], [0], [0], [1], [0, 0, 1, 1], [], []>, transpose_lhs_hint = false} : vector<2048x4xf32>, vector<4x64xf32>, vector<2048x64xf32> -> vector<2048x64xf32>
    %get3A_8 = arith.constant 0 : index
    %get3A_9 = vector.load %arg4[%get3A_8] : memref<64xf32, #tpu.memory_space<vmem>>, vector<64xf32>
    %broadcast_in_dim3A = vector.shape_cast %get3A_9 : vector<64xf32> to vector<1x64xf32>
    %add3A = vector.broadcast %broadcast_in_dim3A : vector<1x64xf32> to vector<2048x64xf32>
    %add3A_10 = arith.addf %dot_general3A_7, %add3A : vector<2048x64xf32>
    %max3A = arith.constant 0.000000e+00 : f32
    %max3A_11 = vector.broadcast %max3A : f32 to vector<2048x64xf32>
    %max3A_12 = arith.maximumf %add3A_10, %max3A_11 : vector<2048x64xf32>
    %get3A_13 = arith.constant 0 : index
    %get3A_14 = arith.constant 0 : index
    %get3A_15 = vector.load %arg5[%get3A_13, %get3A_14] : memref<64x128xf32, #tpu.memory_space<vmem>>, vector<64x128xf32>
    %dot_general3A_16 = arith.constant dense<0.000000e+00> : vector<2048x128xf32>
    %dot_general3A_17 = tpu.matmul %max3A_12, %get3A_15, %dot_general3A_16 {dimension_numbers = #tpu.dot_dimension_numbers<[1], [0], [0], [1], [0, 0, 1, 1], [], []>, transpose_lhs_hint = false} : vector<2048x64xf32>, vector<64x128xf32>, vector<2048x128xf32> -> vector<2048x128xf32>
    %get3A_18 = arith.constant 0 : index
    %get3A_19 = vector.load %arg6[%get3A_18] : memref<128xf32, #tpu.memory_space<vmem>>, vector<128xf32>
    %broadcast_in_dim3A_20 = vector.shape_cast %get3A_19 : vector<128xf32> to vector<1x128xf32>
    %add3A_21 = vector.broadcast %broadcast_in_dim3A_20 : vector<1x128xf32> to vector<2048x128xf32>
    %add3A_22 = arith.addf %dot_general3A_17, %add3A_21 : vector<2048x128xf32>
    %max3A_23 = arith.constant 0.000000e+00 : f32
    %max3A_24 = vector.broadcast %max3A_23 : f32 to vector<2048x128xf32>
    %max3A_25 = arith.maximumf %add3A_22, %max3A_24 : vector<2048x128xf32>
    %get3A_26 = arith.constant 0 : index
    %get3A_27 = arith.constant 0 : index
    %get3A_28 = vector.load %arg7[%get3A_26, %get3A_27] : memref<128x256xf32, #tpu.memory_space<vmem>>, vector<128x256xf32>
    %dot_general3A_29 = arith.constant dense<0.000000e+00> : vector<2048x256xf32>
    %dot_general3A_30 = tpu.matmul %max3A_25, %get3A_28, %dot_general3A_29 {dimension_numbers = #tpu.dot_dimension_numbers<[1], [0], [0], [1], [0, 0, 1, 1], [], []>, transpose_lhs_hint = false} : vector<2048x128xf32>, vector<128x256xf32>, vector<2048x256xf32> -> vector<2048x256xf32>
    %get3A_31 = arith.constant 0 : index
    %get3A_32 = vector.load %arg8[%get3A_31] : memref<256xf32, #tpu.memory_space<vmem>>, vector<256xf32>
    %broadcast_in_dim3A_33 = vector.shape_cast %get3A_32 : vector<256xf32> to vector<1x256xf32>
    %add3A_34 = vector.broadcast %broadcast_in_dim3A_33 : vector<1x256xf32> to vector<2048x256xf32>
    %add3A_35 = arith.addf %dot_general3A_30, %add3A_34 : vector<2048x256xf32>
    %swap3A = arith.constant 0 : index
    %swap3A_36 = arith.constant 0 : index
    %swap3A_37 = arith.constant 0 : index
    %swap3A_38 = vector.load %arg9[%swap3A, %swap3A_36, %swap3A_37] : memref<1x2048x256xf32, #tpu.memory_space<vmem>>, vector<1x2048x256xf32>
    %swap3A_39 = vector.shape_cast %swap3A_38 : vector<1x2048x256xf32> to vector<2048x256xf32>
    %swap3A_40 = vector.shape_cast %add3A_35 : vector<2048x256xf32> to vector<1x2048x256xf32>
    tpu.vector_store %arg9[%swap3A, %swap3A_36, %swap3A_37], %swap3A_40 {strides = array<i32>} : memref<1x2048x256xf32, #tpu.memory_space<vmem>>, vector<1x2048x256xf32>,
    %reduce_max3A = arith.constant dense<0xFF800000> : vector<256xf32>
    %reduce_max3A_41 = vector.multi_reduction <maximumf>, %add3A_35, %reduce_max3A [0] : vector<2048x256xf32> to vector<256xf32>
    %eq3A = arith.constant 0 : i32
    %eq3A_42 = arith.cmpi eq, %arg1, %eq3A : i32
    %convert_element_type3A = arith.extui %eq3A_42 : i1 to i32
    %cond3A = arith.constant 0 : i32
    %cond3A_43 = arith.cmpi ne, %convert_element_type3A, %cond3A : i32
    scf.if %cond3A_43 {
      %swap3A_53 = arith.constant 0 : index
      %swap3A_54 = vector.load %arg11[%swap3A_53] : memref<256xf32, #tpu.memory_space<vmem>>, vector<256xf32>
      tpu.vector_store %arg11[%swap3A_53], %reduce_max3A_41 {strides = array<i32>} : memref<256xf32, #tpu.memory_space<vmem>>, vector<256xf32>,
    } else {
    }
    %gt3A = arith.constant 0 : i32
    %gt3A_44 = arith.cmpi sgt, %arg1, %gt3A : i32
    %convert_element_type3A_45 = arith.extui %gt3A_44 : i1 to i32
    %cond3A_46 = arith.constant 0 : i32
    %cond3A_47 = arith.cmpi ne, %convert_element_type3A_45, %cond3A_46 : i32
    scf.if %cond3A_47 {
      %get3A_53 = arith.constant 0 : index
      %get3A_54 = vector.load %arg11[%get3A_53] : memref<256xf32, #tpu.memory_space<vmem>>, vector<256xf32>
      %max3A_55 = arith.maximumf %get3A_54, %reduce_max3A_41 : vector<256xf32>
      %swap3A_56 = arith.constant 0 : index
      %swap3A_57 = vector.load %arg11[%swap3A_56] : memref<256xf32, #tpu.memory_space<vmem>>, vector<256xf32>
      tpu.vector_store %arg11[%swap3A_56], %max3A_55 {strides = array<i32>} : memref<256xf32, #tpu.memory_space<vmem>>, vector<256xf32>,
    } else {
    }
    %eq3A_48 = arith.constant 7 : i32
    %eq3A_49 = arith.cmpi eq, %arg1, %eq3A_48 : i32
    %convert_element_type3A_50 = arith.extui %eq3A_49 : i1 to i32
    %cond3A_51 = arith.constant 0 : i32
    %cond3A_52 = arith.cmpi ne, %convert_element_type3A_50, %cond3A_51 : i32
    scf.if %cond3A_52 {
      %get3A_53 = arith.constant 0 : index
      %get3A_54 = vector.load %arg11[%get3A_53] : memref<256xf32, #tpu.memory_space<vmem>>, vector<256xf32>
      %broadcast_in_dim3A_55 = vector.shape_cast %get3A_54 : vector<256xf32> to vector<1x256xf32>
      %broadcast_in_dim3A_56 = vector.shape_cast %broadcast_in_dim3A_55 : vector<1x256xf32> to vector<1x256xf32>
      %broadcast_in_dim3A_57 = vector.broadcast %broadcast_in_dim3A_56 : vector<1x256xf32> to vector<8x256xf32>
      %swap3A_58 = arith.constant 0 : index
      %swap3A_59 = arith.constant 0 : index
      %swap3A_60 = arith.constant 0 : index
      %swap3A_61 = vector.load %arg10[%swap3A_58, %swap3A_59, %swap3A_60] : memref<1x8x256xf32, #tpu.memory_space<vmem>>, vector<1x8x256xf32>
      %swap3A_62 = vector.shape_cast %swap3A_61 : vector<1x8x256xf32> to vector<8x256xf32>
      %swap3A_63 = vector.shape_cast %broadcast_in_dim3A_57 : vector<8x256xf32> to vector<1x8x256xf32>
      tpu.vector_store %arg10[%swap3A_58, %swap3A_59, %swap3A_60], %swap3A_63 {strides = array<i32>} : memref<1x8x256xf32, #tpu.memory_space<vmem>>, vector<1x8x256xf32>,
    } else {
    }
    return
  }
  func.func @transform_0(%arg0: i32, %arg1: i32) -> (i32, i32, i32) {
    %c0_i32 = arith.constant 0 : i32
    %c0_i32_0 = arith.constant 0 : i32
    return %arg0, %arg1, %c0_i32 : i32, i32, i32
  }
  func.func @transform_1(%arg0: i32, %arg1: i32) -> (i32, i32) {
    %c0_i32 = arith.constant 0 : i32
    %c0_i32_0 = arith.constant 0 : i32
    %c0_i32_1 = arith.constant 0 : i32
    return %c0_i32, %c0_i32_0 : i32, i32
  }
  func.func @transform_2(%arg0: i32, %arg1: i32) -> i32 {
    %c0_i32 = arith.constant 0 : i32
    %c0_i32_0 = arith.constant 0 : i32
    return %c0_i32 : i32
  }
  func.func @transform_3(%arg0: i32, %arg1: i32) -> (i32, i32) {
    %c0_i32 = arith.constant 0 : i32
    %c0_i32_0 = arith.constant 0 : i32
    %c0_i32_1 = arith.constant 0 : i32
    return %c0_i32, %c0_i32_0 : i32, i32
  }
  func.func @transform_4(%arg0: i32, %arg1: i32) -> i32 {
    %c0_i32 = arith.constant 0 : i32
    %c0_i32_0 = arith.constant 0 : i32
    return %c0_i32 : i32
  }
  func.func @transform_5(%arg0: i32, %arg1: i32) -> (i32, i32) {
    %c0_i32 = arith.constant 0 : i32
    %c0_i32_0 = arith.constant 0 : i32
    %c0_i32_1 = arith.constant 0 : i32
    return %c0_i32, %c0_i32_0 : i32, i32
  }
  func.func @transform_6(%arg0: i32, %arg1: i32) -> i32 {
    %c0_i32 = arith.constant 0 : i32
    %c0_i32_0 = arith.constant 0 : i32
    return %c0_i32 : i32
  }
  func.func @transform_7(%arg0: i32, %arg1: i32) -> (i32, i32, i32) {
    %c0_i32 = arith.constant 0 : i32
    %c0_i32_0 = arith.constant 0 : i32
    return %arg0, %arg1, %c0_i32 : i32, i32, i32
  }
  func.func @transform_8(%arg0: i32, %arg1: i32) -> (i32, i32, i32) {
    %c0_i32 = arith.constant 0 : i32
    %c0_i32_0 = arith.constant 0 : i32
    %c0_i32_1 = arith.constant 0 : i32
    return %arg0, %c0_i32, %c0_i32_0 : i32, i32, i32
  }
}

</mosaic_0001>

<sc_bundles>
// kernel: kernel.5.cloned.1.call-start
scs
__scs_entry_jumppad:
0x0: {  	(pc) =	sbr.rel $0x88, $3  }
0x1: {  	(tag) =	ssettag $0x0;
	lr =	simm.s32 $0x1  }
0x2: {  	[smem:$0x3F96] =	sst lr;
	_ =	strace $0xD0000000  }
0x3: {  	_ = 	snop  }
0x4: {  	_ = 	snop  }
0x5: {  	_ = 	snop  }
0x6: {  	_ = 	snop  }
0x7: {  	_ = 	snop  }
__scs_overlays_trampoline_lowered:
0x8: {  	[smem:$0x3FA5] =	sst s0  }
0x9: {  	[smem:$0x3FA6] =	sst s1  }
0xa: {  	[smem:$0x3FA7] =	sst s2  }
0xb: {  	[smem:$0x3FA8] =	sst s3  }
0xc: {  	[smem:$0x3FA9] =	sst s4  }
0xd: {  	[smem:$0x3FAA] =	sst s5  }
0xe: {  	[smem:$0x3FAB] =	sst s6  }
0xf: {  	[smem:$0x3FAC] =	sst s7  }
0x10: {  	[smem:$0x3FAD] =	sst s8  }
0x11: {  	[smem:$0x3FAE] =	sst s9;
	s0 =	simm.s32 @!p0 $0x0  }
0x12: {  	s1 =	sld [smem:$0x3F94];
	s0 =	simm.s32 @p0 $0x1  }
0x13: {  	[smem:$0x3FAF] =	sst s0;
	s0 =	simm.s32 @!p1 $0x0  }
0x14: {  	s2 =	sld [smem:$0x3F93];
	s0 =	simm.s32 @p1 $0x1  }
0x15: {  	[smem:$0x3FB0] =	sst s0;
	s0 =	simm.s32 @!p2 $0x0  }
0x16: {  	s3 =	sld [smem:$0x3FDB];
	s0 =	simm.s32 @p2 $0x1  }
0x17: {  	s4 =	simm.s32 $0x1BF5;
	[smem:$0x3FB2] =	sst s0  }
0x18: {  	s0 =	sld [smem:$0x3F95];
	_ =	swait.ge [sflag:s4], $0x0  }
0x19: {  	s7 =	sld [smem:$0x3F96]  }
0x1a: {  	s8 =	sadd.s32 $0xFFFFE003, lr  }
0x1b: {  	s9 =	sadd.s32 $0xFFFFFEF7, lr;
	s5 =	simm.s32 $0xFFFFFFFF;
	p2 =	slt.u32 s8, $0xFFFFF086  }
0x1c: {  	p1 =	slt.u32 s9, $0xF7A;
	s5 =	simm.s32 @!p2 $0x0  }
0x1d: {  	s5 =	simm.s32 @p1 $0x1;
	p0 =	seq.s32 s7, s2  }
0x1e: {  	s7 =	smul.u32 @!p0 $0xF7A, s2;
	p2 =	seq.s32 @!p0 s5, $0x0  }
0x1f: {  	s9 =	smul.u32 $0xF7A, s1;
	s8 =	simm.s32 @!p0 $0x1BF5;
	p2 =	por !p2, p0  }
0x20: {  	[sflag:s8] =	ssyncset.s32 @!p0 $0xFFFFF086;
	s6 =	sadd.s32 @!p0 s3, s7;
	s7 =	simm.s32 @!p0 $0x108  }
0x21: {  	s3 =	sadd.s32 s3, s9;
	s6 =	sadd.s32 @!p0 $0x88, s6;
	s7 =	simm.s32 @p2 $0x1082  }
0x22: {  	[simem:s7], [sflag:s8] =	dma.local @!p0 [hbm:s6], $0xF7A  }
0x23: {  	s9 =	sor.u32 $0xD0000000, s2;
	s6 =	simm.s32 $0x108;
	_ =	swait.ge @!p0 [sflag:s8], $0x0  }
0x24: {  	s3 =	sadd.s32 $0x88, s3;
	s6 =	simm.s32 @!p1 $0x1082;
	[sflag:s4] =	ssyncset.s32 $0xFFFFF086  }
0x25: {  	[simem:s6], [sflag:s4] =	dma.local [hbm:s3], $0xF7A  }
0x26: {  	[smem:$0x3F96] =	sst s1;
	(tag) =	ssettag s2;
	_ =	strace s9  }
0x27: {  	s1 =	sld [smem:$0x3FA6]  }
0x28: {  	s2 =	sld [smem:$0x3FA7]  }
0x29: {  	s4 =	sld [smem:$0x3FA9]  }
0x2a: {  	p0 =	seq.s32 s5, $0x0;
	s5 =	sld [smem:$0x3FAA]  }
0x2b: {  	s6 =	sld [smem:$0x3FAB]  }
0x2c: {  	s7 =	sld [smem:$0x3FAC]  }
0x2d: {  	s3 =	simm.s32 $0x108;
	s8 =	sld [smem:$0x3FAD]  }
0x2e: {  	s3 =	simm.s32 @!p0 $0x1082;
	s9 =	sld [smem:$0x3FAE]  }
0x2f: {  	lr =	sadd.s32 s0, s3;
	s0 =	sld [smem:$0x3FA5]  }
0x30: {  	s3 =	sld [smem:$0x3FA8]  }
0x31: {  	[smem:$0x3FB1] =	sst s10  }
0x32: {  	s10 =	sld [smem:$0x3FAF];
	_ =	sdelay $0x3  }
0x33: {  	p0 =	seq.s32 s10, $0x1;
	s10 =	sld [smem:$0x3FB1];
	_ =	sdelay $0x3  }
0x34: {  	[smem:$0x3FB1] =	sst s10  }
0x35: {  	s10 =	sld [smem:$0x3FB0];
	_ =	sdelay $0x3  }
0x36: {  	p1 =	seq.s32 s10, $0x1;
	s10 =	sld [smem:$0x3FB1];
	_ =	sdelay $0x3  }
0x37: {  	[smem:$0x3FB1] =	sst s10  }
0x38: {  	s10 =	sld [smem:$0x3FB2]  }
0x39: {  	_ = 	snop;
	(pc) =	sbr.ind lr, $3  }
0x3a: {  	_ = 	snop  }
0x3b: {  	_ = 	snop  }
0x3c: {  	p2 =	seq.s32 s10, $0x1;
	s10 =	sld [smem:$0x3FB1]  }
0x3d: {  	_ =	shalt  }
0x3e: {  	_ =	shalt  }
0x3f: {  	_ =	shalt  }
0x40: {  	_ =	shalt  }
0x41: {  	_ =	shalt  }
0x42: {  	_ =	shalt  }
0x43: {  	_ =	shalt  }
0x44: {  	_ =	shalt  }
0x45: {  	_ =	shalt  }
0x46: {  	_ =	shalt  }
0x47: {  	_ =	shalt  }
0x48: {  	_ =	shalt  }
0x49: {  	_ =	shalt  }
0x4a: {  	_ =	shalt  }
0x4b: {  	_ =	shalt  }
0x4c: {  	_ =	shalt  }
0x4d: {  	_ =	shalt  }
0x4e: {  	_ =	shalt  }
0x4f: {  	_ =	shalt  }
0x50: {  	_ =	shalt  }
0x51: {  	_ =	shalt  }
0x52: {  	_ =	shalt  }
0x53: {  	_ =	shalt  }
0x54: {  	_ =	shalt  }
0x55: {  	_ =	shalt  }
0x56: {  	_ =	shalt  }
0x57: {  	_ =	shalt  }
0x58: {  	_ =	shalt  }
0x59: {  	_ =	shalt  }
0x5a: {  	_ =	shalt  }
0x5b: {  	_ =	shalt  }
0x5c: {  	_ =	shalt  }
0x5d: {  	_ =	shalt  }
0x5e: {  	_ =	shalt  }
0x5f: {  	_ =	shalt  }
0x60: {  	_ =	shalt  }
0x61: {  	_ =	shalt  }
0x62: {  	_ =	shalt  }
0x63: {  	_ =	shalt  }
0x64: {  	_ =	shalt  }
0x65: {  	_ =	shalt  }
0x66: {  	_ =	shalt  }
0x67: {  	_ =	shalt  }
0x68: {  	_ =	shalt  }
0x69: {  	_ =	shalt  }
0x6a: {  	_ =	shalt  }
0x6b: {  	_ =	shalt  }
0x6c: {  	_ =	shalt  }
0x6d: {  	_ =	shalt  }
0x6e: {  	_ =	shalt  }
0x6f: {  	_ =	shalt  }
0x70: {  	_ =	shalt  }
0x71: {  	_ =	shalt  }
0x72: {  	_ =	shalt  }
0x73: {  	_ =	shalt  }
0x74: {  	_ =	shalt  }
0x75: {  	_ =	shalt  }
0x76: {  	_ =	shalt  }
0x77: {  	_ =	shalt  }
0x78: {  	_ =	shalt  }
0x79: {  	_ =	shalt  }
0x7a: {  	_ =	shalt  }
0x7b: {  	_ =	shalt  }
0x7c: {  	_ =	shalt  }
0x7d: {  	_ =	shalt  }
0x7e: {  	_ =	shalt  }
0x7f: {  	_ =	shalt  }
0x80: {  	_ =	shalt  }
0x81: {  	_ =	shalt  }
0x82: {  	_ =	shalt  }
0x83: {  	_ =	shalt  }
0x84: {  	_ =	shalt  }
0x85: {  	_ =	shalt  }
0x86: {  	_ =	shalt  }
0x87: {  	_ =	shalt  }
.Lfunc_end0:
.L_simem_size_0:
called_computation_lowered:
.L_overlay_start_0:
0x88: {  	s2 =	sld [smem:$0x3FD9]  }
0x89: {  	s3 =	sld [smem:$0x3FFE];
	_ =	sdelay $0x1  }
0x8a: {  	s1 =	srdreg.scid  }
0x8b: {  	s0 =	sand.u32 $0x1, s1  }
0x8c: {  	s17 =	sshll.u32 s0, $0xA;
	s2 =	sadd.s32 s3, s2  }
0x8d: {  	s2 =	sadd.s32 s2, s17  }
0x8e: {  	[smem:$0x3FBD] =	sst s2  }
0x8f: {  	_ = 	snop  }
0x90: {  	s2 =	sld [smem:$0x3FD0];
	(tm) =	ssettm $0x1  }
0x91: {  	s18 =	sld [smem:$0x3FFB];
	_ =	sdelay $0x3  }
0x92: {  	_ =	strace s18  }
0x93: {  	s3 =	sld [smem:$0x3FFC];
	_ =	sdelay $0x3  }
0x94: {  	_ =	strace s3  }
0x95: {  	s3 =	sld [smem:$0x3FFD];
	_ =	sdelay $0x3  }
0x96: {  	_ =	strace s3  }
0x97: {  	_ =	strace $0x8FFFFFFF  }
0x98: {  	s19 =	sld [smem:$0x3FDB];
	_ =	sdelay $0x1  }
0x99: {  	s4 =	simm.s32 $_scs_section_size  }
0x9a: {  	s5 =	simm.s32 $_size__tile_overlayer_lowered;
	s6 =	simm.s32 $_tile_overlayer_lowered  }
0x9b: {  	s22 =	simm.s32 $0x1BFF;
	s21 =	sshll.u32 s6, $0x1;
	s3 =	sadd.s32 s4, s19  }
0x9c: {  	s7 =	simm.s32 $0x0;
	s20 =	sshll.u32 s5, $0x1;
	s5 =	sadd.s32 s21, s3  }
0x9d: {  	[timem:s7], [sflag:s22] =	dma.local [hbm:s5], s20  }
0x9e: {  	_ =	swait.ge [sflag:s22], s20  }
0x9f: {  	s4 =	ssub.s32 $0x0, s20;
	[sflag:s22] =	ssyncset.done $0x0  }
0xa0: {  	[sflag:s22] =	ssyncadd.s32 s4;
	_ =	sdelay $0x1  }
0xa1: {  	s23 =	simm.s32 $0x1B8B  }
0xa2: {  	_ =	swait.ge [sflag:s23], $0x1  }
0xa3: {  	[sflag:s23] =	ssyncset.done $0x0  }
0xa4: {  	s25 =	simm.s32 $0x1B8E;
	s24 =	sld [smem:$0x3FFE];
	[sflag:s23] =	ssyncadd.s32 $0xFFFFFFFF  }
0xa5: {  	s26 =	simm.s32 $execute0_lowered;
	[smem:$0x3FD2] =	sst s25  }
0xa6: {  	s5 =	sshll.u32 s26, $0x1;
	_ =	strace $0x80000046;
	[dreg:$0x1] =	wrdreg $0xFFFFFFFF  }
0xa7: {  	s28 =	simm.s32 $_size_execute0_lowered;
	s3 =	sadd.s32 s3, s5;
	[dreg:$0x0] =	wrdreg $0x0  }
0xa8: {  	s5 =	sshll.u32 s28, $0x1;
	[dreg:$0x2] =	wrdreg s3  }
0xa9: {  	[dreg:$0x3] =	wrdreg s5  }
0xaa: {  	[dreg:$0x4] =	wrdreg $0xC0  }
0xab: {  	_ =	task [dreg:s7], $0x5FFFF  }
0xac: {  	[dreg:$0x1] =	wrdreg $0xFFFFFFFF  }
0xad: {  	[dreg:$0x0] =	wrdreg $0x60  }
0xae: {  	[dreg:$0x2] =	wrdreg s24  }
0xaf: {  	[dreg:$0x3] =	wrdreg s2  }
0xb0: {  	[dreg:$0x4] =	wrdreg $0x9  }
0xb1: {  	_ =	task.clear_ibuf [dreg:s7], $0x5FFFF;
	_ =	strace $0x90000046  }
0xb2: {  	s29 =	simm.s32 $0x9;
	_ =	strace $0x80000048  }
0xb3: {  	_ =	swait.ge [sflag:s29], $0x1  }
0xb4: {  	[sflag:s29] =	ssyncadd.s32 $0xFFFFFFFF  }
0xb5: {  	_ =	strace $0x90000048  }
0xb6: {  	_ =	sfence  }
0xb7: {  	s30 =	sld [smem:$0x0];
	_ =	sdelay $0x2  }
0xb8: {  	s31 =	sshll.u32 s1, $0xD;
	s1 =	sshrl.u32 s1, $0x2  }
0xb9: {  	s3 =	sand.u32 $0x4000, s31;
	s1 =	sadd.s32 s1, s30  }
0xba: {  	s0 =	sor.u32 s3, s0;
	s1 =	sshll.u32 s1, $0x11  }
0xbb: {  	s0 =	sor.u32 s1, s0  }
0xbc: {  	s0 =	sadd.s32 $0x8F2B, s0  }
0xbd: {  	[sflag:s0] =	ssyncadd.remote.s32 $0x1  }
0xbe: {  	_ =	sfence.sel $0xFFFF  }
0xbf: {  	[dreg:$0x0] =	wrdreg $0xFFFFFFFF;
	(pc) =	sbr.abs _section_cstart, $3  }
0xc0: {  	[dreg:$0x1] =	wrdreg $0xFFFFFFFF  }
0xc1: {  	_ =	task.clear_ibuf [dreg:s7], $0x2FFFF;
	_ =	strace $0x9FFFFFFF  }
0xc2: {  	(tm) =	ssettm $0x7FFFFFFF  }
0xc3: {  	_ =	shalt  }
tec
execute0_lowered:
.L_overlay_start_1:
0x0: {  	(tag) =	ssettag $0x1  }
0x1: {  	s0 =	rddreg [dreg:$0x0];
	s2 =	simm.s32 $0x0;
	s1 =	srdreg.scid  }
0x2: {  	s7 =	stileid.u32;
	[smem:$0x7FF] =	sst s2  }
0x3: {  	s3 =	sadd.s32 $0x2400, s0;
	s23 =	sadd.s32 $0x102400, s0;
	s1 =	sand.u32 $0x1, s1  }
0x4: {  	s4 =	sadd.s32 $0x106400, s0;
	s6 =	sshll.u32 s7, $0x5;
	s7 =	sshrl.u32 s7, $0x3  }
0x5: {  	s21 =	sadd.s32 $0x2C00, s0;
	s22 =	sadd.s32 $0x3400, s0;
	s28 =	sadd.s32 $0x5400, s0  }
0x6: {  	s29 =	sadd.s32 $0x5C00, s0;
	_ =	strace $0x80000047;
	[dreg:$0x3] =	wrdreg s3  }
0x7: {  	s5 =	ssub.s32 $0x2, s1;
	s1 =	sshll.u32 s1, $0x4;
	[dreg:$0x15] =	wrdreg s21  }
0x8: {  	s24 =	sshll.u32 s7, $0x8;
	s25 =	sshll.u32 s7, $0xD;
	[dreg:$0x16] =	wrdreg s22  }
0x9: {  	s30 =	sshll.u32 s7, $0x16;
	s31 =	sshll.u32 s7, $0x18;
	s7 =	simm.s32 $0x15000  }
0xa: {  	s8 =	sshrl.u32 s5, $0x1;
	s1 =	sor.u32 s1, s6;
	s26 =	sadd.s32 s23, s25  }
0xb: {  	s9 =	sor.u32 $0x400, s25;
	s1 =	ssub.s32 s1, s24;
	[dreg:$0x5] =	wrdreg s26  }
0xc: {  	s5 =	ssub.s32 s5, s8;
	s8 =	sadd.s32 s4, s25;
	[dreg:$0x4] =	wrdreg s1  }
0xd: {  	s11 =	sor.u32 $0x800, s25;
	s10 =	sadd.s32 s23, s9;
	[dreg:$0x6] =	wrdreg s8  }
0xe: {  	s13 =	sor.u32 $0xC00, s25;
	s6 =	sadd.s32 s4, s9;
	[dreg:$0x7] =	wrdreg s10  }
0xf: {  	s15 =	sor.u32 $0x1000, s25;
	s12 =	sadd.s32 s23, s11;
	[dreg:$0x8] =	wrdreg s6  }
0x10: {  	s17 =	sor.u32 $0x1400, s25;
	s14 =	sadd.s32 s23, s13;
	[dreg:$0x9] =	wrdreg s12  }
0x11: {  	s19 =	sor.u32 $0x1800, s25;
	s16 =	sadd.s32 s23, s15;
	[dreg:$0xb] =	wrdreg s14  }
0x12: {  	s18 =	sadd.s32 s23, s17;
	s20 =	sadd.s32 s23, s19;
	[dreg:$0xd] =	wrdreg s16  }
0x13: {  	s24 =	sadd.s32 $0x3C00, s0;
	s26 =	sadd.s32 $0x4C00, s0;
	[dreg:$0xf] =	wrdreg s18  }
0x14: {  	s9 =	simm.s32 $0x1;
	s6 =	sadd.s32 s4, s11;
	[dreg:$0x11] =	wrdreg s20  }
0x15: {  	s1 =	sor.u32 $0x1C00, s25;
	s25 =	sadd.s32 $0x4400, s0;
	s0 =	simm.s32 $0x400  }
0x16: {  	s8 =	simm.s32 $0x17000;
	[dreg:$0xa] =	wrdreg s6;
	s6 =	sadd.s32 s4, s13  }
0x17: {  	s10 =	simm.s32 $0x2;
	s3 =	sadd.s32 s23, s1;
	[dreg:$0xc] =	wrdreg s6  }
0x18: {  	s11 =	simm.s32 $0x3;
	s1 =	sadd.s32 s4, s1;
	[dreg:$0x13] =	wrdreg s3  }
0x19: {  	s23 =	smax.u32 s5, $0x1;
	s5 =	simm.s32 $0x12800;
	[dreg:$0x14] =	wrdreg s1  }
0x1a: {  	s13 =	simm.s32 $0x0;
	s6 =	sadd.s32 s4, s15;
	[dreg:$0x17] =	wrdreg s23  }
0x1b: {  	s3 =	simm.s32 $0x80;
	[dreg:$0xe] =	wrdreg s6;
	s6 =	sadd.s32 s4, s17  }
0x1c: {  	s1 =	simm.s32 $0x10000;
	[dreg:$0x10] =	wrdreg s6;
	s6 =	sadd.s32 s4, s19  }
0x1d: {  	v0 =	vimm.f32 $0.0e+00;
	s4 =	simm.s32 $0x10800;
	[dreg:$0x12] =	wrdreg s6;
	s6 =	simm.s32 $0x14800  }
.LBB2_1:
0x1e: {  	[dreg:$0x18] =	wrdreg s13;
	s12 =	simm.s32 $0x0  }
.LBB2_2:
0x1f: {  	s13 =	rddreg [dreg:$0x4]  }
0x20: {  	s13 =	sadd.s32 s12, s13  }
0x21: {  	s14 =	sshll.u32 s13, $0xE  }
0x22: {  	s15 =	sshll.u32 s12, $0x7;
	s14 =	sand.u32 $0xFFFE0000, s14  }
0x23: {  	s15 =	sand.u32 $0x380, s15;
	s14 =	sadd.s32 s30, s14  }
0x24: {  	s14 =	sor.u32 s15, s14  }
0x25: {  	s20 =	rddreg [dreg:$0x3];
	s14 =	sshrl.u32 s14, $0x3  }
0x26: {  	s21 =	simm.s32 $0x0;
	s15 =	sadd.s32 s20, s14  }
0x27: {  	[tilespmem:s1], [sflag:$0x1] =	stream.strided.gather [hbm4b:s15+s3], $0x800, s0, s3, $0x38;
	[tilespmem:$0x19000] =	vst v63  }
0x28: {  	s16 =	rddreg [dreg:$0x5];
	s23 =	sand.u32 $0xF800, s21;
	s15 =	sand.u32 $0x300, s21  }
0x29: {  	[tilespmem:s4], [sflag:$0x1] =	stream.linear.gather [hbm4b:s16+s21], $0x2000, $0x38;
	[tilespmem:$0x19000] =	vst v63  }
0x2a: {  	s22 =	rddreg [dreg:$0x6];
	s15 =	sor.u32 s15, s23  }
0x2b: {  	[tilespmem:s5], [sflag:$0x1] =	stream.linear.gather [hbm4b:s22+s21], $0x2000, $0x38;
	[tilespmem:$0x19000] =	vst v63  }
0x2c: {  	[tilespmem:s15+$0x4F0] =	vst v0  }
0x2d: {  	[tilespmem:s15+$0x0] =	vst v0  }
0x2e: {  	[tilespmem:s15+$0x10] =	vst v0  }
0x2f: {  	[tilespmem:s15+$0x20] =	vst v0  }
0x30: {  	[tilespmem:s15+$0x30] =	vst v0  }
0x31: {  	[tilespmem:s15+$0x40] =	vst v0  }
0x32: {  	[tilespmem:s15+$0x50] =	vst v0  }
0x33: {  	[tilespmem:s15+$0x60] =	vst v0  }
0x34: {  	[tilespmem:s15+$0x70] =	vst v0  }
0x35: {  	[tilespmem:s15+$0x400] =	vst v0  }
0x36: {  	[tilespmem:s15+$0x410] =	vst v0  }
0x37: {  	[tilespmem:s15+$0x420] =	vst v0  }
0x38: {  	[tilespmem:s15+$0x430] =	vst v0  }
0x39: {  	[tilespmem:s15+$0x440] =	vst v0  }
0x3a: {  	[tilespmem:s15+$0x450] =	vst v0  }
0x3b: {  	[tilespmem:s15+$0x460] =	vst v0  }
0x3c: {  	[tilespmem:s15+$0x470] =	vst v0  }
0x3d: {  	[tilespmem:s15+$0x80] =	vst v0  }
0x3e: {  	[tilespmem:s15+$0x90] =	vst v0  }
0x3f: {  	[tilespmem:s15+$0xA0] =	vst v0  }
0x40: {  	[tilespmem:s15+$0xB0] =	vst v0  }
0x41: {  	[tilespmem:s15+$0xC0] =	vst v0  }
0x42: {  	[tilespmem:s15+$0xD0] =	vst v0  }
0x43: {  	[tilespmem:s15+$0xE0] =	vst v0  }
0x44: {  	[tilespmem:s15+$0xF0] =	vst v0  }
0x45: {  	[tilespmem:s15+$0x480] =	vst v0  }
0x46: {  	[tilespmem:s15+$0x490] =	vst v0  }
0x47: {  	[tilespmem:s15+$0x4A0] =	vst v0  }
0x48: {  	[tilespmem:s15+$0x4B0] =	vst v0  }
0x49: {  	s17 =	simm.s32 $0x100;
	s18 =	simm.s32 $0x200;
	s16 =	simm.s32 $0x0;
	[tilespmem:s15+$0x4C0] =	vst v0  }
.LBB2_3:
0x4a: {  	s19 =	sand.u32 $0xF800, s18;
	s20 =	sand.u32 $0x300, s17;
	s16 =	sadd.s32 $0x2, s16;
	[tilespmem:s15+$0x4D0] =	vst v0  }
0x4b: {  	p0 =	slt.u32 s16, $0xFE;
	[tilespmem:s15+$0x4E0] =	vst v0;
	s15 =	sor.u32 s20, s19  }
0x4c: {  	[tilespmem:s15+$0x4F0] =	vst v0  }
0x4d: {  	[tilespmem:s15+$0x0] =	vst v0  }
0x4e: {  	[tilespmem:s15+$0x10] =	vst v0  }
0x4f: {  	[tilespmem:s15+$0x20] =	vst v0  }
0x50: {  	[tilespmem:s15+$0x30] =	vst v0  }
0x51: {  	[tilespmem:s15+$0x40] =	vst v0  }
0x52: {  	[tilespmem:s15+$0x50] =	vst v0  }
0x53: {  	[tilespmem:s15+$0x60] =	vst v0  }
0x54: {  	[tilespmem:s15+$0x70] =	vst v0  }
0x55: {  	[tilespmem:s15+$0x400] =	vst v0  }
0x56: {  	[tilespmem:s15+$0x410] =	vst v0  }
0x57: {  	[tilespmem:s15+$0x420] =	vst v0  }
0x58: {  	[tilespmem:s15+$0x430] =	vst v0  }
0x59: {  	[tilespmem:s15+$0x440] =	vst v0  }
0x5a: {  	[tilespmem:s15+$0x450] =	vst v0  }
0x5b: {  	[tilespmem:s15+$0x460] =	vst v0  }
0x5c: {  	[tilespmem:s15+$0x470] =	vst v0  }
0x5d: {  	[tilespmem:s15+$0x80] =	vst v0  }
0x5e: {  	[tilespmem:s15+$0x90] =	vst v0  }
0x5f: {  	[tilespmem:s15+$0xA0] =	vst v0  }
0x60: {  	[tilespmem:s15+$0xB0] =	vst v0  }
0x61: {  	[tilespmem:s15+$0xC0] =	vst v0  }
0x62: {  	[tilespmem:s15+$0xD0] =	vst v0  }
0x63: {  	[tilespmem:s15+$0xE0] =	vst v0  }
0x64: {  	[tilespmem:s15+$0xF0] =	vst v0  }
.Ltmp0:
0x65: {  	[tilespmem:s15+$0x480] =	vst v0;
	(pc) =	sbr.rel @p0 .LBB2_3-.Ltmp0, $4  }
0x66: {  	[tilespmem:s15+$0x490] =	vst v0  }
0x67: {  	[tilespmem:s15+$0x4A0] =	vst v0  }
0x68: {  	[tilespmem:s15+$0x4B0] =	vst v0  }
0x69: {  	s17 =	sadd.s32 $0x100, s17;
	s18 =	sadd.s32 $0x200, s18;
	[tilespmem:s15+$0x4C0] =	vst v0  }
0x6a: {  	[tilespmem:s15+$0x4D0] =	vst v0;
	s22 =	rddreg [dreg:$0x15]  }
0x6b: {  	[tilespmem:s15+$0x4E0] =	vst v0;
	s15 =	sadd.s32 s14, s22  }
0x6c: {  	[tilespmem:s6], [sflag:$0x2] =	stream.strided.gather [hbm4b:s15+s3], $0x800, s0, s3, $0x38;
	[tilespmem:$0x19000] =	vst v63  }
0x6d: {  	s16 =	rddreg [dreg:$0x7];
	s15 =	simm.s32 $0x0  }
0x6e: {  	[tilespmem:s7], [sflag:$0x2] =	stream.linear.gather [hbm4b:s16+s15], $0x2000, $0x38;
	[tilespmem:$0x19000] =	vst v63  }
0x6f: {  	s23 =	rddreg [dreg:$0x8]  }
0x70: {  	[tilespmem:s8], [sflag:$0x2] =	stream.linear.gather [hbm4b:s23+s15], $0x2000, $0x38;
	[tilespmem:$0x19000] =	vst v63  }
0x71: {  	_ =	swait.ge [sflag:s9], $0x800  }
0x72: {  	[sflag:s9] =	ssyncset.done $0x0  }
0x73: {  	[sflag:s9] =	ssyncadd.s32 $0xFFFFF800  }
0x74: {  	_ =	swait.ge [sflag:s9], $0x2000  }
0x75: {  	[sflag:s9] =	ssyncset.done $0x0  }
0x76: {  	[sflag:s9] =	ssyncadd.s32 $0xFFFFE000  }
0x77: {  	_ =	swait.ge [sflag:s9], $0x2000  }
0x78: {  	p0 =	por $0x0, $0x0;
	[sflag:s9] =	ssyncset.done $0x0  }
0x79: {  	s17 =	simm.s32 $0x0;
	s16 =	simm.s32 $0xFFFFFFFC;
	[sflag:s9] =	ssyncadd.s32 $0xFFFFE000  }
.LBB2_5:
0x7a: {  	s19 =	sand.u32 $0x40, s15;
	s18 =	sand.u32 $0x1E00, s17  }
0x7b: {  	s20 =	sor.u32 s19, s18  }
0x7c: {  	v1 =	vld [tilespmem:s20+$0x10800];
	_ =	sdelay $0x3  }
0x7d: {  	s21 =	sshra.s32 s17, $0x2  }
0x7e: {  	v2 =	vld [tilespmem:s21+$0x10000];
	v3 =	vshll.u32 v1, $0x3  }
0x7f: {  	v4 =	vld [tilespmem:s20+$0x12800];
	v5 =	vshrl.u32 v1, $0x1;
	v1 =	vand.u32 $0xFFFFF87F, v1;
	v3 =	vand.u32 $0x400, v3  }
0x80: {  	v5 =	vand.u32 $0x380, v5;
	v1 =	vor.u32 v3, v1  }
0x81: {  	v1 =	vor.u32 v5, v1;
	_ =	sdelay $0x2  }
0x82: {  	v3 =	vmul.f32 v4, v2;
	_ =	sdelay $0x1  }
0x83: {  	[tilespmem:v1+s2+$0x0] =	vst.idx.add.f32.msk $0xffff, v3  }
0x84: {  	v1 =	vld [tilespmem:s20+$0x10880];
	_ =	sdelay $0x4  }
0x85: {  	v3 =	vshll.u32 v1, $0x3  }
0x86: {  	v34 =	vld [tilespmem:s20+$0x12880];
	v35 =	vshrl.u32 v1, $0x1;
	v1 =	vand.u32 $0xFFFFF87F, v1;
	v3 =	vand.u32 $0x400, v3  }
0x87: {  	v5 =	vand.u32 $0x380, v35;
	v1 =	vor.u32 v3, v1  }
0x88: {  	v1 =	vor.u32 v5, v1  }
0x89: {  	s20 =	simm.s32 $0x1  }
0x8a: {  	s20 =	simm.s32 @!p0 $0x0  }
0x8b: {  	s20 =	sshll.u32 s20, $0x6;
	v3 =	vmul.f32 v34, v2  }
0x8c: {  	s20 =	sadd.s32 s20, s17  }
0x8d: {  	s22 =	sor.u32 $0x100, s20;
	[tilespmem:v1+s2+$0x0] =	vst.idx.add.f32.msk $0xffff, v3  }
0x8e: {  	v1 =	vld [tilespmem:s22+$0x10800];
	_ =	sdelay $0x4  }
0x8f: {  	v3 =	vshll.u32 v1, $0x3  }
0x90: {  	v36 =	vld [tilespmem:s22+$0x12800];
	v37 =	vshrl.u32 v1, $0x1;
	v1 =	vand.u32 $0xFFFFF87F, v1;
	v3 =	vand.u32 $0x400, v3  }
0x91: {  	v5 =	vand.u32 $0x380, v37;
	v1 =	vor.u32 v3, v1  }
0x92: {  	v1 =	vor.u32 v5, v1;
	_ =	sdelay $0x2  }
0x93: {  	v3 =	vmul.f32 v36, v2;
	_ =	sdelay $0x1  }
0x94: {  	s23 =	sor.u32 $0x180, s20;
	[tilespmem:v1+s2+$0x0] =	vst.idx.add.f32.msk $0xffff, v3  }
0x95: {  	v1 =	vld [tilespmem:s23+$0x10800];
	_ =	sdelay $0x4  }
0x96: {  	v3 =	vshll.u32 v1, $0x3  }
0x97: {  	v38 =	vld [tilespmem:s23+$0x12800];
	v39 =	vshrl.u32 v1, $0x1;
	v1 =	vand.u32 $0xFFFFF87F, v1;
	v3 =	vand.u32 $0x400, v3  }
0x98: {  	v5 =	vand.u32 $0x380, v39;
	v1 =	vor.u32 v3, v1  }
0x99: {  	v1 =	vor.u32 v5, v1;
	_ =	sdelay $0x2  }
0x9a: {  	v2 =	vmul.f32 v38, v2  }
0x9b: {  	s22 =	sor.u32 $0x10, s19  }
0x9c: {  	s23 =	sor.u32 s18, s22;
	[tilespmem:v1+s2+$0x0] =	vst.idx.add.f32.msk $0xffff, v2  }
0x9d: {  	v1 =	vld [tilespmem:s23+$0x10800];
	_ =	sdelay $0x1  }
0x9e: {  	s21 =	sand.u32 $0x780, s15  }
0x9f: {  	s21 =	sor.u32 $0x10000, s21  }
0xa0: {  	s22 =	sor.u32 s22, s21  }
0xa1: {  	v2 =	vld [tilespmem:s22+$0x0];
	v3 =	vshll.u32 v1, $0x3  }
0xa2: {  	v40 =	vld [tilespmem:s23+$0x12800];
	v41 =	vshrl.u32 v1, $0x1;
	v1 =	vand.u32 $0xFFFFF87F, v1;
	v3 =	vand.u32 $0x400, v3  }
0xa3: {  	v5 =	vand.u32 $0x380, v41;
	v1 =	vor.u32 v3, v1  }
0xa4: {  	v1 =	vor.u32 v5, v1;
	_ =	sdelay $0x2  }
0xa5: {  	v3 =	vmul.f32 v40, v2;
	_ =	sdelay $0x1  }
0xa6: {  	[tilespmem:v1+s2+$0x0] =	vst.idx.add.f32.msk $0xffff, v3  }
0xa7: {  	v1 =	vld [tilespmem:s23+$0x10880];
	_ =	sdelay $0x4  }
0xa8: {  	v3 =	vshll.u32 v1, $0x3  }
0xa9: {  	v42 =	vld [tilespmem:s23+$0x12880];
	v43 =	vshrl.u32 v1, $0x1;
	v1 =	vand.u32 $0xFFFFF87F, v1;
	v3 =	vand.u32 $0x400, v3  }
0xaa: {  	v5 =	vand.u32 $0x380, v43;
	v1 =	vor.u32 v3, v1  }
0xab: {  	v1 =	vor.u32 v5, v1;
	_ =	sdelay $0x2  }
0xac: {  	v3 =	vmul.f32 v42, v2  }
0xad: {  	s22 =	sadd.s32 $0x10, s20  }
0xae: {  	s23 =	sor.u32 $0x100, s22;
	[tilespmem:v1+s2+$0x0] =	vst.idx.add.f32.msk $0xffff, v3  }
0xaf: {  	v1 =	vld [tilespmem:s23+$0x10800];
	_ =	sdelay $0x4  }
0xb0: {  	v3 =	vshll.u32 v1, $0x3  }
0xb1: {  	v44 =	vld [tilespmem:s23+$0x12800];
	v45 =	vshrl.u32 v1, $0x1;
	v1 =	vand.u32 $0xFFFFF87F, v1;
	v3 =	vand.u32 $0x400, v3  }
0xb2: {  	v5 =	vand.u32 $0x380, v45;
	v1 =	vor.u32 v3, v1  }
0xb3: {  	v1 =	vor.u32 v5, v1;
	_ =	sdelay $0x2  }
0xb4: {  	v3 =	vmul.f32 v44, v2;
	_ =	sdelay $0x1  }
0xb5: {  	s22 =	sor.u32 $0x180, s22;
	[tilespmem:v1+s2+$0x0] =	vst.idx.add.f32.msk $0xffff, v3  }
0xb6: {  	v1 =	vld [tilespmem:s22+$0x10800];
	_ =	sdelay $0x4  }
0xb7: {  	v3 =	vshll.u32 v1, $0x3  }
0xb8: {  	v46 =	vld [tilespmem:s22+$0x12800];
	v47 =	vshrl.u32 v1, $0x1;
	v1 =	vand.u32 $0xFFFFF87F, v1;
	v3 =	vand.u32 $0x400, v3  }
0xb9: {  	v5 =	vand.u32 $0x380, v47;
	v1 =	vor.u32 v3, v1  }
0xba: {  	v1 =	vor.u32 v5, v1;
	_ =	sdelay $0x2  }
0xbb: {  	v2 =	vmul.f32 v46, v2  }
0xbc: {  	s22 =	sor.u32 $0x20, s19  }
0xbd: {  	s23 =	sor.u32 s18, s22;
	[tilespmem:v1+s2+$0x0] =	vst.idx.add.f32.msk $0xffff, v2  }
0xbe: {  	v1 =	vld [tilespmem:s23+$0x10800];
	_ =	sdelay $0x3  }
0xbf: {  	s22 =	sor.u32 s22, s21  }
0xc0: {  	v2 =	vld [tilespmem:s22+$0x0];
	v3 =	vshll.u32 v1, $0x3  }
0xc1: {  	v48 =	vld [tilespmem:s23+$0x12800];
	v49 =	vshrl.u32 v1, $0x1;
	v1 =	vand.u32 $0xFFFFF87F, v1;
	v3 =	vand.u32 $0x400, v3  }
0xc2: {  	v5 =	vand.u32 $0x380, v49;
	v1 =	vor.u32 v3, v1  }
0xc3: {  	v1 =	vor.u32 v5, v1;
	_ =	sdelay $0x2  }
0xc4: {  	v3 =	vmul.f32 v48, v2;
	_ =	sdelay $0x1  }
0xc5: {  	[tilespmem:v1+s2+$0x0] =	vst.idx.add.f32.msk $0xffff, v3  }
0xc6: {  	v1 =	vld [tilespmem:s23+$0x10880];
	_ =	sdelay $0x4  }
0xc7: {  	v3 =	vshll.u32 v1, $0x3  }
0xc8: {  	v50 =	vld [tilespmem:s23+$0x12880];
	v51 =	vshrl.u32 v1, $0x1;
	v1 =	vand.u32 $0xFFFFF87F, v1;
	v3 =	vand.u32 $0x400, v3  }
0xc9: {  	v5 =	vand.u32 $0x380, v51;
	v1 =	vor.u32 v3, v1  }
0xca: {  	v1 =	vor.u32 v5, v1;
	_ =	sdelay $0x2  }
0xcb: {  	v3 =	vmul.f32 v50, v2  }
0xcc: {  	s22 =	sadd.s32 $0x20, s20  }
0xcd: {  	s23 =	sor.u32 $0x100, s22;
	[tilespmem:v1+s2+$0x0] =	vst.idx.add.f32.msk $0xffff, v3  }
0xce: {  	v1 =	vld [tilespmem:s23+$0x10800];
	_ =	sdelay $0x4  }
0xcf: {  	v3 =	vshll.u32 v1, $0x3  }
0xd0: {  	v52 =	vld [tilespmem:s23+$0x12800];
	v53 =	vshrl.u32 v1, $0x1;
	v1 =	vand.u32 $0xFFFFF87F, v1;
	v3 =	vand.u32 $0x400, v3  }
0xd1: {  	v5 =	vand.u32 $0x380, v53;
	v1 =	vor.u32 v3, v1  }
0xd2: {  	v1 =	vor.u32 v5, v1;
	_ =	sdelay $0x2  }
0xd3: {  	v3 =	vmul.f32 v52, v2;
	_ =	sdelay $0x1  }
0xd4: {  	s22 =	sor.u32 $0x180, s22;
	[tilespmem:v1+s2+$0x0] =	vst.idx.add.f32.msk $0xffff, v3  }
0xd5: {  	v1 =	vld [tilespmem:s22+$0x10800];
	_ =	sdelay $0x4  }
0xd6: {  	v3 =	vshll.u32 v1, $0x3  }
0xd7: {  	v54 =	vld [tilespmem:s22+$0x12800];
	v55 =	vshrl.u32 v1, $0x1;
	v1 =	vand.u32 $0xFFFFF87F, v1;
	v3 =	vand.u32 $0x400, v3  }
0xd8: {  	v5 =	vand.u32 $0x380, v55;
	v1 =	vor.u32 v3, v1  }
0xd9: {  	v1 =	vor.u32 v5, v1;
	_ =	sdelay $0x2  }
0xda: {  	v2 =	vmul.f32 v54, v2  }
0xdb: {  	s19 =	sor.u32 $0x30, s19  }
0xdc: {  	s18 =	sor.u32 s18, s19;
	[tilespmem:v1+s2+$0x0] =	vst.idx.add.f32.msk $0xffff, v2  }
0xdd: {  	v1 =	vld [tilespmem:s18+$0x10800];
	_ =	sdelay $0x3  }
0xde: {  	s19 =	sor.u32 s19, s21  }
0xdf: {  	v2 =	vld [tilespmem:s19+$0x0];
	v3 =	vshll.u32 v1, $0x3  }
0xe0: {  	v56 =	vld [tilespmem:s18+$0x12800];
	v57 =	vshrl.u32 v1, $0x1;
	v1 =	vand.u32 $0xFFFFF87F, v1;
	v3 =	vand.u32 $0x400, v3  }
0xe1: {  	v5 =	vand.u32 $0x380, v57;
	v1 =	vor.u32 v3, v1  }
0xe2: {  	v1 =	vor.u32 v5, v1;
	_ =	sdelay $0x2  }
0xe3: {  	v3 =	vmul.f32 v56, v2;
	_ =	sdelay $0x1  }
0xe4: {  	[tilespmem:v1+s2+$0x0] =	vst.idx.add.f32.msk $0xffff, v3  }
0xe5: {  	v1 =	vld [tilespmem:s18+$0x10880];
	_ =	sdelay $0x4  }
0xe6: {  	v3 =	vshll.u32 v1, $0x3  }
0xe7: {  	v58 =	vld [tilespmem:s18+$0x12880];
	v59 =	vshrl.u32 v1, $0x1;
	v1 =	vand.u32 $0xFFFFF87F, v1;
	v3 =	vand.u32 $0x400, v3  }
0xe8: {  	v5 =	vand.u32 $0x380, v59;
	v1 =	vor.u32 v3, v1  }
0xe9: {  	v1 =	vor.u32 v5, v1;
	_ =	sdelay $0x2  }
0xea: {  	v3 =	vmul.f32 v58, v2  }
0xeb: {  	s22 =	sadd.s32 $0x30, s20  }
0xec: {  	s23 =	sor.u32 $0x100, s22;
	[tilespmem:v1+s2+$0x0] =	vst.idx.add.f32.msk $0xffff, v3  }
0xed: {  	v1 =	vld [tilespmem:s23+$0x10800];
	_ =	sdelay $0x4  }
0xee: {  	v3 =	vshll.u32 v1, $0x3  }
0xef: {  	v60 =	vld [tilespmem:s23+$0x12800];
	v61 =	vshrl.u32 v1, $0x1;
	v1 =	vand.u32 $0xFFFFF87F, v1;
	v3 =	vand.u32 $0x400, v3  }
0xf0: {  	v5 =	vand.u32 $0x380, v61;
	v1 =	vor.u32 v3, v1  }
0xf1: {  	v1 =	vor.u32 v5, v1;
	_ =	sdelay $0x2  }
0xf2: {  	v3 =	vmul.f32 v60, v2;
	_ =	sdelay $0x1  }
0xf3: {  	s18 =	sor.u32 $0x180, s22;
	[tilespmem:v1+s2+$0x0] =	vst.idx.add.f32.msk $0xffff, v3  }
0xf4: {  	v1 =	vld [tilespmem:s18+$0x10800];
	_ =	sdelay $0x4  }
0xf5: {  	v3 =	vshll.u32 v1, $0x3  }
0xf6: {  	v62 =	vld [tilespmem:s18+$0x12800];
	v63 =	vshrl.u32 v1, $0x1;
	v1 =	vand.u32 $0xFFFFF87F, v1;
	v3 =	vand.u32 $0x400, v3  }
0xf7: {  	s16 =	sadd.s32 $0x4, s16;
	v5 =	vand.u32 $0x380, v63;
	v1 =	vor.u32 v3, v1  }
0xf8: {  	p1 =	slt.u32 s16, $0x7C;
	v1 =	vor.u32 v5, v1  }
.Ltmp1:
0xf9: {  	_ = 	snop;
	(pc) =	sbr.rel @p1 .LBB2_5-.Ltmp1, $3  }
0xfa: {  	_ = 	snop  }
0xfb: {  	v2 =	vmul.f32 v62, v2;
	_ =	sdelay $0x1  }
0xfc: {  	s15 =	sadd.s32 $0x40, s15;
	p0 =	por !p0, !p0;
	s17 =	sadd.s32 $0x100, s17;
	[tilespmem:v1+s2+$0x0] =	vst.idx.add.f32.msk $0xffff, v2  }
0xfd: {  	s15 =	rddreg [dreg:$0x16]  }
0xfe: {  	s15 =	sadd.s32 s14, s15  }
0xff: {  	[tilespmem:s1], [sflag:$0x1] =	stream.strided.gather [hbm4b:s15+s3], $0x800, s0, s3, $0x38;
	[tilespmem:$0x19000] =	vst v63  }
0x100: {  	s16 =	rddreg [dreg:$0x9];
	s15 =	simm.s32 $0x0  }
0x101: {  	[tilespmem:s4], [sflag:$0x1] =	stream.linear.gather [hbm4b:s16+s15], $0x2000, $0x38;
	[tilespmem:$0x19000] =	vst v63  }
0x102: {  	s23 =	rddreg [dreg:$0xa]  }
0x103: {  	[tilespmem:s5], [sflag:$0x1] =	stream.linear.gather [hbm4b:s23+s15], $0x2000, $0x38;
	[tilespmem:$0x19000] =	vst v63  }
0x104: {  	_ =	swait.ge [sflag:s10], $0x800  }
0x105: {  	[sflag:s10] =	ssyncset.done $0x0  }
0x106: {  	[sflag:s10] =	ssyncadd.s32 $0xFFFFF800  }
0x107: {  	_ =	swait.ge [sflag:s10], $0x2000  }
0x108: {  	[sflag:s10] =	ssyncset.done $0x0  }
0x109: {  	[sflag:s10] =	ssyncadd.s32 $0xFFFFE000  }
0x10a: {  	_ =	swait.ge [sflag:s10], $0x2000  }
0x10b: {  	p0 =	por $0x0, $0x0;
	[sflag:s10] =	ssyncset.done $0x0  }
0x10c: {  	s17 =	simm.s32 $0x0;
	s16 =	simm.s32 $0xFFFFFFFC;
	[sflag:s10] =	ssyncadd.s32 $0xFFFFE000  }
.LBB2_7:
0x10d: {  	s19 =	sand.u32 $0x40, s15;
	s18 =	sand.u32 $0x1E00, s17  }
0x10e: {  	s20 =	sor.u32 s19, s18  }
0x10f: {  	v1 =	vld [tilespmem:s20+$0x15000];
	_ =	sdelay $0x3  }
0x110: {  	s21 =	sshra.s32 s17, $0x2  }
0x111: {  	v2 =	vld [tilespmem:s21+$0x14800];
	v3 =	vshll.u32 v1, $0x3  }
0x112: {  	v4 =	vld [tilespmem:s20+$0x17000];
	v5 =	vshrl.u32 v1, $0x1;
	v1 =	vand.u32 $0xFFFFF87F, v1;
	v3 =	vand.u32 $0x400, v3  }
0x113: {  	v5 =	vand.u32 $0x380, v5;
	v1 =	vor.u32 v3, v1  }
0x114: {  	v1 =	vor.u32 v5, v1;
	_ =	sdelay $0x2  }
0x115: {  	v3 =	vmul.f32 v4, v2;
	_ =	sdelay $0x1  }
0x116: {  	[tilespmem:v1+s2+$0x0] =	vst.idx.add.f32.msk $0xffff, v3  }
0x117: {  	v1 =	vld [tilespmem:s20+$0x15080];
	_ =	sdelay $0x4  }
0x118: {  	v3 =	vshll.u32 v1, $0x3  }
0x119: {  	v34 =	vld [tilespmem:s20+$0x17080];
	v35 =	vshrl.u32 v1, $0x1;
	v1 =	vand.u32 $0xFFFFF87F, v1;
	v3 =	vand.u32 $0x400, v3  }
0x11a: {  	v5 =	vand.u32 $0x380, v35;
	v1 =	vor.u32 v3, v1  }
0x11b: {  	v1 =	vor.u32 v5, v1  }
0x11c: {  	s20 =	simm.s32 $0x1  }
0x11d: {  	s20 =	simm.s32 @!p0 $0x0  }
0x11e: {  	s20 =	sshll.u32 s20, $0x6;
	v3 =	vmul.f32 v34, v2  }
0x11f: {  	s20 =	sadd.s32 s20, s17  }
0x120: {  	s22 =	sor.u32 $0x100, s20;
	[tilespmem:v1+s2+$0x0] =	vst.idx.add.f32.msk $0xffff, v3  }
0x121: {  	v1 =	vld [tilespmem:s22+$0x15000];
	_ =	sdelay $0x4  }
0x122: {  	v3 =	vshll.u32 v1, $0x3  }
0x123: {  	v36 =	vld [tilespmem:s22+$0x17000];
	v37 =	vshrl.u32 v1, $0x1;
	v1 =	vand.u32 $0xFFFFF87F, v1;
	v3 =	vand.u32 $0x400, v3  }
0x124: {  	v5 =	vand.u32 $0x380, v37;
	v1 =	vor.u32 v3, v1  }
0x125: {  	v1 =	vor.u32 v5, v1;
	_ =	sdelay $0x2  }
0x126: {  	v3 =	vmul.f32 v36, v2;
	_ =	sdelay $0x1  }
0x127: {  	s23 =	sor.u32 $0x180, s20;
	[tilespmem:v1+s2+$0x0] =	vst.idx.add.f32.msk $0xffff, v3  }
0x128: {  	v1 =	vld [tilespmem:s23+$0x15000];
	_ =	sdelay $0x4  }
0x129: {  	v3 =	vshll.u32 v1, $0x3  }
0x12a: {  	v38 =	vld [tilespmem:s23+$0x17000];
	v39 =	vshrl.u32 v1, $0x1;
	v1 =	vand.u32 $0xFFFFF87F, v1;
	v3 =	vand.u32 $0x400, v3  }
0x12b: {  	v5 =	vand.u32 $0x380, v39;
	v1 =	vor.u32 v3, v1  }
0x12c: {  	v1 =	vor.u32 v5, v1;
	_ =	sdelay $0x2  }
0x12d: {  	v2 =	vmul.f32 v38, v2  }
0x12e: {  	s22 =	sor.u32 $0x10, s19  }
0x12f: {  	s23 =	sor.u32 s18, s22;
	[tilespmem:v1+s2+$0x0] =	vst.idx.add.f32.msk $0xffff, v2  }
0x130: {  	v1 =	vld [tilespmem:s23+$0x15000];
	_ =	sdelay $0x1  }
0x131: {  	s21 =	sand.u32 $0x780, s15  }
0x132: {  	s21 =	sor.u32 $0x14800, s21  }
0x133: {  	s22 =	sor.u32 s22, s21  }
0x134: {  	v2 =	vld [tilespmem:s22+$0x0];
	v3 =	vshll.u32 v1, $0x3  }
0x135: {  	v40 =	vld [tilespmem:s23+$0x17000];
	v41 =	vshrl.u32 v1, $0x1;
	v1 =	vand.u32 $0xFFFFF87F, v1;
	v3 =	vand.u32 $0x400, v3  }
0x136: {  	v5 =	vand.u32 $0x380, v41;
	v1 =	vor.u32 v3, v1  }
0x137: {  	v1 =	vor.u32 v5, v1;
	_ =	sdelay $0x2  }
0x138: {  	v3 =	vmul.f32 v40, v2;
	_ =	sdelay $0x1  }
0x139: {  	[tilespmem:v1+s2+$0x0] =	vst.idx.add.f32.msk $0xffff, v3  }
0x13a: {  	v1 =	vld [tilespmem:s23+$0x15080];
	_ =	sdelay $0x4  }
0x13b: {  	v3 =	vshll.u32 v1, $0x3  }
0x13c: {  	v42 =	vld [tilespmem:s23+$0x17080];
	v43 =	vshrl.u32 v1, $0x1;
	v1 =	vand.u32 $0xFFFFF87F, v1;
	v3 =	vand.u32 $0x400, v3  }
0x13d: {  	v5 =	vand.u32 $0x380, v43;
	v1 =	vor.u32 v3, v1  }
0x13e: {  	v1 =	vor.u32 v5, v1;
	_ =	sdelay $0x2  }
0x13f: {  	v3 =	vmul.f32 v42, v2  }
0x140: {  	s22 =	sadd.s32 $0x10, s20  }
0x141: {  	s23 =	sor.u32 $0x100, s22;
	[tilespmem:v1+s2+$0x0] =	vst.idx.add.f32.msk $0xffff, v3  }
0x142: {  	v1 =	vld [tilespmem:s23+$0x15000];
	_ =	sdelay $0x4  }
0x143: {  	v3 =	vshll.u32 v1, $0x3  }
0x144: {  	v44 =	vld [tilespmem:s23+$0x17000];
	v45 =	vshrl.u32 v1, $0x1;
	v1 =	vand.u32 $0xFFFFF87F, v1;
	v3 =	vand.u32 $0x400, v3  }
0x145: {  	v5 =	vand.u32 $0x380, v45;
	v1 =	vor.u32 v3, v1  }
0x146: {  	v1 =	vor.u32 v5, v1;
	_ =	sdelay $0x2  }
0x147: {  	v3 =	vmul.f32 v44, v2;
	_ =	sdelay $0x1  }
0x148: {  	s22 =	sor.u32 $0x180, s22;
	[tilespmem:v1+s2+$0x0] =	vst.idx.add.f32.msk $0xffff, v3  }
0x149: {  	v1 =	vld [tilespmem:s22+$0x15000];
	_ =	sdelay $0x4  }
0x14a: {  	v3 =	vshll.u32 v1, $0x3  }
0x14b: {  	v46 =	vld [tilespmem:s22+$0x17000];
	v47 =	vshrl.u32 v1, $0x1;
	v1 =	vand.u32 $0xFFFFF87F, v1;
	v3 =	vand.u32 $0x400, v3  }
0x14c: {  	v5 =	vand.u32 $0x380, v47;
	v1 =	vor.u32 v3, v1  }
0x14d: {  	v1 =	vor.u32 v5, v1;
	_ =	sdelay $0x2  }
0x14e: {  	v2 =	vmul.f32 v46, v2  }
0x14f: {  	s22 =	sor.u32 $0x20, s19  }
0x150: {  	s23 =	sor.u32 s18, s22;
	[tilespmem:v1+s2+$0x0] =	vst.idx.add.f32.msk $0xffff, v2  }
0x151: {  	v1 =	vld [tilespmem:s23+$0x15000];
	_ =	sdelay $0x3  }
0x152: {  	s22 =	sor.u32 s22, s21  }
0x153: {  	v2 =	vld [tilespmem:s22+$0x0];
	v3 =	vshll.u32 v1, $0x3  }
0x154: {  	v48 =	vld [tilespmem:s23+$0x17000];
	v49 =	vshrl.u32 v1, $0x1;
	v1 =	vand.u32 $0xFFFFF87F, v1;
	v3 =	vand.u32 $0x400, v3  }
0x155: {  	v5 =	vand.u32 $0x380, v49;
	v1 =	vor.u32 v3, v1  }
0x156: {  	v1 =	vor.u32 v5, v1;
	_ =	sdelay $0x2  }
0x157: {  	v3 =	vmul.f32 v48, v2;
	_ =	sdelay $0x1  }
0x158: {  	[tilespmem:v1+s2+$0x0] =	vst.idx.add.f32.msk $0xffff, v3  }
0x159: {  	v1 =	vld [tilespmem:s23+$0x15080];
	_ =	sdelay $0x4  }
0x15a: {  	v3 =	vshll.u32 v1, $0x3  }
0x15b: {  	v50 =	vld [tilespmem:s23+$0x17080];
	v51 =	vshrl.u32 v1, $0x1;
	v1 =	vand.u32 $0xFFFFF87F, v1;
	v3 =	vand.u32 $0x400, v3  }
0x15c: {  	v5 =	vand.u32 $0x380, v51;
	v1 =	vor.u32 v3, v1  }
0x15d: {  	v1 =	vor.u32 v5, v1;
	_ =	sdelay $0x2  }
0x15e: {  	v3 =	vmul.f32 v50, v2  }
0x15f: {  	s22 =	sadd.s32 $0x20, s20  }
0x160: {  	s23 =	sor.u32 $0x100, s22;
	[tilespmem:v1+s2+$0x0] =	vst.idx.add.f32.msk $0xffff, v3  }
0x161: {  	v1 =	vld [tilespmem:s23+$0x15000];
	_ =	sdelay $0x4  }
0x162: {  	v3 =	vshll.u32 v1, $0x3  }
0x163: {  	v52 =	vld [tilespmem:s23+$0x17000];
	v53 =	vshrl.u32 v1, $0x1;
	v1 =	vand.u32 $0xFFFFF87F, v1;
	v3 =	vand.u32 $0x400, v3  }
0x164: {  	v5 =	vand.u32 $0x380, v53;
	v1 =	vor.u32 v3, v1  }
0x165: {  	v1 =	vor.u32 v5, v1;
	_ =	sdelay $0x2  }
0x166: {  	v3 =	vmul.f32 v52, v2;
	_ =	sdelay $0x1  }
0x167: {  	s22 =	sor.u32 $0x180, s22;
	[tilespmem:v1+s2+$0x0] =	vst.idx.add.f32.msk $0xffff, v3  }
0x168: {  	v1 =	vld [tilespmem:s22+$0x15000];
	_ =	sdelay $0x4  }
0x169: {  	v3 =	vshll.u32 v1, $0x3  }
0x16a: {  	v54 =	vld [tilespmem:s22+$0x17000];
	v55 =	vshrl.u32 v1, $0x1;
	v1 =	vand.u32 $0xFFFFF87F, v1;
	v3 =	vand.u32 $0x400, v3  }
0x16b: {  	v5 =	vand.u32 $0x380, v55;
	v1 =	vor.u32 v3, v1  }
0x16c: {  	v1 =	vor.u32 v5, v1;
	_ =	sdelay $0x2  }
0x16d: {  	v2 =	vmul.f32 v54, v2  }
0x16e: {  	s19 =	sor.u32 $0x30, s19  }
0x16f: {  	s18 =	sor.u32 s18, s19;
	[tilespmem:v1+s2+$0x0] =	vst.idx.add.f32.msk $0xffff, v2  }
0x170: {  	v1 =	vld [tilespmem:s18+$0x15000];
	_ =	sdelay $0x3  }
0x171: {  	s19 =	sor.u32 s19, s21  }
0x172: {  	v2 =	vld [tilespmem:s19+$0x0];
	v3 =	vshll.u32 v1, $0x3  }
0x173: {  	v56 =	vld [tilespmem:s18+$0x17000];
	v57 =	vshrl.u32 v1, $0x1;
	v1 =	vand.u32 $0xFFFFF87F, v1;
	v3 =	vand.u32 $0x400, v3  }
0x174: {  	v5 =	vand.u32 $0x380, v57;
	v1 =	vor.u32 v3, v1  }
0x175: {  	v1 =	vor.u32 v5, v1;
	_ =	sdelay $0x2  }
0x176: {  	v3 =	vmul.f32 v56, v2;
	_ =	sdelay $0x1  }
0x177: {  	[tilespmem:v1+s2+$0x0] =	vst.idx.add.f32.msk $0xffff, v3  }
0x178: {  	v1 =	vld [tilespmem:s18+$0x15080];
	_ =	sdelay $0x4  }
0x179: {  	v3 =	vshll.u32 v1, $0x3  }
0x17a: {  	v58 =	vld [tilespmem:s18+$0x17080];
	v59 =	vshrl.u32 v1, $0x1;
	v1 =	vand.u32 $0xFFFFF87F, v1;
	v3 =	vand.u32 $0x400, v3  }
0x17b: {  	v5 =	vand.u32 $0x380, v59;
	v1 =	vor.u32 v3, v1  }
0x17c: {  	v1 =	vor.u32 v5, v1;
	_ =	sdelay $0x2  }
0x17d: {  	v3 =	vmul.f32 v58, v2  }
0x17e: {  	s22 =	sadd.s32 $0x30, s20  }
0x17f: {  	s23 =	sor.u32 $0x100, s22;
	[tilespmem:v1+s2+$0x0] =	vst.idx.add.f32.msk $0xffff, v3  }
0x180: {  	v1 =	vld [tilespmem:s23+$0x15000];
	_ =	sdelay $0x4  }
0x181: {  	v3 =	vshll.u32 v1, $0x3  }
0x182: {  	v60 =	vld [tilespmem:s23+$0x17000];
	v61 =	vshrl.u32 v1, $0x1;
	v1 =	vand.u32 $0xFFFFF87F, v1;
	v3 =	vand.u32 $0x400, v3  }
0x183: {  	v5 =	vand.u32 $0x380, v61;
	v1 =	vor.u32 v3, v1  }
0x184: {  	v1 =	vor.u32 v5, v1;
	_ =	sdelay $0x2  }
0x185: {  	v3 =	vmul.f32 v60, v2;
	_ =	sdelay $0x1  }
0x186: {  	s18 =	sor.u32 $0x180, s22;
	[tilespmem:v1+s2+$0x0] =	vst.idx.add.f32.msk $0xffff, v3  }
0x187: {  	v1 =	vld [tilespmem:s18+$0x15000];
	_ =	sdelay $0x4  }
0x188: {  	v3 =	vshll.u32 v1, $0x3  }
0x189: {  	v62 =	vld [tilespmem:s18+$0x17000];
	v63 =	vshrl.u32 v1, $0x1;
	v1 =	vand.u32 $0xFFFFF87F, v1;
	v3 =	vand.u32 $0x400, v3  }
0x18a: {  	s16 =	sadd.s32 $0x4, s16;
	v5 =	vand.u32 $0x380, v63;
	v1 =	vor.u32 v3, v1  }
0x18b: {  	p1 =	slt.u32 s16, $0x7C;
	v1 =	vor.u32 v5, v1  }
.Ltmp2:
0x18c: {  	_ = 	snop;
	(pc) =	sbr.rel @p1 .LBB2_7-.Ltmp2, $3  }
0x18d: {  	_ = 	snop  }
0x18e: {  	v2 =	vmul.f32 v62, v2;
	_ =	sdelay $0x1  }
0x18f: {  	s15 =	sadd.s32 $0x40, s15;
	p0 =	por !p0, !p0;
	s17 =	sadd.s32 $0x100, s17;
	[tilespmem:v1+s2+$0x0] =	vst.idx.add.f32.msk $0xffff, v2  }
0x190: {  	s15 =	sadd.s32 s14, s24  }
0x191: {  	[tilespmem:s6], [sflag:$0x2] =	stream.strided.gather [hbm4b:s15+s3], $0x800, s0, s3, $0x38;
	[tilespmem:$0x19000] =	vst v63  }
0x192: {  	s16 =	rddreg [dreg:$0xb];
	s15 =	simm.s32 $0x0  }
0x193: {  	[tilespmem:s7], [sflag:$0x2] =	stream.linear.gather [hbm4b:s16+s15], $0x2000, $0x38;
	[tilespmem:$0x19000] =	vst v63  }
0x194: {  	s23 =	rddreg [dreg:$0xc]  }
0x195: {  	[tilespmem:s8], [sflag:$0x2] =	stream.linear.gather [hbm4b:s23+s15], $0x2000, $0x38;
	[tilespmem:$0x19000] =	vst v63  }
0x196: {  	_ =	swait.ge [sflag:s9], $0x800  }
0x197: {  	[sflag:s9] =	ssyncset.done $0x0  }
0x198: {  	[sflag:s9] =	ssyncadd.s32 $0xFFFFF800  }
0x199: {  	_ =	swait.ge [sflag:s9], $0x2000  }
0x19a: {  	[sflag:s9] =	ssyncset.done $0x0  }
0x19b: {  	[sflag:s9] =	ssyncadd.s32 $0xFFFFE000  }
0x19c: {  	_ =	swait.ge [sflag:s9], $0x2000  }
0x19d: {  	p0 =	por $0x0, $0x0;
	[sflag:s9] =	ssyncset.done $0x0  }
0x19e: {  	s17 =	simm.s32 $0x0;
	s16 =	simm.s32 $0xFFFFFFFC;
	[sflag:s9] =	ssyncadd.s32 $0xFFFFE000  }
.LBB2_9:
0x19f: {  	s19 =	sand.u32 $0x40, s15;
	s18 =	sand.u32 $0x1E00, s17  }
0x1a0: {  	s20 =	sor.u32 s19, s18  }
0x1a1: {  	v1 =	vld [tilespmem:s20+$0x10800];
	_ =	sdelay $0x3  }
0x1a2: {  	s21 =	sshra.s32 s17, $0x2  }
0x1a3: {  	v2 =	vld [tilespmem:s21+$0x10000];
	v3 =	vshll.u32 v1, $0x3  }
0x1a4: {  	v4 =	vld [tilespmem:s20+$0x12800];
	v5 =	vshrl.u32 v1, $0x1;
	v1 =	vand.u32 $0xFFFFF87F, v1;
	v3 =	vand.u32 $0x400, v3  }
0x1a5: {  	v5 =	vand.u32 $0x380, v5;
	v1 =	vor.u32 v3, v1  }
0x1a6: {  	v1 =	vor.u32 v5, v1;
	_ =	sdelay $0x2  }
0x1a7: {  	v3 =	vmul.f32 v4, v2;
	_ =	sdelay $0x1  }
0x1a8: {  	[tilespmem:v1+s2+$0x0] =	vst.idx.add.f32.msk $0xffff, v3  }
0x1a9: {  	v1 =	vld [tilespmem:s20+$0x10880];
	_ =	sdelay $0x4  }
0x1aa: {  	v3 =	vshll.u32 v1, $0x3  }
0x1ab: {  	v34 =	vld [tilespmem:s20+$0x12880];
	v35 =	vshrl.u32 v1, $0x1;
	v1 =	vand.u32 $0xFFFFF87F, v1;
	v3 =	vand.u32 $0x400, v3  }
0x1ac: {  	v5 =	vand.u32 $0x380, v35;
	v1 =	vor.u32 v3, v1  }
0x1ad: {  	v1 =	vor.u32 v5, v1  }
0x1ae: {  	s20 =	simm.s32 $0x1  }
0x1af: {  	s20 =	simm.s32 @!p0 $0x0  }
0x1b0: {  	s20 =	sshll.u32 s20, $0x6;
	v3 =	vmul.f32 v34, v2  }
0x1b1: {  	s20 =	sadd.s32 s20, s17  }
0x1b2: {  	s22 =	sor.u32 $0x100, s20;
	[tilespmem:v1+s2+$0x0] =	vst.idx.add.f32.msk $0xffff, v3  }
0x1b3: {  	v1 =	vld [tilespmem:s22+$0x10800];
	_ =	sdelay $0x4  }
0x1b4: {  	v3 =	vshll.u32 v1, $0x3  }
0x1b5: {  	v36 =	vld [tilespmem:s22+$0x12800];
	v37 =	vshrl.u32 v1, $0x1;
	v1 =	vand.u32 $0xFFFFF87F, v1;
	v3 =	vand.u32 $0x400, v3  }
0x1b6: {  	v5 =	vand.u32 $0x380, v37;
	v1 =	vor.u32 v3, v1  }
0x1b7: {  	v1 =	vor.u32 v5, v1;
	_ =	sdelay $0x2  }
0x1b8: {  	v3 =	vmul.f32 v36, v2;
	_ =	sdelay $0x1  }
0x1b9: {  	s23 =	sor.u32 $0x180, s20;
	[tilespmem:v1+s2+$0x0] =	vst.idx.add.f32.msk $0xffff, v3  }
0x1ba: {  	v1 =	vld [tilespmem:s23+$0x10800];
	_ =	sdelay $0x4  }
0x1bb: {  	v3 =	vshll.u32 v1, $0x3  }
0x1bc: {  	v38 =	vld [tilespmem:s23+$0x12800];
	v39 =	vshrl.u32 v1, $0x1;
	v1 =	vand.u32 $0xFFFFF87F, v1;
	v3 =	vand.u32 $0x400, v3  }
0x1bd: {  	v5 =	vand.u32 $0x380, v39;
	v1 =	vor.u32 v3, v1  }
0x1be: {  	v1 =	vor.u32 v5, v1;
	_ =	sdelay $0x2  }
0x1bf: {  	v2 =	vmul.f32 v38, v2  }
0x1c0: {  	s22 =	sor.u32 $0x10, s19  }
0x1c1: {  	s23 =	sor.u32 s18, s22;
	[tilespmem:v1+s2+$0x0] =	vst.idx.add.f32.msk $0xffff, v2  }
0x1c2: {  	v1 =	vld [tilespmem:s23+$0x10800];
	_ =	sdelay $0x1  }
0x1c3: {  	s21 =	sand.u32 $0x780, s15  }
0x1c4: {  	s21 =	sor.u32 $0x10000, s21  }
0x1c5: {  	s22 =	sor.u32 s22, s21  }
0x1c6: {  	v2 =	vld [tilespmem:s22+$0x0];
	v3 =	vshll.u32 v1, $0x3  }
0x1c7: {  	v40 =	vld [tilespmem:s23+$0x12800];
	v41 =	vshrl.u32 v1, $0x1;
	v1 =	vand.u32 $0xFFFFF87F, v1;
	v3 =	vand.u32 $0x400, v3  }
0x1c8: {  	v5 =	vand.u32 $0x380, v41;
	v1 =	vor.u32 v3, v1  }
0x1c9: {  	v1 =	vor.u32 v5, v1;
	_ =	sdelay $0x2  }
0x1ca: {  	v3 =	vmul.f32 v40, v2;
	_ =	sdelay $0x1  }
0x1cb: {  	[tilespmem:v1+s2+$0x0] =	vst.idx.add.f32.msk $0xffff, v3  }
0x1cc: {  	v1 =	vld [tilespmem:s23+$0x10880];
	_ =	sdelay $0x4  }
0x1cd: {  	v3 =	vshll.u32 v1, $0x3  }
0x1ce: {  	v42 =	vld [tilespmem:s23+$0x12880];
	v43 =	vshrl.u32 v1, $0x1;
	v1 =	vand.u32 $0xFFFFF87F, v1;
	v3 =	vand.u32 $0x400, v3  }
0x1cf: {  	v5 =	vand.u32 $0x380, v43;
	v1 =	vor.u32 v3, v1  }
0x1d0: {  	v1 =	vor.u32 v5, v1;
	_ =	sdelay $0x2  }
0x1d1: {  	v3 =	vmul.f32 v42, v2  }
0x1d2: {  	s22 =	sadd.s32 $0x10, s20  }
0x1d3: {  	s23 =	sor.u32 $0x100, s22;
	[tilespmem:v1+s2+$0x0] =	vst.idx.add.f32.msk $0xffff, v3  }
0x1d4: {  	v1 =	vld [tilespmem:s23+$0x10800];
	_ =	sdelay $0x4  }
0x1d5: {  	v3 =	vshll.u32 v1, $0x3  }
0x1d6: {  	v44 =	vld [tilespmem:s23+$0x12800];
	v45 =	vshrl.u32 v1, $0x1;
	v1 =	vand.u32 $0xFFFFF87F, v1;
	v3 =	vand.u32 $0x400, v3  }
0x1d7: {  	v5 =	vand.u32 $0x380, v45;
	v1 =	vor.u32 v3, v1  }
0x1d8: {  	v1 =	vor.u32 v5, v1;
	_ =	sdelay $0x2  }
0x1d9: {  	v3 =	vmul.f32 v44, v2;
	_ =	sdelay $0x1  }
0x1da: {  	s22 =	sor.u32 $0x180, s22;
	[tilespmem:v1+s2+$0x0] =	vst.idx.add.f32.msk $0xffff, v3  }
0x1db: {  	v1 =	vld [tilespmem:s22+$0x10800];
	_ =	sdelay $0x4  }
0x1dc: {  	v3 =	vshll.u32 v1, $0x3  }
0x1dd: {  	v46 =	vld [tilespmem:s22+$0x12800];
	v47 =	vshrl.u32 v1, $0x1;
	v1 =	vand.u32 $0xFFFFF87F, v1;
	v3 =	vand.u32 $0x400, v3  }
0x1de: {  	v5 =	vand.u32 $0x380, v47;
	v1 =	vor.u32 v3, v1  }
0x1df: {  	v1 =	vor.u32 v5, v1;
	_ =	sdelay $0x2  }
0x1e0: {  	v2 =	vmul.f32 v46, v2  }
0x1e1: {  	s22 =	sor.u32 $0x20, s19  }
0x1e2: {  	s23 =	sor.u32 s18, s22;
	[tilespmem:v1+s2+$0x0] =	vst.idx.add.f32.msk $0xffff, v2  }
0x1e3: {  	v1 =	vld [tilespmem:s23+$0x10800];
	_ =	sdelay $0x3  }
0x1e4: {  	s22 =	sor.u32 s22, s21  }
0x1e5: {  	v2 =	vld [tilespmem:s22+$0x0];
	v3 =	vshll.u32 v1, $0x3  }
0x1e6: {  	v48 =	vld [tilespmem:s23+$0x12800];
	v49 =	vshrl.u32 v1, $0x1;
	v1 =	vand.u32 $0xFFFFF87F, v1;
	v3 =	vand.u32 $0x400, v3  }
0x1e7: {  	v5 =	vand.u32 $0x380, v49;
	v1 =	vor.u32 v3, v1  }
0x1e8: {  	v1 =	vor.u32 v5, v1;
	_ =	sdelay $0x2  }
0x1e9: {  	v3 =	vmul.f32 v48, v2;
	_ =	sdelay $0x1  }
0x1ea: {  	[tilespmem:v1+s2+$0x0] =	vst.idx.add.f32.msk $0xffff, v3  }
0x1eb: {  	v1 =	vld [tilespmem:s23+$0x10880];
	_ =	sdelay $0x4  }
0x1ec: {  	v3 =	vshll.u32 v1, $0x3  }
0x1ed: {  	v50 =	vld [tilespmem:s23+$0x12880];
	v51 =	vshrl.u32 v1, $0x1;
	v1 =	vand.u32 $0xFFFFF87F, v1;
	v3 =	vand.u32 $0x400, v3  }
0x1ee: {  	v5 =	vand.u32 $0x380, v51;
	v1 =	vor.u32 v3, v1  }
0x1ef: {  	v1 =	vor.u32 v5, v1;
	_ =	sdelay $0x2  }
0x1f0: {  	v3 =	vmul.f32 v50, v2  }
0x1f1: {  	s22 =	sadd.s32 $0x20, s20  }
0x1f2: {  	s23 =	sor.u32 $0x100, s22;
	[tilespmem:v1+s2+$0x0] =	vst.idx.add.f32.msk $0xffff, v3  }
0x1f3: {  	v1 =	vld [tilespmem:s23+$0x10800];
	_ =	sdelay $0x4  }
0x1f4: {  	v3 =	vshll.u32 v1, $0x3  }
0x1f5: {  	v52 =	vld [tilespmem:s23+$0x12800];
	v53 =	vshrl.u32 v1, $0x1;
	v1 =	vand.u32 $0xFFFFF87F, v1;
	v3 =	vand.u32 $0x400, v3  }
0x1f6: {  	v5 =	vand.u32 $0x380, v53;
	v1 =	vor.u32 v3, v1  }
0x1f7: {  	v1 =	vor.u32 v5, v1;
	_ =	sdelay $0x2  }
0x1f8: {  	v3 =	vmul.f32 v52, v2;
	_ =	sdelay $0x1  }
0x1f9: {  	s22 =	sor.u32 $0x180, s22;
	[tilespmem:v1+s2+$0x0] =	vst.idx.add.f32.msk $0xffff, v3  }
0x1fa: {  	v1 =	vld [tilespmem:s22+$0x10800];
	_ =	sdelay $0x4  }
0x1fb: {  	v3 =	vshll.u32 v1, $0x3  }
0x1fc: {  	v54 =	vld [tilespmem:s22+$0x12800];
	v55 =	vshrl.u32 v1, $0x1;
	v1 =	vand.u32 $0xFFFFF87F, v1;
	v3 =	vand.u32 $0x400, v3  }
0x1fd: {  	v5 =	vand.u32 $0x380, v55;
	v1 =	vor.u32 v3, v1  }
0x1fe: {  	v1 =	vor.u32 v5, v1;
	_ =	sdelay $0x2  }
0x1ff: {  	v2 =	vmul.f32 v54, v2  }
0x200: {  	s19 =	sor.u32 $0x30, s19  }
0x201: {  	s18 =	sor.u32 s18, s19;
	[tilespmem:v1+s2+$0x0] =	vst.idx.add.f32.msk $0xffff, v2  }
0x202: {  	v1 =	vld [tilespmem:s18+$0x10800];
	_ =	sdelay $0x3  }
0x203: {  	s19 =	sor.u32 s19, s21  }
0x204: {  	v2 =	vld [tilespmem:s19+$0x0];
	v3 =	vshll.u32 v1, $0x3  }
0x205: {  	v56 =	vld [tilespmem:s18+$0x12800];
	v57 =	vshrl.u32 v1, $0x1;
	v1 =	vand.u32 $0xFFFFF87F, v1;
	v3 =	vand.u32 $0x400, v3  }
0x206: {  	v5 =	vand.u32 $0x380, v57;
	v1 =	vor.u32 v3, v1  }
0x207: {  	v1 =	vor.u32 v5, v1;
	_ =	sdelay $0x2  }
0x208: {  	v3 =	vmul.f32 v56, v2;
	_ =	sdelay $0x1  }
0x209: {  	[tilespmem:v1+s2+$0x0] =	vst.idx.add.f32.msk $0xffff, v3  }
0x20a: {  	v1 =	vld [tilespmem:s18+$0x10880];
	_ =	sdelay $0x4  }
0x20b: {  	v3 =	vshll.u32 v1, $0x3  }
0x20c: {  	v58 =	vld [tilespmem:s18+$0x12880];
	v59 =	vshrl.u32 v1, $0x1;
	v1 =	vand.u32 $0xFFFFF87F, v1;
	v3 =	vand.u32 $0x400, v3  }
0x20d: {  	v5 =	vand.u32 $0x380, v59;
	v1 =	vor.u32 v3, v1  }
0x20e: {  	v1 =	vor.u32 v5, v1;
	_ =	sdelay $0x2  }
0x20f: {  	v3 =	vmul.f32 v58, v2  }
0x210: {  	s22 =	sadd.s32 $0x30, s20  }
0x211: {  	s23 =	sor.u32 $0x100, s22;
	[tilespmem:v1+s2+$0x0] =	vst.idx.add.f32.msk $0xffff, v3  }
0x212: {  	v1 =	vld [tilespmem:s23+$0x10800];
	_ =	sdelay $0x4  }
0x213: {  	v3 =	vshll.u32 v1, $0x3  }
0x214: {  	v60 =	vld [tilespmem:s23+$0x12800];
	v61 =	vshrl.u32 v1, $0x1;
	v1 =	vand.u32 $0xFFFFF87F, v1;
	v3 =	vand.u32 $0x400, v3  }
0x215: {  	v5 =	vand.u32 $0x380, v61;
	v1 =	vor.u32 v3, v1  }
0x216: {  	v1 =	vor.u32 v5, v1;
	_ =	sdelay $0x2  }
0x217: {  	v3 =	vmul.f32 v60, v2;
	_ =	sdelay $0x1  }
0x218: {  	s18 =	sor.u32 $0x180, s22;
	[tilespmem:v1+s2+$0x0] =	vst.idx.add.f32.msk $0xffff, v3  }
0x219: {  	v1 =	vld [tilespmem:s18+$0x10800];
	_ =	sdelay $0x4  }
0x21a: {  	v3 =	vshll.u32 v1, $0x3  }
0x21b: {  	v62 =	vld [tilespmem:s18+$0x12800];
	v63 =	vshrl.u32 v1, $0x1;
	v1 =	vand.u32 $0xFFFFF87F, v1;
	v3 =	vand.u32 $0x400, v3  }
0x21c: {  	s16 =	sadd.s32 $0x4, s16;
	v5 =	vand.u32 $0x380, v63;
	v1 =	vor.u32 v3, v1  }
0x21d: {  	p1 =	slt.u32 s16, $0x7C;
	v1 =	vor.u32 v5, v1  }
.Ltmp3:
0x21e: {  	_ = 	snop;
	(pc) =	sbr.rel @p1 .LBB2_9-.Ltmp3, $3  }
0x21f: {  	_ = 	snop  }
0x220: {  	v2 =	vmul.f32 v62, v2;
	_ =	sdelay $0x1  }
0x221: {  	s15 =	sadd.s32 $0x40, s15;
	p0 =	por !p0, !p0;
	s17 =	sadd.s32 $0x100, s17;
	[tilespmem:v1+s2+$0x0] =	vst.idx.add.f32.msk $0xffff, v2  }
0x222: {  	s15 =	sadd.s32 s14, s25  }
0x223: {  	[tilespmem:s1], [sflag:$0x1] =	stream.strided.gather [hbm4b:s15+s3], $0x800, s0, s3, $0x38;
	[tilespmem:$0x19000] =	vst v63  }
0x224: {  	s16 =	rddreg [dreg:$0xd];
	s15 =	simm.s32 $0x0  }
0x225: {  	[tilespmem:s4], [sflag:$0x1] =	stream.linear.gather [hbm4b:s16+s15], $0x2000, $0x38;
	[tilespmem:$0x19000] =	vst v63  }
0x226: {  	s23 =	rddreg [dreg:$0xe]  }
0x227: {  	[tilespmem:s5], [sflag:$0x1] =	stream.linear.gather [hbm4b:s23+s15], $0x2000, $0x38;
	[tilespmem:$0x19000] =	vst v63  }
0x228: {  	_ =	swait.ge [sflag:s10], $0x800  }
0x229: {  	[sflag:s10] =	ssyncset.done $0x0  }
0x22a: {  	[sflag:s10] =	ssyncadd.s32 $0xFFFFF800  }
0x22b: {  	_ =	swait.ge [sflag:s10], $0x2000  }
0x22c: {  	[sflag:s10] =	ssyncset.done $0x0  }
0x22d: {  	[sflag:s10] =	ssyncadd.s32 $0xFFFFE000  }
0x22e: {  	_ =	swait.ge [sflag:s10], $0x2000  }
0x22f: {  	p0 =	por $0x0, $0x0;
	[sflag:s10] =	ssyncset.done $0x0  }
0x230: {  	s17 =	simm.s32 $0x0;
	s16 =	simm.s32 $0xFFFFFFFC;
	[sflag:s10] =	ssyncadd.s32 $0xFFFFE000  }
.LBB2_11:
0x231: {  	s19 =	sand.u32 $0x40, s15;
	s18 =	sand.u32 $0x1E00, s17  }
0x232: {  	s20 =	sor.u32 s19, s18  }
0x233: {  	v1 =	vld [tilespmem:s20+$0x15000];
	_ =	sdelay $0x3  }
0x234: {  	s21 =	sshra.s32 s17, $0x2  }
0x235: {  	v2 =	vld [tilespmem:s21+$0x14800];
	v3 =	vshll.u32 v1, $0x3  }
0x236: {  	v4 =	vld [tilespmem:s20+$0x17000];
	v5 =	vshrl.u32 v1, $0x1;
	v1 =	vand.u32 $0xFFFFF87F, v1;
	v3 =	vand.u32 $0x400, v3  }
0x237: {  	v5 =	vand.u32 $0x380, v5;
	v1 =	vor.u32 v3, v1  }
0x238: {  	v1 =	vor.u32 v5, v1;
	_ =	sdelay $0x2  }
0x239: {  	v3 =	vmul.f32 v4, v2;
	_ =	sdelay $0x1  }
0x23a: {  	[tilespmem:v1+s2+$0x0] =	vst.idx.add.f32.msk $0xffff, v3  }
0x23b: {  	v1 =	vld [tilespmem:s20+$0x15080];
	_ =	sdelay $0x4  }
0x23c: {  	v3 =	vshll.u32 v1, $0x3  }
0x23d: {  	v34 =	vld [tilespmem:s20+$0x17080];
	v35 =	vshrl.u32 v1, $0x1;
	v1 =	vand.u32 $0xFFFFF87F, v1;
	v3 =	vand.u32 $0x400, v3  }
0x23e: {  	v5 =	vand.u32 $0x380, v35;
	v1 =	vor.u32 v3, v1  }
0x23f: {  	v1 =	vor.u32 v5, v1  }
0x240: {  	s20 =	simm.s32 $0x1  }
0x241: {  	s20 =	simm.s32 @!p0 $0x0  }
0x242: {  	s20 =	sshll.u32 s20, $0x6;
	v3 =	vmul.f32 v34, v2  }
0x243: {  	s20 =	sadd.s32 s20, s17  }
0x244: {  	s22 =	sor.u32 $0x100, s20;
	[tilespmem:v1+s2+$0x0] =	vst.idx.add.f32.msk $0xffff, v3  }
0x245: {  	v1 =	vld [tilespmem:s22+$0x15000];
	_ =	sdelay $0x4  }
0x246: {  	v3 =	vshll.u32 v1, $0x3  }
0x247: {  	v36 =	vld [tilespmem:s22+$0x17000];
	v37 =	vshrl.u32 v1, $0x1;
	v1 =	vand.u32 $0xFFFFF87F, v1;
	v3 =	vand.u32 $0x400, v3  }
0x248: {  	v5 =	vand.u32 $0x380, v37;
	v1 =	vor.u32 v3, v1  }
0x249: {  	v1 =	vor.u32 v5, v1;
	_ =	sdelay $0x2  }
0x24a: {  	v3 =	vmul.f32 v36, v2;
	_ =	sdelay $0x1  }
0x24b: {  	s23 =	sor.u32 $0x180, s20;
	[tilespmem:v1+s2+$0x0] =	vst.idx.add.f32.msk $0xffff, v3  }
0x24c: {  	v1 =	vld [tilespmem:s23+$0x15000];
	_ =	sdelay $0x4  }
0x24d: {  	v3 =	vshll.u32 v1, $0x3  }
0x24e: {  	v38 =	vld [tilespmem:s23+$0x17000];
	v39 =	vshrl.u32 v1, $0x1;
	v1 =	vand.u32 $0xFFFFF87F, v1;
	v3 =	vand.u32 $0x400, v3  }
0x24f: {  	v5 =	vand.u32 $0x380, v39;
	v1 =	vor.u32 v3, v1  }
0x250: {  	v1 =	vor.u32 v5, v1;
	_ =	sdelay $0x2  }
0x251: {  	v2 =	vmul.f32 v38, v2  }
0x252: {  	s22 =	sor.u32 $0x10, s19  }
0x253: {  	s23 =	sor.u32 s18, s22;
	[tilespmem:v1+s2+$0x0] =	vst.idx.add.f32.msk $0xffff, v2  }
0x254: {  	v1 =	vld [tilespmem:s23+$0x15000];
	_ =	sdelay $0x1  }
0x255: {  	s21 =	sand.u32 $0x780, s15  }
0x256: {  	s21 =	sor.u32 $0x14800, s21  }
0x257: {  	s22 =	sor.u32 s22, s21  }
0x258: {  	v2 =	vld [tilespmem:s22+$0x0];
	v3 =	vshll.u32 v1, $0x3  }
0x259: {  	v40 =	vld [tilespmem:s23+$0x17000];
	v41 =	vshrl.u32 v1, $0x1;
	v1 =	vand.u32 $0xFFFFF87F, v1;
	v3 =	vand.u32 $0x400, v3  }
0x25a: {  	v5 =	vand.u32 $0x380, v41;
	v1 =	vor.u32 v3, v1  }
0x25b: {  	v1 =	vor.u32 v5, v1;
	_ =	sdelay $0x2  }
0x25c: {  	v3 =	vmul.f32 v40, v2;
	_ =	sdelay $0x1  }
0x25d: {  	[tilespmem:v1+s2+$0x0] =	vst.idx.add.f32.msk $0xffff, v3  }
0x25e: {  	v1 =	vld [tilespmem:s23+$0x15080];
	_ =	sdelay $0x4  }
0x25f: {  	v3 =	vshll.u32 v1, $0x3  }
0x260: {  	v42 =	vld [tilespmem:s23+$0x17080];
	v43 =	vshrl.u32 v1, $0x1;
	v1 =	vand.u32 $0xFFFFF87F, v1;
	v3 =	vand.u32 $0x400, v3  }
0x261: {  	v5 =	vand.u32 $0x380, v43;
	v1 =	vor.u32 v3, v1  }
0x262: {  	v1 =	vor.u32 v5, v1;
	_ =	sdelay $0x2  }
0x263: {  	v3 =	vmul.f32 v42, v2  }
0x264: {  	s22 =	sadd.s32 $0x10, s20  }
0x265: {  	s23 =	sor.u32 $0x100, s22;
	[tilespmem:v1+s2+$0x0] =	vst.idx.add.f32.msk $0xffff, v3  }
0x266: {  	v1 =	vld [tilespmem:s23+$0x15000];
	_ =	sdelay $0x4  }
0x267: {  	v3 =	vshll.u32 v1, $0x3  }
0x268: {  	v44 =	vld [tilespmem:s23+$0x17000];
	v45 =	vshrl.u32 v1, $0x1;
	v1 =	vand.u32 $0xFFFFF87F, v1;
	v3 =	vand.u32 $0x400, v3  }
0x269: {  	v5 =	vand.u32 $0x380, v45;
	v1 =	vor.u32 v3, v1  }
0x26a: {  	v1 =	vor.u32 v5, v1;
	_ =	sdelay $0x2  }
0x26b: {  	v3 =	vmul.f32 v44, v2;
	_ =	sdelay $0x1  }
0x26c: {  	s22 =	sor.u32 $0x180, s22;
	[tilespmem:v1+s2+$0x0] =	vst.idx.add.f32.msk $0xffff, v3  }
0x26d: {  	v1 =	vld [tilespmem:s22+$0x15000];
	_ =	sdelay $0x4  }
0x26e: {  	v3 =	vshll.u32 v1, $0x3  }
0x26f: {  	v46 =	vld [tilespmem:s22+$0x17000];
	v47 =	vshrl.u32 v1, $0x1;
	v1 =	vand.u32 $0xFFFFF87F, v1;
	v3 =	vand.u32 $0x400, v3  }
0x270: {  	v5 =	vand.u32 $0x380, v47;
	v1 =	vor.u32 v3, v1  }
0x271: {  	v1 =	vor.u32 v5, v1;
	_ =	sdelay $0x2  }
0x272: {  	v2 =	vmul.f32 v46, v2  }
0x273: {  	s22 =	sor.u32 $0x20, s19  }
0x274: {  	s23 =	sor.u32 s18, s22;
	[tilespmem:v1+s2+$0x0] =	vst.idx.add.f32.msk $0xffff, v2  }
0x275: {  	v1 =	vld [tilespmem:s23+$0x15000];
	_ =	sdelay $0x3  }
0x276: {  	s22 =	sor.u32 s22, s21  }
0x277: {  	v2 =	vld [tilespmem:s22+$0x0];
	v3 =	vshll.u32 v1, $0x3  }
0x278: {  	v48 =	vld [tilespmem:s23+$0x17000];
	v49 =	vshrl.u32 v1, $0x1;
	v1 =	vand.u32 $0xFFFFF87F, v1;
	v3 =	vand.u32 $0x400, v3  }
0x279: {  	v5 =	vand.u32 $0x380, v49;
	v1 =	vor.u32 v3, v1  }
0x27a: {  	v1 =	vor.u32 v5, v1;
	_ =	sdelay $0x2  }
0x27b: {  	v3 =	vmul.f32 v48, v2;
	_ =	sdelay $0x1  }
0x27c: {  	[tilespmem:v1+s2+$0x0] =	vst.idx.add.f32.msk $0xffff, v3  }
0x27d: {  	v1 =	vld [tilespmem:s23+$0x15080];
	_ =	sdelay $0x4  }
0x27e: {  	v3 =	vshll.u32 v1, $0x3  }
0x27f: {  	v50 =	vld [tilespmem:s23+$0x17080];
	v51 =	vshrl.u32 v1, $0x1;
	v1 =	vand.u32 $0xFFFFF87F, v1;
	v3 =	vand.u32 $0x400, v3  }
0x280: {  	v5 =	vand.u32 $0x380, v51;
	v1 =	vor.u32 v3, v1  }
0x281: {  	v1 =	vor.u32 v5, v1;
	_ =	sdelay $0x2  }
0x282: {  	v3 =	vmul.f32 v50, v2  }
0x283: {  	s22 =	sadd.s32 $0x20, s20  }
0x284: {  	s23 =	sor.u32 $0x100, s22;
	[tilespmem:v1+s2+$0x0] =	vst.idx.add.f32.msk $0xffff, v3  }
0x285: {  	v1 =	vld [tilespmem:s23+$0x15000];
	_ =	sdelay $0x4  }
0x286: {  	v3 =	vshll.u32 v1, $0x3  }
0x287: {  	v52 =	vld [tilespmem:s23+$0x17000];
	v53 =	vshrl.u32 v1, $0x1;
	v1 =	vand.u32 $0xFFFFF87F, v1;
	v3 =	vand.u32 $0x400, v3  }
0x288: {  	v5 =	vand.u32 $0x380, v53;
	v1 =	vor.u32 v3, v1  }
0x289: {  	v1 =	vor.u32 v5, v1;
	_ =	sdelay $0x2  }
0x28a: {  	v3 =	vmul.f32 v52, v2;
	_ =	sdelay $0x1  }
0x28b: {  	s22 =	sor.u32 $0x180, s22;
	[tilespmem:v1+s2+$0x0] =	vst.idx.add.f32.msk $0xffff, v3  }
0x28c: {  	v1 =	vld [tilespmem:s22+$0x15000];
	_ =	sdelay $0x4  }
0x28d: {  	v3 =	vshll.u32 v1, $0x3  }
0x28e: {  	v54 =	vld [tilespmem:s22+$0x17000];
	v55 =	vshrl.u32 v1, $0x1;
	v1 =	vand.u32 $0xFFFFF87F, v1;
	v3 =	vand.u32 $0x400, v3  }
0x28f: {  	v5 =	vand.u32 $0x380, v55;
	v1 =	vor.u32 v3, v1  }
0x290: {  	v1 =	vor.u32 v5, v1;
	_ =	sdelay $0x2  }
0x291: {  	v2 =	vmul.f32 v54, v2  }
0x292: {  	s19 =	sor.u32 $0x30, s19  }
0x293: {  	s18 =	sor.u32 s18, s19;
	[tilespmem:v1+s2+$0x0] =	vst.idx.add.f32.msk $0xffff, v2  }
0x294: {  	v1 =	vld [tilespmem:s18+$0x15000];
	_ =	sdelay $0x3  }
0x295: {  	s19 =	sor.u32 s19, s21  }
0x296: {  	v2 =	vld [tilespmem:s19+$0x0];
	v3 =	vshll.u32 v1, $0x3  }
0x297: {  	v56 =	vld [tilespmem:s18+$0x17000];
	v57 =	vshrl.u32 v1, $0x1;
	v1 =	vand.u32 $0xFFFFF87F, v1;
	v3 =	vand.u32 $0x400, v3  }
0x298: {  	v5 =	vand.u32 $0x380, v57;
	v1 =	vor.u32 v3, v1  }
0x299: {  	v1 =	vor.u32 v5, v1;
	_ =	sdelay $0x2  }
0x29a: {  	v3 =	vmul.f32 v56, v2;
	_ =	sdelay $0x1  }
0x29b: {  	[tilespmem:v1+s2+$0x0] =	vst.idx.add.f32.msk $0xffff, v3  }
0x29c: {  	v1 =	vld [tilespmem:s18+$0x15080];
	_ =	sdelay $0x4  }
0x29d: {  	v3 =	vshll.u32 v1, $0x3  }
0x29e: {  	v58 =	vld [tilespmem:s18+$0x17080];
	v59 =	vshrl.u32 v1, $0x1;
	v1 =	vand.u32 $0xFFFFF87F, v1;
	v3 =	vand.u32 $0x400, v3  }
0x29f: {  	v5 =	vand.u32 $0x380, v59;
	v1 =	vor.u32 v3, v1  }
0x2a0: {  	v1 =	vor.u32 v5, v1;
	_ =	sdelay $0x2  }
0x2a1: {  	v3 =	vmul.f32 v58, v2  }
0x2a2: {  	s22 =	sadd.s32 $0x30, s20  }
0x2a3: {  	s23 =	sor.u32 $0x100, s22;
	[tilespmem:v1+s2+$0x0] =	vst.idx.add.f32.msk $0xffff, v3  }
0x2a4: {  	v1 =	vld [tilespmem:s23+$0x15000];
	_ =	sdelay $0x4  }
0x2a5: {  	v3 =	vshll.u32 v1, $0x3  }
0x2a6: {  	v60 =	vld [tilespmem:s23+$0x17000];
	v61 =	vshrl.u32 v1, $0x1;
	v1 =	vand.u32 $0xFFFFF87F, v1;
	v3 =	vand.u32 $0x400, v3  }
0x2a7: {  	v5 =	vand.u32 $0x380, v61;
	v1 =	vor.u32 v3, v1  }
0x2a8: {  	v1 =	vor.u32 v5, v1;
	_ =	sdelay $0x2  }
0x2a9: {  	v3 =	vmul.f32 v60, v2;
	_ =	sdelay $0x1  }
0x2aa: {  	s18 =	sor.u32 $0x180, s22;
	[tilespmem:v1+s2+$0x0] =	vst.idx.add.f32.msk $0xffff, v3  }
0x2ab: {  	v1 =	vld [tilespmem:s18+$0x15000];
	_ =	sdelay $0x4  }
0x2ac: {  	v3 =	vshll.u32 v1, $0x3  }
0x2ad: {  	v62 =	vld [tilespmem:s18+$0x17000];
	v63 =	vshrl.u32 v1, $0x1;
	v1 =	vand.u32 $0xFFFFF87F, v1;
	v3 =	vand.u32 $0x400, v3  }
0x2ae: {  	s16 =	sadd.s32 $0x4, s16;
	v5 =	vand.u32 $0x380, v63;
	v1 =	vor.u32 v3, v1  }
0x2af: {  	p1 =	slt.u32 s16, $0x7C;
	v1 =	vor.u32 v5, v1  }
.Ltmp4:
0x2b0: {  	_ = 	snop;
	(pc) =	sbr.rel @p1 .LBB2_11-.Ltmp4, $3  }
0x2b1: {  	_ = 	snop  }
0x2b2: {  	v2 =	vmul.f32 v62, v2;
	_ =	sdelay $0x1  }
0x2b3: {  	s15 =	sadd.s32 $0x40, s15;
	p0 =	por !p0, !p0;
	s17 =	sadd.s32 $0x100, s17;
	[tilespmem:v1+s2+$0x0] =	vst.idx.add.f32.msk $0xffff, v2  }
0x2b4: {  	s15 =	sadd.s32 s14, s26  }
0x2b5: {  	[tilespmem:s6], [sflag:$0x2] =	stream.strided.gather [hbm4b:s15+s3], $0x800, s0, s3, $0x38;
	[tilespmem:$0x19000] =	vst v63  }
0x2b6: {  	s16 =	rddreg [dreg:$0xf];
	s15 =	simm.s32 $0x0  }
0x2b7: {  	[tilespmem:s7], [sflag:$0x2] =	stream.linear.gather [hbm4b:s16+s15], $0x2000, $0x38;
	[tilespmem:$0x19000] =	vst v63  }
0x2b8: {  	s23 =	rddreg [dreg:$0x10]  }
0x2b9: {  	[tilespmem:s8], [sflag:$0x2] =	stream.linear.gather [hbm4b:s23+s15], $0x2000, $0x38;
	[tilespmem:$0x19000] =	vst v63  }
0x2ba: {  	_ =	swait.ge [sflag:s9], $0x800  }
0x2bb: {  	[sflag:s9] =	ssyncset.done $0x0  }
0x2bc: {  	[sflag:s9] =	ssyncadd.s32 $0xFFFFF800  }
0x2bd: {  	_ =	swait.ge [sflag:s9], $0x2000  }
0x2be: {  	[sflag:s9] =	ssyncset.done $0x0  }
0x2bf: {  	[sflag:s9] =	ssyncadd.s32 $0xFFFFE000  }
0x2c0: {  	_ =	swait.ge [sflag:s9], $0x2000  }
0x2c1: {  	p0 =	por $0x0, $0x0;
	[sflag:s9] =	ssyncset.done $0x0  }
0x2c2: {  	s17 =	simm.s32 $0x0;
	s16 =	simm.s32 $0xFFFFFFFC;
	[sflag:s9] =	ssyncadd.s32 $0xFFFFE000  }
.LBB2_13:
0x2c3: {  	s19 =	sand.u32 $0x40, s15;
	s18 =	sand.u32 $0x1E00, s17  }
0x2c4: {  	s20 =	sor.u32 s19, s18  }
0x2c5: {  	v1 =	vld [tilespmem:s20+$0x10800];
	_ =	sdelay $0x3  }
0x2c6: {  	s21 =	sshra.s32 s17, $0x2  }
0x2c7: {  	v2 =	vld [tilespmem:s21+$0x10000];
	v3 =	vshll.u32 v1, $0x3  }
0x2c8: {  	v4 =	vld [tilespmem:s20+$0x12800];
	v5 =	vshrl.u32 v1, $0x1;
	v1 =	vand.u32 $0xFFFFF87F, v1;
	v3 =	vand.u32 $0x400, v3  }
0x2c9: {  	v5 =	vand.u32 $0x380, v5;
	v1 =	vor.u32 v3, v1  }
0x2ca: {  	v1 =	vor.u32 v5, v1;
	_ =	sdelay $0x2  }
0x2cb: {  	v3 =	vmul.f32 v4, v2;
	_ =	sdelay $0x1  }
0x2cc: {  	[tilespmem:v1+s2+$0x0] =	vst.idx.add.f32.msk $0xffff, v3  }
0x2cd: {  	v1 =	vld [tilespmem:s20+$0x10880];
	_ =	sdelay $0x4  }
0x2ce: {  	v3 =	vshll.u32 v1, $0x3  }
0x2cf: {  	v34 =	vld [tilespmem:s20+$0x12880];
	v35 =	vshrl.u32 v1, $0x1;
	v1 =	vand.u32 $0xFFFFF87F, v1;
	v3 =	vand.u32 $0x400, v3  }
0x2d0: {  	v5 =	vand.u32 $0x380, v35;
	v1 =	vor.u32 v3, v1  }
0x2d1: {  	v1 =	vor.u32 v5, v1  }
0x2d2: {  	s20 =	simm.s32 $0x1  }
0x2d3: {  	s20 =	simm.s32 @!p0 $0x0  }
0x2d4: {  	s20 =	sshll.u32 s20, $0x6;
	v3 =	vmul.f32 v34, v2  }
0x2d5: {  	s20 =	sadd.s32 s20, s17  }
0x2d6: {  	s22 =	sor.u32 $0x100, s20;
	[tilespmem:v1+s2+$0x0] =	vst.idx.add.f32.msk $0xffff, v3  }
0x2d7: {  	v1 =	vld [tilespmem:s22+$0x10800];
	_ =	sdelay $0x4  }
0x2d8: {  	v3 =	vshll.u32 v1, $0x3  }
0x2d9: {  	v36 =	vld [tilespmem:s22+$0x12800];
	v37 =	vshrl.u32 v1, $0x1;
	v1 =	vand.u32 $0xFFFFF87F, v1;
	v3 =	vand.u32 $0x400, v3  }
0x2da: {  	v5 =	vand.u32 $0x380, v37;
	v1 =	vor.u32 v3, v1  }
0x2db: {  	v1 =	vor.u32 v5, v1;
	_ =	sdelay $0x2  }
0x2dc: {  	v3 =	vmul.f32 v36, v2;
	_ =	sdelay $0x1  }
0x2dd: {  	s23 =	sor.u32 $0x180, s20;
	[tilespmem:v1+s2+$0x0] =	vst.idx.add.f32.msk $0xffff, v3  }
0x2de: {  	v1 =	vld [tilespmem:s23+$0x10800];
	_ =	sdelay $0x4  }
0x2df: {  	v3 =	vshll.u32 v1, $0x3  }
0x2e0: {  	v38 =	vld [tilespmem:s23+$0x12800];
	v39 =	vshrl.u32 v1, $0x1;
	v1 =	vand.u32 $0xFFFFF87F, v1;
	v3 =	vand.u32 $0x400, v3  }
0x2e1: {  	v5 =	vand.u32 $0x380, v39;
	v1 =	vor.u32 v3, v1  }
0x2e2: {  	v1 =	vor.u32 v5, v1;
	_ =	sdelay $0x2  }
0x2e3: {  	v2 =	vmul.f32 v38, v2  }
0x2e4: {  	s22 =	sor.u32 $0x10, s19  }
0x2e5: {  	s23 =	sor.u32 s18, s22;
	[tilespmem:v1+s2+$0x0] =	vst.idx.add.f32.msk $0xffff, v2  }
0x2e6: {  	v1 =	vld [tilespmem:s23+$0x10800];
	_ =	sdelay $0x1  }
0x2e7: {  	s21 =	sand.u32 $0x780, s15  }
0x2e8: {  	s21 =	sor.u32 $0x10000, s21  }
0x2e9: {  	s22 =	sor.u32 s22, s21  }
0x2ea: {  	v2 =	vld [tilespmem:s22+$0x0];
	v3 =	vshll.u32 v1, $0x3  }
0x2eb: {  	v40 =	vld [tilespmem:s23+$0x12800];
	v41 =	vshrl.u32 v1, $0x1;
	v1 =	vand.u32 $0xFFFFF87F, v1;
	v3 =	vand.u32 $0x400, v3  }
0x2ec: {  	v5 =	vand.u32 $0x380, v41;
	v1 =	vor.u32 v3, v1  }
0x2ed: {  	v1 =	vor.u32 v5, v1;
	_ =	sdelay $0x2  }
0x2ee: {  	v3 =	vmul.f32 v40, v2;
	_ =	sdelay $0x1  }
0x2ef: {  	[tilespmem:v1+s2+$0x0] =	vst.idx.add.f32.msk $0xffff, v3  }
0x2f0: {  	v1 =	vld [tilespmem:s23+$0x10880];
	_ =	sdelay $0x4  }
0x2f1: {  	v3 =	vshll.u32 v1, $0x3  }
0x2f2: {  	v42 =	vld [tilespmem:s23+$0x12880];
	v43 =	vshrl.u32 v1, $0x1;
	v1 =	vand.u32 $0xFFFFF87F, v1;
	v3 =	vand.u32 $0x400, v3  }
0x2f3: {  	v5 =	vand.u32 $0x380, v43;
	v1 =	vor.u32 v3, v1  }
0x2f4: {  	v1 =	vor.u32 v5, v1;
	_ =	sdelay $0x2  }
0x2f5: {  	v3 =	vmul.f32 v42, v2  }
0x2f6: {  	s22 =	sadd.s32 $0x10, s20  }
0x2f7: {  	s23 =	sor.u32 $0x100, s22;
	[tilespmem:v1+s2+$0x0] =	vst.idx.add.f32.msk $0xffff, v3  }
0x2f8: {  	v1 =	vld [tilespmem:s23+$0x10800];
	_ =	sdelay $0x4  }
0x2f9: {  	v3 =	vshll.u32 v1, $0x3  }
0x2fa: {  	v44 =	vld [tilespmem:s23+$0x12800];
	v45 =	vshrl.u32 v1, $0x1;
	v1 =	vand.u32 $0xFFFFF87F, v1;
	v3 =	vand.u32 $0x400, v3  }
0x2fb: {  	v5 =	vand.u32 $0x380, v45;
	v1 =	vor.u32 v3, v1  }
0x2fc: {  	v1 =	vor.u32 v5, v1;
	_ =	sdelay $0x2  }
0x2fd: {  	v3 =	vmul.f32 v44, v2;
	_ =	sdelay $0x1  }
0x2fe: {  	s22 =	sor.u32 $0x180, s22;
	[tilespmem:v1+s2+$0x0] =	vst.idx.add.f32.msk $0xffff, v3  }
0x2ff: {  	v1 =	vld [tilespmem:s22+$0x10800];
	_ =	sdelay $0x4  }
0x300: {  	v3 =	vshll.u32 v1, $0x3  }
0x301: {  	v46 =	vld [tilespmem:s22+$0x12800];
	v47 =	vshrl.u32 v1, $0x1;
	v1 =	vand.u32 $0xFFFFF87F, v1;
	v3 =	vand.u32 $0x400, v3  }
0x302: {  	v5 =	vand.u32 $0x380, v47;
	v1 =	vor.u32 v3, v1  }
0x303: {  	v1 =	vor.u32 v5, v1;
	_ =	sdelay $0x2  }
0x304: {  	v2 =	vmul.f32 v46, v2  }
0x305: {  	s22 =	sor.u32 $0x20, s19  }
0x306: {  	s23 =	sor.u32 s18, s22;
	[tilespmem:v1+s2+$0x0] =	vst.idx.add.f32.msk $0xffff, v2  }
0x307: {  	v1 =	vld [tilespmem:s23+$0x10800];
	_ =	sdelay $0x3  }
0x308: {  	s22 =	sor.u32 s22, s21  }
0x309: {  	v2 =	vld [tilespmem:s22+$0x0];
	v3 =	vshll.u32 v1, $0x3  }
0x30a: {  	v48 =	vld [tilespmem:s23+$0x12800];
	v49 =	vshrl.u32 v1, $0x1;
	v1 =	vand.u32 $0xFFFFF87F, v1;
	v3 =	vand.u32 $0x400, v3  }
0x30b: {  	v5 =	vand.u32 $0x380, v49;
	v1 =	vor.u32 v3, v1  }
0x30c: {  	v1 =	vor.u32 v5, v1;
	_ =	sdelay $0x2  }
0x30d: {  	v3 =	vmul.f32 v48, v2;
	_ =	sdelay $0x1  }
0x30e: {  	[tilespmem:v1+s2+$0x0] =	vst.idx.add.f32.msk $0xffff, v3  }
0x30f: {  	v1 =	vld [tilespmem:s23+$0x10880];
	_ =	sdelay $0x4  }
0x310: {  	v3 =	vshll.u32 v1, $0x3  }
0x311: {  	v50 =	vld [tilespmem:s23+$0x12880];
	v51 =	vshrl.u32 v1, $0x1;
	v1 =	vand.u32 $0xFFFFF87F, v1;
	v3 =	vand.u32 $0x400, v3  }
0x312: {  	v5 =	vand.u32 $0x380, v51;
	v1 =	vor.u32 v3, v1  }
0x313: {  	v1 =	vor.u32 v5, v1;
	_ =	sdelay $0x2  }
0x314: {  	v3 =	vmul.f32 v50, v2  }
0x315: {  	s22 =	sadd.s32 $0x20, s20  }
0x316: {  	s23 =	sor.u32 $0x100, s22;
	[tilespmem:v1+s2+$0x0] =	vst.idx.add.f32.msk $0xffff, v3  }
0x317: {  	v1 =	vld [tilespmem:s23+$0x10800];
	_ =	sdelay $0x4  }
0x318: {  	v3 =	vshll.u32 v1, $0x3  }
0x319: {  	v52 =	vld [tilespmem:s23+$0x12800];
	v53 =	vshrl.u32 v1, $0x1;
	v1 =	vand.u32 $0xFFFFF87F, v1;
	v3 =	vand.u32 $0x400, v3  }
0x31a: {  	v5 =	vand.u32 $0x380, v53;
	v1 =	vor.u32 v3, v1  }
0x31b: {  	v1 =	vor.u32 v5, v1;
	_ =	sdelay $0x2  }
0x31c: {  	v3 =	vmul.f32 v52, v2;
	_ =	sdelay $0x1  }
0x31d: {  	s22 =	sor.u32 $0x180, s22;
	[tilespmem:v1+s2+$0x0] =	vst.idx.add.f32.msk $0xffff, v3  }
0x31e: {  	v1 =	vld [tilespmem:s22+$0x10800];
	_ =	sdelay $0x4  }
0x31f: {  	v3 =	vshll.u32 v1, $0x3  }
0x320: {  	v54 =	vld [tilespmem:s22+$0x12800];
	v55 =	vshrl.u32 v1, $0x1;
	v1 =	vand.u32 $0xFFFFF87F, v1;
	v3 =	vand.u32 $0x400, v3  }
0x321: {  	v5 =	vand.u32 $0x380, v55;
	v1 =	vor.u32 v3, v1  }
0x322: {  	v1 =	vor.u32 v5, v1;
	_ =	sdelay $0x2  }
0x323: {  	v2 =	vmul.f32 v54, v2  }
0x324: {  	s19 =	sor.u32 $0x30, s19  }
0x325: {  	s18 =	sor.u32 s18, s19;
	[tilespmem:v1+s2+$0x0] =	vst.idx.add.f32.msk $0xffff, v2  }
0x326: {  	v1 =	vld [tilespmem:s18+$0x10800];
	_ =	sdelay $0x3  }
0x327: {  	s19 =	sor.u32 s19, s21  }
0x328: {  	v2 =	vld [tilespmem:s19+$0x0];
	v3 =	vshll.u32 v1, $0x3  }
0x329: {  	v56 =	vld [tilespmem:s18+$0x12800];
	v57 =	vshrl.u32 v1, $0x1;
	v1 =	vand.u32 $0xFFFFF87F, v1;
	v3 =	vand.u32 $0x400, v3  }
0x32a: {  	v5 =	vand.u32 $0x380, v57;
	v1 =	vor.u32 v3, v1  }
0x32b: {  	v1 =	vor.u32 v5, v1;
	_ =	sdelay $0x2  }
0x32c: {  	v3 =	vmul.f32 v56, v2;
	_ =	sdelay $0x1  }
0x32d: {  	[tilespmem:v1+s2+$0x0] =	vst.idx.add.f32.msk $0xffff, v3  }
0x32e: {  	v1 =	vld [tilespmem:s18+$0x10880];
	_ =	sdelay $0x4  }
0x32f: {  	v3 =	vshll.u32 v1, $0x3  }
0x330: {  	v58 =	vld [tilespmem:s18+$0x12880];
	v59 =	vshrl.u32 v1, $0x1;
	v1 =	vand.u32 $0xFFFFF87F, v1;
	v3 =	vand.u32 $0x400, v3  }
0x331: {  	v5 =	vand.u32 $0x380, v59;
	v1 =	vor.u32 v3, v1  }
0x332: {  	v1 =	vor.u32 v5, v1;
	_ =	sdelay $0x2  }
0x333: {  	v3 =	vmul.f32 v58, v2  }
0x334: {  	s22 =	sadd.s32 $0x30, s20  }
0x335: {  	s23 =	sor.u32 $0x100, s22;
	[tilespmem:v1+s2+$0x0] =	vst.idx.add.f32.msk $0xffff, v3  }
0x336: {  	v1 =	vld [tilespmem:s23+$0x10800];
	_ =	sdelay $0x4  }
0x337: {  	v3 =	vshll.u32 v1, $0x3  }
0x338: {  	v60 =	vld [tilespmem:s23+$0x12800];
	v61 =	vshrl.u32 v1, $0x1;
	v1 =	vand.u32 $0xFFFFF87F, v1;
	v3 =	vand.u32 $0x400, v3  }
0x339: {  	v5 =	vand.u32 $0x380, v61;
	v1 =	vor.u32 v3, v1  }
0x33a: {  	v1 =	vor.u32 v5, v1;
	_ =	sdelay $0x2  }
0x33b: {  	v3 =	vmul.f32 v60, v2;
	_ =	sdelay $0x1  }
0x33c: {  	s18 =	sor.u32 $0x180, s22;
	[tilespmem:v1+s2+$0x0] =	vst.idx.add.f32.msk $0xffff, v3  }
0x33d: {  	v1 =	vld [tilespmem:s18+$0x10800];
	_ =	sdelay $0x4  }
0x33e: {  	v3 =	vshll.u32 v1, $0x3  }
0x33f: {  	v62 =	vld [tilespmem:s18+$0x12800];
	v63 =	vshrl.u32 v1, $0x1;
	v1 =	vand.u32 $0xFFFFF87F, v1;
	v3 =	vand.u32 $0x400, v3  }
0x340: {  	s16 =	sadd.s32 $0x4, s16;
	v5 =	vand.u32 $0x380, v63;
	v1 =	vor.u32 v3, v1  }
0x341: {  	p1 =	slt.u32 s16, $0x7C;
	v1 =	vor.u32 v5, v1  }
.Ltmp5:
0x342: {  	_ = 	snop;
	(pc) =	sbr.rel @p1 .LBB2_13-.Ltmp5, $3  }
0x343: {  	_ = 	snop  }
0x344: {  	v2 =	vmul.f32 v62, v2;
	_ =	sdelay $0x1  }
0x345: {  	s15 =	sadd.s32 $0x40, s15;
	p0 =	por !p0, !p0;
	s17 =	sadd.s32 $0x100, s17;
	[tilespmem:v1+s2+$0x0] =	vst.idx.add.f32.msk $0xffff, v2  }
0x346: {  	s15 =	sadd.s32 s14, s28  }
0x347: {  	[tilespmem:s1], [sflag:$0x1] =	stream.strided.gather [hbm4b:s15+s3], $0x800, s0, s3, $0x38;
	[tilespmem:$0x19000] =	vst v63  }
0x348: {  	s16 =	rddreg [dreg:$0x11];
	s15 =	simm.s32 $0x0  }
0x349: {  	[tilespmem:s4], [sflag:$0x1] =	stream.linear.gather [hbm4b:s16+s15], $0x2000, $0x38;
	[tilespmem:$0x19000] =	vst v63  }
0x34a: {  	s23 =	rddreg [dreg:$0x12]  }
0x34b: {  	[tilespmem:s5], [sflag:$0x1] =	stream.linear.gather [hbm4b:s23+s15], $0x2000, $0x38;
	[tilespmem:$0x19000] =	vst v63  }
0x34c: {  	_ =	swait.ge [sflag:s10], $0x800  }
0x34d: {  	[sflag:s10] =	ssyncset.done $0x0  }
0x34e: {  	[sflag:s10] =	ssyncadd.s32 $0xFFFFF800  }
0x34f: {  	_ =	swait.ge [sflag:s10], $0x2000  }
0x350: {  	[sflag:s10] =	ssyncset.done $0x0  }
0x351: {  	[sflag:s10] =	ssyncadd.s32 $0xFFFFE000  }
0x352: {  	_ =	swait.ge [sflag:s10], $0x2000  }
0x353: {  	p0 =	por $0x0, $0x0;
	[sflag:s10] =	ssyncset.done $0x0  }
0x354: {  	s17 =	simm.s32 $0x0;
	s16 =	simm.s32 $0xFFFFFFFC;
	[sflag:s10] =	ssyncadd.s32 $0xFFFFE000  }
.LBB2_15:
0x355: {  	s19 =	sand.u32 $0x40, s15;
	s18 =	sand.u32 $0x1E00, s17  }
0x356: {  	s20 =	sor.u32 s19, s18  }
0x357: {  	v1 =	vld [tilespmem:s20+$0x15000];
	_ =	sdelay $0x3  }
0x358: {  	s21 =	sshra.s32 s17, $0x2  }
0x359: {  	v2 =	vld [tilespmem:s21+$0x14800];
	v3 =	vshll.u32 v1, $0x3  }
0x35a: {  	v4 =	vld [tilespmem:s20+$0x17000];
	v5 =	vshrl.u32 v1, $0x1;
	v1 =	vand.u32 $0xFFFFF87F, v1;
	v3 =	vand.u32 $0x400, v3  }
0x35b: {  	v5 =	vand.u32 $0x380, v5;
	v1 =	vor.u32 v3, v1  }
0x35c: {  	v1 =	vor.u32 v5, v1;
	_ =	sdelay $0x2  }
0x35d: {  	v3 =	vmul.f32 v4, v2;
	_ =	sdelay $0x1  }
0x35e: {  	[tilespmem:v1+s2+$0x0] =	vst.idx.add.f32.msk $0xffff, v3  }
0x35f: {  	v1 =	vld [tilespmem:s20+$0x15080];
	_ =	sdelay $0x4  }
0x360: {  	v3 =	vshll.u32 v1, $0x3  }
0x361: {  	v34 =	vld [tilespmem:s20+$0x17080];
	v35 =	vshrl.u32 v1, $0x1;
	v1 =	vand.u32 $0xFFFFF87F, v1;
	v3 =	vand.u32 $0x400, v3  }
0x362: {  	v5 =	vand.u32 $0x380, v35;
	v1 =	vor.u32 v3, v1  }
0x363: {  	v1 =	vor.u32 v5, v1  }
0x364: {  	s20 =	simm.s32 $0x1  }
0x365: {  	s20 =	simm.s32 @!p0 $0x0  }
0x366: {  	s20 =	sshll.u32 s20, $0x6;
	v3 =	vmul.f32 v34, v2  }
0x367: {  	s20 =	sadd.s32 s20, s17  }
0x368: {  	s22 =	sor.u32 $0x100, s20;
	[tilespmem:v1+s2+$0x0] =	vst.idx.add.f32.msk $0xffff, v3  }
0x369: {  	v1 =	vld [tilespmem:s22+$0x15000];
	_ =	sdelay $0x4  }
0x36a: {  	v3 =	vshll.u32 v1, $0x3  }
0x36b: {  	v36 =	vld [tilespmem:s22+$0x17000];
	v37 =	vshrl.u32 v1, $0x1;
	v1 =	vand.u32 $0xFFFFF87F, v1;
	v3 =	vand.u32 $0x400, v3  }
0x36c: {  	v5 =	vand.u32 $0x380, v37;
	v1 =	vor.u32 v3, v1  }
0x36d: {  	v1 =	vor.u32 v5, v1;
	_ =	sdelay $0x2  }
0x36e: {  	v3 =	vmul.f32 v36, v2;
	_ =	sdelay $0x1  }
0x36f: {  	s23 =	sor.u32 $0x180, s20;
	[tilespmem:v1+s2+$0x0] =	vst.idx.add.f32.msk $0xffff, v3  }
0x370: {  	v1 =	vld [tilespmem:s23+$0x15000];
	_ =	sdelay $0x4  }
0x371: {  	v3 =	vshll.u32 v1, $0x3  }
0x372: {  	v38 =	vld [tilespmem:s23+$0x17000];
	v39 =	vshrl.u32 v1, $0x1;
	v1 =	vand.u32 $0xFFFFF87F, v1;
	v3 =	vand.u32 $0x400, v3  }
0x373: {  	v5 =	vand.u32 $0x380, v39;
	v1 =	vor.u32 v3, v1  }
0x374: {  	v1 =	vor.u32 v5, v1;
	_ =	sdelay $0x2  }
0x375: {  	v2 =	vmul.f32 v38, v2  }
0x376: {  	s22 =	sor.u32 $0x10, s19  }
0x377: {  	s23 =	sor.u32 s18, s22;
	[tilespmem:v1+s2+$0x0] =	vst.idx.add.f32.msk $0xffff, v2  }
0x378: {  	v1 =	vld [tilespmem:s23+$0x15000];
	_ =	sdelay $0x1  }
0x379: {  	s21 =	sand.u32 $0x780, s15  }
0x37a: {  	s21 =	sor.u32 $0x14800, s21  }
0x37b: {  	s22 =	sor.u32 s22, s21  }
0x37c: {  	v2 =	vld [tilespmem:s22+$0x0];
	v3 =	vshll.u32 v1, $0x3  }
0x37d: {  	v40 =	vld [tilespmem:s23+$0x17000];
	v41 =	vshrl.u32 v1, $0x1;
	v1 =	vand.u32 $0xFFFFF87F, v1;
	v3 =	vand.u32 $0x400, v3  }
0x37e: {  	v5 =	vand.u32 $0x380, v41;
	v1 =	vor.u32 v3, v1  }
0x37f: {  	v1 =	vor.u32 v5, v1;
	_ =	sdelay $0x2  }
0x380: {  	v3 =	vmul.f32 v40, v2;
	_ =	sdelay $0x1  }
0x381: {  	[tilespmem:v1+s2+$0x0] =	vst.idx.add.f32.msk $0xffff, v3  }
0x382: {  	v1 =	vld [tilespmem:s23+$0x15080];
	_ =	sdelay $0x4  }
0x383: {  	v3 =	vshll.u32 v1, $0x3  }
0x384: {  	v42 =	vld [tilespmem:s23+$0x17080];
	v43 =	vshrl.u32 v1, $0x1;
	v1 =	vand.u32 $0xFFFFF87F, v1;
	v3 =	vand.u32 $0x400, v3  }
0x385: {  	v5 =	vand.u32 $0x380, v43;
	v1 =	vor.u32 v3, v1  }
0x386: {  	v1 =	vor.u32 v5, v1;
	_ =	sdelay $0x2  }
0x387: {  	v3 =	vmul.f32 v42, v2  }
0x388: {  	s22 =	sadd.s32 $0x10, s20  }
0x389: {  	s23 =	sor.u32 $0x100, s22;
	[tilespmem:v1+s2+$0x0] =	vst.idx.add.f32.msk $0xffff, v3  }
0x38a: {  	v1 =	vld [tilespmem:s23+$0x15000];
	_ =	sdelay $0x4  }
0x38b: {  	v3 =	vshll.u32 v1, $0x3  }
0x38c: {  	v44 =	vld [tilespmem:s23+$0x17000];
	v45 =	vshrl.u32 v1, $0x1;
	v1 =	vand.u32 $0xFFFFF87F, v1;
	v3 =	vand.u32 $0x400, v3  }
0x38d: {  	v5 =	vand.u32 $0x380, v45;
	v1 =	vor.u32 v3, v1  }
0x38e: {  	v1 =	vor.u32 v5, v1;
	_ =	sdelay $0x2  }
0x38f: {  	v3 =	vmul.f32 v44, v2;
	_ =	sdelay $0x1  }
0x390: {  	s22 =	sor.u32 $0x180, s22;
	[tilespmem:v1+s2+$0x0] =	vst.idx.add.f32.msk $0xffff, v3  }
0x391: {  	v1 =	vld [tilespmem:s22+$0x15000];
	_ =	sdelay $0x4  }
0x392: {  	v3 =	vshll.u32 v1, $0x3  }
0x393: {  	v46 =	vld [tilespmem:s22+$0x17000];
	v47 =	vshrl.u32 v1, $0x1;
	v1 =	vand.u32 $0xFFFFF87F, v1;
	v3 =	vand.u32 $0x400, v3  }
0x394: {  	v5 =	vand.u32 $0x380, v47;
	v1 =	vor.u32 v3, v1  }
0x395: {  	v1 =	vor.u32 v5, v1;
	_ =	sdelay $0x2  }
0x396: {  	v2 =	vmul.f32 v46, v2  }
0x397: {  	s22 =	sor.u32 $0x20, s19  }
0x398: {  	s23 =	sor.u32 s18, s22;
	[tilespmem:v1+s2+$0x0] =	vst.idx.add.f32.msk $0xffff, v2  }
0x399: {  	v1 =	vld [tilespmem:s23+$0x15000];
	_ =	sdelay $0x3  }
0x39a: {  	s22 =	sor.u32 s22, s21  }
0x39b: {  	v2 =	vld [tilespmem:s22+$0x0];
	v3 =	vshll.u32 v1, $0x3  }
0x39c: {  	v48 =	vld [tilespmem:s23+$0x17000];
	v49 =	vshrl.u32 v1, $0x1;
	v1 =	vand.u32 $0xFFFFF87F, v1;
	v3 =	vand.u32 $0x400, v3  }
0x39d: {  	v5 =	vand.u32 $0x380, v49;
	v1 =	vor.u32 v3, v1  }
0x39e: {  	v1 =	vor.u32 v5, v1;
	_ =	sdelay $0x2  }
0x39f: {  	v3 =	vmul.f32 v48, v2;
	_ =	sdelay $0x1  }
0x3a0: {  	[tilespmem:v1+s2+$0x0] =	vst.idx.add.f32.msk $0xffff, v3  }
0x3a1: {  	v1 =	vld [tilespmem:s23+$0x15080];
	_ =	sdelay $0x4  }
0x3a2: {  	v3 =	vshll.u32 v1, $0x3  }
0x3a3: {  	v50 =	vld [tilespmem:s23+$0x17080];
	v51 =	vshrl.u32 v1, $0x1;
	v1 =	vand.u32 $0xFFFFF87F, v1;
	v3 =	vand.u32 $0x400, v3  }
0x3a4: {  	v5 =	vand.u32 $0x380, v51;
	v1 =	vor.u32 v3, v1  }
0x3a5: {  	v1 =	vor.u32 v5, v1;
	_ =	sdelay $0x2  }
0x3a6: {  	v3 =	vmul.f32 v50, v2  }
0x3a7: {  	s22 =	sadd.s32 $0x20, s20  }
0x3a8: {  	s23 =	sor.u32 $0x100, s22;
	[tilespmem:v1+s2+$0x0] =	vst.idx.add.f32.msk $0xffff, v3  }
0x3a9: {  	v1 =	vld [tilespmem:s23+$0x15000];
	_ =	sdelay $0x4  }
0x3aa: {  	v3 =	vshll.u32 v1, $0x3  }
0x3ab: {  	v52 =	vld [tilespmem:s23+$0x17000];
	v53 =	vshrl.u32 v1, $0x1;
	v1 =	vand.u32 $0xFFFFF87F, v1;
	v3 =	vand.u32 $0x400, v3  }
0x3ac: {  	v5 =	vand.u32 $0x380, v53;
	v1 =	vor.u32 v3, v1  }
0x3ad: {  	v1 =	vor.u32 v5, v1;
	_ =	sdelay $0x2  }
0x3ae: {  	v3 =	vmul.f32 v52, v2;
	_ =	sdelay $0x1  }
0x3af: {  	s22 =	sor.u32 $0x180, s22;
	[tilespmem:v1+s2+$0x0] =	vst.idx.add.f32.msk $0xffff, v3  }
0x3b0: {  	v1 =	vld [tilespmem:s22+$0x15000];
	_ =	sdelay $0x4  }
0x3b1: {  	v3 =	vshll.u32 v1, $0x3  }
0x3b2: {  	v54 =	vld [tilespmem:s22+$0x17000];
	v55 =	vshrl.u32 v1, $0x1;
	v1 =	vand.u32 $0xFFFFF87F, v1;
	v3 =	vand.u32 $0x400, v3  }
0x3b3: {  	v5 =	vand.u32 $0x380, v55;
	v1 =	vor.u32 v3, v1  }
0x3b4: {  	v1 =	vor.u32 v5, v1;
	_ =	sdelay $0x2  }
0x3b5: {  	v2 =	vmul.f32 v54, v2  }
0x3b6: {  	s19 =	sor.u32 $0x30, s19  }
0x3b7: {  	s18 =	sor.u32 s18, s19;
	[tilespmem:v1+s2+$0x0] =	vst.idx.add.f32.msk $0xffff, v2  }
0x3b8: {  	v1 =	vld [tilespmem:s18+$0x15000];
	_ =	sdelay $0x3  }
0x3b9: {  	s19 =	sor.u32 s19, s21  }
0x3ba: {  	v2 =	vld [tilespmem:s19+$0x0];
	v3 =	vshll.u32 v1, $0x3  }
0x3bb: {  	v56 =	vld [tilespmem:s18+$0x17000];
	v57 =	vshrl.u32 v1, $0x1;
	v1 =	vand.u32 $0xFFFFF87F, v1;
	v3 =	vand.u32 $0x400, v3  }
0x3bc: {  	v5 =	vand.u32 $0x380, v57;
	v1 =	vor.u32 v3, v1  }
0x3bd: {  	v1 =	vor.u32 v5, v1;
	_ =	sdelay $0x2  }
0x3be: {  	v3 =	vmul.f32 v56, v2;
	_ =	sdelay $0x1  }
0x3bf: {  	[tilespmem:v1+s2+$0x0] =	vst.idx.add.f32.msk $0xffff, v3  }
0x3c0: {  	v1 =	vld [tilespmem:s18+$0x15080];
	_ =	sdelay $0x4  }
0x3c1: {  	v3 =	vshll.u32 v1, $0x3  }
0x3c2: {  	v58 =	vld [tilespmem:s18+$0x17080];
	v59 =	vshrl.u32 v1, $0x1;
	v1 =	vand.u32 $0xFFFFF87F, v1;
	v3 =	vand.u32 $0x400, v3  }
0x3c3: {  	v5 =	vand.u32 $0x380, v59;
	v1 =	vor.u32 v3, v1  }
0x3c4: {  	v1 =	vor.u32 v5, v1;
	_ =	sdelay $0x2  }
0x3c5: {  	v3 =	vmul.f32 v58, v2  }
0x3c6: {  	s22 =	sadd.s32 $0x30, s20  }
0x3c7: {  	s23 =	sor.u32 $0x100, s22;
	[tilespmem:v1+s2+$0x0] =	vst.idx.add.f32.msk $0xffff, v3  }
0x3c8: {  	v1 =	vld [tilespmem:s23+$0x15000];
	_ =	sdelay $0x4  }
0x3c9: {  	v3 =	vshll.u32 v1, $0x3  }
0x3ca: {  	v60 =	vld [tilespmem:s23+$0x17000];
	v61 =	vshrl.u32 v1, $0x1;
	v1 =	vand.u32 $0xFFFFF87F, v1;
	v3 =	vand.u32 $0x400, v3  }
0x3cb: {  	v5 =	vand.u32 $0x380, v61;
	v1 =	vor.u32 v3, v1  }
0x3cc: {  	v1 =	vor.u32 v5, v1;
	_ =	sdelay $0x2  }
0x3cd: {  	v3 =	vmul.f32 v60, v2;
	_ =	sdelay $0x1  }
0x3ce: {  	s18 =	sor.u32 $0x180, s22;
	[tilespmem:v1+s2+$0x0] =	vst.idx.add.f32.msk $0xffff, v3  }
0x3cf: {  	v1 =	vld [tilespmem:s18+$0x15000];
	_ =	sdelay $0x4  }
0x3d0: {  	v3 =	vshll.u32 v1, $0x3  }
0x3d1: {  	v62 =	vld [tilespmem:s18+$0x17000];
	v63 =	vshrl.u32 v1, $0x1;
	v1 =	vand.u32 $0xFFFFF87F, v1;
	v3 =	vand.u32 $0x400, v3  }
0x3d2: {  	s16 =	sadd.s32 $0x4, s16;
	v5 =	vand.u32 $0x380, v63;
	v1 =	vor.u32 v3, v1  }
0x3d3: {  	p1 =	slt.u32 s16, $0x7C;
	v1 =	vor.u32 v5, v1  }
.Ltmp6:
0x3d4: {  	_ = 	snop;
	(pc) =	sbr.rel @p1 .LBB2_15-.Ltmp6, $3  }
0x3d5: {  	_ = 	snop  }
0x3d6: {  	v2 =	vmul.f32 v62, v2;
	_ =	sdelay $0x1  }
0x3d7: {  	s15 =	sadd.s32 $0x40, s15;
	p0 =	por !p0, !p0;
	s17 =	sadd.s32 $0x100, s17;
	[tilespmem:v1+s2+$0x0] =	vst.idx.add.f32.msk $0xffff, v2  }
0x3d8: {  	s14 =	sadd.s32 s14, s29  }
0x3d9: {  	[tilespmem:s6], [sflag:$0x2] =	stream.strided.gather [hbm4b:s14+s3], $0x800, s0, s3, $0x38;
	[tilespmem:$0x19000] =	vst v63  }
0x3da: {  	s15 =	rddreg [dreg:$0x13];
	s14 =	simm.s32 $0x0  }
0x3db: {  	[tilespmem:s7], [sflag:$0x2] =	stream.linear.gather [hbm4b:s15+s14], $0x2000, $0x38;
	[tilespmem:$0x19000] =	vst v63  }
0x3dc: {  	s23 =	rddreg [dreg:$0x14]  }
0x3dd: {  	[tilespmem:s8], [sflag:$0x2] =	stream.linear.gather [hbm4b:s23+s14], $0x2000, $0x38;
	[tilespmem:$0x19000] =	vst v63  }
0x3de: {  	_ =	swait.ge [sflag:s9], $0x800  }
0x3df: {  	[sflag:s9] =	ssyncset.done $0x0  }
0x3e0: {  	[sflag:s9] =	ssyncadd.s32 $0xFFFFF800  }
0x3e1: {  	_ =	swait.ge [sflag:s9], $0x2000  }
0x3e2: {  	[sflag:s9] =	ssyncset.done $0x0  }
0x3e3: {  	[sflag:s9] =	ssyncadd.s32 $0xFFFFE000  }
0x3e4: {  	_ =	swait.ge [sflag:s9], $0x2000  }
0x3e5: {  	p0 =	por $0x0, $0x0;
	[sflag:s9] =	ssyncset.done $0x0  }
0x3e6: {  	s16 =	simm.s32 $0x0;
	s15 =	simm.s32 $0xFFFFFFFC;
	[sflag:s9] =	ssyncadd.s32 $0xFFFFE000  }
.LBB2_17:
0x3e7: {  	s18 =	sand.u32 $0x40, s14;
	s17 =	sand.u32 $0x1E00, s16  }
0x3e8: {  	s19 =	sor.u32 s18, s17  }
0x3e9: {  	v1 =	vld [tilespmem:s19+$0x10800];
	_ =	sdelay $0x3  }
0x3ea: {  	s20 =	sshra.s32 s16, $0x2  }
0x3eb: {  	v2 =	vld [tilespmem:s20+$0x10000];
	v3 =	vshll.u32 v1, $0x3  }
0x3ec: {  	v4 =	vld [tilespmem:s19+$0x12800];
	v5 =	vshrl.u32 v1, $0x1;
	v1 =	vand.u32 $0xFFFFF87F, v1;
	v3 =	vand.u32 $0x400, v3  }
0x3ed: {  	v5 =	vand.u32 $0x380, v5;
	v1 =	vor.u32 v3, v1  }
0x3ee: {  	v1 =	vor.u32 v5, v1;
	_ =	sdelay $0x2  }
0x3ef: {  	v3 =	vmul.f32 v4, v2;
	_ =	sdelay $0x1  }
0x3f0: {  	[tilespmem:v1+s2+$0x0] =	vst.idx.add.f32.msk $0xffff, v3  }
0x3f1: {  	v1 =	vld [tilespmem:s19+$0x10880];
	_ =	sdelay $0x4  }
0x3f2: {  	v3 =	vshll.u32 v1, $0x3  }
0x3f3: {  	v34 =	vld [tilespmem:s19+$0x12880];
	v35 =	vshrl.u32 v1, $0x1;
	v1 =	vand.u32 $0xFFFFF87F, v1;
	v3 =	vand.u32 $0x400, v3  }
0x3f4: {  	v5 =	vand.u32 $0x380, v35;
	v1 =	vor.u32 v3, v1  }
0x3f5: {  	v1 =	vor.u32 v5, v1  }
0x3f6: {  	s19 =	simm.s32 $0x1  }
0x3f7: {  	s19 =	simm.s32 @!p0 $0x0  }
0x3f8: {  	s19 =	sshll.u32 s19, $0x6;
	v3 =	vmul.f32 v34, v2  }
0x3f9: {  	s19 =	sadd.s32 s19, s16  }
0x3fa: {  	s21 =	sor.u32 $0x100, s19;
	[tilespmem:v1+s2+$0x0] =	vst.idx.add.f32.msk $0xffff, v3  }
0x3fb: {  	v1 =	vld [tilespmem:s21+$0x10800];
	_ =	sdelay $0x4  }
0x3fc: {  	v3 =	vshll.u32 v1, $0x3  }
0x3fd: {  	v36 =	vld [tilespmem:s21+$0x12800];
	v37 =	vshrl.u32 v1, $0x1;
	v1 =	vand.u32 $0xFFFFF87F, v1;
	v3 =	vand.u32 $0x400, v3  }
0x3fe: {  	v5 =	vand.u32 $0x380, v37;
	v1 =	vor.u32 v3, v1  }
0x3ff: {  	v1 =	vor.u32 v5, v1;
	_ =	sdelay $0x2  }
0x400: {  	v3 =	vmul.f32 v36, v2;
	_ =	sdelay $0x1  }
0x401: {  	s22 =	sor.u32 $0x180, s19;
	[tilespmem:v1+s2+$0x0] =	vst.idx.add.f32.msk $0xffff, v3  }
0x402: {  	v1 =	vld [tilespmem:s22+$0x10800];
	_ =	sdelay $0x4  }
0x403: {  	v3 =	vshll.u32 v1, $0x3  }
0x404: {  	v38 =	vld [tilespmem:s22+$0x12800];
	v39 =	vshrl.u32 v1, $0x1;
	v1 =	vand.u32 $0xFFFFF87F, v1;
	v3 =	vand.u32 $0x400, v3  }
0x405: {  	v5 =	vand.u32 $0x380, v39;
	v1 =	vor.u32 v3, v1  }
0x406: {  	v1 =	vor.u32 v5, v1;
	_ =	sdelay $0x2  }
0x407: {  	v2 =	vmul.f32 v38, v2  }
0x408: {  	s21 =	sor.u32 $0x10, s18  }
0x409: {  	s22 =	sor.u32 s17, s21;
	[tilespmem:v1+s2+$0x0] =	vst.idx.add.f32.msk $0xffff, v2  }
0x40a: {  	v1 =	vld [tilespmem:s22+$0x10800];
	_ =	sdelay $0x1  }
0x40b: {  	s23 =	sand.u32 $0x780, s14  }
0x40c: {  	s20 =	sor.u32 $0x10000, s23  }
0x40d: {  	s21 =	sor.u32 s21, s20  }
0x40e: {  	v2 =	vld [tilespmem:s21+$0x0];
	v3 =	vshll.u32 v1, $0x3  }
0x40f: {  	v40 =	vld [tilespmem:s22+$0x12800];
	v41 =	vshrl.u32 v1, $0x1;
	v1 =	vand.u32 $0xFFFFF87F, v1;
	v3 =	vand.u32 $0x400, v3  }
0x410: {  	v5 =	vand.u32 $0x380, v41;
	v1 =	vor.u32 v3, v1  }
0x411: {  	v1 =	vor.u32 v5, v1;
	_ =	sdelay $0x2  }
0x412: {  	v3 =	vmul.f32 v40, v2;
	_ =	sdelay $0x1  }
0x413: {  	[tilespmem:v1+s2+$0x0] =	vst.idx.add.f32.msk $0xffff, v3  }
0x414: {  	v1 =	vld [tilespmem:s22+$0x10880];
	_ =	sdelay $0x4  }
0x415: {  	v3 =	vshll.u32 v1, $0x3  }
0x416: {  	v42 =	vld [tilespmem:s22+$0x12880];
	v43 =	vshrl.u32 v1, $0x1;
	v1 =	vand.u32 $0xFFFFF87F, v1;
	v3 =	vand.u32 $0x400, v3  }
0x417: {  	v5 =	vand.u32 $0x380, v43;
	v1 =	vor.u32 v3, v1  }
0x418: {  	v1 =	vor.u32 v5, v1;
	_ =	sdelay $0x2  }
0x419: {  	v3 =	vmul.f32 v42, v2  }
0x41a: {  	s21 =	sadd.s32 $0x10, s19  }
0x41b: {  	s23 =	sor.u32 $0x100, s21;
	[tilespmem:v1+s2+$0x0] =	vst.idx.add.f32.msk $0xffff, v3  }
0x41c: {  	v1 =	vld [tilespmem:s23+$0x10800];
	_ =	sdelay $0x4  }
0x41d: {  	v3 =	vshll.u32 v1, $0x3  }
0x41e: {  	v44 =	vld [tilespmem:s23+$0x12800];
	v45 =	vshrl.u32 v1, $0x1;
	v1 =	vand.u32 $0xFFFFF87F, v1;
	v3 =	vand.u32 $0x400, v3  }
0x41f: {  	v5 =	vand.u32 $0x380, v45;
	v1 =	vor.u32 v3, v1  }
0x420: {  	v1 =	vor.u32 v5, v1;
	_ =	sdelay $0x2  }
0x421: {  	v3 =	vmul.f32 v44, v2;
	_ =	sdelay $0x1  }
0x422: {  	s21 =	sor.u32 $0x180, s21;
	[tilespmem:v1+s2+$0x0] =	vst.idx.add.f32.msk $0xffff, v3  }
0x423: {  	v1 =	vld [tilespmem:s21+$0x10800];
	_ =	sdelay $0x4  }
0x424: {  	v3 =	vshll.u32 v1, $0x3  }
0x425: {  	v46 =	vld [tilespmem:s21+$0x12800];
	v47 =	vshrl.u32 v1, $0x1;
	v1 =	vand.u32 $0xFFFFF87F, v1;
	v3 =	vand.u32 $0x400, v3  }
0x426: {  	v5 =	vand.u32 $0x380, v47;
	v1 =	vor.u32 v3, v1  }
0x427: {  	v1 =	vor.u32 v5, v1;
	_ =	sdelay $0x2  }
0x428: {  	v2 =	vmul.f32 v46, v2  }
0x429: {  	s22 =	sor.u32 $0x20, s18  }
0x42a: {  	s23 =	sor.u32 s17, s22;
	[tilespmem:v1+s2+$0x0] =	vst.idx.add.f32.msk $0xffff, v2  }
0x42b: {  	v1 =	vld [tilespmem:s23+$0x10800];
	_ =	sdelay $0x3  }
0x42c: {  	s21 =	sor.u32 s22, s20  }
0x42d: {  	v2 =	vld [tilespmem:s21+$0x0];
	v3 =	vshll.u32 v1, $0x3  }
0x42e: {  	v48 =	vld [tilespmem:s23+$0x12800];
	v49 =	vshrl.u32 v1, $0x1;
	v1 =	vand.u32 $0xFFFFF87F, v1;
	v3 =	vand.u32 $0x400, v3  }
0x42f: {  	v5 =	vand.u32 $0x380, v49;
	v1 =	vor.u32 v3, v1  }
0x430: {  	v1 =	vor.u32 v5, v1;
	_ =	sdelay $0x2  }
0x431: {  	v3 =	vmul.f32 v48, v2;
	_ =	sdelay $0x1  }
0x432: {  	[tilespmem:v1+s2+$0x0] =	vst.idx.add.f32.msk $0xffff, v3  }
0x433: {  	v1 =	vld [tilespmem:s23+$0x10880];
	_ =	sdelay $0x4  }
0x434: {  	v3 =	vshll.u32 v1, $0x3  }
0x435: {  	v50 =	vld [tilespmem:s23+$0x12880];
	v51 =	vshrl.u32 v1, $0x1;
	v1 =	vand.u32 $0xFFFFF87F, v1;
	v3 =	vand.u32 $0x400, v3  }
0x436: {  	v5 =	vand.u32 $0x380, v51;
	v1 =	vor.u32 v3, v1  }
0x437: {  	v1 =	vor.u32 v5, v1;
	_ =	sdelay $0x2  }
0x438: {  	v3 =	vmul.f32 v50, v2  }
0x439: {  	s21 =	sadd.s32 $0x20, s19  }
0x43a: {  	s23 =	sor.u32 $0x100, s21;
	[tilespmem:v1+s2+$0x0] =	vst.idx.add.f32.msk $0xffff, v3  }
0x43b: {  	v1 =	vld [tilespmem:s23+$0x10800];
	_ =	sdelay $0x4  }
0x43c: {  	v3 =	vshll.u32 v1, $0x3  }
0x43d: {  	v52 =	vld [tilespmem:s23+$0x12800];
	v53 =	vshrl.u32 v1, $0x1;
	v1 =	vand.u32 $0xFFFFF87F, v1;
	v3 =	vand.u32 $0x400, v3  }
0x43e: {  	v5 =	vand.u32 $0x380, v53;
	v1 =	vor.u32 v3, v1  }
0x43f: {  	v1 =	vor.u32 v5, v1;
	_ =	sdelay $0x2  }
0x440: {  	v3 =	vmul.f32 v52, v2;
	_ =	sdelay $0x1  }
0x441: {  	s21 =	sor.u32 $0x180, s21;
	[tilespmem:v1+s2+$0x0] =	vst.idx.add.f32.msk $0xffff, v3  }
0x442: {  	v1 =	vld [tilespmem:s21+$0x10800];
	_ =	sdelay $0x4  }
0x443: {  	v3 =	vshll.u32 v1, $0x3  }
0x444: {  	v54 =	vld [tilespmem:s21+$0x12800];
	v55 =	vshrl.u32 v1, $0x1;
	v1 =	vand.u32 $0xFFFFF87F, v1;
	v3 =	vand.u32 $0x400, v3  }
0x445: {  	v5 =	vand.u32 $0x380, v55;
	v1 =	vor.u32 v3, v1  }
0x446: {  	v1 =	vor.u32 v5, v1;
	_ =	sdelay $0x2  }
0x447: {  	v2 =	vmul.f32 v54, v2  }
0x448: {  	s18 =	sor.u32 $0x30, s18  }
0x449: {  	s17 =	sor.u32 s17, s18;
	[tilespmem:v1+s2+$0x0] =	vst.idx.add.f32.msk $0xffff, v2  }
0x44a: {  	v1 =	vld [tilespmem:s17+$0x10800];
	_ =	sdelay $0x3  }
0x44b: {  	s18 =	sor.u32 s18, s20  }
0x44c: {  	v2 =	vld [tilespmem:s18+$0x0];
	v3 =	vshll.u32 v1, $0x3  }
0x44d: {  	v56 =	vld [tilespmem:s17+$0x12800];
	v57 =	vshrl.u32 v1, $0x1;
	v1 =	vand.u32 $0xFFFFF87F, v1;
	v3 =	vand.u32 $0x400, v3  }
0x44e: {  	v5 =	vand.u32 $0x380, v57;
	v1 =	vor.u32 v3, v1  }
0x44f: {  	v1 =	vor.u32 v5, v1;
	_ =	sdelay $0x2  }
0x450: {  	v3 =	vmul.f32 v56, v2;
	_ =	sdelay $0x1  }
0x451: {  	[tilespmem:v1+s2+$0x0] =	vst.idx.add.f32.msk $0xffff, v3  }
0x452: {  	v1 =	vld [tilespmem:s17+$0x10880];
	_ =	sdelay $0x4  }
0x453: {  	v3 =	vshll.u32 v1, $0x3  }
0x454: {  	v58 =	vld [tilespmem:s17+$0x12880];
	v59 =	vshrl.u32 v1, $0x1;
	v1 =	vand.u32 $0xFFFFF87F, v1;
	v3 =	vand.u32 $0x400, v3  }
0x455: {  	v5 =	vand.u32 $0x380, v59;
	v1 =	vor.u32 v3, v1  }
0x456: {  	v1 =	vor.u32 v5, v1;
	_ =	sdelay $0x2  }
0x457: {  	v3 =	vmul.f32 v58, v2  }
0x458: {  	s22 =	sadd.s32 $0x30, s19  }
0x459: {  	s23 =	sor.u32 $0x100, s22;
	[tilespmem:v1+s2+$0x0] =	vst.idx.add.f32.msk $0xffff, v3  }
0x45a: {  	v1 =	vld [tilespmem:s23+$0x10800];
	_ =	sdelay $0x4  }
0x45b: {  	v3 =	vshll.u32 v1, $0x3  }
0x45c: {  	v60 =	vld [tilespmem:s23+$0x12800];
	v61 =	vshrl.u32 v1, $0x1;
	v1 =	vand.u32 $0xFFFFF87F, v1;
	v3 =	vand.u32 $0x400, v3  }
0x45d: {  	v5 =	vand.u32 $0x380, v61;
	v1 =	vor.u32 v3, v1  }
0x45e: {  	v1 =	vor.u32 v5, v1;
	_ =	sdelay $0x2  }
0x45f: {  	v3 =	vmul.f32 v60, v2;
	_ =	sdelay $0x1  }
0x460: {  	s17 =	sor.u32 $0x180, s22;
	[tilespmem:v1+s2+$0x0] =	vst.idx.add.f32.msk $0xffff, v3  }
0x461: {  	v1 =	vld [tilespmem:s17+$0x10800];
	_ =	sdelay $0x4  }
0x462: {  	v3 =	vshll.u32 v1, $0x3  }
0x463: {  	v62 =	vld [tilespmem:s17+$0x12800];
	v63 =	vshrl.u32 v1, $0x1;
	v1 =	vand.u32 $0xFFFFF87F, v1;
	v3 =	vand.u32 $0x400, v3  }
0x464: {  	s15 =	sadd.s32 $0x4, s15;
	v5 =	vand.u32 $0x380, v63;
	v1 =	vor.u32 v3, v1  }
0x465: {  	p1 =	slt.u32 s15, $0x7C;
	v1 =	vor.u32 v5, v1  }
.Ltmp7:
0x466: {  	_ = 	snop;
	(pc) =	sbr.rel @p1 .LBB2_17-.Ltmp7, $3  }
0x467: {  	_ = 	snop  }
0x468: {  	v2 =	vmul.f32 v62, v2;
	_ =	sdelay $0x1  }
0x469: {  	s14 =	sadd.s32 $0x40, s14;
	p0 =	por !p0, !p0;
	s16 =	sadd.s32 $0x100, s16;
	[tilespmem:v1+s2+$0x0] =	vst.idx.add.f32.msk $0xffff, v2  }
0x46a: {  	_ =	swait.ge [sflag:s10], $0x800  }
0x46b: {  	[sflag:s10] =	ssyncset.done $0x0  }
0x46c: {  	[sflag:s10] =	ssyncadd.s32 $0xFFFFF800  }
0x46d: {  	_ =	swait.ge [sflag:s10], $0x2000  }
0x46e: {  	[sflag:s10] =	ssyncset.done $0x0  }
0x46f: {  	[sflag:s10] =	ssyncadd.s32 $0xFFFFE000  }
0x470: {  	_ =	swait.ge [sflag:s10], $0x2000  }
0x471: {  	s14 =	simm.s32 $0xFFFFFFFC;
	p0 =	por $0x0, $0x0;
	[sflag:s10] =	ssyncset.done $0x0  }
0x472: {  	s15 =	simm.s32 $0x0;
	s16 =	simm.s32 $0x0;
	[sflag:s10] =	ssyncadd.s32 $0xFFFFE000  }
.LBB2_19:
0x473: {  	s18 =	sand.u32 $0x40, s15;
	s17 =	sand.u32 $0x1E00, s16  }
0x474: {  	s19 =	sor.u32 s18, s17  }
0x475: {  	v1 =	vld [tilespmem:s19+$0x15000];
	_ =	sdelay $0x3  }
0x476: {  	s20 =	sshra.s32 s16, $0x2  }
0x477: {  	v2 =	vld [tilespmem:s20+$0x14800];
	v3 =	vshll.u32 v1, $0x3  }
0x478: {  	v4 =	vld [tilespmem:s19+$0x17000];
	v5 =	vshrl.u32 v1, $0x1;
	v1 =	vand.u32 $0xFFFFF87F, v1;
	v3 =	vand.u32 $0x400, v3  }
0x479: {  	v5 =	vand.u32 $0x380, v5;
	v1 =	vor.u32 v3, v1  }
0x47a: {  	v1 =	vor.u32 v5, v1;
	_ =	sdelay $0x2  }
0x47b: {  	v3 =	vmul.f32 v4, v2;
	_ =	sdelay $0x1  }
0x47c: {  	[tilespmem:v1+s2+$0x0] =	vst.idx.add.f32.msk $0xffff, v3  }
0x47d: {  	v1 =	vld [tilespmem:s19+$0x15080];
	_ =	sdelay $0x4  }
0x47e: {  	v3 =	vshll.u32 v1, $0x3  }
0x47f: {  	v34 =	vld [tilespmem:s19+$0x17080];
	v35 =	vshrl.u32 v1, $0x1;
	v1 =	vand.u32 $0xFFFFF87F, v1;
	v3 =	vand.u32 $0x400, v3  }
0x480: {  	v5 =	vand.u32 $0x380, v35;
	v1 =	vor.u32 v3, v1  }
0x481: {  	v1 =	vor.u32 v5, v1  }
0x482: {  	s19 =	simm.s32 $0x1  }
0x483: {  	s19 =	simm.s32 @!p0 $0x0  }
0x484: {  	s19 =	sshll.u32 s19, $0x6;
	v3 =	vmul.f32 v34, v2  }
0x485: {  	s19 =	sadd.s32 s19, s16  }
0x486: {  	s21 =	sor.u32 $0x100, s19;
	[tilespmem:v1+s2+$0x0] =	vst.idx.add.f32.msk $0xffff, v3  }
0x487: {  	v1 =	vld [tilespmem:s21+$0x15000];
	_ =	sdelay $0x4  }
0x488: {  	v3 =	vshll.u32 v1, $0x3  }
0x489: {  	v36 =	vld [tilespmem:s21+$0x17000];
	v37 =	vshrl.u32 v1, $0x1;
	v1 =	vand.u32 $0xFFFFF87F, v1;
	v3 =	vand.u32 $0x400, v3  }
0x48a: {  	v5 =	vand.u32 $0x380, v37;
	v1 =	vor.u32 v3, v1  }
0x48b: {  	v1 =	vor.u32 v5, v1;
	_ =	sdelay $0x2  }
0x48c: {  	v3 =	vmul.f32 v36, v2;
	_ =	sdelay $0x1  }
0x48d: {  	s22 =	sor.u32 $0x180, s19;
	[tilespmem:v1+s2+$0x0] =	vst.idx.add.f32.msk $0xffff, v3  }
0x48e: {  	v1 =	vld [tilespmem:s22+$0x15000];
	_ =	sdelay $0x4  }
0x48f: {  	v3 =	vshll.u32 v1, $0x3  }
0x490: {  	v38 =	vld [tilespmem:s22+$0x17000];
	v39 =	vshrl.u32 v1, $0x1;
	v1 =	vand.u32 $0xFFFFF87F, v1;
	v3 =	vand.u32 $0x400, v3  }
0x491: {  	v5 =	vand.u32 $0x380, v39;
	v1 =	vor.u32 v3, v1  }
0x492: {  	v1 =	vor.u32 v5, v1;
	_ =	sdelay $0x2  }
0x493: {  	v2 =	vmul.f32 v38, v2  }
0x494: {  	s21 =	sor.u32 $0x10, s18  }
0x495: {  	s22 =	sor.u32 s17, s21;
	[tilespmem:v1+s2+$0x0] =	vst.idx.add.f32.msk $0xffff, v2  }
0x496: {  	v1 =	vld [tilespmem:s22+$0x15000];
	_ =	sdelay $0x1  }
0x497: {  	s23 =	sand.u32 $0x780, s15  }
0x498: {  	s20 =	sor.u32 $0x14800, s23  }
0x499: {  	s21 =	sor.u32 s21, s20  }
0x49a: {  	v2 =	vld [tilespmem:s21+$0x0];
	v3 =	vshll.u32 v1, $0x3  }
0x49b: {  	v40 =	vld [tilespmem:s22+$0x17000];
	v41 =	vshrl.u32 v1, $0x1;
	v1 =	vand.u32 $0xFFFFF87F, v1;
	v3 =	vand.u32 $0x400, v3  }
0x49c: {  	v5 =	vand.u32 $0x380, v41;
	v1 =	vor.u32 v3, v1  }
0x49d: {  	v1 =	vor.u32 v5, v1;
	_ =	sdelay $0x2  }
0x49e: {  	v3 =	vmul.f32 v40, v2;
	_ =	sdelay $0x1  }
0x49f: {  	[tilespmem:v1+s2+$0x0] =	vst.idx.add.f32.msk $0xffff, v3  }
0x4a0: {  	v1 =	vld [tilespmem:s22+$0x15080];
	_ =	sdelay $0x4  }
0x4a1: {  	v3 =	vshll.u32 v1, $0x3  }
0x4a2: {  	v42 =	vld [tilespmem:s22+$0x17080];
	v43 =	vshrl.u32 v1, $0x1;
	v1 =	vand.u32 $0xFFFFF87F, v1;
	v3 =	vand.u32 $0x400, v3  }
0x4a3: {  	v5 =	vand.u32 $0x380, v43;
	v1 =	vor.u32 v3, v1  }
0x4a4: {  	v1 =	vor.u32 v5, v1;
	_ =	sdelay $0x2  }
0x4a5: {  	v3 =	vmul.f32 v42, v2  }
0x4a6: {  	s21 =	sadd.s32 $0x10, s19  }
0x4a7: {  	s23 =	sor.u32 $0x100, s21;
	[tilespmem:v1+s2+$0x0] =	vst.idx.add.f32.msk $0xffff, v3  }
0x4a8: {  	v1 =	vld [tilespmem:s23+$0x15000];
	_ =	sdelay $0x4  }
0x4a9: {  	v3 =	vshll.u32 v1, $0x3  }
0x4aa: {  	v44 =	vld [tilespmem:s23+$0x17000];
	v45 =	vshrl.u32 v1, $0x1;
	v1 =	vand.u32 $0xFFFFF87F, v1;
	v3 =	vand.u32 $0x400, v3  }
0x4ab: {  	v5 =	vand.u32 $0x380, v45;
	v1 =	vor.u32 v3, v1  }
0x4ac: {  	v1 =	vor.u32 v5, v1;
	_ =	sdelay $0x2  }
0x4ad: {  	v3 =	vmul.f32 v44, v2;
	_ =	sdelay $0x1  }
0x4ae: {  	s21 =	sor.u32 $0x180, s21;
	[tilespmem:v1+s2+$0x0] =	vst.idx.add.f32.msk $0xffff, v3  }
0x4af: {  	v1 =	vld [tilespmem:s21+$0x15000];
	_ =	sdelay $0x4  }
0x4b0: {  	v3 =	vshll.u32 v1, $0x3  }
0x4b1: {  	v46 =	vld [tilespmem:s21+$0x17000];
	v47 =	vshrl.u32 v1, $0x1;
	v1 =	vand.u32 $0xFFFFF87F, v1;
	v3 =	vand.u32 $0x400, v3  }
0x4b2: {  	v5 =	vand.u32 $0x380, v47;
	v1 =	vor.u32 v3, v1  }
0x4b3: {  	v1 =	vor.u32 v5, v1;
	_ =	sdelay $0x2  }
0x4b4: {  	v2 =	vmul.f32 v46, v2  }
0x4b5: {  	s22 =	sor.u32 $0x20, s18  }
0x4b6: {  	s23 =	sor.u32 s17, s22;
	[tilespmem:v1+s2+$0x0] =	vst.idx.add.f32.msk $0xffff, v2  }
0x4b7: {  	v1 =	vld [tilespmem:s23+$0x15000];
	_ =	sdelay $0x3  }
0x4b8: {  	s21 =	sor.u32 s22, s20  }
0x4b9: {  	v2 =	vld [tilespmem:s21+$0x0];
	v3 =	vshll.u32 v1, $0x3  }
0x4ba: {  	v48 =	vld [tilespmem:s23+$0x17000];
	v49 =	vshrl.u32 v1, $0x1;
	v1 =	vand.u32 $0xFFFFF87F, v1;
	v3 =	vand.u32 $0x400, v3  }
0x4bb: {  	v5 =	vand.u32 $0x380, v49;
	v1 =	vor.u32 v3, v1  }
0x4bc: {  	v1 =	vor.u32 v5, v1;
	_ =	sdelay $0x2  }
0x4bd: {  	v3 =	vmul.f32 v48, v2;
	_ =	sdelay $0x1  }
0x4be: {  	[tilespmem:v1+s2+$0x0] =	vst.idx.add.f32.msk $0xffff, v3  }
0x4bf: {  	v1 =	vld [tilespmem:s23+$0x15080];
	_ =	sdelay $0x4  }
0x4c0: {  	v3 =	vshll.u32 v1, $0x3  }
0x4c1: {  	v50 =	vld [tilespmem:s23+$0x17080];
	v51 =	vshrl.u32 v1, $0x1;
	v1 =	vand.u32 $0xFFFFF87F, v1;
	v3 =	vand.u32 $0x400, v3  }
0x4c2: {  	v5 =	vand.u32 $0x380, v51;
	v1 =	vor.u32 v3, v1  }
0x4c3: {  	v1 =	vor.u32 v5, v1;
	_ =	sdelay $0x2  }
0x4c4: {  	v3 =	vmul.f32 v50, v2  }
0x4c5: {  	s21 =	sadd.s32 $0x20, s19  }
0x4c6: {  	s23 =	sor.u32 $0x100, s21;
	[tilespmem:v1+s2+$0x0] =	vst.idx.add.f32.msk $0xffff, v3  }
0x4c7: {  	v1 =	vld [tilespmem:s23+$0x15000];
	_ =	sdelay $0x4  }
0x4c8: {  	v3 =	vshll.u32 v1, $0x3  }
0x4c9: {  	v52 =	vld [tilespmem:s23+$0x17000];
	v53 =	vshrl.u32 v1, $0x1;
	v1 =	vand.u32 $0xFFFFF87F, v1;
	v3 =	vand.u32 $0x400, v3  }
0x4ca: {  	v5 =	vand.u32 $0x380, v53;
	v1 =	vor.u32 v3, v1  }
0x4cb: {  	v1 =	vor.u32 v5, v1;
	_ =	sdelay $0x2  }
0x4cc: {  	v3 =	vmul.f32 v52, v2;
	_ =	sdelay $0x1  }
0x4cd: {  	s21 =	sor.u32 $0x180, s21;
	[tilespmem:v1+s2+$0x0] =	vst.idx.add.f32.msk $0xffff, v3  }
0x4ce: {  	v1 =	vld [tilespmem:s21+$0x15000];
	_ =	sdelay $0x4  }
0x4cf: {  	v3 =	vshll.u32 v1, $0x3  }
0x4d0: {  	v54 =	vld [tilespmem:s21+$0x17000];
	v55 =	vshrl.u32 v1, $0x1;
	v1 =	vand.u32 $0xFFFFF87F, v1;
	v3 =	vand.u32 $0x400, v3  }
0x4d1: {  	v5 =	vand.u32 $0x380, v55;
	v1 =	vor.u32 v3, v1  }
0x4d2: {  	v1 =	vor.u32 v5, v1;
	_ =	sdelay $0x2  }
0x4d3: {  	v2 =	vmul.f32 v54, v2  }
0x4d4: {  	s18 =	sor.u32 $0x30, s18  }
0x4d5: {  	s17 =	sor.u32 s17, s18;
	[tilespmem:v1+s2+$0x0] =	vst.idx.add.f32.msk $0xffff, v2  }
0x4d6: {  	v1 =	vld [tilespmem:s17+$0x15000];
	_ =	sdelay $0x3  }
0x4d7: {  	s18 =	sor.u32 s18, s20  }
0x4d8: {  	v2 =	vld [tilespmem:s18+$0x0];
	v3 =	vshll.u32 v1, $0x3  }
0x4d9: {  	v56 =	vld [tilespmem:s17+$0x17000];
	v57 =	vshrl.u32 v1, $0x1;
	v1 =	vand.u32 $0xFFFFF87F, v1;
	v3 =	vand.u32 $0x400, v3  }
0x4da: {  	v5 =	vand.u32 $0x380, v57;
	v1 =	vor.u32 v3, v1  }
0x4db: {  	v1 =	vor.u32 v5, v1;
	_ =	sdelay $0x2  }
0x4dc: {  	v3 =	vmul.f32 v56, v2;
	_ =	sdelay $0x1  }
0x4dd: {  	[tilespmem:v1+s2+$0x0] =	vst.idx.add.f32.msk $0xffff, v3  }
0x4de: {  	v1 =	vld [tilespmem:s17+$0x15080];
	_ =	sdelay $0x4  }
0x4df: {  	v3 =	vshll.u32 v1, $0x3  }
0x4e0: {  	v58 =	vld [tilespmem:s17+$0x17080];
	v59 =	vshrl.u32 v1, $0x1;
	v1 =	vand.u32 $0xFFFFF87F, v1;
	v3 =	vand.u32 $0x400, v3  }
0x4e1: {  	v5 =	vand.u32 $0x380, v59;
	v1 =	vor.u32 v3, v1  }
0x4e2: {  	v1 =	vor.u32 v5, v1;
	_ =	sdelay $0x2  }
0x4e3: {  	v3 =	vmul.f32 v58, v2  }
0x4e4: {  	s22 =	sadd.s32 $0x30, s19  }
0x4e5: {  	s23 =	sor.u32 $0x100, s22;
	[tilespmem:v1+s2+$0x0] =	vst.idx.add.f32.msk $0xffff, v3  }
0x4e6: {  	v1 =	vld [tilespmem:s23+$0x15000];
	_ =	sdelay $0x4  }
0x4e7: {  	v3 =	vshll.u32 v1, $0x3  }
0x4e8: {  	v60 =	vld [tilespmem:s23+$0x17000];
	v61 =	vshrl.u32 v1, $0x1;
	v1 =	vand.u32 $0xFFFFF87F, v1;
	v3 =	vand.u32 $0x400, v3  }
0x4e9: {  	v5 =	vand.u32 $0x380, v61;
	v1 =	vor.u32 v3, v1  }
0x4ea: {  	v1 =	vor.u32 v5, v1;
	_ =	sdelay $0x2  }
0x4eb: {  	v3 =	vmul.f32 v60, v2;
	_ =	sdelay $0x1  }
0x4ec: {  	s17 =	sor.u32 $0x180, s22;
	[tilespmem:v1+s2+$0x0] =	vst.idx.add.f32.msk $0xffff, v3  }
0x4ed: {  	v1 =	vld [tilespmem:s17+$0x15000];
	_ =	sdelay $0x4  }
0x4ee: {  	v3 =	vshll.u32 v1, $0x3  }
0x4ef: {  	v62 =	vld [tilespmem:s17+$0x17000];
	v63 =	vshrl.u32 v1, $0x1;
	v1 =	vand.u32 $0xFFFFF87F, v1;
	v3 =	vand.u32 $0x400, v3  }
0x4f0: {  	s14 =	sadd.s32 $0x4, s14;
	v5 =	vand.u32 $0x380, v63;
	v1 =	vor.u32 v3, v1  }
0x4f1: {  	p1 =	slt.u32 s14, $0x7C;
	v1 =	vor.u32 v5, v1  }
.Ltmp8:
0x4f2: {  	_ = 	snop;
	(pc) =	sbr.rel @p1 .LBB2_19-.Ltmp8, $3  }
0x4f3: {  	_ = 	snop  }
0x4f4: {  	v2 =	vmul.f32 v62, v2;
	_ =	sdelay $0x1  }
0x4f5: {  	s15 =	sadd.s32 $0x40, s15;
	p0 =	por !p0, !p0;
	s16 =	sadd.s32 $0x100, s16;
	[tilespmem:v1+s2+$0x0] =	vst.idx.add.f32.msk $0xffff, v2  }
0x4f6: {  	s13 =	sshll.u32 s13, $0x10  }
0x4f7: {  	s12 =	sadd.s32 $0x1, s12;
	s13 =	sadd.s32 s31, s13  }
0x4f8: {  	s14 =	rddreg [dreg:$0x1];
	p0 =	sne.s32 s12, $0x10;
	s13 =	sshrl.u32 s13, $0x3  }
.Ltmp9:
0x4f9: {  	s13 =	sadd.s32 s14, s13;
	(pc) =	sbr.rel @p0 .LBB2_2-.Ltmp9, $4  }
0x4fa: {  	[hbm4b:s13+s2] =	stream.linear.scatter [tilespmem:s2], [sflag:$0x3], $0x10000, $0x38;
	[tilespmem:$0x19000] =	vst v63  }
0x4fb: {  	_ =	swait.ge [sflag:s11], $0x10000  }
0x4fc: {  	[sflag:s11] =	ssyncset.done $0x0  }
0x4fd: {  	[sflag:s11] =	ssyncadd.s32 $0xFFFF0000  }
0x4fe: {  	s13 =	rddreg [dreg:$0x18]  }
0x4ff: {  	s12 =	rddreg [dreg:$0x17];
	s13 =	sadd.s32 $0x1, s13  }
0x500: {  	p0 =	sne.s32 s13, s12  }
.Ltmp10:
0x501: {  	_ = 	snop;
	(pc) =	sbr.rel @p0 .LBB2_1-.Ltmp10, $1  }
0x502: {  	_ =	sdelay $0x3  }
0x503: {  	_ =	sfence.sel $0x180000  }
0x504: {  	[bflag:$0x0] =	sbarrier.arrive $0xFFFF  }
0x505: {  	_ =	strace $0x90000047  }
0x506: {  	s0 =	stileid.u32;
	[bflag:$0x2] =	sbarrier.arrive $0xFFFF  }
0x507: {  	p0 =	sne.s32 s0, $0x0;
	s0 =	rddreg [dreg:$0x2]  }
0x508: {  	s0 =	sadd.s32 @!p0 $0x100000, s0  }
0x509: {  	[sflag:s0] =	ssyncadd.tile.s32 @!p0 $0x1;
	_ =	shalt  }
.Lfunc_end2:
_tile_overlayer_lowered:
.L_overlay_start_2:
0x50a: {  	(tag) =	ssettag $0x2  }
0x50b: {  	s0 =	rddreg [dreg:$0x0];
	s2 =	stileid.u32  }
0x50c: {  	s1 =	rddreg [dreg:$0x1];
	p0 =	sne.s32 s2, $0x0  }
0x50d: {  	s3 =	rddreg [dreg:$0x2];
	[bflag:$0x3] =	sbarrier.arrive $0xFFFF;
	s2 =	simm.s32 @!p0 $0x1C03  }
0x50e: {  	[timem:s3], [sflag:s2] =	dma.local @!p0 [hbm:s0], s1  }
0x50f: {  	s0 =	simm.s32 @!p0 $0x3  }
0x510: {  	_ =	swait.ge @!p0 [sflag:s0], s1  }
0x511: {  	s1 =	ssub.s32 @!p0 $0x0, s1;
	[sflag:s0] =	ssyncset.done @!p0 $0x0  }
0x512: {  	[sflag:s0] =	ssyncadd.s32 @!p0 s1  }
0x513: {  	[bflag:$0x3] =	sbarrier.arrive $0xFFFF  }
0x514: {  	_ =	shalt  }

</sc_bundles>
